<compile_context>
chip_gen: v7x
topology: tpu7x:2x2x1
jax: 0.10.2.dev20260603
libtpu: 0.0.44.dev20260713+nightly
codegen_flags: <defaults>
</compile_context>

<pallas_src>
import dataclasses

import jax
import jax.numpy as jnp
from jax import lax
from jax.experimental import pallas as pl
from jax.experimental.pallas import tpu as pltpu
from jax.experimental.pallas import tpu_sc as plsc

SIZE = 256
NTRI = 256
ROWS_PER_TILE = 16
NTILES = SIZE // ROWS_PER_TILE
NWORKERS = 32
PIX_PER_W = SIZE * SIZE // NWORKERS
CHUNK = 16
NCONST = 18
NROWS = NCONST + 6
PAD = NTRI + CHUNK
LISTS_OFF = NROWS * NTRI
ZMIN_OFF = LISTS_OFF + NTILES * NTRI
COUNTS_OFF = ZMIN_OFF + CHUNK
OUT_LEN = COUNTS_OFF + CHUNK


def _sc_compiler_params():
    cp = pltpu.CompilerParams()
    if "needs_layout_passes" in pltpu.CompilerParams.__dataclass_fields__:
        cp = dataclasses.replace(cp, needs_layout_passes=False)
    return cp


def _sc_mesh():
    return plsc.VectorSubcoreMesh(core_axis_name="c", subcore_axis_name="s")



def _prep_kernel(vert_hbm, faces_hbm, uv_hbm, uvf_hbm, py_hbm, out_hbm,
                 vert_v, faces_v, uv_v, uvf_v, py_v, meta_v, listbuf_v,
                 counts_v, sem, *rows_v):
    wid = lax.axis_index("c") * 16 + lax.axis_index("s")

    @pl.when(wid == 0)
    def _():
        pltpu.sync_copy(vert_hbm, vert_v)
        pltpu.sync_copy(faces_hbm, faces_v)
        pltpu.sync_copy(uv_hbm, uv_v)
        pltpu.sync_copy(uvf_hbm, uvf_v)
        pltpu.sync_copy(py_hbm, py_v)

        iota = lax.iota(jnp.int32, CHUNK)

        def zbody(k, acc):
            idx = jnp.minimum(k * CHUNK + iota, 199) * 3 + 2
            vz = plsc.load_gather(vert_v, [idx])
            return jnp.minimum(acc, vz)

        zv = lax.fori_loop(0, 13, zbody,
                           jnp.full((CHUNK,), jnp.inf, jnp.float32))

        def body(k, cnt):
            tid3 = (k * CHUNK + iota) * 3
            fa = plsc.load_gather(faces_v, [tid3]) * 3
            fb = plsc.load_gather(faces_v, [tid3 + 1]) * 3
            fc = plsc.load_gather(faces_v, [tid3 + 2]) * 3
            Ax = plsc.load_gather(vert_v, [fa])
            Ay = plsc.load_gather(vert_v, [fa + 1])
            Az = plsc.load_gather(vert_v, [fa + 2])
            Bx = plsc.load_gather(vert_v, [fb])
            By = plsc.load_gather(vert_v, [fb + 1])
            Bz = plsc.load_gather(vert_v, [fb + 2])
            Cx = plsc.load_gather(vert_v, [fc])
            Cy = plsc.load_gather(vert_v, [fc + 1])
            Cz = plsc.load_gather(vert_v, [fc + 2])
            ga = plsc.load_gather(uvf_v, [tid3]) * 2
            gb = plsc.load_gather(uvf_v, [tid3 + 1]) * 2
            gc = plsc.load_gather(uvf_v, [tid3 + 2]) * 2
            u0 = plsc.load_gather(uv_v, [ga]) * 2.0 - 1.0
            v0 = plsc.load_gather(uv_v, [ga + 1]) * 2.0 - 1.0
            u1 = plsc.load_gather(uv_v, [gb]) * 2.0 - 1.0
            v1 = plsc.load_gather(uv_v, [gb + 1]) * 2.0 - 1.0
            u2 = plsc.load_gather(uv_v, [gc]) * 2.0 - 1.0
            v2 = plsc.load_gather(uv_v, [gc + 1]) * 2.0 - 1.0

            nz = (Bx - Ax) * (Cy - Ay) - (By - Ay) * (Cx - Ax)
            valid = (nz > 0) & (nz >= 1e-9)
            ws = jnp.where(jnp.abs(nz) < 1e-12, 1.0, nz)
            invw = 1.0 / ws
            ymin = jnp.minimum(jnp.minimum(Ay, By), Cy)
            ymax = jnp.maximum(jnp.maximum(Ay, By), Cy)
            vals = (Bx, By, Ay - By, Ax - Bx,
                    Cx, Cy, By - Cy, Bx - Cx,
                    Ax, Ay, Cy - Ay, Cx - Ax,
                    Az, Bz, Cz, invw,
                    ymin, ymax,
                    u0, v0, u1, v1, u2, v2)
            pos = cnt + plsc.cumsum(valid.astype(jnp.int32)) - 1
            posc = jnp.maximum(pos, 0)
            for r, x in enumerate(vals):
                plsc.store_scatter(rows_v[r], [posc], x, mask=valid)
            return cnt + plsc.all_reduce_population_count(valid)

        cnt = lax.fori_loop(0, NTRI // CHUNK, body,
                            jnp.zeros((CHUNK,), jnp.int32))

        zmin = jnp.min(zv)
        meta_v[pl.ds(0, CHUNK)] = jnp.full((CHUNK,), zmin, jnp.float32)
        for r in range(NROWS):
            pltpu.sync_copy(rows_v[r].at[pl.ds(0, NTRI)],
                            out_hbm.at[pl.ds(r * NTRI, NTRI)])
        pltpu.sync_copy(meta_v, out_hbm.at[pl.ds(ZMIN_OFF, CHUNK)])

        for k in range(NTRI // CHUNK):
            listbuf_v[pl.ds(k * CHUNK, CHUNK)] = jnp.zeros((CHUNK,),
                                                           jnp.float32)

        @pl.loop(0, NTILES)
        def _(t):
            r0 = t * ROWS_PER_TILE
            pymax = plsc.load_gather(py_v, [jnp.full((CHUNK,), r0,
                                                     jnp.int32)])
            pymin = plsc.load_gather(
                py_v, [jnp.full((CHUNK,), r0 + ROWS_PER_TILE - 1,
                                jnp.int32)])
            lcnt = jnp.zeros((CHUNK,), jnp.int32)
            for k in range(NTRI // CHUNK):
                sl = pl.ds(k * CHUNK, CHUNK)
                tid = k * CHUNK + iota
                ymin = rows_v[16][sl]
                ymax = rows_v[17][sl]
                hit = (tid < cnt) & (ymax >= pymin) & (ymin <= pymax)
                pos = lcnt + plsc.cumsum(hit.astype(jnp.int32)) - 1
                plsc.store_scatter(listbuf_v, [jnp.maximum(pos, 0)],
                                   tid.astype(jnp.float32), mask=hit)
                lcnt = lcnt + plsc.all_reduce_population_count(hit)
            plsc.store_scatter(counts_v, [jnp.full((CHUNK,), t, jnp.int32)],
                               lcnt.astype(jnp.float32), mask=(iota == 0))
            pltpu.sync_copy(listbuf_v.at[pl.ds(0, NTRI)],
                            out_hbm.at[pl.ds(LISTS_OFF + t * NTRI, NTRI)])

        pltpu.sync_copy(counts_v, out_hbm.at[pl.ds(COUNTS_OFF, CHUNK)])


def _prep(vertices, faces, uv, uvfaces, pyflat):
    f = pl.kernel(
        _prep_kernel,
        mesh=_sc_mesh(),
        compiler_params=_sc_compiler_params(),
        out_type=jax.ShapeDtypeStruct((OUT_LEN,), jnp.float32),
        scratch_types=[
            pltpu.VMEM((600,), jnp.float32),
            pltpu.VMEM((NTRI * 3,), jnp.int32),
            pltpu.VMEM((600,), jnp.float32),
            pltpu.VMEM((NTRI * 3,), jnp.int32),
            pltpu.VMEM((SIZE,), jnp.float32),
            pltpu.VMEM((CHUNK,), jnp.float32),
            pltpu.VMEM((PAD,), jnp.float32),
            pltpu.VMEM((CHUNK,), jnp.float32),
            pltpu.SemaphoreType.DMA,
        ] + [pltpu.VMEM((PAD,), jnp.float32)] * NROWS,
    )
    return f(vertices.reshape(-1), faces.reshape(-1),
             uv.reshape(-1), uvfaces.reshape(-1), pyflat)



def _raster_body(consts_ref, lists_ref, counts_ref, px_ref, py_ref, zmin_ref,
                 win_ref, w1_ref, w2_ref):
    t = pl.program_id(0)
    blk = (ROWS_PER_TILE, SIZE)
    pxb = jnp.broadcast_to(px_ref[...], blk)
    pyb = jnp.broadcast_to(py_ref[...], blk)
    zmin = zmin_ref[0, 0]
    zbuf0 = jnp.full(blk, zmin, jnp.float32)
    win0 = jnp.full(blk, -1, jnp.int32)
    w10 = jnp.zeros(blk, jnp.float32)
    w20 = jnp.zeros(blk, jnp.float32)

    nt = counts_ref[0, t]

    def load_consts(j):
        i = lists_ref[t, j]
        return (i,) + tuple(consts_ref[k, i] for k in range(16))

    def body(j, carry):
        zbuf, win, w1s, w2s, cs = carry
        ncs = load_consts(jnp.minimum(j + 1, nt - 1))
        (i, Bx, By, dABy, dABx, Cx, Cy, dBCy, dBCx,
         Ax, Ay, dCAy, dCAx, Az, Bz, Cz, invw) = cs
        pAB = (pxb - Bx) * dABy - (pyb - By) * dABx
        pCB = (pxb - Cx) * dBCy - (pyb - Cy) * dBCx
        pCA = (pxb - Ax) * dCAy - (pyb - Ay) * dCAx
        inside = (jnp.maximum(pAB, 0.0) * jnp.maximum(pCB, 0.0)
                  * jnp.maximum(pCA, 0.0)) > 0
        w1 = pCB * invw
        w2 = pCA * invw
        w3 = 1.0 - w1 - w2
        z = (w1 * Az + w2 * Bz) + w3 * Cz
        mask = inside & (z >= zbuf)
        zbuf = jnp.where(mask, z, zbuf)
        win = jnp.where(mask, i, win)
        w1s = jnp.where(mask, w1, w1s)
        w2s = jnp.where(mask, w2, w2s)
        return (zbuf, win, w1s, w2s, ncs)

    zbuf, win, w1s, w2s, _ = lax.fori_loop(0, nt, body,
                                           (zbuf0, win0, w10, w20,
                                            load_consts(0)))
    win_ref[...] = win
    w1_ref[...] = w1s
    w2_ref[...] = w2s


def _rasterize(consts, lists, counts, px, py, zmin):
    blk = (ROWS_PER_TILE, SIZE)
    out = pl.pallas_call(
        _raster_body,
        grid=(NTILES,),
        in_specs=[
            pl.BlockSpec(memory_space=pltpu.SMEM),
            pl.BlockSpec(memory_space=pltpu.SMEM),
            pl.BlockSpec(memory_space=pltpu.SMEM),
            pl.BlockSpec((1, SIZE), lambda i: (0, 0)),
            pl.BlockSpec((ROWS_PER_TILE, 1), lambda i: (i, 0)),
            pl.BlockSpec(memory_space=pltpu.SMEM),
        ],
        out_specs=[
            pl.BlockSpec(blk, lambda i: (i, 0)),
            pl.BlockSpec(blk, lambda i: (i, 0)),
            pl.BlockSpec(blk, lambda i: (i, 0)),
        ],
        out_shape=[
            jax.ShapeDtypeStruct((SIZE, SIZE), jnp.int32),
            jax.ShapeDtypeStruct((SIZE, SIZE), jnp.float32),
            jax.ShapeDtypeStruct((SIZE, SIZE), jnp.float32),
        ],
    )(consts, lists, counts, px, py, zmin)
    return out



def _sampler_kernel(win_hbm, w1_hbm, w2_hbm, uvt_hbm, tex_hbm, o_hbm,
                    win_v, w1_v, w2_v, uvt_v,
                    xi0_v, yi0_v,
                    wx0_v, wx1_v, wy0_v, wy1_v, tex_v, out_v, out3_v, sem):
    wid = lax.axis_index("c") * 16 + lax.axis_index("s")
    base = wid * PIX_PER_W

    cps = [pltpu.async_copy(win_hbm.at[pl.ds(base, PIX_PER_W)], win_v, sem),
           pltpu.async_copy(w1_hbm.at[pl.ds(base, PIX_PER_W)], w1_v, sem),
           pltpu.async_copy(w2_hbm.at[pl.ds(base, PIX_PER_W)], w2_v, sem),
           pltpu.async_copy(uvt_hbm, uvt_v, sem)]
    cp_tex = pltpu.async_copy(tex_hbm.at[0], tex_v, sem)
    for cp in cps:
        cp.wait()

    @pl.loop(0, PIX_PER_W // CHUNK)
    def _(k):
        sl = pl.ds(k * CHUNK, CHUNK)
        winv = win_v[sl]
        w1 = w1_v[sl]
        w2 = w2_v[sl]
        mf = jnp.where(winv >= 0, 1.0, 0.0).astype(jnp.float32)
        wc = jnp.maximum(winv, 0)
        row = jnp.zeros((CHUNK,), jnp.int32)
        u0 = plsc.load_gather(uvt_v, [row, wc])
        v0 = plsc.load_gather(uvt_v, [row + 1, wc])
        u1 = plsc.load_gather(uvt_v, [row + 2, wc])
        v1 = plsc.load_gather(uvt_v, [row + 3, wc])
        u2 = plsc.load_gather(uvt_v, [row + 4, wc])
        v2 = plsc.load_gather(uvt_v, [row + 5, wc])
        w3 = 1.0 - w1 - w2
        pu = (w1 * u0 + w2 * u1) + w3 * u2
        pv = (w1 * v0 + w2 * v1) + w3 * v2
        ix = ((pu + 1.0) * 256.0 - 1.0) * 0.5
        iy = ((pv + 1.0) * 256.0 - 1.0) * 0.5
        ixt = ix.astype(jnp.int32).astype(jnp.float32)
        iyt = iy.astype(jnp.int32).astype(jnp.float32)
        ix0 = ixt - jnp.where(ixt > ix, 1.0, 0.0)
        iy0 = iyt - jnp.where(iyt > iy, 1.0, 0.0)
        wx1 = ix - ix0
        wy1 = iy - iy0
        wx0 = 1.0 - wx1
        wy0 = 1.0 - wy1
        vx0 = jnp.where((ix0 >= 0.0) & (ix0 <= 255.0), 1.0, 0.0)
        vx1 = jnp.where((ix0 >= -1.0) & (ix0 <= 254.0), 1.0, 0.0)
        vy0 = jnp.where((iy0 >= 0.0) & (iy0 <= 255.0), 1.0, 0.0)
        vy1 = jnp.where((iy0 >= -1.0) & (iy0 <= 254.0), 1.0, 0.0)
        xi0 = jnp.minimum(jnp.maximum(ix0, 0.0), 255.0).astype(jnp.int32)
        yi0 = jnp.minimum(jnp.maximum(iy0, 0.0), 255.0).astype(jnp.int32)
        xi0_v[sl] = xi0
        yi0_v[sl] = yi0
        wx0_v[sl] = wx0 * vx0
        wx1_v[sl] = wx1 * vx1
        wy0_v[sl] = wy0 * vy0 * mf
        wy1_v[sl] = wy1 * vy1 * mf
        out3_v[sl] = mf

    pltpu.sync_copy(out3_v,
                    o_hbm.at[pl.ds(3 * SIZE * SIZE + base, PIX_PER_W)])

    for ch in range(3):
        if ch == 0:
            cp_tex.wait()
        else:
            pltpu.sync_copy(tex_hbm.at[ch], tex_v)

        @pl.loop(0, PIX_PER_W // CHUNK)
        def _(k):
            sl = pl.ds(k * CHUNK, CHUNK)
            xi0 = xi0_v[sl]
            yi0 = yi0_v[sl]
            xi1 = jnp.minimum(xi0 + 1, 255)
            yi1 = jnp.minimum(yi0 + 1, 255)
            wx0 = wx0_v[sl]
            wx1 = wx1_v[sl]
            wy0 = wy0_v[sl]
            wy1 = wy1_v[sl]
            g00 = plsc.load_gather(tex_v, [yi0, xi0])
            g10 = plsc.load_gather(tex_v, [yi0, xi1])
            g01 = plsc.load_gather(tex_v, [yi1, xi0])
            g11 = plsc.load_gather(tex_v, [yi1, xi1])
            r = ((g00 * (wx0 * wy0) + g10 * (wx1 * wy0))
                 + g01 * (wx0 * wy1)) + g11 * (wx1 * wy1)
            out_v[sl] = r

        pltpu.sync_copy(out_v,
                        o_hbm.at[pl.ds(ch * SIZE * SIZE + base, PIX_PER_W)])


def _sample(win, w1, w2, uvt6, uvmap):
    f = pl.kernel(
        _sampler_kernel,
        mesh=_sc_mesh(),
        compiler_params=_sc_compiler_params(),
        out_type=jax.ShapeDtypeStruct((4 * SIZE * SIZE,), jnp.float32),
        scratch_types=[
            pltpu.VMEM((PIX_PER_W,), jnp.int32),
            pltpu.VMEM((PIX_PER_W,), jnp.float32),
            pltpu.VMEM((PIX_PER_W,), jnp.float32),
            pltpu.VMEM((6, NTRI), jnp.float32),
            pltpu.VMEM((PIX_PER_W,), jnp.int32),
            pltpu.VMEM((PIX_PER_W,), jnp.int32),
            pltpu.VMEM((PIX_PER_W,), jnp.float32),
            pltpu.VMEM((PIX_PER_W,), jnp.float32),
            pltpu.VMEM((PIX_PER_W,), jnp.float32),
            pltpu.VMEM((PIX_PER_W,), jnp.float32),
            pltpu.VMEM((SIZE, SIZE), jnp.float32),
            pltpu.VMEM((PIX_PER_W,), jnp.float32),
            pltpu.VMEM((PIX_PER_W,), jnp.float32),
            pltpu.SemaphoreType.DMA,
        ],
    )
    return f(win, w1, w2, uvt6, uvmap)



def kernel(vertices, faces, uv, uvfaces, uvmap):
    size = SIZE
    lin = jnp.linspace(-1.0, 1.0, size, dtype=jnp.float32)
    px = lin.reshape(1, size)
    py = lin[::-1].reshape(size, 1)

    prep = _prep(vertices, faces, uv, uvfaces, lin[::-1])
    consts = prep[:NCONST * NTRI].reshape(NCONST, NTRI)
    uvt6 = prep[NCONST * NTRI:NROWS * NTRI].reshape(6, NTRI)
    lists = prep[LISTS_OFF:ZMIN_OFF].astype(jnp.int32).reshape(NTILES, NTRI)
    zmin = prep[ZMIN_OFF].reshape(1, 1)
    counts = prep[COUNTS_OFF:COUNTS_OFF + NTILES].astype(jnp.int32
                                                         ).reshape(1, NTILES)

    win, w1, w2 = _rasterize(consts, lists, counts, px, py, zmin)

    rgba = _sample(win.reshape(-1), w1.reshape(-1), w2.reshape(-1),
                   uvt6, uvmap)
    return rgba.reshape(4, size, size)

# --- scband reference (transcript-rebuilt; emitter-appended) ---
"""Pipeline reference for scband-render-53412213293435 (READ-ONLY COPY).

The authoritative reference and input builder live on the scoring server;
editing this copy changes nothing except your own understanding.
"""

import jax, jax.numpy as jnp
import numpy as np

SIZE = 256

def lookup_table(size):
    lin = jnp.linspace(-1.0, 1.0, size, dtype=jnp.float32)
    xx, yy = jnp.meshgrid(lin, lin, indexing='ij')
    t = jnp.stack([xx, yy], axis=-1)
    return jnp.rot90(t, 1, axes=(0, 1))

def area2d(a, b, c):
    return (b[..., 0] - a[..., 0]) * (c[..., 1] - a[..., 1]) - (b[..., 1] - a[..., 1]) * (c[..., 0] - a[..., 0])

def grid_sample_bilinear_zeros(img, grid):
    # img: [C,H,W]; grid: [...,2] in [-1,1]; bilinear, zero padding, align_corners=False
    C, H, W = img.shape
    gx = grid[..., 0]
    gy = grid[..., 1]
    ix = ((gx + 1.0) * W - 1.0) / 2.0
    iy = ((gy + 1.0) * H - 1.0) / 2.0
    ix0 = jnp.floor(ix)
    iy0 = jnp.floor(iy)
    ix1 = ix0 + 1.0
    iy1 = iy0 + 1.0
    wx1 = ix - ix0
    wy1 = iy - iy0
    wx0 = 1.0 - wx1
    wy0 = 1.0 - wy1
    def gather(xf, yf):
        valid = (xf >= 0) & (xf <= W - 1) & (yf >= 0) & (yf <= H - 1)
        xi = jnp.clip(xf, 0, W - 1).astype(jnp.int32)
        yi = jnp.clip(yf, 0, H - 1).astype(jnp.int32)
        v = img[:, yi, xi]
        return v * valid.astype(img.dtype)[None]
    out = (gather(ix0, iy0) * (wx0 * wy0)[None]
           + gather(ix1, iy0) * (wx1 * wy0)[None]
           + gather(ix0, iy1) * (wx0 * wy1)[None]
           + gather(ix1, iy1) * (wx1 * wy1)[None])
    return out

def setup_inputs(seed: int = 0):
    key = jax.random.key(seed)
    k1, k2, k3, k4, k5 = jax.random.split(key, 5)
    vertices = jax.random.normal(k1, (200, 3), dtype=jnp.float32)
    faces = jax.random.randint(k2, (256, 3), 0, 200)
    uv = jax.random.uniform(k3, (300, 2), dtype=jnp.float32)
    uvfaces = jax.random.randint(k4, (256, 3), 0, 300)
    uvmap = jax.random.uniform(k5, (3, 256, 256), dtype=jnp.float32)
    return {"vertices": vertices, "faces": faces, "uv": uv, "uvfaces": uvfaces, "uvmap": uvmap}

def reference(vertices, faces, uv, uvfaces, uvmap):
    size = SIZE
    pts = lookup_table(size)
    uv2 = uv * 2.0 - 1.0
    tris = vertices[faces]       # [F,3,3] gather
    uvtris = uv2[uvfaces]        # [F,3,2] gather
    result0 = jnp.zeros((4, size, size), dtype=jnp.float32)
    zbuffer0 = jnp.zeros((size, size), dtype=jnp.float32) + jnp.min(vertices[:, 2])

    def step(carry, xs):
        result, zbuffer = carry
        tri, uvt = xs
        n = jnp.cross(tri[1] - tri[0], tri[2] - tri[0])
        facing = n[2] > 0
        tri2d = tri[:, :2]
        w = area2d(tri2d[0], tri2d[1], tri2d[2])
        valid = facing & (w >= 1e-9)
        pAB = area2d(tri2d[1], pts, tri2d[0])
        pCB = area2d(tri2d[2], pts, tri2d[1])
        pCA = area2d(tri2d[0], pts, tri2d[2])
        inside = (jnp.maximum(pAB, 0.0) * jnp.maximum(pCB, 0.0) * jnp.maximum(pCA, 0.0)) > 0
        ws = jnp.where(jnp.abs(w) < 1e-12, 1.0, w)
        w1 = pCB / ws
        w2 = pCA / ws
        w3 = 1.0 - w1 - w2
        pts3d = w1[..., None] * tri[0] + w2[..., None] * tri[1] + w3[..., None] * tri[2]
        z = pts3d[..., 2]
        zmask = z >= zbuffer
        mask = inside & zmask & valid
        ptsUV = w1[..., None] * uvt[0] + w2[..., None] * uvt[1] + w3[..., None] * uvt[2]
        rgb = grid_sample_bilinear_zeros(uvmap, ptsUV)   # [3,size,size]
        zbuffer = jnp.where(mask, z, zbuffer)
        new_rgb = jnp.where(mask[None], rgb, result[:3])
        new_a = jnp.where(mask, 1.0, result[3])
        result = jnp.concatenate([new_rgb, new_a[None]], axis=0)
        return (result, zbuffer), None

    (result, zbuffer), _ = jax.lax.scan(step, (result0, zbuffer0), (tris, uvtris))
    return result

if __name__ == "__main__":
    import jax
    _d = setup_inputs()
    print(jax.jit(kernel)(*tuple(_d.values())))

</pallas_src>

<mosaic_0001>
#map = affine_map<(d0, d1) -> (0)>
#map1 = affine_map<(d0, d1) -> (0, 0)>
#map2 = affine_map<(d0, d1) -> (0, 0, 0)>
module attributes {stable_mosaic.version = 14 : i64} {
  func.func @_sampler_kernel(%arg0: i32, %arg1: i32, %arg2: memref<65536xi32, #tpu.memory_space<hbm>>, %arg3: memref<65536xf32, #tpu.memory_space<hbm>>, %arg4: memref<65536xf32, #tpu.memory_space<hbm>>, %arg5: memref<6x256xf32, #tpu.memory_space<hbm>>, %arg6: memref<3x256x256xf32, #tpu.memory_space<hbm>>, %arg7: memref<262144xf32, #tpu.memory_space<hbm>>, %arg8: memref<2048xi32, #tpu.memory_space<vmem>>, %arg9: memref<2048xf32, #tpu.memory_space<vmem>>, %arg10: memref<2048xf32, #tpu.memory_space<vmem>>, %arg11: memref<6x256xf32, #tpu.memory_space<vmem>>, %arg12: memref<2048xi32, #tpu.memory_space<vmem>>, %arg13: memref<2048xi32, #tpu.memory_space<vmem>>, %arg14: memref<2048xf32, #tpu.memory_space<vmem>>, %arg15: memref<2048xf32, #tpu.memory_space<vmem>>, %arg16: memref<2048xf32, #tpu.memory_space<vmem>>, %arg17: memref<2048xf32, #tpu.memory_space<vmem>>, %arg18: memref<256x256xf32, #tpu.memory_space<vmem>>, %arg19: memref<2048xf32, #tpu.memory_space<vmem>>, %arg20: memref<2048xf32, #tpu.memory_space<vmem>>, %arg21: memref<!tpu.dma_semaphore, #tpu.memory_space<semaphore_mem>>) attributes {dimension_semantics = [#tpu.dimension_semantics<core_parallel>, #tpu.dimension_semantics<subcore_parallel>], iteration_bounds = array<i64: 2, 16>, scalar_prefetch = 0 : i64, scratch_operands = 14 : i64, tpu.core_type = #tpu.core_type<sc_vector_subcore>, window_params = [{transform_indices = #map}, {transform_indices = #map}, {transform_indices = #map}, {transform_indices = #map1}, {transform_indices = #map2}, {transform_indices = #map}]} {
    %mul3A = arith.constant 16 : i32
    %mul3A_0 = arith.muli %arg0, %mul3A : i32
    %add3A = arith.addi %mul3A_0, %arg1 : i32
    %mul3A_1 = arith.constant 2048 : i32
    %mul3A_2 = arith.muli %add3A, %mul3A_1 : i32
    %dma_start3A = tpu.memref_slice %arg2[%mul3A_2] : memref<65536xi32, #tpu.memory_space<hbm>> -> memref<2048xi32, #tpu.memory_space<hbm>>
    %dma_start3A_3 = tpu.memref_slice %arg2[%mul3A_2] : memref<65536xi32, #tpu.memory_space<hbm>> -> memref<2048xi32, #tpu.memory_space<hbm>>
    tpu.enqueue_dma source(%dma_start3A_3 : memref<2048xi32, #tpu.memory_space<hbm>>) target(%arg8 : memref<2048xi32, #tpu.memory_space<vmem>>) target_semaphore(%arg21 : memref<!tpu.dma_semaphore, #tpu.memory_space<semaphore_mem>>)
    %dma_start3A_4 = tpu.memref_slice %arg3[%mul3A_2] : memref<65536xf32, #tpu.memory_space<hbm>> -> memref<2048xf32, #tpu.memory_space<hbm>>
    %dma_start3A_5 = tpu.memref_slice %arg3[%mul3A_2] : memref<65536xf32, #tpu.memory_space<hbm>> -> memref<2048xf32, #tpu.memory_space<hbm>>
    tpu.enqueue_dma source(%dma_start3A_5 : memref<2048xf32, #tpu.memory_space<hbm>>) target(%arg9 : memref<2048xf32, #tpu.memory_space<vmem>>) target_semaphore(%arg21 : memref<!tpu.dma_semaphore, #tpu.memory_space<semaphore_mem>>)
    %dma_start3A_6 = tpu.memref_slice %arg4[%mul3A_2] : memref<65536xf32, #tpu.memory_space<hbm>> -> memref<2048xf32, #tpu.memory_space<hbm>>
    %dma_start3A_7 = tpu.memref_slice %arg4[%mul3A_2] : memref<65536xf32, #tpu.memory_space<hbm>> -> memref<2048xf32, #tpu.memory_space<hbm>>
    tpu.enqueue_dma source(%dma_start3A_7 : memref<2048xf32, #tpu.memory_space<hbm>>) target(%arg10 : memref<2048xf32, #tpu.memory_space<vmem>>) target_semaphore(%arg21 : memref<!tpu.dma_semaphore, #tpu.memory_space<semaphore_mem>>)
    tpu.enqueue_dma source(%arg5 : memref<6x256xf32, #tpu.memory_space<hbm>>) target(%arg11 : memref<6x256xf32, #tpu.memory_space<vmem>>) target_semaphore(%arg21 : memref<!tpu.dma_semaphore, #tpu.memory_space<semaphore_mem>>)
    %dma_start3A_8 = arith.constant 0 : i32
    %dma_start3A_9 = arith.constant 0 : i32
    %dma_start3A_10 = arith.constant 0 : i32
    %dma_start3A_11 = tpu.memref_slice %arg6[%dma_start3A_8, %dma_start3A_9, %dma_start3A_10] : memref<3x256x256xf32, #tpu.memory_space<hbm>> -> memref<1x256x256xf32, #tpu.memory_space<hbm>>
    %dma_start3A_12 = tpu.memref_squeeze %dma_start3A_11 : memref<1x256x256xf32, #tpu.memory_space<hbm>> -> memref<256x256xf32, #tpu.memory_space<hbm>>
    %dma_start3A_13 = arith.constant 0 : i32
    %dma_start3A_14 = arith.constant 0 : i32
    %dma_start3A_15 = tpu.memref_slice %arg6[%dma_start3A_8, %dma_start3A_13, %dma_start3A_14] : memref<3x256x256xf32, #tpu.memory_space<hbm>> -> memref<1x256x256xf32, #tpu.memory_space<hbm>>
    %dma_start3A_16 = tpu.memref_squeeze %dma_start3A_15 : memref<1x256x256xf32, #tpu.memory_space<hbm>> -> memref<256x256xf32, #tpu.memory_space<hbm>>
    tpu.enqueue_dma source(%dma_start3A_16 : memref<256x256xf32, #tpu.memory_space<hbm>>) target(%arg18 : memref<256x256xf32, #tpu.memory_space<vmem>>) target_semaphore(%arg21 : memref<!tpu.dma_semaphore, #tpu.memory_space<semaphore_mem>>)
    %dma_wait3A = tpu.memref_slice %arg2[%mul3A_2] : memref<65536xi32, #tpu.memory_space<hbm>> -> memref<2048xi32, #tpu.memory_space<hbm>>
    %dma_wait3A_17 = tpu.memref_slice %arg2[%mul3A_2] : memref<65536xi32, #tpu.memory_space<hbm>> -> memref<2048xi32, #tpu.memory_space<hbm>>
    tpu.wait_dma2 semaphore(%arg21 : memref<!tpu.dma_semaphore, #tpu.memory_space<semaphore_mem>>) src(%dma_wait3A_17 : memref<2048xi32, #tpu.memory_space<hbm>>) dst(%arg8 : memref<2048xi32, #tpu.memory_space<vmem>>)
    %dma_wait3A_18 = tpu.memref_slice %arg3[%mul3A_2] : memref<65536xf32, #tpu.memory_space<hbm>> -> memref<2048xf32, #tpu.memory_space<hbm>>
    %dma_wait3A_19 = tpu.memref_slice %arg3[%mul3A_2] : memref<65536xf32, #tpu.memory_space<hbm>> -> memref<2048xf32, #tpu.memory_space<hbm>>
    tpu.wait_dma2 semaphore(%arg21 : memref<!tpu.dma_semaphore, #tpu.memory_space<semaphore_mem>>) src(%dma_wait3A_19 : memref<2048xf32, #tpu.memory_space<hbm>>) dst(%arg9 : memref<2048xf32, #tpu.memory_space<vmem>>)
    %dma_wait3A_20 = tpu.memref_slice %arg4[%mul3A_2] : memref<65536xf32, #tpu.memory_space<hbm>> -> memref<2048xf32, #tpu.memory_space<hbm>>
    %dma_wait3A_21 = tpu.memref_slice %arg4[%mul3A_2] : memref<65536xf32, #tpu.memory_space<hbm>> -> memref<2048xf32, #tpu.memory_space<hbm>>
    tpu.wait_dma2 semaphore(%arg21 : memref<!tpu.dma_semaphore, #tpu.memory_space<semaphore_mem>>) src(%dma_wait3A_21 : memref<2048xf32, #tpu.memory_space<hbm>>) dst(%arg10 : memref<2048xf32, #tpu.memory_space<vmem>>)
    tpu.wait_dma2 semaphore(%arg21 : memref<!tpu.dma_semaphore, #tpu.memory_space<semaphore_mem>>) src(%arg5 : memref<6x256xf32, #tpu.memory_space<hbm>>) dst(%arg11 : memref<6x256xf32, #tpu.memory_space<vmem>>)
    %scan3A = arith.constant 0 : i32
    %scan3A_22 = arith.constant 128 : i32
    %scan3A_23 = arith.addi %scan3A, %scan3A_22 : i32
    %scan3A_24 = arith.constant 1 : i32
    scf.for %scan3A_59 = %scan3A to %scan3A_23 step %scan3A_24  : i32 {
      %mul3A_60 = arith.constant 1 : i32
      %mul3A_61 = arith.muli %scan3A_59, %mul3A_60 : i32
      %add3A_62 = arith.constant 0 : i32
      %add3A_63 = arith.addi %add3A_62, %mul3A_61 : i32
      %mul3A_64 = arith.constant 16 : i32
      %mul3A_65 = arith.muli %add3A_63, %mul3A_64 : i32
      %get3A = arith.index_cast %mul3A_65 : i32 to index
      %get3A_66 = tpu.vector_load %arg8[%get3A] {strides = array<i32>} : memref<2048xi32, #tpu.memory_space<vmem>>, vector<16xi32>,
      %get3A_67 = arith.index_cast %mul3A_65 : i32 to index
      %get3A_68 = tpu.vector_load %arg9[%get3A_67] {strides = array<i32>} : memref<2048xf32, #tpu.memory_space<vmem>>, vector<16xf32>,
      %get3A_69 = arith.index_cast %mul3A_65 : i32 to index
      %get3A_70 = tpu.vector_load %arg10[%get3A_69] {strides = array<i32>} : memref<2048xf32, #tpu.memory_space<vmem>>, vector<16xf32>,
      %ge3A = arith.constant 0 : i32
      %ge3A_71 = vector.broadcast %ge3A : i32 to vector<16xi32>
      %ge3A_72 = arith.cmpi sge, %get3A_66, %ge3A_71 : vector<16xi32>
      %jit3A = arith.constant 1.000000e+00 : f32
      %jit3A_73 = arith.constant 0.000000e+00 : f32
      %broadcast_in_dim3A = vector.broadcast %jit3A : f32 to vector<16xf32>
      %broadcast_in_dim3A_74 = vector.broadcast %jit3A_73 : f32 to vector<16xf32>
      %select_n3A = arith.select %ge3A_72, %broadcast_in_dim3A, %broadcast_in_dim3A_74 : vector<16xi1>, vector<16xf32>
      %max3A = arith.constant 0 : i32
      %max3A_75 = vector.broadcast %max3A : i32 to vector<16xi32>
      %max3A_76 = arith.maxsi %get3A_66, %max3A_75 : vector<16xi32>
      %broadcast_in_dim3A_77 = arith.constant 0 : i32
      %broadcast_in_dim3A_78 = vector.broadcast %broadcast_in_dim3A_77 : i32 to vector<16xi32>
      %gather3A = tpu.vector_load_idx %arg11[%broadcast_in_dim3A_78, %max3A_76] : memref<6x256xf32, #tpu.memory_space<vmem>>[vector<16xi32>, vector<16xi32>], vector<16xf32>,
      %add3A_79 = arith.constant 1 : i32
      %add3A_80 = vector.broadcast %add3A_79 : i32 to vector<16xi32>
      %add3A_81 = arith.addi %broadcast_in_dim3A_78, %add3A_80 : vector<16xi32>
      %gather3A_82 = tpu.vector_load_idx %arg11[%add3A_81, %max3A_76] : memref<6x256xf32, #tpu.memory_space<vmem>>[vector<16xi32>, vector<16xi32>], vector<16xf32>,
      %add3A_83 = arith.constant 2 : i32
      %add3A_84 = vector.broadcast %add3A_83 : i32 to vector<16xi32>
      %add3A_85 = arith.addi %broadcast_in_dim3A_78, %add3A_84 : vector<16xi32>
      %gather3A_86 = tpu.vector_load_idx %arg11[%add3A_85, %max3A_76] : memref<6x256xf32, #tpu.memory_space<vmem>>[vector<16xi32>, vector<16xi32>], vector<16xf32>,
      %add3A_87 = arith.constant 3 : i32
      %add3A_88 = vector.broadcast %add3A_87 : i32 to vector<16xi32>
      %add3A_89 = arith.addi %broadcast_in_dim3A_78, %add3A_88 : vector<16xi32>
      %gather3A_90 = tpu.vector_load_idx %arg11[%add3A_89, %max3A_76] : memref<6x256xf32, #tpu.memory_space<vmem>>[vector<16xi32>, vector<16xi32>], vector<16xf32>,
      %add3A_91 = arith.constant 4 : i32
      %add3A_92 = vector.broadcast %add3A_91 : i32 to vector<16xi32>
      %add3A_93 = arith.addi %broadcast_in_dim3A_78, %add3A_92 : vector<16xi32>
      %gather3A_94 = tpu.vector_load_idx %arg11[%add3A_93, %max3A_76] : memref<6x256xf32, #tpu.memory_space<vmem>>[vector<16xi32>, vector<16xi32>], vector<16xf32>,
      %add3A_95 = arith.constant 5 : i32
      %add3A_96 = vector.broadcast %add3A_95 : i32 to vector<16xi32>
      %add3A_97 = arith.addi %broadcast_in_dim3A_78, %add3A_96 : vector<16xi32>
      %gather3A_98 = tpu.vector_load_idx %arg11[%add3A_97, %max3A_76] : memref<6x256xf32, #tpu.memory_space<vmem>>[vector<16xi32>, vector<16xi32>], vector<16xf32>,
      %sub3A = arith.constant 1.000000e+00 : f32
      %sub3A_99 = vector.broadcast %sub3A : f32 to vector<16xf32>
      %sub3A_100 = arith.subf %sub3A_99, %get3A_68 : vector<16xf32>
      %sub3A_101 = arith.subf %sub3A_100, %get3A_70 : vector<16xf32>
      %mul3A_102 = arith.mulf %get3A_68, %gather3A : vector<16xf32>
      %mul3A_103 = arith.mulf %get3A_70, %gather3A_86 : vector<16xf32>
      %add3A_104 = arith.addf %mul3A_102, %mul3A_103 : vector<16xf32>
      %mul3A_105 = arith.mulf %sub3A_101, %gather3A_94 : vector<16xf32>
      %add3A_106 = arith.addf %add3A_104, %mul3A_105 : vector<16xf32>
      %mul3A_107 = arith.mulf %get3A_68, %gather3A_82 : vector<16xf32>
      %mul3A_108 = arith.mulf %get3A_70, %gather3A_90 : vector<16xf32>
      %add3A_109 = arith.addf %mul3A_107, %mul3A_108 : vector<16xf32>
      %mul3A_110 = arith.mulf %sub3A_101, %gather3A_98 : vector<16xf32>
      %add3A_111 = arith.addf %add3A_109, %mul3A_110 : vector<16xf32>
      %add3A_112 = arith.constant 1.000000e+00 : f32
      %add3A_113 = vector.broadcast %add3A_112 : f32 to vector<16xf32>
      %add3A_114 = arith.addf %add3A_106, %add3A_113 : vector<16xf32>
      %mul3A_115 = arith.constant 2.560000e+02 : f32
      %mul3A_116 = vector.broadcast %mul3A_115 : f32 to vector<16xf32>
      %mul3A_117 = arith.mulf %add3A_114, %mul3A_116 : vector<16xf32>
      %sub3A_118 = arith.constant 1.000000e+00 : f32
      %sub3A_119 = vector.broadcast %sub3A_118 : f32 to vector<16xf32>
      %sub3A_120 = arith.subf %mul3A_117, %sub3A_119 : vector<16xf32>
      %mul3A_121 = arith.constant 5.000000e-01 : f32
      %mul3A_122 = vector.broadcast %mul3A_121 : f32 to vector<16xf32>
      %mul3A_123 = arith.mulf %sub3A_120, %mul3A_122 : vector<16xf32>
      %add3A_124 = arith.constant 1.000000e+00 : f32
      %add3A_125 = vector.broadcast %add3A_124 : f32 to vector<16xf32>
      %add3A_126 = arith.addf %add3A_111, %add3A_125 : vector<16xf32>
      %mul3A_127 = arith.constant 2.560000e+02 : f32
      %mul3A_128 = vector.broadcast %mul3A_127 : f32 to vector<16xf32>
      %mul3A_129 = arith.mulf %add3A_126, %mul3A_128 : vector<16xf32>
      %sub3A_130 = arith.constant 1.000000e+00 : f32
      %sub3A_131 = vector.broadcast %sub3A_130 : f32 to vector<16xf32>
      %sub3A_132 = arith.subf %mul3A_129, %sub3A_131 : vector<16xf32>
      %mul3A_133 = arith.constant 5.000000e-01 : f32
      %mul3A_134 = vector.broadcast %mul3A_133 : f32 to vector<16xf32>
      %mul3A_135 = arith.mulf %sub3A_132, %mul3A_134 : vector<16xf32>
      %convert_element_type3A = arith.fptosi %mul3A_123 : vector<16xf32> to vector<16xi32>
      %convert_element_type3A_136 = arith.sitofp %convert_element_type3A : vector<16xi32> to vector<16xf32>
      %convert_element_type3A_137 = arith.fptosi %mul3A_135 : vector<16xf32> to vector<16xi32>
      %convert_element_type3A_138 = arith.sitofp %convert_element_type3A_137 : vector<16xi32> to vector<16xf32>
      %gt3A = arith.cmpf ogt, %convert_element_type3A_136, %mul3A_123 : vector<16xf32>
      %jit3A_139 = arith.constant 1.000000e+00 : f32
      %jit3A_140 = arith.constant 0.000000e+00 : f32
      %broadcast_in_dim3A_141 = vector.broadcast %jit3A_139 : f32 to vector<16xf32>
      %broadcast_in_dim3A_142 = vector.broadcast %jit3A_140 : f32 to vector<16xf32>
      %select_n3A_143 = arith.select %gt3A, %broadcast_in_dim3A_141, %broadcast_in_dim3A_142 : vector<16xi1>, vector<16xf32>
      %sub3A_144 = arith.subf %convert_element_type3A_136, %select_n3A_143 : vector<16xf32>
      %gt3A_145 = arith.cmpf ogt, %convert_element_type3A_138, %mul3A_135 : vector<16xf32>
      %jit3A_146 = arith.constant 1.000000e+00 : f32
      %jit3A_147 = arith.constant 0.000000e+00 : f32
      %broadcast_in_dim3A_148 = vector.broadcast %jit3A_146 : f32 to vector<16xf32>
      %broadcast_in_dim3A_149 = vector.broadcast %jit3A_147 : f32 to vector<16xf32>
      %select_n3A_150 = arith.select %gt3A_145, %broadcast_in_dim3A_148, %broadcast_in_dim3A_149 : vector<16xi1>, vector<16xf32>
      %sub3A_151 = arith.subf %convert_element_type3A_138, %select_n3A_150 : vector<16xf32>
      %sub3A_152 = arith.subf %mul3A_123, %sub3A_144 : vector<16xf32>
      %sub3A_153 = arith.subf %mul3A_135, %sub3A_151 : vector<16xf32>
      %sub3A_154 = arith.constant 1.000000e+00 : f32
      %sub3A_155 = vector.broadcast %sub3A_154 : f32 to vector<16xf32>
      %sub3A_156 = arith.subf %sub3A_155, %sub3A_152 : vector<16xf32>
      %sub3A_157 = arith.constant 1.000000e+00 : f32
      %sub3A_158 = vector.broadcast %sub3A_157 : f32 to vector<16xf32>
      %sub3A_159 = arith.subf %sub3A_158, %sub3A_153 : vector<16xf32>
      %ge3A_160 = arith.constant 0.000000e+00 : f32
      %ge3A_161 = vector.broadcast %ge3A_160 : f32 to vector<16xf32>
      %ge3A_162 = arith.cmpf oge, %sub3A_144, %ge3A_161 : vector<16xf32>
      %le3A = arith.constant 2.550000e+02 : f32
      %le3A_163 = vector.broadcast %le3A : f32 to vector<16xf32>
      %le3A_164 = arith.cmpf ole, %sub3A_144, %le3A_163 : vector<16xf32>
      %and3A = arith.andi %ge3A_162, %le3A_164 : vector<16xi1>
      %jit3A_165 = arith.constant 1.000000e+00 : f32
      %jit3A_166 = arith.constant 0.000000e+00 : f32
      %broadcast_in_dim3A_167 = vector.broadcast %jit3A_165 : f32 to vector<16xf32>
      %broadcast_in_dim3A_168 = vector.broadcast %jit3A_166 : f32 to vector<16xf32>
      %select_n3A_169 = arith.select %and3A, %broadcast_in_dim3A_167, %broadcast_in_dim3A_168 : vector<16xi1>, vector<16xf32>
      %ge3A_170 = arith.constant -1.000000e+00 : f32
      %ge3A_171 = vector.broadcast %ge3A_170 : f32 to vector<16xf32>
      %ge3A_172 = arith.cmpf oge, %sub3A_144, %ge3A_171 : vector<16xf32>
      %le3A_173 = arith.constant 2.540000e+02 : f32
      %le3A_174 = vector.broadcast %le3A_173 : f32 to vector<16xf32>
      %le3A_175 = arith.cmpf ole, %sub3A_144, %le3A_174 : vector<16xf32>
      %and3A_176 = arith.andi %ge3A_172, %le3A_175 : vector<16xi1>
      %jit3A_177 = arith.constant 1.000000e+00 : f32
      %jit3A_178 = arith.constant 0.000000e+00 : f32
      %broadcast_in_dim3A_179 = vector.broadcast %jit3A_177 : f32 to vector<16xf32>
      %broadcast_in_dim3A_180 = vector.broadcast %jit3A_178 : f32 to vector<16xf32>
      %select_n3A_181 = arith.select %and3A_176, %broadcast_in_dim3A_179, %broadcast_in_dim3A_180 : vector<16xi1>, vector<16xf32>
      %ge3A_182 = arith.constant 0.000000e+00 : f32
      %ge3A_183 = vector.broadcast %ge3A_182 : f32 to vector<16xf32>
      %ge3A_184 = arith.cmpf oge, %sub3A_151, %ge3A_183 : vector<16xf32>
      %le3A_185 = arith.constant 2.550000e+02 : f32
      %le3A_186 = vector.broadcast %le3A_185 : f32 to vector<16xf32>
      %le3A_187 = arith.cmpf ole, %sub3A_151, %le3A_186 : vector<16xf32>
      %and3A_188 = arith.andi %ge3A_184, %le3A_187 : vector<16xi1>
      %jit3A_189 = arith.constant 1.000000e+00 : f32
      %jit3A_190 = arith.constant 0.000000e+00 : f32
      %broadcast_in_dim3A_191 = vector.broadcast %jit3A_189 : f32 to vector<16xf32>
      %broadcast_in_dim3A_192 = vector.broadcast %jit3A_190 : f32 to vector<16xf32>
      %select_n3A_193 = arith.select %and3A_188, %broadcast_in_dim3A_191, %broadcast_in_dim3A_192 : vector<16xi1>, vector<16xf32>
      %ge3A_194 = arith.constant -1.000000e+00 : f32
      %ge3A_195 = vector.broadcast %ge3A_194 : f32 to vector<16xf32>
      %ge3A_196 = arith.cmpf oge, %sub3A_151, %ge3A_195 : vector<16xf32>
      %le3A_197 = arith.constant 2.540000e+02 : f32
      %le3A_198 = vector.broadcast %le3A_197 : f32 to vector<16xf32>
      %le3A_199 = arith.cmpf ole, %sub3A_151, %le3A_198 : vector<16xf32>
      %and3A_200 = arith.andi %ge3A_196, %le3A_199 : vector<16xi1>
      %jit3A_201 = arith.constant 1.000000e+00 : f32
      %jit3A_202 = arith.constant 0.000000e+00 : f32
      %broadcast_in_dim3A_203 = vector.broadcast %jit3A_201 : f32 to vector<16xf32>
      %broadcast_in_dim3A_204 = vector.broadcast %jit3A_202 : f32 to vector<16xf32>
      %select_n3A_205 = arith.select %and3A_200, %broadcast_in_dim3A_203, %broadcast_in_dim3A_204 : vector<16xi1>, vector<16xf32>
      %max3A_206 = arith.constant 0.000000e+00 : f32
      %max3A_207 = vector.broadcast %max3A_206 : f32 to vector<16xf32>
      %max3A_208 = arith.maximumf %sub3A_144, %max3A_207 : vector<16xf32>
      %min3A = arith.constant 2.550000e+02 : f32
      %min3A_209 = vector.broadcast %min3A : f32 to vector<16xf32>
      %min3A_210 = arith.minimumf %max3A_208, %min3A_209 : vector<16xf32>
      %convert_element_type3A_211 = arith.fptosi %min3A_210 : vector<16xf32> to vector<16xi32>
      %max3A_212 = arith.constant 0.000000e+00 : f32
      %max3A_213 = vector.broadcast %max3A_212 : f32 to vector<16xf32>
      %max3A_214 = arith.maximumf %sub3A_151, %max3A_213 : vector<16xf32>
      %min3A_215 = arith.constant 2.550000e+02 : f32
      %min3A_216 = vector.broadcast %min3A_215 : f32 to vector<16xf32>
      %min3A_217 = arith.minimumf %max3A_214, %min3A_216 : vector<16xf32>
      %convert_element_type3A_218 = arith.fptosi %min3A_217 : vector<16xf32> to vector<16xi32>
      %swap3A = arith.index_cast %mul3A_65 : i32 to index
      %swap3A_219 = tpu.vector_load %arg12[%swap3A] {strides = array<i32>} : memref<2048xi32, #tpu.memory_space<vmem>>, vector<16xi32>,
      tpu.vector_store %arg12[%swap3A], %convert_element_type3A_211 {strides = array<i32>} : memref<2048xi32, #tpu.memory_space<vmem>>, vector<16xi32>,
      %swap3A_220 = arith.index_cast %mul3A_65 : i32 to index
      %swap3A_221 = tpu.vector_load %arg13[%swap3A_220] {strides = array<i32>} : memref<2048xi32, #tpu.memory_space<vmem>>, vector<16xi32>,
      tpu.vector_store %arg13[%swap3A_220], %convert_element_type3A_218 {strides = array<i32>} : memref<2048xi32, #tpu.memory_space<vmem>>, vector<16xi32>,
      %mul3A_222 = arith.mulf %sub3A_156, %select_n3A_169 : vector<16xf32>
      %swap3A_223 = arith.index_cast %mul3A_65 : i32 to index
      %swap3A_224 = tpu.vector_load %arg14[%swap3A_223] {strides = array<i32>} : memref<2048xf32, #tpu.memory_space<vmem>>, vector<16xf32>,
      tpu.vector_store %arg14[%swap3A_223], %mul3A_222 {strides = array<i32>} : memref<2048xf32, #tpu.memory_space<vmem>>, vector<16xf32>,
      %mul3A_225 = arith.mulf %sub3A_152, %select_n3A_181 : vector<16xf32>
      %swap3A_226 = arith.index_cast %mul3A_65 : i32 to index
      %swap3A_227 = tpu.vector_load %arg15[%swap3A_226] {strides = array<i32>} : memref<2048xf32, #tpu.memory_space<vmem>>, vector<16xf32>,
      tpu.vector_store %arg15[%swap3A_226], %mul3A_225 {strides = array<i32>} : memref<2048xf32, #tpu.memory_space<vmem>>, vector<16xf32>,
      %mul3A_228 = arith.mulf %sub3A_159, %select_n3A_193 : vector<16xf32>
      %mul3A_229 = arith.mulf %mul3A_228, %select_n3A : vector<16xf32>
      %swap3A_230 = arith.index_cast %mul3A_65 : i32 to index
      %swap3A_231 = tpu.vector_load %arg16[%swap3A_230] {strides = array<i32>} : memref<2048xf32, #tpu.memory_space<vmem>>, vector<16xf32>,
      tpu.vector_store %arg16[%swap3A_230], %mul3A_229 {strides = array<i32>} : memref<2048xf32, #tpu.memory_space<vmem>>, vector<16xf32>,
      %mul3A_232 = arith.mulf %sub3A_153, %select_n3A_205 : vector<16xf32>
      %mul3A_233 = arith.mulf %mul3A_232, %select_n3A : vector<16xf32>
      %swap3A_234 = arith.index_cast %mul3A_65 : i32 to index
      %swap3A_235 = tpu.vector_load %arg17[%swap3A_234] {strides = array<i32>} : memref<2048xf32, #tpu.memory_space<vmem>>, vector<16xf32>,
      tpu.vector_store %arg17[%swap3A_234], %mul3A_233 {strides = array<i32>} : memref<2048xf32, #tpu.memory_space<vmem>>, vector<16xf32>,
      %swap3A_236 = arith.index_cast %mul3A_65 : i32 to index
      %swap3A_237 = tpu.vector_load %arg20[%swap3A_236] {strides = array<i32>} : memref<2048xf32, #tpu.memory_space<vmem>>, vector<16xf32>,
      tpu.vector_store %arg20[%swap3A_236], %select_n3A {strides = array<i32>} : memref<2048xf32, #tpu.memory_space<vmem>>, vector<16xf32>,
    }
    %scan3A_25 = arith.constant 128 : i32
    %add3A_26 = arith.constant 196608 : i32
    %add3A_27 = arith.addi %add3A_26, %mul3A_2 : i32
    "tpu.region"() ({
      %run_scoped3A_59 = tpu.sem_alloc : memref<!tpu.dma_semaphore, #tpu.memory_space<semaphore_mem>>
      %dma_start3A_60 = tpu.memref_slice %arg7[%add3A_27] : memref<262144xf32, #tpu.memory_space<hbm>> -> memref<2048xf32, #tpu.memory_space<hbm>>
      %dma_start3A_61 = tpu.memref_slice %arg7[%add3A_27] : memref<262144xf32, #tpu.memory_space<hbm>> -> memref<2048xf32, #tpu.memory_space<hbm>>
      tpu.enqueue_dma source(%arg20 : memref<2048xf32, #tpu.memory_space<vmem>>) target(%dma_start3A_61 : memref<2048xf32, #tpu.memory_space<hbm>>) target_semaphore(%run_scoped3A_59 : memref<!tpu.dma_semaphore, #tpu.memory_space<semaphore_mem>>)
      %dma_wait3A_62 = tpu.memref_slice %arg7[%add3A_27] : memref<262144xf32, #tpu.memory_space<hbm>> -> memref<2048xf32, #tpu.memory_space<hbm>>
      %dma_wait3A_63 = tpu.memref_slice %arg7[%add3A_27] : memref<262144xf32, #tpu.memory_space<hbm>> -> memref<2048xf32, #tpu.memory_space<hbm>>
      tpu.wait_dma2 semaphore(%run_scoped3A_59 : memref<!tpu.dma_semaphore, #tpu.memory_space<semaphore_mem>>) src(%arg20 : memref<2048xf32, #tpu.memory_space<vmem>>) dst(%dma_wait3A_63 : memref<2048xf32, #tpu.memory_space<hbm>>)
      tpu.yield
    }) : () -> ()
    %dma_wait3A_28 = arith.constant 0 : i32
    %dma_wait3A_29 = arith.constant 0 : i32
    %dma_wait3A_30 = arith.constant 0 : i32
    %dma_wait3A_31 = tpu.memref_slice %arg6[%dma_wait3A_28, %dma_wait3A_29, %dma_wait3A_30] : memref<3x256x256xf32, #tpu.memory_space<hbm>> -> memref<1x256x256xf32, #tpu.memory_space<hbm>>
    %dma_wait3A_32 = tpu.memref_squeeze %dma_wait3A_31 : memref<1x256x256xf32, #tpu.memory_space<hbm>> -> memref<256x256xf32, #tpu.memory_space<hbm>>
    %dma_wait3A_33 = arith.constant 0 : i32
    %dma_wait3A_34 = arith.constant 0 : i32
    %dma_wait3A_35 = tpu.memref_slice %arg6[%dma_wait3A_28, %dma_wait3A_33, %dma_wait3A_34] : memref<3x256x256xf32, #tpu.memory_space<hbm>> -> memref<1x256x256xf32, #tpu.memory_space<hbm>>
    %dma_wait3A_36 = tpu.memref_squeeze %dma_wait3A_35 : memref<1x256x256xf32, #tpu.memory_space<hbm>> -> memref<256x256xf32, #tpu.memory_space<hbm>>
    tpu.wait_dma2 semaphore(%arg21 : memref<!tpu.dma_semaphore, #tpu.memory_space<semaphore_mem>>) src(%dma_wait3A_36 : memref<256x256xf32, #tpu.memory_space<hbm>>) dst(%arg18 : memref<256x256xf32, #tpu.memory_space<vmem>>)
    %scan3A_37 = arith.constant 0 : i32
    %scan3A_38 = arith.constant 128 : i32
    %scan3A_39 = arith.addi %scan3A_37, %scan3A_38 : i32
    %scan3A_40 = arith.constant 1 : i32
    scf.for %scan3A_59 = %scan3A_37 to %scan3A_39 step %scan3A_40  : i32 {
      %mul3A_60 = arith.constant 1 : i32
      %mul3A_61 = arith.muli %scan3A_59, %mul3A_60 : i32
      %add3A_62 = arith.constant 0 : i32
      %add3A_63 = arith.addi %add3A_62, %mul3A_61 : i32
      %mul3A_64 = arith.constant 16 : i32
      %mul3A_65 = arith.muli %add3A_63, %mul3A_64 : i32
      %get3A = arith.index_cast %mul3A_65 : i32 to index
      %get3A_66 = tpu.vector_load %arg12[%get3A] {strides = array<i32>} : memref<2048xi32, #tpu.memory_space<vmem>>, vector<16xi32>,
      %get3A_67 = arith.index_cast %mul3A_65 : i32 to index
      %get3A_68 = tpu.vector_load %arg13[%get3A_67] {strides = array<i32>} : memref<2048xi32, #tpu.memory_space<vmem>>, vector<16xi32>,
      %add3A_69 = arith.constant 1 : i32
      %add3A_70 = vector.broadcast %add3A_69 : i32 to vector<16xi32>
      %add3A_71 = arith.addi %get3A_66, %add3A_70 : vector<16xi32>
      %min3A = arith.constant 255 : i32
      %min3A_72 = vector.broadcast %min3A : i32 to vector<16xi32>
      %min3A_73 = arith.minsi %add3A_71, %min3A_72 : vector<16xi32>
      %add3A_74 = arith.constant 1 : i32
      %add3A_75 = vector.broadcast %add3A_74 : i32 to vector<16xi32>
      %add3A_76 = arith.addi %get3A_68, %add3A_75 : vector<16xi32>
      %min3A_77 = arith.constant 255 : i32
      %min3A_78 = vector.broadcast %min3A_77 : i32 to vector<16xi32>
      %min3A_79 = arith.minsi %add3A_76, %min3A_78 : vector<16xi32>
      %get3A_80 = arith.index_cast %mul3A_65 : i32 to index
      %get3A_81 = tpu.vector_load %arg14[%get3A_80] {strides = array<i32>} : memref<2048xf32, #tpu.memory_space<vmem>>, vector<16xf32>,
      %get3A_82 = arith.index_cast %mul3A_65 : i32 to index
      %get3A_83 = tpu.vector_load %arg15[%get3A_82] {strides = array<i32>} : memref<2048xf32, #tpu.memory_space<vmem>>, vector<16xf32>,
      %get3A_84 = arith.index_cast %mul3A_65 : i32 to index
      %get3A_85 = tpu.vector_load %arg16[%get3A_84] {strides = array<i32>} : memref<2048xf32, #tpu.memory_space<vmem>>, vector<16xf32>,
      %get3A_86 = arith.index_cast %mul3A_65 : i32 to index
      %get3A_87 = tpu.vector_load %arg17[%get3A_86] {strides = array<i32>} : memref<2048xf32, #tpu.memory_space<vmem>>, vector<16xf32>,
      %gather3A = tpu.vector_load_idx %arg18[%get3A_68, %get3A_66] : memref<256x256xf32, #tpu.memory_space<vmem>>[vector<16xi32>, vector<16xi32>], vector<16xf32>,
      %gather3A_88 = tpu.vector_load_idx %arg18[%get3A_68, %min3A_73] : memref<256x256xf32, #tpu.memory_space<vmem>>[vector<16xi32>, vector<16xi32>], vector<16xf32>,
      %gather3A_89 = tpu.vector_load_idx %arg18[%min3A_79, %get3A_66] : memref<256x256xf32, #tpu.memory_space<vmem>>[vector<16xi32>, vector<16xi32>], vector<16xf32>,
      %gather3A_90 = tpu.vector_load_idx %arg18[%min3A_79, %min3A_73] : memref<256x256xf32, #tpu.memory_space<vmem>>[vector<16xi32>, vector<16xi32>], vector<16xf32>,
      %mul3A_91 = arith.mulf %get3A_81, %get3A_85 : vector<16xf32>
      %mul3A_92 = arith.mulf %gather3A, %mul3A_91 : vector<16xf32>
      %mul3A_93 = arith.mulf %get3A_83, %get3A_85 : vector<16xf32>
      %mul3A_94 = arith.mulf %gather3A_88, %mul3A_93 : vector<16xf32>
      %add3A_95 = arith.addf %mul3A_92, %mul3A_94 : vector<16xf32>
      %mul3A_96 = arith.mulf %get3A_81, %get3A_87 : vector<16xf32>
      %mul3A_97 = arith.mulf %gather3A_89, %mul3A_96 : vector<16xf32>
      %add3A_98 = arith.addf %add3A_95, %mul3A_97 : vector<16xf32>
      %mul3A_99 = arith.mulf %get3A_83, %get3A_87 : vector<16xf32>
      %mul3A_100 = arith.mulf %gather3A_90, %mul3A_99 : vector<16xf32>
      %add3A_101 = arith.addf %add3A_98, %mul3A_100 : vector<16xf32>
      %swap3A = arith.index_cast %mul3A_65 : i32 to index
      %swap3A_102 = tpu.vector_load %arg19[%swap3A] {strides = array<i32>} : memref<2048xf32, #tpu.memory_space<vmem>>, vector<16xf32>,
      tpu.vector_store %arg19[%swap3A], %add3A_101 {strides = array<i32>} : memref<2048xf32, #tpu.memory_space<vmem>>, vector<16xf32>,
    }
    %scan3A_41 = arith.constant 128 : i32
    %add3A_42 = arith.constant 0 : i32
    %add3A_43 = arith.addi %add3A_42, %mul3A_2 : i32
    "tpu.region"() ({
      %run_scoped3A_59 = tpu.sem_alloc : memref<!tpu.dma_semaphore, #tpu.memory_space<semaphore_mem>>
      %dma_start3A_60 = tpu.memref_slice %arg7[%add3A_43] : memref<262144xf32, #tpu.memory_space<hbm>> -> memref<2048xf32, #tpu.memory_space<hbm>>
      %dma_start3A_61 = tpu.memref_slice %arg7[%add3A_43] : memref<262144xf32, #tpu.memory_space<hbm>> -> memref<2048xf32, #tpu.memory_space<hbm>>
      tpu.enqueue_dma source(%arg19 : memref<2048xf32, #tpu.memory_space<vmem>>) target(%dma_start3A_61 : memref<2048xf32, #tpu.memory_space<hbm>>) target_semaphore(%run_scoped3A_59 : memref<!tpu.dma_semaphore, #tpu.memory_space<semaphore_mem>>)
      %dma_wait3A_62 = tpu.memref_slice %arg7[%add3A_43] : memref<262144xf32, #tpu.memory_space<hbm>> -> memref<2048xf32, #tpu.memory_space<hbm>>
      %dma_wait3A_63 = tpu.memref_slice %arg7[%add3A_43] : memref<262144xf32, #tpu.memory_space<hbm>> -> memref<2048xf32, #tpu.memory_space<hbm>>
      tpu.wait_dma2 semaphore(%run_scoped3A_59 : memref<!tpu.dma_semaphore, #tpu.memory_space<semaphore_mem>>) src(%arg19 : memref<2048xf32, #tpu.memory_space<vmem>>) dst(%dma_wait3A_63 : memref<2048xf32, #tpu.memory_space<hbm>>)
      tpu.yield
    }) : () -> ()
    %run_scoped3A = arith.constant 1 : i32
    "tpu.region"() ({
      %run_scoped3A_59 = tpu.sem_alloc : memref<!tpu.dma_semaphore, #tpu.memory_space<semaphore_mem>>
      %dma_start3A_60 = arith.constant 0 : i32
      %dma_start3A_61 = arith.constant 0 : i32
      %dma_start3A_62 = tpu.memref_slice %arg6[%run_scoped3A, %dma_start3A_60, %dma_start3A_61] : memref<3x256x256xf32, #tpu.memory_space<hbm>> -> memref<1x256x256xf32, #tpu.memory_space<hbm>>
      %dma_start3A_63 = tpu.memref_squeeze %dma_start3A_62 : memref<1x256x256xf32, #tpu.memory_space<hbm>> -> memref<256x256xf32, #tpu.memory_space<hbm>>
      %dma_start3A_64 = arith.constant 0 : i32
      %dma_start3A_65 = arith.constant 0 : i32
      %dma_start3A_66 = tpu.memref_slice %arg6[%run_scoped3A, %dma_start3A_64, %dma_start3A_65] : memref<3x256x256xf32, #tpu.memory_space<hbm>> -> memref<1x256x256xf32, #tpu.memory_space<hbm>>
      %dma_start3A_67 = tpu.memref_squeeze %dma_start3A_66 : memref<1x256x256xf32, #tpu.memory_space<hbm>> -> memref<256x256xf32, #tpu.memory_space<hbm>>
      tpu.enqueue_dma source(%dma_start3A_67 : memref<256x256xf32, #tpu.memory_space<hbm>>) target(%arg18 : memref<256x256xf32, #tpu.memory_space<vmem>>) target_semaphore(%run_scoped3A_59 : memref<!tpu.dma_semaphore, #tpu.memory_space<semaphore_mem>>)
      %dma_wait3A_68 = arith.constant 0 : i32
      %dma_wait3A_69 = arith.constant 0 : i32
      %dma_wait3A_70 = tpu.memref_slice %arg6[%run_scoped3A, %dma_wait3A_68, %dma_wait3A_69] : memref<3x256x256xf32, #tpu.memory_space<hbm>> -> memref<1x256x256xf32, #tpu.memory_space<hbm>>
      %dma_wait3A_71 = tpu.memref_squeeze %dma_wait3A_70 : memref<1x256x256xf32, #tpu.memory_space<hbm>> -> memref<256x256xf32, #tpu.memory_space<hbm>>
      %dma_wait3A_72 = arith.constant 0 : i32
      %dma_wait3A_73 = arith.constant 0 : i32
      %dma_wait3A_74 = tpu.memref_slice %arg6[%run_scoped3A, %dma_wait3A_72, %dma_wait3A_73] : memref<3x256x256xf32, #tpu.memory_space<hbm>> -> memref<1x256x256xf32, #tpu.memory_space<hbm>>
      %dma_wait3A_75 = tpu.memref_squeeze %dma_wait3A_74 : memref<1x256x256xf32, #tpu.memory_space<hbm>> -> memref<256x256xf32, #tpu.memory_space<hbm>>
      tpu.wait_dma2 semaphore(%run_scoped3A_59 : memref<!tpu.dma_semaphore, #tpu.memory_space<semaphore_mem>>) src(%dma_wait3A_75 : memref<256x256xf32, #tpu.memory_space<hbm>>) dst(%arg18 : memref<256x256xf32, #tpu.memory_space<vmem>>)
      tpu.yield
    }) : () -> ()
    %scan3A_44 = arith.constant 0 : i32
    %scan3A_45 = arith.constant 128 : i32
    %scan3A_46 = arith.addi %scan3A_44, %scan3A_45 : i32
    %scan3A_47 = arith.constant 1 : i32
    scf.for %scan3A_59 = %scan3A_44 to %scan3A_46 step %scan3A_47  : i32 {
      %mul3A_60 = arith.constant 1 : i32
      %mul3A_61 = arith.muli %scan3A_59, %mul3A_60 : i32
      %add3A_62 = arith.constant 0 : i32
      %add3A_63 = arith.addi %add3A_62, %mul3A_61 : i32
      %mul3A_64 = arith.constant 16 : i32
      %mul3A_65 = arith.muli %add3A_63, %mul3A_64 : i32
      %get3A = arith.index_cast %mul3A_65 : i32 to index
      %get3A_66 = tpu.vector_load %arg12[%get3A] {strides = array<i32>} : memref<2048xi32, #tpu.memory_space<vmem>>, vector<16xi32>,
      %get3A_67 = arith.index_cast %mul3A_65 : i32 to index
      %get3A_68 = tpu.vector_load %arg13[%get3A_67] {strides = array<i32>} : memref<2048xi32, #tpu.memory_space<vmem>>, vector<16xi32>,
      %add3A_69 = arith.constant 1 : i32
      %add3A_70 = vector.broadcast %add3A_69 : i32 to vector<16xi32>
      %add3A_71 = arith.addi %get3A_66, %add3A_70 : vector<16xi32>
      %min3A = arith.constant 255 : i32
      %min3A_72 = vector.broadcast %min3A : i32 to vector<16xi32>
      %min3A_73 = arith.minsi %add3A_71, %min3A_72 : vector<16xi32>
      %add3A_74 = arith.constant 1 : i32
      %add3A_75 = vector.broadcast %add3A_74 : i32 to vector<16xi32>
      %add3A_76 = arith.addi %get3A_68, %add3A_75 : vector<16xi32>
      %min3A_77 = arith.constant 255 : i32
      %min3A_78 = vector.broadcast %min3A_77 : i32 to vector<16xi32>
      %min3A_79 = arith.minsi %add3A_76, %min3A_78 : vector<16xi32>
      %get3A_80 = arith.index_cast %mul3A_65 : i32 to index
      %get3A_81 = tpu.vector_load %arg14[%get3A_80] {strides = array<i32>} : memref<2048xf32, #tpu.memory_space<vmem>>, vector<16xf32>,
      %get3A_82 = arith.index_cast %mul3A_65 : i32 to index
      %get3A_83 = tpu.vector_load %arg15[%get3A_82] {strides = array<i32>} : memref<2048xf32, #tpu.memory_space<vmem>>, vector<16xf32>,
      %get3A_84 = arith.index_cast %mul3A_65 : i32 to index
      %get3A_85 = tpu.vector_load %arg16[%get3A_84] {strides = array<i32>} : memref<2048xf32, #tpu.memory_space<vmem>>, vector<16xf32>,
      %get3A_86 = arith.index_cast %mul3A_65 : i32 to index
      %get3A_87 = tpu.vector_load %arg17[%get3A_86] {strides = array<i32>} : memref<2048xf32, #tpu.memory_space<vmem>>, vector<16xf32>,
      %gather3A = tpu.vector_load_idx %arg18[%get3A_68, %get3A_66] : memref<256x256xf32, #tpu.memory_space<vmem>>[vector<16xi32>, vector<16xi32>], vector<16xf32>,
      %gather3A_88 = tpu.vector_load_idx %arg18[%get3A_68, %min3A_73] : memref<256x256xf32, #tpu.memory_space<vmem>>[vector<16xi32>, vector<16xi32>], vector<16xf32>,
      %gather3A_89 = tpu.vector_load_idx %arg18[%min3A_79, %get3A_66] : memref<256x256xf32, #tpu.memory_space<vmem>>[vector<16xi32>, vector<16xi32>], vector<16xf32>,
      %gather3A_90 = tpu.vector_load_idx %arg18[%min3A_79, %min3A_73] : memref<256x256xf32, #tpu.memory_space<vmem>>[vector<16xi32>, vector<16xi32>], vector<16xf32>,
      %mul3A_91 = arith.mulf %get3A_81, %get3A_85 : vector<16xf32>
      %mul3A_92 = arith.mulf %gather3A, %mul3A_91 : vector<16xf32>
      %mul3A_93 = arith.mulf %get3A_83, %get3A_85 : vector<16xf32>
      %mul3A_94 = arith.mulf %gather3A_88, %mul3A_93 : vector<16xf32>
      %add3A_95 = arith.addf %mul3A_92, %mul3A_94 : vector<16xf32>
      %mul3A_96 = arith.mulf %get3A_81, %get3A_87 : vector<16xf32>
      %mul3A_97 = arith.mulf %gather3A_89, %mul3A_96 : vector<16xf32>
      %add3A_98 = arith.addf %add3A_95, %mul3A_97 : vector<16xf32>
      %mul3A_99 = arith.mulf %get3A_83, %get3A_87 : vector<16xf32>
      %mul3A_100 = arith.mulf %gather3A_90, %mul3A_99 : vector<16xf32>
      %add3A_101 = arith.addf %add3A_98, %mul3A_100 : vector<16xf32>
      %swap3A = arith.index_cast %mul3A_65 : i32 to index
      %swap3A_102 = tpu.vector_load %arg19[%swap3A] {strides = array<i32>} : memref<2048xf32, #tpu.memory_space<vmem>>, vector<16xf32>,
      tpu.vector_store %arg19[%swap3A], %add3A_101 {strides = array<i32>} : memref<2048xf32, #tpu.memory_space<vmem>>, vector<16xf32>,
    }
    %scan3A_48 = arith.constant 128 : i32
    %add3A_49 = arith.constant 65536 : i32
    %add3A_50 = arith.addi %add3A_49, %mul3A_2 : i32
    "tpu.region"() ({
      %run_scoped3A_59 = tpu.sem_alloc : memref<!tpu.dma_semaphore, #tpu.memory_space<semaphore_mem>>
      %dma_start3A_60 = tpu.memref_slice %arg7[%add3A_50] : memref<262144xf32, #tpu.memory_space<hbm>> -> memref<2048xf32, #tpu.memory_space<hbm>>
      %dma_start3A_61 = tpu.memref_slice %arg7[%add3A_50] : memref<262144xf32, #tpu.memory_space<hbm>> -> memref<2048xf32, #tpu.memory_space<hbm>>
      tpu.enqueue_dma source(%arg19 : memref<2048xf32, #tpu.memory_space<vmem>>) target(%dma_start3A_61 : memref<2048xf32, #tpu.memory_space<hbm>>) target_semaphore(%run_scoped3A_59 : memref<!tpu.dma_semaphore, #tpu.memory_space<semaphore_mem>>)
      %dma_wait3A_62 = tpu.memref_slice %arg7[%add3A_50] : memref<262144xf32, #tpu.memory_space<hbm>> -> memref<2048xf32, #tpu.memory_space<hbm>>
      %dma_wait3A_63 = tpu.memref_slice %arg7[%add3A_50] : memref<262144xf32, #tpu.memory_space<hbm>> -> memref<2048xf32, #tpu.memory_space<hbm>>
      tpu.wait_dma2 semaphore(%run_scoped3A_59 : memref<!tpu.dma_semaphore, #tpu.memory_space<semaphore_mem>>) src(%arg19 : memref<2048xf32, #tpu.memory_space<vmem>>) dst(%dma_wait3A_63 : memref<2048xf32, #tpu.memory_space<hbm>>)
      tpu.yield
    }) : () -> ()
    %run_scoped3A_51 = arith.constant 2 : i32
    "tpu.region"() ({
      %run_scoped3A_59 = tpu.sem_alloc : memref<!tpu.dma_semaphore, #tpu.memory_space<semaphore_mem>>
      %dma_start3A_60 = arith.constant 0 : i32
      %dma_start3A_61 = arith.constant 0 : i32
      %dma_start3A_62 = tpu.memref_slice %arg6[%run_scoped3A_51, %dma_start3A_60, %dma_start3A_61] : memref<3x256x256xf32, #tpu.memory_space<hbm>> -> memref<1x256x256xf32, #tpu.memory_space<hbm>>
      %dma_start3A_63 = tpu.memref_squeeze %dma_start3A_62 : memref<1x256x256xf32, #tpu.memory_space<hbm>> -> memref<256x256xf32, #tpu.memory_space<hbm>>
      %dma_start3A_64 = arith.constant 0 : i32
      %dma_start3A_65 = arith.constant 0 : i32
      %dma_start3A_66 = tpu.memref_slice %arg6[%run_scoped3A_51, %dma_start3A_64, %dma_start3A_65] : memref<3x256x256xf32, #tpu.memory_space<hbm>> -> memref<1x256x256xf32, #tpu.memory_space<hbm>>
      %dma_start3A_67 = tpu.memref_squeeze %dma_start3A_66 : memref<1x256x256xf32, #tpu.memory_space<hbm>> -> memref<256x256xf32, #tpu.memory_space<hbm>>
      tpu.enqueue_dma source(%dma_start3A_67 : memref<256x256xf32, #tpu.memory_space<hbm>>) target(%arg18 : memref<256x256xf32, #tpu.memory_space<vmem>>) target_semaphore(%run_scoped3A_59 : memref<!tpu.dma_semaphore, #tpu.memory_space<semaphore_mem>>)
      %dma_wait3A_68 = arith.constant 0 : i32
      %dma_wait3A_69 = arith.constant 0 : i32
      %dma_wait3A_70 = tpu.memref_slice %arg6[%run_scoped3A_51, %dma_wait3A_68, %dma_wait3A_69] : memref<3x256x256xf32, #tpu.memory_space<hbm>> -> memref<1x256x256xf32, #tpu.memory_space<hbm>>
      %dma_wait3A_71 = tpu.memref_squeeze %dma_wait3A_70 : memref<1x256x256xf32, #tpu.memory_space<hbm>> -> memref<256x256xf32, #tpu.memory_space<hbm>>
      %dma_wait3A_72 = arith.constant 0 : i32
      %dma_wait3A_73 = arith.constant 0 : i32
      %dma_wait3A_74 = tpu.memref_slice %arg6[%run_scoped3A_51, %dma_wait3A_72, %dma_wait3A_73] : memref<3x256x256xf32, #tpu.memory_space<hbm>> -> memref<1x256x256xf32, #tpu.memory_space<hbm>>
      %dma_wait3A_75 = tpu.memref_squeeze %dma_wait3A_74 : memref<1x256x256xf32, #tpu.memory_space<hbm>> -> memref<256x256xf32, #tpu.memory_space<hbm>>
      tpu.wait_dma2 semaphore(%run_scoped3A_59 : memref<!tpu.dma_semaphore, #tpu.memory_space<semaphore_mem>>) src(%dma_wait3A_75 : memref<256x256xf32, #tpu.memory_space<hbm>>) dst(%arg18 : memref<256x256xf32, #tpu.memory_space<vmem>>)
      tpu.yield
    }) : () -> ()
    %scan3A_52 = arith.constant 0 : i32
    %scan3A_53 = arith.constant 128 : i32
    %scan3A_54 = arith.addi %scan3A_52, %scan3A_53 : i32
    %scan3A_55 = arith.constant 1 : i32
    scf.for %scan3A_59 = %scan3A_52 to %scan3A_54 step %scan3A_55  : i32 {
      %mul3A_60 = arith.constant 1 : i32
      %mul3A_61 = arith.muli %scan3A_59, %mul3A_60 : i32
      %add3A_62 = arith.constant 0 : i32
      %add3A_63 = arith.addi %add3A_62, %mul3A_61 : i32
      %mul3A_64 = arith.constant 16 : i32
      %mul3A_65 = arith.muli %add3A_63, %mul3A_64 : i32
      %get3A = arith.index_cast %mul3A_65 : i32 to index
      %get3A_66 = tpu.vector_load %arg12[%get3A] {strides = array<i32>} : memref<2048xi32, #tpu.memory_space<vmem>>, vector<16xi32>,
      %get3A_67 = arith.index_cast %mul3A_65 : i32 to index
      %get3A_68 = tpu.vector_load %arg13[%get3A_67] {strides = array<i32>} : memref<2048xi32, #tpu.memory_space<vmem>>, vector<16xi32>,
      %add3A_69 = arith.constant 1 : i32
      %add3A_70 = vector.broadcast %add3A_69 : i32 to vector<16xi32>
      %add3A_71 = arith.addi %get3A_66, %add3A_70 : vector<16xi32>
      %min3A = arith.constant 255 : i32
      %min3A_72 = vector.broadcast %min3A : i32 to vector<16xi32>
      %min3A_73 = arith.minsi %add3A_71, %min3A_72 : vector<16xi32>
      %add3A_74 = arith.constant 1 : i32
      %add3A_75 = vector.broadcast %add3A_74 : i32 to vector<16xi32>
      %add3A_76 = arith.addi %get3A_68, %add3A_75 : vector<16xi32>
      %min3A_77 = arith.constant 255 : i32
      %min3A_78 = vector.broadcast %min3A_77 : i32 to vector<16xi32>
      %min3A_79 = arith.minsi %add3A_76, %min3A_78 : vector<16xi32>
      %get3A_80 = arith.index_cast %mul3A_65 : i32 to index
      %get3A_81 = tpu.vector_load %arg14[%get3A_80] {strides = array<i32>} : memref<2048xf32, #tpu.memory_space<vmem>>, vector<16xf32>,
      %get3A_82 = arith.index_cast %mul3A_65 : i32 to index
      %get3A_83 = tpu.vector_load %arg15[%get3A_82] {strides = array<i32>} : memref<2048xf32, #tpu.memory_space<vmem>>, vector<16xf32>,
      %get3A_84 = arith.index_cast %mul3A_65 : i32 to index
      %get3A_85 = tpu.vector_load %arg16[%get3A_84] {strides = array<i32>} : memref<2048xf32, #tpu.memory_space<vmem>>, vector<16xf32>,
      %get3A_86 = arith.index_cast %mul3A_65 : i32 to index
      %get3A_87 = tpu.vector_load %arg17[%get3A_86] {strides = array<i32>} : memref<2048xf32, #tpu.memory_space<vmem>>, vector<16xf32>,
      %gather3A = tpu.vector_load_idx %arg18[%get3A_68, %get3A_66] : memref<256x256xf32, #tpu.memory_space<vmem>>[vector<16xi32>, vector<16xi32>], vector<16xf32>,
      %gather3A_88 = tpu.vector_load_idx %arg18[%get3A_68, %min3A_73] : memref<256x256xf32, #tpu.memory_space<vmem>>[vector<16xi32>, vector<16xi32>], vector<16xf32>,
      %gather3A_89 = tpu.vector_load_idx %arg18[%min3A_79, %get3A_66] : memref<256x256xf32, #tpu.memory_space<vmem>>[vector<16xi32>, vector<16xi32>], vector<16xf32>,
      %gather3A_90 = tpu.vector_load_idx %arg18[%min3A_79, %min3A_73] : memref<256x256xf32, #tpu.memory_space<vmem>>[vector<16xi32>, vector<16xi32>], vector<16xf32>,
      %mul3A_91 = arith.mulf %get3A_81, %get3A_85 : vector<16xf32>
      %mul3A_92 = arith.mulf %gather3A, %mul3A_91 : vector<16xf32>
      %mul3A_93 = arith.mulf %get3A_83, %get3A_85 : vector<16xf32>
      %mul3A_94 = arith.mulf %gather3A_88, %mul3A_93 : vector<16xf32>
      %add3A_95 = arith.addf %mul3A_92, %mul3A_94 : vector<16xf32>
      %mul3A_96 = arith.mulf %get3A_81, %get3A_87 : vector<16xf32>
      %mul3A_97 = arith.mulf %gather3A_89, %mul3A_96 : vector<16xf32>
      %add3A_98 = arith.addf %add3A_95, %mul3A_97 : vector<16xf32>
      %mul3A_99 = arith.mulf %get3A_83, %get3A_87 : vector<16xf32>
      %mul3A_100 = arith.mulf %gather3A_90, %mul3A_99 : vector<16xf32>
      %add3A_101 = arith.addf %add3A_98, %mul3A_100 : vector<16xf32>
      %swap3A = arith.index_cast %mul3A_65 : i32 to index
      %swap3A_102 = tpu.vector_load %arg19[%swap3A] {strides = array<i32>} : memref<2048xf32, #tpu.memory_space<vmem>>, vector<16xf32>,
      tpu.vector_store %arg19[%swap3A], %add3A_101 {strides = array<i32>} : memref<2048xf32, #tpu.memory_space<vmem>>, vector<16xf32>,
    }
    %scan3A_56 = arith.constant 128 : i32
    %add3A_57 = arith.constant 131072 : i32
    %add3A_58 = arith.addi %add3A_57, %mul3A_2 : i32
    "tpu.region"() ({
      %run_scoped3A_59 = tpu.sem_alloc : memref<!tpu.dma_semaphore, #tpu.memory_space<semaphore_mem>>
      %dma_start3A_60 = tpu.memref_slice %arg7[%add3A_58] : memref<262144xf32, #tpu.memory_space<hbm>> -> memref<2048xf32, #tpu.memory_space<hbm>>
      %dma_start3A_61 = tpu.memref_slice %arg7[%add3A_58] : memref<262144xf32, #tpu.memory_space<hbm>> -> memref<2048xf32, #tpu.memory_space<hbm>>
      tpu.enqueue_dma source(%arg19 : memref<2048xf32, #tpu.memory_space<vmem>>) target(%dma_start3A_61 : memref<2048xf32, #tpu.memory_space<hbm>>) target_semaphore(%run_scoped3A_59 : memref<!tpu.dma_semaphore, #tpu.memory_space<semaphore_mem>>)
      %dma_wait3A_62 = tpu.memref_slice %arg7[%add3A_58] : memref<262144xf32, #tpu.memory_space<hbm>> -> memref<2048xf32, #tpu.memory_space<hbm>>
      %dma_wait3A_63 = tpu.memref_slice %arg7[%add3A_58] : memref<262144xf32, #tpu.memory_space<hbm>> -> memref<2048xf32, #tpu.memory_space<hbm>>
      tpu.wait_dma2 semaphore(%run_scoped3A_59 : memref<!tpu.dma_semaphore, #tpu.memory_space<semaphore_mem>>) src(%arg19 : memref<2048xf32, #tpu.memory_space<vmem>>) dst(%dma_wait3A_63 : memref<2048xf32, #tpu.memory_space<hbm>>)
      tpu.yield
    }) : () -> ()
    return
  }
}

#map = affine_map<(d0, d1) -> (0)>
module attributes {stable_mosaic.version = 14 : i64} {
  func.func @_prep_kernel(%arg0: i32, %arg1: i32, %arg2: memref<600xf32, #tpu.memory_space<hbm>>, %arg3: memref<768xi32, #tpu.memory_space<hbm>>, %arg4: memref<600xf32, #tpu.memory_space<hbm>>, %arg5: memref<768xi32, #tpu.memory_space<hbm>>, %arg6: memref<256xf32, #tpu.memory_space<hbm>>, %arg7: memref<10272xf32, #tpu.memory_space<hbm>>, %arg8: memref<600xf32, #tpu.memory_space<vmem>>, %arg9: memref<768xi32, #tpu.memory_space<vmem>>, %arg10: memref<600xf32, #tpu.memory_space<vmem>>, %arg11: memref<768xi32, #tpu.memory_space<vmem>>, %arg12: memref<256xf32, #tpu.memory_space<vmem>>, %arg13: memref<16xf32, #tpu.memory_space<vmem>>, %arg14: memref<272xf32, #tpu.memory_space<vmem>>, %arg15: memref<16xf32, #tpu.memory_space<vmem>>, %arg16: memref<!tpu.dma_semaphore, #tpu.memory_space<semaphore_mem>>, %arg17: memref<272xf32, #tpu.memory_space<vmem>>, %arg18: memref<272xf32, #tpu.memory_space<vmem>>, %arg19: memref<272xf32, #tpu.memory_space<vmem>>, %arg20: memref<272xf32, #tpu.memory_space<vmem>>, %arg21: memref<272xf32, #tpu.memory_space<vmem>>, %arg22: memref<272xf32, #tpu.memory_space<vmem>>, %arg23: memref<272xf32, #tpu.memory_space<vmem>>, %arg24: memref<272xf32, #tpu.memory_space<vmem>>, %arg25: memref<272xf32, #tpu.memory_space<vmem>>, %arg26: memref<272xf32, #tpu.memory_space<vmem>>, %arg27: memref<272xf32, #tpu.memory_space<vmem>>, %arg28: memref<272xf32, #tpu.memory_space<vmem>>, %arg29: memref<272xf32, #tpu.memory_space<vmem>>, %arg30: memref<272xf32, #tpu.memory_space<vmem>>, %arg31: memref<272xf32, #tpu.memory_space<vmem>>, %arg32: memref<272xf32, #tpu.memory_space<vmem>>, %arg33: memref<272xf32, #tpu.memory_space<vmem>>, %arg34: memref<272xf32, #tpu.memory_space<vmem>>, %arg35: memref<272xf32, #tpu.memory_space<vmem>>, %arg36: memref<272xf32, #tpu.memory_space<vmem>>, %arg37: memref<272xf32, #tpu.memory_space<vmem>>, %arg38: memref<272xf32, #tpu.memory_space<vmem>>, %arg39: memref<272xf32, #tpu.memory_space<vmem>>, %arg40: memref<272xf32, #tpu.memory_space<vmem>>) attributes {dimension_semantics = [#tpu.dimension_semantics<core_parallel>, #tpu.dimension_semantics<subcore_parallel>], iteration_bounds = array<i64: 2, 16>, scalar_prefetch = 0 : i64, scratch_operands = 33 : i64, tpu.core_type = #tpu.core_type<sc_vector_subcore>, window_params = [{transform_indices = #map}, {transform_indices = #map}, {transform_indices = #map}, {transform_indices = #map}, {transform_indices = #map}, {transform_indices = #map}]} {
    %mul3A = arith.constant 16 : i32
    %mul3A_0 = arith.muli %arg0, %mul3A : i32
    %add3A = arith.addi %mul3A_0, %arg1 : i32
    %eq3A = arith.constant 0 : i32
    %eq3A_1 = arith.cmpi eq, %add3A, %eq3A : i32
    %convert_element_type3A = arith.extui %eq3A_1 : i1 to i32
    %cond3A = arith.constant 0 : i32
    %cond3A_2 = arith.cmpi ne, %convert_element_type3A, %cond3A : i32
    scf.if %cond3A_2 {
      "tpu.region"() ({
        %run_scoped3A = tpu.sem_alloc : memref<!tpu.dma_semaphore, #tpu.memory_space<semaphore_mem>>
        tpu.enqueue_dma source(%arg2 : memref<600xf32, #tpu.memory_space<hbm>>) target(%arg8 : memref<600xf32, #tpu.memory_space<vmem>>) target_semaphore(%run_scoped3A : memref<!tpu.dma_semaphore, #tpu.memory_space<semaphore_mem>>)
        tpu.wait_dma2 semaphore(%run_scoped3A : memref<!tpu.dma_semaphore, #tpu.memory_space<semaphore_mem>>) src(%arg2 : memref<600xf32, #tpu.memory_space<hbm>>) dst(%arg8 : memref<600xf32, #tpu.memory_space<vmem>>)
        tpu.yield
      }) : () -> ()
      "tpu.region"() ({
        %run_scoped3A = tpu.sem_alloc : memref<!tpu.dma_semaphore, #tpu.memory_space<semaphore_mem>>
        tpu.enqueue_dma source(%arg3 : memref<768xi32, #tpu.memory_space<hbm>>) target(%arg9 : memref<768xi32, #tpu.memory_space<vmem>>) target_semaphore(%run_scoped3A : memref<!tpu.dma_semaphore, #tpu.memory_space<semaphore_mem>>)
        tpu.wait_dma2 semaphore(%run_scoped3A : memref<!tpu.dma_semaphore, #tpu.memory_space<semaphore_mem>>) src(%arg3 : memref<768xi32, #tpu.memory_space<hbm>>) dst(%arg9 : memref<768xi32, #tpu.memory_space<vmem>>)
        tpu.yield
      }) : () -> ()
      "tpu.region"() ({
        %run_scoped3A = tpu.sem_alloc : memref<!tpu.dma_semaphore, #tpu.memory_space<semaphore_mem>>
        tpu.enqueue_dma source(%arg4 : memref<600xf32, #tpu.memory_space<hbm>>) target(%arg10 : memref<600xf32, #tpu.memory_space<vmem>>) target_semaphore(%run_scoped3A : memref<!tpu.dma_semaphore, #tpu.memory_space<semaphore_mem>>)
        tpu.wait_dma2 semaphore(%run_scoped3A : memref<!tpu.dma_semaphore, #tpu.memory_space<semaphore_mem>>) src(%arg4 : memref<600xf32, #tpu.memory_space<hbm>>) dst(%arg10 : memref<600xf32, #tpu.memory_space<vmem>>)
        tpu.yield
      }) : () -> ()
      "tpu.region"() ({
        %run_scoped3A = tpu.sem_alloc : memref<!tpu.dma_semaphore, #tpu.memory_space<semaphore_mem>>
        tpu.enqueue_dma source(%arg5 : memref<768xi32, #tpu.memory_space<hbm>>) target(%arg11 : memref<768xi32, #tpu.memory_space<vmem>>) target_semaphore(%run_scoped3A : memref<!tpu.dma_semaphore, #tpu.memory_space<semaphore_mem>>)
        tpu.wait_dma2 semaphore(%run_scoped3A : memref<!tpu.dma_semaphore, #tpu.memory_space<semaphore_mem>>) src(%arg5 : memref<768xi32, #tpu.memory_space<hbm>>) dst(%arg11 : memref<768xi32, #tpu.memory_space<vmem>>)
        tpu.yield
      }) : () -> ()
      "tpu.region"() ({
        %run_scoped3A = tpu.sem_alloc : memref<!tpu.dma_semaphore, #tpu.memory_space<semaphore_mem>>
        tpu.enqueue_dma source(%arg6 : memref<256xf32, #tpu.memory_space<hbm>>) target(%arg12 : memref<256xf32, #tpu.memory_space<vmem>>) target_semaphore(%run_scoped3A : memref<!tpu.dma_semaphore, #tpu.memory_space<semaphore_mem>>)
        tpu.wait_dma2 semaphore(%run_scoped3A : memref<!tpu.dma_semaphore, #tpu.memory_space<semaphore_mem>>) src(%arg6 : memref<256xf32, #tpu.memory_space<hbm>>) dst(%arg12 : memref<256xf32, #tpu.memory_space<vmem>>)
        tpu.yield
      }) : () -> ()
      %iota3A = tpu.iota {dimensions = array<i32: 0>} : vector<16xi32>
      %broadcast_in_dim3A = arith.constant 0x7F800000 : f32
      %broadcast_in_dim3A_3 = vector.broadcast %broadcast_in_dim3A : f32 to vector<16xf32>
      %scan3A = arith.constant 0 : i32
      %scan3A_4 = arith.constant 13 : i32
      %scan3A_5 = arith.addi %scan3A, %scan3A_4 : i32
      %scan3A_6 = arith.constant 1 : i32
      %scan3A_7 = scf.for %scan3A_91 = %scan3A to %scan3A_5 step %scan3A_6 iter_args(%scan3A_92 = %broadcast_in_dim3A_3) -> (vector<16xf32>)  : i32 {
        %mul3A_93 = arith.constant 16 : i32
        %mul3A_94 = arith.muli %scan3A_91, %mul3A_93 : i32
        %add3A_95 = vector.broadcast %mul3A_94 : i32 to vector<16xi32>
        %add3A_96 = arith.addi %add3A_95, %iota3A : vector<16xi32>
        %min3A = arith.constant 199 : i32
        %min3A_97 = vector.broadcast %min3A : i32 to vector<16xi32>
        %min3A_98 = arith.minsi %add3A_96, %min3A_97 : vector<16xi32>
        %mul3A_99 = arith.constant 3 : i32
        %mul3A_100 = vector.broadcast %mul3A_99 : i32 to vector<16xi32>
        %mul3A_101 = arith.muli %min3A_98, %mul3A_100 : vector<16xi32>
        %add3A_102 = arith.constant 2 : i32
        %add3A_103 = vector.broadcast %add3A_102 : i32 to vector<16xi32>
        %add3A_104 = arith.addi %mul3A_101, %add3A_103 : vector<16xi32>
        %gather3A = tpu.vector_load_idx %arg8[%add3A_104] : memref<600xf32, #tpu.memory_space<vmem>>[vector<16xi32>], vector<16xf32>,
        %min3A_105 = arith.minimumf %scan3A_92, %gather3A : vector<16xf32>
        scf.yield %min3A_105 : vector<16xf32>
      }
      %scan3A_8 = arith.constant 13 : i32
      %broadcast_in_dim3A_9 = arith.constant 0 : i32
      %broadcast_in_dim3A_10 = vector.broadcast %broadcast_in_dim3A_9 : i32 to vector<16xi32>
      %scan3A_11 = arith.constant 0 : i32
      %scan3A_12 = arith.constant 16 : i32
      %scan3A_13 = arith.addi %scan3A_11, %scan3A_12 : i32
      %scan3A_14 = arith.constant 1 : i32
      %scan3A_15 = scf.for %scan3A_91 = %scan3A_11 to %scan3A_13 step %scan3A_14 iter_args(%scan3A_92 = %broadcast_in_dim3A_10) -> (vector<16xi32>)  : i32 {
        %mul3A_93 = arith.constant 16 : i32
        %mul3A_94 = arith.muli %scan3A_91, %mul3A_93 : i32
        %add3A_95 = vector.broadcast %mul3A_94 : i32 to vector<16xi32>
        %add3A_96 = arith.addi %add3A_95, %iota3A : vector<16xi32>
        %mul3A_97 = arith.constant 3 : i32
        %mul3A_98 = vector.broadcast %mul3A_97 : i32 to vector<16xi32>
        %mul3A_99 = arith.muli %add3A_96, %mul3A_98 : vector<16xi32>
        %gather3A = tpu.vector_load_idx %arg9[%mul3A_99] : memref<768xi32, #tpu.memory_space<vmem>>[vector<16xi32>], vector<16xi32>,
        %mul3A_100 = arith.constant 3 : i32
        %mul3A_101 = vector.broadcast %mul3A_100 : i32 to vector<16xi32>
        %mul3A_102 = arith.muli %gather3A, %mul3A_101 : vector<16xi32>
        %add3A_103 = arith.constant 1 : i32
        %add3A_104 = vector.broadcast %add3A_103 : i32 to vector<16xi32>
        %add3A_105 = arith.addi %mul3A_99, %add3A_104 : vector<16xi32>
        %gather3A_106 = tpu.vector_load_idx %arg9[%add3A_105] : memref<768xi32, #tpu.memory_space<vmem>>[vector<16xi32>], vector<16xi32>,
        %mul3A_107 = arith.constant 3 : i32
        %mul3A_108 = vector.broadcast %mul3A_107 : i32 to vector<16xi32>
        %mul3A_109 = arith.muli %gather3A_106, %mul3A_108 : vector<16xi32>
        %add3A_110 = arith.constant 2 : i32
        %add3A_111 = vector.broadcast %add3A_110 : i32 to vector<16xi32>
        %add3A_112 = arith.addi %mul3A_99, %add3A_111 : vector<16xi32>
        %gather3A_113 = tpu.vector_load_idx %arg9[%add3A_112] : memref<768xi32, #tpu.memory_space<vmem>>[vector<16xi32>], vector<16xi32>,
        %mul3A_114 = arith.constant 3 : i32
        %mul3A_115 = vector.broadcast %mul3A_114 : i32 to vector<16xi32>
        %mul3A_116 = arith.muli %gather3A_113, %mul3A_115 : vector<16xi32>
        %gather3A_117 = tpu.vector_load_idx %arg8[%mul3A_102] : memref<600xf32, #tpu.memory_space<vmem>>[vector<16xi32>], vector<16xf32>,
        %add3A_118 = arith.constant 1 : i32
        %add3A_119 = vector.broadcast %add3A_118 : i32 to vector<16xi32>
        %add3A_120 = arith.addi %mul3A_102, %add3A_119 : vector<16xi32>
        %gather3A_121 = tpu.vector_load_idx %arg8[%add3A_120] : memref<600xf32, #tpu.memory_space<vmem>>[vector<16xi32>], vector<16xf32>,
        %add3A_122 = arith.constant 2 : i32
        %add3A_123 = vector.broadcast %add3A_122 : i32 to vector<16xi32>
        %add3A_124 = arith.addi %mul3A_102, %add3A_123 : vector<16xi32>
        %gather3A_125 = tpu.vector_load_idx %arg8[%add3A_124] : memref<600xf32, #tpu.memory_space<vmem>>[vector<16xi32>], vector<16xf32>,
        %gather3A_126 = tpu.vector_load_idx %arg8[%mul3A_109] : memref<600xf32, #tpu.memory_space<vmem>>[vector<16xi32>], vector<16xf32>,
        %add3A_127 = arith.constant 1 : i32
        %add3A_128 = vector.broadcast %add3A_127 : i32 to vector<16xi32>
        %add3A_129 = arith.addi %mul3A_109, %add3A_128 : vector<16xi32>
        %gather3A_130 = tpu.vector_load_idx %arg8[%add3A_129] : memref<600xf32, #tpu.memory_space<vmem>>[vector<16xi32>], vector<16xf32>,
        %add3A_131 = arith.constant 2 : i32
        %add3A_132 = vector.broadcast %add3A_131 : i32 to vector<16xi32>
        %add3A_133 = arith.addi %mul3A_109, %add3A_132 : vector<16xi32>
        %gather3A_134 = tpu.vector_load_idx %arg8[%add3A_133] : memref<600xf32, #tpu.memory_space<vmem>>[vector<16xi32>], vector<16xf32>,
        %gather3A_135 = tpu.vector_load_idx %arg8[%mul3A_116] : memref<600xf32, #tpu.memory_space<vmem>>[vector<16xi32>], vector<16xf32>,
        %add3A_136 = arith.constant 1 : i32
        %add3A_137 = vector.broadcast %add3A_136 : i32 to vector<16xi32>
        %add3A_138 = arith.addi %mul3A_116, %add3A_137 : vector<16xi32>
        %gather3A_139 = tpu.vector_load_idx %arg8[%add3A_138] : memref<600xf32, #tpu.memory_space<vmem>>[vector<16xi32>], vector<16xf32>,
        %add3A_140 = arith.constant 2 : i32
        %add3A_141 = vector.broadcast %add3A_140 : i32 to vector<16xi32>
        %add3A_142 = arith.addi %mul3A_116, %add3A_141 : vector<16xi32>
        %gather3A_143 = tpu.vector_load_idx %arg8[%add3A_142] : memref<600xf32, #tpu.memory_space<vmem>>[vector<16xi32>], vector<16xf32>,
        %gather3A_144 = tpu.vector_load_idx %arg11[%mul3A_99] : memref<768xi32, #tpu.memory_space<vmem>>[vector<16xi32>], vector<16xi32>,
        %mul3A_145 = arith.constant 2 : i32
        %mul3A_146 = vector.broadcast %mul3A_145 : i32 to vector<16xi32>
        %mul3A_147 = arith.muli %gather3A_144, %mul3A_146 : vector<16xi32>
        %add3A_148 = arith.constant 1 : i32
        %add3A_149 = vector.broadcast %add3A_148 : i32 to vector<16xi32>
        %add3A_150 = arith.addi %mul3A_99, %add3A_149 : vector<16xi32>
        %gather3A_151 = tpu.vector_load_idx %arg11[%add3A_150] : memref<768xi32, #tpu.memory_space<vmem>>[vector<16xi32>], vector<16xi32>,
        %mul3A_152 = arith.constant 2 : i32
        %mul3A_153 = vector.broadcast %mul3A_152 : i32 to vector<16xi32>
        %mul3A_154 = arith.muli %gather3A_151, %mul3A_153 : vector<16xi32>
        %add3A_155 = arith.constant 2 : i32
        %add3A_156 = vector.broadcast %add3A_155 : i32 to vector<16xi32>
        %add3A_157 = arith.addi %mul3A_99, %add3A_156 : vector<16xi32>
        %gather3A_158 = tpu.vector_load_idx %arg11[%add3A_157] : memref<768xi32, #tpu.memory_space<vmem>>[vector<16xi32>], vector<16xi32>,
        %mul3A_159 = arith.constant 2 : i32
        %mul3A_160 = vector.broadcast %mul3A_159 : i32 to vector<16xi32>
        %mul3A_161 = arith.muli %gather3A_158, %mul3A_160 : vector<16xi32>
        %gather3A_162 = tpu.vector_load_idx %arg10[%mul3A_147] : memref<600xf32, #tpu.memory_space<vmem>>[vector<16xi32>], vector<16xf32>,
        %mul3A_163 = arith.constant 2.000000e+00 : f32
        %mul3A_164 = vector.broadcast %mul3A_163 : f32 to vector<16xf32>
        %mul3A_165 = arith.mulf %gather3A_162, %mul3A_164 : vector<16xf32>
        %sub3A = arith.constant 1.000000e+00 : f32
        %sub3A_166 = vector.broadcast %sub3A : f32 to vector<16xf32>
        %sub3A_167 = arith.subf %mul3A_165, %sub3A_166 : vector<16xf32>
        %add3A_168 = arith.constant 1 : i32
        %add3A_169 = vector.broadcast %add3A_168 : i32 to vector<16xi32>
        %add3A_170 = arith.addi %mul3A_147, %add3A_169 : vector<16xi32>
        %gather3A_171 = tpu.vector_load_idx %arg10[%add3A_170] : memref<600xf32, #tpu.memory_space<vmem>>[vector<16xi32>], vector<16xf32>,
        %mul3A_172 = arith.constant 2.000000e+00 : f32
        %mul3A_173 = vector.broadcast %mul3A_172 : f32 to vector<16xf32>
        %mul3A_174 = arith.mulf %gather3A_171, %mul3A_173 : vector<16xf32>
        %sub3A_175 = arith.constant 1.000000e+00 : f32
        %sub3A_176 = vector.broadcast %sub3A_175 : f32 to vector<16xf32>
        %sub3A_177 = arith.subf %mul3A_174, %sub3A_176 : vector<16xf32>
        %gather3A_178 = tpu.vector_load_idx %arg10[%mul3A_154] : memref<600xf32, #tpu.memory_space<vmem>>[vector<16xi32>], vector<16xf32>,
        %mul3A_179 = arith.constant 2.000000e+00 : f32
        %mul3A_180 = vector.broadcast %mul3A_179 : f32 to vector<16xf32>
        %mul3A_181 = arith.mulf %gather3A_178, %mul3A_180 : vector<16xf32>
        %sub3A_182 = arith.constant 1.000000e+00 : f32
        %sub3A_183 = vector.broadcast %sub3A_182 : f32 to vector<16xf32>
        %sub3A_184 = arith.subf %mul3A_181, %sub3A_183 : vector<16xf32>
        %add3A_185 = arith.constant 1 : i32
        %add3A_186 = vector.broadcast %add3A_185 : i32 to vector<16xi32>
        %add3A_187 = arith.addi %mul3A_154, %add3A_186 : vector<16xi32>
        %gather3A_188 = tpu.vector_load_idx %arg10[%add3A_187] : memref<600xf32, #tpu.memory_space<vmem>>[vector<16xi32>], vector<16xf32>,
        %mul3A_189 = arith.constant 2.000000e+00 : f32
        %mul3A_190 = vector.broadcast %mul3A_189 : f32 to vector<16xf32>
        %mul3A_191 = arith.mulf %gather3A_188, %mul3A_190 : vector<16xf32>
        %sub3A_192 = arith.constant 1.000000e+00 : f32
        %sub3A_193 = vector.broadcast %sub3A_192 : f32 to vector<16xf32>
        %sub3A_194 = arith.subf %mul3A_191, %sub3A_193 : vector<16xf32>
        %gather3A_195 = tpu.vector_load_idx %arg10[%mul3A_161] : memref<600xf32, #tpu.memory_space<vmem>>[vector<16xi32>], vector<16xf32>,
        %mul3A_196 = arith.constant 2.000000e+00 : f32
        %mul3A_197 = vector.broadcast %mul3A_196 : f32 to vector<16xf32>
        %mul3A_198 = arith.mulf %gather3A_195, %mul3A_197 : vector<16xf32>
        %sub3A_199 = arith.constant 1.000000e+00 : f32
        %sub3A_200 = vector.broadcast %sub3A_199 : f32 to vector<16xf32>
        %sub3A_201 = arith.subf %mul3A_198, %sub3A_200 : vector<16xf32>
        %add3A_202 = arith.constant 1 : i32
        %add3A_203 = vector.broadcast %add3A_202 : i32 to vector<16xi32>
        %add3A_204 = arith.addi %mul3A_161, %add3A_203 : vector<16xi32>
        %gather3A_205 = tpu.vector_load_idx %arg10[%add3A_204] : memref<600xf32, #tpu.memory_space<vmem>>[vector<16xi32>], vector<16xf32>,
        %mul3A_206 = arith.constant 2.000000e+00 : f32
        %mul3A_207 = vector.broadcast %mul3A_206 : f32 to vector<16xf32>
        %mul3A_208 = arith.mulf %gather3A_205, %mul3A_207 : vector<16xf32>
        %sub3A_209 = arith.constant 1.000000e+00 : f32
        %sub3A_210 = vector.broadcast %sub3A_209 : f32 to vector<16xf32>
        %sub3A_211 = arith.subf %mul3A_208, %sub3A_210 : vector<16xf32>
        %sub3A_212 = arith.subf %gather3A_126, %gather3A_117 : vector<16xf32>
        %sub3A_213 = arith.subf %gather3A_139, %gather3A_121 : vector<16xf32>
        %mul3A_214 = arith.mulf %sub3A_212, %sub3A_213 : vector<16xf32>
        %sub3A_215 = arith.subf %gather3A_130, %gather3A_121 : vector<16xf32>
        %sub3A_216 = arith.subf %gather3A_135, %gather3A_117 : vector<16xf32>
        %mul3A_217 = arith.mulf %sub3A_215, %sub3A_216 : vector<16xf32>
        %sub3A_218 = arith.subf %mul3A_214, %mul3A_217 : vector<16xf32>
        %gt3A = arith.constant 0.000000e+00 : f32
        %gt3A_219 = vector.broadcast %gt3A : f32 to vector<16xf32>
        %gt3A_220 = arith.cmpf ogt, %sub3A_218, %gt3A_219 : vector<16xf32>
        %ge3A = arith.constant 9.99999971E-10 : f32
        %ge3A_221 = vector.broadcast %ge3A : f32 to vector<16xf32>
        %ge3A_222 = arith.cmpf oge, %sub3A_218, %ge3A_221 : vector<16xf32>
        %and3A = arith.andi %gt3A_220, %ge3A_222 : vector<16xi1>
        %abs3A = math.absf %sub3A_218 : vector<16xf32>
        %lt3A = arith.constant 9.99999996E-13 : f32
        %lt3A_223 = vector.broadcast %lt3A : f32 to vector<16xf32>
        %lt3A_224 = arith.cmpf olt, %abs3A, %lt3A_223 : vector<16xf32>
        %jit3A = arith.constant 1.000000e+00 : f32
        %broadcast_in_dim3A_225 = vector.broadcast %jit3A : f32 to vector<16xf32>
        %select_n3A = arith.select %lt3A_224, %broadcast_in_dim3A_225, %sub3A_218 : vector<16xi1>, vector<16xf32>
        %div3A = arith.constant 1.000000e+00 : f32
        %div3A_226 = vector.broadcast %div3A : f32 to vector<16xf32>
        %div3A_227 = arith.divf %div3A_226, %select_n3A : vector<16xf32>
        %min3A = arith.minimumf %gather3A_121, %gather3A_130 : vector<16xf32>
        %min3A_228 = arith.minimumf %min3A, %gather3A_139 : vector<16xf32>
        %max3A = arith.maximumf %gather3A_121, %gather3A_130 : vector<16xf32>
        %max3A_229 = arith.maximumf %max3A, %gather3A_139 : vector<16xf32>
        %sub3A_230 = arith.subf %gather3A_121, %gather3A_130 : vector<16xf32>
        %sub3A_231 = arith.subf %gather3A_117, %gather3A_126 : vector<16xf32>
        %sub3A_232 = arith.subf %gather3A_130, %gather3A_139 : vector<16xf32>
        %sub3A_233 = arith.subf %gather3A_126, %gather3A_135 : vector<16xf32>
        %sub3A_234 = arith.subf %gather3A_139, %gather3A_121 : vector<16xf32>
        %sub3A_235 = arith.subf %gather3A_135, %gather3A_117 : vector<16xf32>
        %convert_element_type3A_236 = arith.extui %and3A : vector<16xi1> to vector<16xi32>
        %broadcast_in_dim3A_237 = arith.constant true
        %broadcast_in_dim3A_238 = vector.broadcast %broadcast_in_dim3A_237 : i1 to vector<16xi1>
        %masked_cumsum3A = tpu.scan <sum>, %convert_element_type3A_236 masked %broadcast_in_dim3A_238 : vector<16xi32>, vector<16xi1> -> vector<16xi32>
        %add3A_239 = arith.addi %scan3A_92, %masked_cumsum3A : vector<16xi32>
        %sub3A_240 = arith.constant 1 : i32
        %sub3A_241 = vector.broadcast %sub3A_240 : i32 to vector<16xi32>
        %sub3A_242 = arith.subi %add3A_239, %sub3A_241 : vector<16xi32>
        %max3A_243 = arith.constant 0 : i32
        %max3A_244 = vector.broadcast %max3A_243 : i32 to vector<16xi32>
        %max3A_245 = arith.maxsi %sub3A_242, %max3A_244 : vector<16xi32>
        tpu.vector_store_idx %arg17[%max3A_245], %gather3A_126 masked %and3A : memref<272xf32, #tpu.memory_space<vmem>>[vector<16xi32>], vector<16xf32>, vector<16xi1>
        tpu.vector_store_idx %arg18[%max3A_245], %gather3A_130 masked %and3A : memref<272xf32, #tpu.memory_space<vmem>>[vector<16xi32>], vector<16xf32>, vector<16xi1>
        tpu.vector_store_idx %arg19[%max3A_245], %sub3A_230 masked %and3A : memref<272xf32, #tpu.memory_space<vmem>>[vector<16xi32>], vector<16xf32>, vector<16xi1>
        tpu.vector_store_idx %arg20[%max3A_245], %sub3A_231 masked %and3A : memref<272xf32, #tpu.memory_space<vmem>>[vector<16xi32>], vector<16xf32>, vector<16xi1>
        tpu.vector_store_idx %arg21[%max3A_245], %gather3A_135 masked %and3A : memref<272xf32, #tpu.memory_space<vmem>>[vector<16xi32>], vector<16xf32>, vector<16xi1>
        tpu.vector_store_idx %arg22[%max3A_245], %gather3A_139 masked %and3A : memref<272xf32, #tpu.memory_space<vmem>>[vector<16xi32>], vector<16xf32>, vector<16xi1>
        tpu.vector_store_idx %arg23[%max3A_245], %sub3A_232 masked %and3A : memref<272xf32, #tpu.memory_space<vmem>>[vector<16xi32>], vector<16xf32>, vector<16xi1>
        tpu.vector_store_idx %arg24[%max3A_245], %sub3A_233 masked %and3A : memref<272xf32, #tpu.memory_space<vmem>>[vector<16xi32>], vector<16xf32>, vector<16xi1>
        tpu.vector_store_idx %arg25[%max3A_245], %gather3A_117 masked %and3A : memref<272xf32, #tpu.memory_space<vmem>>[vector<16xi32>], vector<16xf32>, vector<16xi1>
        tpu.vector_store_idx %arg26[%max3A_245], %gather3A_121 masked %and3A : memref<272xf32, #tpu.memory_space<vmem>>[vector<16xi32>], vector<16xf32>, vector<16xi1>
        tpu.vector_store_idx %arg27[%max3A_245], %sub3A_234 masked %and3A : memref<272xf32, #tpu.memory_space<vmem>>[vector<16xi32>], vector<16xf32>, vector<16xi1>
        tpu.vector_store_idx %arg28[%max3A_245], %sub3A_235 masked %and3A : memref<272xf32, #tpu.memory_space<vmem>>[vector<16xi32>], vector<16xf32>, vector<16xi1>
        tpu.vector_store_idx %arg29[%max3A_245], %gather3A_125 masked %and3A : memref<272xf32, #tpu.memory_space<vmem>>[vector<16xi32>], vector<16xf32>, vector<16xi1>
        tpu.vector_store_idx %arg30[%max3A_245], %gather3A_134 masked %and3A : memref<272xf32, #tpu.memory_space<vmem>>[vector<16xi32>], vector<16xf32>, vector<16xi1>
        tpu.vector_store_idx %arg31[%max3A_245], %gather3A_143 masked %and3A : memref<272xf32, #tpu.memory_space<vmem>>[vector<16xi32>], vector<16xf32>, vector<16xi1>
        tpu.vector_store_idx %arg32[%max3A_245], %div3A_227 masked %and3A : memref<272xf32, #tpu.memory_space<vmem>>[vector<16xi32>], vector<16xf32>, vector<16xi1>
        tpu.vector_store_idx %arg33[%max3A_245], %min3A_228 masked %and3A : memref<272xf32, #tpu.memory_space<vmem>>[vector<16xi32>], vector<16xf32>, vector<16xi1>
        tpu.vector_store_idx %arg34[%max3A_245], %max3A_229 masked %and3A : memref<272xf32, #tpu.memory_space<vmem>>[vector<16xi32>], vector<16xf32>, vector<16xi1>
        tpu.vector_store_idx %arg35[%max3A_245], %sub3A_167 masked %and3A : memref<272xf32, #tpu.memory_space<vmem>>[vector<16xi32>], vector<16xf32>, vector<16xi1>
        tpu.vector_store_idx %arg36[%max3A_245], %sub3A_177 masked %and3A : memref<272xf32, #tpu.memory_space<vmem>>[vector<16xi32>], vector<16xf32>, vector<16xi1>
        tpu.vector_store_idx %arg37[%max3A_245], %sub3A_184 masked %and3A : memref<272xf32, #tpu.memory_space<vmem>>[vector<16xi32>], vector<16xf32>, vector<16xi1>
        tpu.vector_store_idx %arg38[%max3A_245], %sub3A_194 masked %and3A : memref<272xf32, #tpu.memory_space<vmem>>[vector<16xi32>], vector<16xf32>, vector<16xi1>
        tpu.vector_store_idx %arg39[%max3A_245], %sub3A_201 masked %and3A : memref<272xf32, #tpu.memory_space<vmem>>[vector<16xi32>], vector<16xf32>, vector<16xi1>
        tpu.vector_store_idx %arg40[%max3A_245], %sub3A_211 masked %and3A : memref<272xf32, #tpu.memory_space<vmem>>[vector<16xi32>], vector<16xf32>, vector<16xi1>
        %all_reduce_population_count3A = tpu.all_reduce %and3A {dim = 0 : i64, kind = #tpu.reduction_kind<sum>} : vector<16xi1> -> vector<16xi32>
        %add3A_246 = arith.addi %scan3A_92, %all_reduce_population_count3A : vector<16xi32>
        scf.yield %add3A_246 : vector<16xi32>
      }
      %scan3A_16 = arith.constant 16 : i32
      %reduce_min3A = arith.constant true
      %reduce_min3A_17 = vector.broadcast %reduce_min3A : i1 to vector<16xi1>
      %reduce_min3A_18 = tpu.scan <min>, %scan3A_7 masked %reduce_min3A_17 : vector<16xf32>, vector<16xi1> -> vector<16xf32>
      %reduce_min3A_19 = vector.extract %reduce_min3A_18[15] : f32 from vector<16xf32>
      %broadcast_in_dim3A_20 = vector.broadcast %reduce_min3A_19 : f32 to vector<16xf32>
      %swap3A = arith.constant 0 : index
      %swap3A_21 = tpu.vector_load %arg13[%swap3A] {strides = array<i32>} : memref<16xf32, #tpu.memory_space<vmem>>, vector<16xf32>,
      tpu.vector_store %arg13[%swap3A], %broadcast_in_dim3A_20 {strides = array<i32>} : memref<16xf32, #tpu.memory_space<vmem>>, vector<16xf32>,
      "tpu.region"() ({
        %run_scoped3A = tpu.sem_alloc : memref<!tpu.dma_semaphore, #tpu.memory_space<semaphore_mem>>
        %dma_start3A = arith.constant 0 : i32
        %dma_start3A_91 = tpu.memref_slice %arg17[%dma_start3A] : memref<272xf32, #tpu.memory_space<vmem>> -> memref<256xf32, #tpu.memory_space<vmem>>
        %dma_start3A_92 = arith.constant 0 : i32
        %dma_start3A_93 = tpu.memref_slice %arg7[%dma_start3A_92] : memref<10272xf32, #tpu.memory_space<hbm>> -> memref<256xf32, #tpu.memory_space<hbm>>
        %dma_start3A_94 = arith.constant 0 : i32
        %dma_start3A_95 = tpu.memref_slice %arg7[%dma_start3A_94] : memref<10272xf32, #tpu.memory_space<hbm>> -> memref<256xf32, #tpu.memory_space<hbm>>
        %dma_start3A_96 = arith.constant 0 : i32
        %dma_start3A_97 = tpu.memref_slice %arg17[%dma_start3A_96] : memref<272xf32, #tpu.memory_space<vmem>> -> memref<256xf32, #tpu.memory_space<vmem>>
        tpu.enqueue_dma source(%dma_start3A_97 : memref<256xf32, #tpu.memory_space<vmem>>) target(%dma_start3A_95 : memref<256xf32, #tpu.memory_space<hbm>>) target_semaphore(%run_scoped3A : memref<!tpu.dma_semaphore, #tpu.memory_space<semaphore_mem>>)
        %dma_wait3A = arith.constant 0 : i32
        %dma_wait3A_98 = tpu.memref_slice %arg17[%dma_wait3A] : memref<272xf32, #tpu.memory_space<vmem>> -> memref<256xf32, #tpu.memory_space<vmem>>
        %dma_wait3A_99 = arith.constant 0 : i32
        %dma_wait3A_100 = tpu.memref_slice %arg7[%dma_wait3A_99] : memref<10272xf32, #tpu.memory_space<hbm>> -> memref<256xf32, #tpu.memory_space<hbm>>
        %dma_wait3A_101 = arith.constant 0 : i32
        %dma_wait3A_102 = tpu.memref_slice %arg7[%dma_wait3A_101] : memref<10272xf32, #tpu.memory_space<hbm>> -> memref<256xf32, #tpu.memory_space<hbm>>
        %dma_wait3A_103 = arith.constant 0 : i32
        %dma_wait3A_104 = tpu.memref_slice %arg17[%dma_wait3A_103] : memref<272xf32, #tpu.memory_space<vmem>> -> memref<256xf32, #tpu.memory_space<vmem>>
        tpu.wait_dma2 semaphore(%run_scoped3A : memref<!tpu.dma_semaphore, #tpu.memory_space<semaphore_mem>>) src(%dma_wait3A_104 : memref<256xf32, #tpu.memory_space<vmem>>) dst(%dma_wait3A_102 : memref<256xf32, #tpu.memory_space<hbm>>)
        tpu.yield
      }) : () -> ()
      "tpu.region"() ({
        %run_scoped3A = tpu.sem_alloc : memref<!tpu.dma_semaphore, #tpu.memory_space<semaphore_mem>>
        %dma_start3A = arith.constant 0 : i32
        %dma_start3A_91 = tpu.memref_slice %arg18[%dma_start3A] : memref<272xf32, #tpu.memory_space<vmem>> -> memref<256xf32, #tpu.memory_space<vmem>>
        %dma_start3A_92 = arith.constant 256 : i32
        %dma_start3A_93 = tpu.memref_slice %arg7[%dma_start3A_92] : memref<10272xf32, #tpu.memory_space<hbm>> -> memref<256xf32, #tpu.memory_space<hbm>>
        %dma_start3A_94 = arith.constant 256 : i32
        %dma_start3A_95 = tpu.memref_slice %arg7[%dma_start3A_94] : memref<10272xf32, #tpu.memory_space<hbm>> -> memref<256xf32, #tpu.memory_space<hbm>>
        %dma_start3A_96 = arith.constant 0 : i32
        %dma_start3A_97 = tpu.memref_slice %arg18[%dma_start3A_96] : memref<272xf32, #tpu.memory_space<vmem>> -> memref<256xf32, #tpu.memory_space<vmem>>
        tpu.enqueue_dma source(%dma_start3A_97 : memref<256xf32, #tpu.memory_space<vmem>>) target(%dma_start3A_95 : memref<256xf32, #tpu.memory_space<hbm>>) target_semaphore(%run_scoped3A : memref<!tpu.dma_semaphore, #tpu.memory_space<semaphore_mem>>)
        %dma_wait3A = arith.constant 0 : i32
        %dma_wait3A_98 = tpu.memref_slice %arg18[%dma_wait3A] : memref<272xf32, #tpu.memory_space<vmem>> -> memref<256xf32, #tpu.memory_space<vmem>>
        %dma_wait3A_99 = arith.constant 256 : i32
        %dma_wait3A_100 = tpu.memref_slice %arg7[%dma_wait3A_99] : memref<10272xf32, #tpu.memory_space<hbm>> -> memref<256xf32, #tpu.memory_space<hbm>>
        %dma_wait3A_101 = arith.constant 256 : i32
        %dma_wait3A_102 = tpu.memref_slice %arg7[%dma_wait3A_101] : memref<10272xf32, #tpu.memory_space<hbm>> -> memref<256xf32, #tpu.memory_space<hbm>>
        %dma_wait3A_103 = arith.constant 0 : i32
        %dma_wait3A_104 = tpu.memref_slice %arg18[%dma_wait3A_103] : memref<272xf32, #tpu.memory_space<vmem>> -> memref<256xf32, #tpu.memory_space<vmem>>
        tpu.wait_dma2 semaphore(%run_scoped3A : memref<!tpu.dma_semaphore, #tpu.memory_space<semaphore_mem>>) src(%dma_wait3A_104 : memref<256xf32, #tpu.memory_space<vmem>>) dst(%dma_wait3A_102 : memref<256xf32, #tpu.memory_space<hbm>>)
        tpu.yield
      }) : () -> ()
      "tpu.region"() ({
        %run_scoped3A = tpu.sem_alloc : memref<!tpu.dma_semaphore, #tpu.memory_space<semaphore_mem>>
        %dma_start3A = arith.constant 0 : i32
        %dma_start3A_91 = tpu.memref_slice %arg19[%dma_start3A] : memref<272xf32, #tpu.memory_space<vmem>> -> memref<256xf32, #tpu.memory_space<vmem>>
        %dma_start3A_92 = arith.constant 512 : i32
        %dma_start3A_93 = tpu.memref_slice %arg7[%dma_start3A_92] : memref<10272xf32, #tpu.memory_space<hbm>> -> memref<256xf32, #tpu.memory_space<hbm>>
        %dma_start3A_94 = arith.constant 512 : i32
        %dma_start3A_95 = tpu.memref_slice %arg7[%dma_start3A_94] : memref<10272xf32, #tpu.memory_space<hbm>> -> memref<256xf32, #tpu.memory_space<hbm>>
        %dma_start3A_96 = arith.constant 0 : i32
        %dma_start3A_97 = tpu.memref_slice %arg19[%dma_start3A_96] : memref<272xf32, #tpu.memory_space<vmem>> -> memref<256xf32, #tpu.memory_space<vmem>>
        tpu.enqueue_dma source(%dma_start3A_97 : memref<256xf32, #tpu.memory_space<vmem>>) target(%dma_start3A_95 : memref<256xf32, #tpu.memory_space<hbm>>) target_semaphore(%run_scoped3A : memref<!tpu.dma_semaphore, #tpu.memory_space<semaphore_mem>>)
        %dma_wait3A = arith.constant 0 : i32
        %dma_wait3A_98 = tpu.memref_slice %arg19[%dma_wait3A] : memref<272xf32, #tpu.memory_space<vmem>> -> memref<256xf32, #tpu.memory_space<vmem>>
        %dma_wait3A_99 = arith.constant 512 : i32
        %dma_wait3A_100 = tpu.memref_slice %arg7[%dma_wait3A_99] : memref<10272xf32, #tpu.memory_space<hbm>> -> memref<256xf32, #tpu.memory_space<hbm>>
        %dma_wait3A_101 = arith.constant 512 : i32
        %dma_wait3A_102 = tpu.memref_slice %arg7[%dma_wait3A_101] : memref<10272xf32, #tpu.memory_space<hbm>> -> memref<256xf32, #tpu.memory_space<hbm>>
        %dma_wait3A_103 = arith.constant 0 : i32
        %dma_wait3A_104 = tpu.memref_slice %arg19[%dma_wait3A_103] : memref<272xf32, #tpu.memory_space<vmem>> -> memref<256xf32, #tpu.memory_space<vmem>>
        tpu.wait_dma2 semaphore(%run_scoped3A : memref<!tpu.dma_semaphore, #tpu.memory_space<semaphore_mem>>) src(%dma_wait3A_104 : memref<256xf32, #tpu.memory_space<vmem>>) dst(%dma_wait3A_102 : memref<256xf32, #tpu.memory_space<hbm>>)
        tpu.yield
      }) : () -> ()
      "tpu.region"() ({
        %run_scoped3A = tpu.sem_alloc : memref<!tpu.dma_semaphore, #tpu.memory_space<semaphore_mem>>
        %dma_start3A = arith.constant 0 : i32
        %dma_start3A_91 = tpu.memref_slice %arg20[%dma_start3A] : memref<272xf32, #tpu.memory_space<vmem>> -> memref<256xf32, #tpu.memory_space<vmem>>
        %dma_start3A_92 = arith.constant 768 : i32
        %dma_start3A_93 = tpu.memref_slice %arg7[%dma_start3A_92] : memref<10272xf32, #tpu.memory_space<hbm>> -> memref<256xf32, #tpu.memory_space<hbm>>
        %dma_start3A_94 = arith.constant 768 : i32
        %dma_start3A_95 = tpu.memref_slice %arg7[%dma_start3A_94] : memref<10272xf32, #tpu.memory_space<hbm>> -> memref<256xf32, #tpu.memory_space<hbm>>
        %dma_start3A_96 = arith.constant 0 : i32
        %dma_start3A_97 = tpu.memref_slice %arg20[%dma_start3A_96] : memref<272xf32, #tpu.memory_space<vmem>> -> memref<256xf32, #tpu.memory_space<vmem>>
        tpu.enqueue_dma source(%dma_start3A_97 : memref<256xf32, #tpu.memory_space<vmem>>) target(%dma_start3A_95 : memref<256xf32, #tpu.memory_space<hbm>>) target_semaphore(%run_scoped3A : memref<!tpu.dma_semaphore, #tpu.memory_space<semaphore_mem>>)
        %dma_wait3A = arith.constant 0 : i32
        %dma_wait3A_98 = tpu.memref_slice %arg20[%dma_wait3A] : memref<272xf32, #tpu.memory_space<vmem>> -> memref<256xf32, #tpu.memory_space<vmem>>
        %dma_wait3A_99 = arith.constant 768 : i32
        %dma_wait3A_100 = tpu.memref_slice %arg7[%dma_wait3A_99] : memref<10272xf32, #tpu.memory_space<hbm>> -> memref<256xf32, #tpu.memory_space<hbm>>
        %dma_wait3A_101 = arith.constant 768 : i32
        %dma_wait3A_102 = tpu.memref_slice %arg7[%dma_wait3A_101] : memref<10272xf32, #tpu.memory_space<hbm>> -> memref<256xf32, #tpu.memory_space<hbm>>
        %dma_wait3A_103 = arith.constant 0 : i32
        %dma_wait3A_104 = tpu.memref_slice %arg20[%dma_wait3A_103] : memref<272xf32, #tpu.memory_space<vmem>> -> memref<256xf32, #tpu.memory_space<vmem>>
        tpu.wait_dma2 semaphore(%run_scoped3A : memref<!tpu.dma_semaphore, #tpu.memory_space<semaphore_mem>>) src(%dma_wait3A_104 : memref<256xf32, #tpu.memory_space<vmem>>) dst(%dma_wait3A_102 : memref<256xf32, #tpu.memory_space<hbm>>)
        tpu.yield
      }) : () -> ()
      "tpu.region"() ({
        %run_scoped3A = tpu.sem_alloc : memref<!tpu.dma_semaphore, #tpu.memory_space<semaphore_mem>>
        %dma_start3A = arith.constant 0 : i32
        %dma_start3A_91 = tpu.memref_slice %arg21[%dma_start3A] : memref<272xf32, #tpu.memory_space<vmem>> -> memref<256xf32, #tpu.memory_space<vmem>>
        %dma_start3A_92 = arith.constant 1024 : i32
        %dma_start3A_93 = tpu.memref_slice %arg7[%dma_start3A_92] : memref<10272xf32, #tpu.memory_space<hbm>> -> memref<256xf32, #tpu.memory_space<hbm>>
        %dma_start3A_94 = arith.constant 1024 : i32
        %dma_start3A_95 = tpu.memref_slice %arg7[%dma_start3A_94] : memref<10272xf32, #tpu.memory_space<hbm>> -> memref<256xf32, #tpu.memory_space<hbm>>
        %dma_start3A_96 = arith.constant 0 : i32
        %dma_start3A_97 = tpu.memref_slice %arg21[%dma_start3A_96] : memref<272xf32, #tpu.memory_space<vmem>> -> memref<256xf32, #tpu.memory_space<vmem>>
        tpu.enqueue_dma source(%dma_start3A_97 : memref<256xf32, #tpu.memory_space<vmem>>) target(%dma_start3A_95 : memref<256xf32, #tpu.memory_space<hbm>>) target_semaphore(%run_scoped3A : memref<!tpu.dma_semaphore, #tpu.memory_space<semaphore_mem>>)
        %dma_wait3A = arith.constant 0 : i32
        %dma_wait3A_98 = tpu.memref_slice %arg21[%dma_wait3A] : memref<272xf32, #tpu.memory_space<vmem>> -> memref<256xf32, #tpu.memory_space<vmem>>
        %dma_wait3A_99 = arith.constant 1024 : i32
        %dma_wait3A_100 = tpu.memref_slice %arg7[%dma_wait3A_99] : memref<10272xf32, #tpu.memory_space<hbm>> -> memref<256xf32, #tpu.memory_space<hbm>>
        %dma_wait3A_101 = arith.constant 1024 : i32
        %dma_wait3A_102 = tpu.memref_slice %arg7[%dma_wait3A_101] : memref<10272xf32, #tpu.memory_space<hbm>> -> memref<256xf32, #tpu.memory_space<hbm>>
        %dma_wait3A_103 = arith.constant 0 : i32
        %dma_wait3A_104 = tpu.memref_slice %arg21[%dma_wait3A_103] : memref<272xf32, #tpu.memory_space<vmem>> -> memref<256xf32, #tpu.memory_space<vmem>>
        tpu.wait_dma2 semaphore(%run_scoped3A : memref<!tpu.dma_semaphore, #tpu.memory_space<semaphore_mem>>) src(%dma_wait3A_104 : memref<256xf32, #tpu.memory_space<vmem>>) dst(%dma_wait3A_102 : memref<256xf32, #tpu.memory_space<hbm>>)
        tpu.yield
      }) : () -> ()
      "tpu.region"() ({
        %run_scoped3A = tpu.sem_alloc : memref<!tpu.dma_semaphore, #tpu.memory_space<semaphore_mem>>
        %dma_start3A = arith.constant 0 : i32
        %dma_start3A_91 = tpu.memref_slice %arg22[%dma_start3A] : memref<272xf32, #tpu.memory_space<vmem>> -> memref<256xf32, #tpu.memory_space<vmem>>
        %dma_start3A_92 = arith.constant 1280 : i32
        %dma_start3A_93 = tpu.memref_slice %arg7[%dma_start3A_92] : memref<10272xf32, #tpu.memory_space<hbm>> -> memref<256xf32, #tpu.memory_space<hbm>>
        %dma_start3A_94 = arith.constant 1280 : i32
        %dma_start3A_95 = tpu.memref_slice %arg7[%dma_start3A_94] : memref<10272xf32, #tpu.memory_space<hbm>> -> memref<256xf32, #tpu.memory_space<hbm>>
        %dma_start3A_96 = arith.constant 0 : i32
        %dma_start3A_97 = tpu.memref_slice %arg22[%dma_start3A_96] : memref<272xf32, #tpu.memory_space<vmem>> -> memref<256xf32, #tpu.memory_space<vmem>>
        tpu.enqueue_dma source(%dma_start3A_97 : memref<256xf32, #tpu.memory_space<vmem>>) target(%dma_start3A_95 : memref<256xf32, #tpu.memory_space<hbm>>) target_semaphore(%run_scoped3A : memref<!tpu.dma_semaphore, #tpu.memory_space<semaphore_mem>>)
        %dma_wait3A = arith.constant 0 : i32
        %dma_wait3A_98 = tpu.memref_slice %arg22[%dma_wait3A] : memref<272xf32, #tpu.memory_space<vmem>> -> memref<256xf32, #tpu.memory_space<vmem>>
        %dma_wait3A_99 = arith.constant 1280 : i32
        %dma_wait3A_100 = tpu.memref_slice %arg7[%dma_wait3A_99] : memref<10272xf32, #tpu.memory_space<hbm>> -> memref<256xf32, #tpu.memory_space<hbm>>
        %dma_wait3A_101 = arith.constant 1280 : i32
        %dma_wait3A_102 = tpu.memref_slice %arg7[%dma_wait3A_101] : memref<10272xf32, #tpu.memory_space<hbm>> -> memref<256xf32, #tpu.memory_space<hbm>>
        %dma_wait3A_103 = arith.constant 0 : i32
        %dma_wait3A_104 = tpu.memref_slice %arg22[%dma_wait3A_103] : memref<272xf32, #tpu.memory_space<vmem>> -> memref<256xf32, #tpu.memory_space<vmem>>
        tpu.wait_dma2 semaphore(%run_scoped3A : memref<!tpu.dma_semaphore, #tpu.memory_space<semaphore_mem>>) src(%dma_wait3A_104 : memref<256xf32, #tpu.memory_space<vmem>>) dst(%dma_wait3A_102 : memref<256xf32, #tpu.memory_space<hbm>>)
        tpu.yield
      }) : () -> ()
      "tpu.region"() ({
        %run_scoped3A = tpu.sem_alloc : memref<!tpu.dma_semaphore, #tpu.memory_space<semaphore_mem>>
        %dma_start3A = arith.constant 0 : i32
        %dma_start3A_91 = tpu.memref_slice %arg23[%dma_start3A] : memref<272xf32, #tpu.memory_space<vmem>> -> memref<256xf32, #tpu.memory_space<vmem>>
        %dma_start3A_92 = arith.constant 1536 : i32
        %dma_start3A_93 = tpu.memref_slice %arg7[%dma_start3A_92] : memref<10272xf32, #tpu.memory_space<hbm>> -> memref<256xf32, #tpu.memory_space<hbm>>
        %dma_start3A_94 = arith.constant 1536 : i32
        %dma_start3A_95 = tpu.memref_slice %arg7[%dma_start3A_94] : memref<10272xf32, #tpu.memory_space<hbm>> -> memref<256xf32, #tpu.memory_space<hbm>>
        %dma_start3A_96 = arith.constant 0 : i32
        %dma_start3A_97 = tpu.memref_slice %arg23[%dma_start3A_96] : memref<272xf32, #tpu.memory_space<vmem>> -> memref<256xf32, #tpu.memory_space<vmem>>
        tpu.enqueue_dma source(%dma_start3A_97 : memref<256xf32, #tpu.memory_space<vmem>>) target(%dma_start3A_95 : memref<256xf32, #tpu.memory_space<hbm>>) target_semaphore(%run_scoped3A : memref<!tpu.dma_semaphore, #tpu.memory_space<semaphore_mem>>)
        %dma_wait3A = arith.constant 0 : i32
        %dma_wait3A_98 = tpu.memref_slice %arg23[%dma_wait3A] : memref<272xf32, #tpu.memory_space<vmem>> -> memref<256xf32, #tpu.memory_space<vmem>>
        %dma_wait3A_99 = arith.constant 1536 : i32
        %dma_wait3A_100 = tpu.memref_slice %arg7[%dma_wait3A_99] : memref<10272xf32, #tpu.memory_space<hbm>> -> memref<256xf32, #tpu.memory_space<hbm>>
        %dma_wait3A_101 = arith.constant 1536 : i32
        %dma_wait3A_102 = tpu.memref_slice %arg7[%dma_wait3A_101] : memref<10272xf32, #tpu.memory_space<hbm>> -> memref<256xf32, #tpu.memory_space<hbm>>
        %dma_wait3A_103 = arith.constant 0 : i32
        %dma_wait3A_104 = tpu.memref_slice %arg23[%dma_wait3A_103] : memref<272xf32, #tpu.memory_space<vmem>> -> memref<256xf32, #tpu.memory_space<vmem>>
        tpu.wait_dma2 semaphore(%run_scoped3A : memref<!tpu.dma_semaphore, #tpu.memory_space<semaphore_mem>>) src(%dma_wait3A_104 : memref<256xf32, #tpu.memory_space<vmem>>) dst(%dma_wait3A_102 : memref<256xf32, #tpu.memory_space<hbm>>)
        tpu.yield
      }) : () -> ()
      "tpu.region"() ({
        %run_scoped3A = tpu.sem_alloc : memref<!tpu.dma_semaphore, #tpu.memory_space<semaphore_mem>>
        %dma_start3A = arith.constant 0 : i32
        %dma_start3A_91 = tpu.memref_slice %arg24[%dma_start3A] : memref<272xf32, #tpu.memory_space<vmem>> -> memref<256xf32, #tpu.memory_space<vmem>>
        %dma_start3A_92 = arith.constant 1792 : i32
        %dma_start3A_93 = tpu.memref_slice %arg7[%dma_start3A_92] : memref<10272xf32, #tpu.memory_space<hbm>> -> memref<256xf32, #tpu.memory_space<hbm>>
        %dma_start3A_94 = arith.constant 1792 : i32
        %dma_start3A_95 = tpu.memref_slice %arg7[%dma_start3A_94] : memref<10272xf32, #tpu.memory_space<hbm>> -> memref<256xf32, #tpu.memory_space<hbm>>
        %dma_start3A_96 = arith.constant 0 : i32
        %dma_start3A_97 = tpu.memref_slice %arg24[%dma_start3A_96] : memref<272xf32, #tpu.memory_space<vmem>> -> memref<256xf32, #tpu.memory_space<vmem>>
        tpu.enqueue_dma source(%dma_start3A_97 : memref<256xf32, #tpu.memory_space<vmem>>) target(%dma_start3A_95 : memref<256xf32, #tpu.memory_space<hbm>>) target_semaphore(%run_scoped3A : memref<!tpu.dma_semaphore, #tpu.memory_space<semaphore_mem>>)
        %dma_wait3A = arith.constant 0 : i32
        %dma_wait3A_98 = tpu.memref_slice %arg24[%dma_wait3A] : memref<272xf32, #tpu.memory_space<vmem>> -> memref<256xf32, #tpu.memory_space<vmem>>
        %dma_wait3A_99 = arith.constant 1792 : i32
        %dma_wait3A_100 = tpu.memref_slice %arg7[%dma_wait3A_99] : memref<10272xf32, #tpu.memory_space<hbm>> -> memref<256xf32, #tpu.memory_space<hbm>>
        %dma_wait3A_101 = arith.constant 1792 : i32
        %dma_wait3A_102 = tpu.memref_slice %arg7[%dma_wait3A_101] : memref<10272xf32, #tpu.memory_space<hbm>> -> memref<256xf32, #tpu.memory_space<hbm>>
        %dma_wait3A_103 = arith.constant 0 : i32
        %dma_wait3A_104 = tpu.memref_slice %arg24[%dma_wait3A_103] : memref<272xf32, #tpu.memory_space<vmem>> -> memref<256xf32, #tpu.memory_space<vmem>>
        tpu.wait_dma2 semaphore(%run_scoped3A : memref<!tpu.dma_semaphore, #tpu.memory_space<semaphore_mem>>) src(%dma_wait3A_104 : memref<256xf32, #tpu.memory_space<vmem>>) dst(%dma_wait3A_102 : memref<256xf32, #tpu.memory_space<hbm>>)
        tpu.yield
      }) : () -> ()
      "tpu.region"() ({
        %run_scoped3A = tpu.sem_alloc : memref<!tpu.dma_semaphore, #tpu.memory_space<semaphore_mem>>
        %dma_start3A = arith.constant 0 : i32
        %dma_start3A_91 = tpu.memref_slice %arg25[%dma_start3A] : memref<272xf32, #tpu.memory_space<vmem>> -> memref<256xf32, #tpu.memory_space<vmem>>
        %dma_start3A_92 = arith.constant 2048 : i32
        %dma_start3A_93 = tpu.memref_slice %arg7[%dma_start3A_92] : memref<10272xf32, #tpu.memory_space<hbm>> -> memref<256xf32, #tpu.memory_space<hbm>>
        %dma_start3A_94 = arith.constant 2048 : i32
        %dma_start3A_95 = tpu.memref_slice %arg7[%dma_start3A_94] : memref<10272xf32, #tpu.memory_space<hbm>> -> memref<256xf32, #tpu.memory_space<hbm>>
        %dma_start3A_96 = arith.constant 0 : i32
        %dma_start3A_97 = tpu.memref_slice %arg25[%dma_start3A_96] : memref<272xf32, #tpu.memory_space<vmem>> -> memref<256xf32, #tpu.memory_space<vmem>>
        tpu.enqueue_dma source(%dma_start3A_97 : memref<256xf32, #tpu.memory_space<vmem>>) target(%dma_start3A_95 : memref<256xf32, #tpu.memory_space<hbm>>) target_semaphore(%run_scoped3A : memref<!tpu.dma_semaphore, #tpu.memory_space<semaphore_mem>>)
        %dma_wait3A = arith.constant 0 : i32
        %dma_wait3A_98 = tpu.memref_slice %arg25[%dma_wait3A] : memref<272xf32, #tpu.memory_space<vmem>> -> memref<256xf32, #tpu.memory_space<vmem>>
        %dma_wait3A_99 = arith.constant 2048 : i32
        %dma_wait3A_100 = tpu.memref_slice %arg7[%dma_wait3A_99] : memref<10272xf32, #tpu.memory_space<hbm>> -> memref<256xf32, #tpu.memory_space<hbm>>
        %dma_wait3A_101 = arith.constant 2048 : i32
        %dma_wait3A_102 = tpu.memref_slice %arg7[%dma_wait3A_101] : memref<10272xf32, #tpu.memory_space<hbm>> -> memref<256xf32, #tpu.memory_space<hbm>>
        %dma_wait3A_103 = arith.constant 0 : i32
        %dma_wait3A_104 = tpu.memref_slice %arg25[%dma_wait3A_103] : memref<272xf32, #tpu.memory_space<vmem>> -> memref<256xf32, #tpu.memory_space<vmem>>
        tpu.wait_dma2 semaphore(%run_scoped3A : memref<!tpu.dma_semaphore, #tpu.memory_space<semaphore_mem>>) src(%dma_wait3A_104 : memref<256xf32, #tpu.memory_space<vmem>>) dst(%dma_wait3A_102 : memref<256xf32, #tpu.memory_space<hbm>>)
        tpu.yield
      }) : () -> ()
      "tpu.region"() ({
        %run_scoped3A = tpu.sem_alloc : memref<!tpu.dma_semaphore, #tpu.memory_space<semaphore_mem>>
        %dma_start3A = arith.constant 0 : i32
        %dma_start3A_91 = tpu.memref_slice %arg26[%dma_start3A] : memref<272xf32, #tpu.memory_space<vmem>> -> memref<256xf32, #tpu.memory_space<vmem>>
        %dma_start3A_92 = arith.constant 2304 : i32
        %dma_start3A_93 = tpu.memref_slice %arg7[%dma_start3A_92] : memref<10272xf32, #tpu.memory_space<hbm>> -> memref<256xf32, #tpu.memory_space<hbm>>
        %dma_start3A_94 = arith.constant 2304 : i32
        %dma_start3A_95 = tpu.memref_slice %arg7[%dma_start3A_94] : memref<10272xf32, #tpu.memory_space<hbm>> -> memref<256xf32, #tpu.memory_space<hbm>>
        %dma_start3A_96 = arith.constant 0 : i32
        %dma_start3A_97 = tpu.memref_slice %arg26[%dma_start3A_96] : memref<272xf32, #tpu.memory_space<vmem>> -> memref<256xf32, #tpu.memory_space<vmem>>
        tpu.enqueue_dma source(%dma_start3A_97 : memref<256xf32, #tpu.memory_space<vmem>>) target(%dma_start3A_95 : memref<256xf32, #tpu.memory_space<hbm>>) target_semaphore(%run_scoped3A : memref<!tpu.dma_semaphore, #tpu.memory_space<semaphore_mem>>)
        %dma_wait3A = arith.constant 0 : i32
        %dma_wait3A_98 = tpu.memref_slice %arg26[%dma_wait3A] : memref<272xf32, #tpu.memory_space<vmem>> -> memref<256xf32, #tpu.memory_space<vmem>>
        %dma_wait3A_99 = arith.constant 2304 : i32
        %dma_wait3A_100 = tpu.memref_slice %arg7[%dma_wait3A_99] : memref<10272xf32, #tpu.memory_space<hbm>> -> memref<256xf32, #tpu.memory_space<hbm>>
        %dma_wait3A_101 = arith.constant 2304 : i32
        %dma_wait3A_102 = tpu.memref_slice %arg7[%dma_wait3A_101] : memref<10272xf32, #tpu.memory_space<hbm>> -> memref<256xf32, #tpu.memory_space<hbm>>
        %dma_wait3A_103 = arith.constant 0 : i32
        %dma_wait3A_104 = tpu.memref_slice %arg26[%dma_wait3A_103] : memref<272xf32, #tpu.memory_space<vmem>> -> memref<256xf32, #tpu.memory_space<vmem>>
        tpu.wait_dma2 semaphore(%run_scoped3A : memref<!tpu.dma_semaphore, #tpu.memory_space<semaphore_mem>>) src(%dma_wait3A_104 : memref<256xf32, #tpu.memory_space<vmem>>) dst(%dma_wait3A_102 : memref<256xf32, #tpu.memory_space<hbm>>)
        tpu.yield
      }) : () -> ()
      "tpu.region"() ({
        %run_scoped3A = tpu.sem_alloc : memref<!tpu.dma_semaphore, #tpu.memory_space<semaphore_mem>>
        %dma_start3A = arith.constant 0 : i32
        %dma_start3A_91 = tpu.memref_slice %arg27[%dma_start3A] : memref<272xf32, #tpu.memory_space<vmem>> -> memref<256xf32, #tpu.memory_space<vmem>>
        %dma_start3A_92 = arith.constant 2560 : i32
        %dma_start3A_93 = tpu.memref_slice %arg7[%dma_start3A_92] : memref<10272xf32, #tpu.memory_space<hbm>> -> memref<256xf32, #tpu.memory_space<hbm>>
        %dma_start3A_94 = arith.constant 2560 : i32
        %dma_start3A_95 = tpu.memref_slice %arg7[%dma_start3A_94] : memref<10272xf32, #tpu.memory_space<hbm>> -> memref<256xf32, #tpu.memory_space<hbm>>
        %dma_start3A_96 = arith.constant 0 : i32
        %dma_start3A_97 = tpu.memref_slice %arg27[%dma_start3A_96] : memref<272xf32, #tpu.memory_space<vmem>> -> memref<256xf32, #tpu.memory_space<vmem>>
        tpu.enqueue_dma source(%dma_start3A_97 : memref<256xf32, #tpu.memory_space<vmem>>) target(%dma_start3A_95 : memref<256xf32, #tpu.memory_space<hbm>>) target_semaphore(%run_scoped3A : memref<!tpu.dma_semaphore, #tpu.memory_space<semaphore_mem>>)
        %dma_wait3A = arith.constant 0 : i32
        %dma_wait3A_98 = tpu.memref_slice %arg27[%dma_wait3A] : memref<272xf32, #tpu.memory_space<vmem>> -> memref<256xf32, #tpu.memory_space<vmem>>
        %dma_wait3A_99 = arith.constant 2560 : i32
        %dma_wait3A_100 = tpu.memref_slice %arg7[%dma_wait3A_99] : memref<10272xf32, #tpu.memory_space<hbm>> -> memref<256xf32, #tpu.memory_space<hbm>>
        %dma_wait3A_101 = arith.constant 2560 : i32
        %dma_wait3A_102 = tpu.memref_slice %arg7[%dma_wait3A_101] : memref<10272xf32, #tpu.memory_space<hbm>> -> memref<256xf32, #tpu.memory_space<hbm>>
        %dma_wait3A_103 = arith.constant 0 : i32
        %dma_wait3A_104 = tpu.memref_slice %arg27[%dma_wait3A_103] : memref<272xf32, #tpu.memory_space<vmem>> -> memref<256xf32, #tpu.memory_space<vmem>>
        tpu.wait_dma2 semaphore(%run_scoped3A : memref<!tpu.dma_semaphore, #tpu.memory_space<semaphore_mem>>) src(%dma_wait3A_104 : memref<256xf32, #tpu.memory_space<vmem>>) dst(%dma_wait3A_102 : memref<256xf32, #tpu.memory_space<hbm>>)
        tpu.yield
      }) : () -> ()
      "tpu.region"() ({
        %run_scoped3A = tpu.sem_alloc : memref<!tpu.dma_semaphore, #tpu.memory_space<semaphore_mem>>
        %dma_start3A = arith.constant 0 : i32
        %dma_start3A_91 = tpu.memref_slice %arg28[%dma_start3A] : memref<272xf32, #tpu.memory_space<vmem>> -> memref<256xf32, #tpu.memory_space<vmem>>
        %dma_start3A_92 = arith.constant 2816 : i32
        %dma_start3A_93 = tpu.memref_slice %arg7[%dma_start3A_92] : memref<10272xf32, #tpu.memory_space<hbm>> -> memref<256xf32, #tpu.memory_space<hbm>>
        %dma_start3A_94 = arith.constant 2816 : i32
        %dma_start3A_95 = tpu.memref_slice %arg7[%dma_start3A_94] : memref<10272xf32, #tpu.memory_space<hbm>> -> memref<256xf32, #tpu.memory_space<hbm>>
        %dma_start3A_96 = arith.constant 0 : i32
        %dma_start3A_97 = tpu.memref_slice %arg28[%dma_start3A_96] : memref<272xf32, #tpu.memory_space<vmem>> -> memref<256xf32, #tpu.memory_space<vmem>>
        tpu.enqueue_dma source(%dma_start3A_97 : memref<256xf32, #tpu.memory_space<vmem>>) target(%dma_start3A_95 : memref<256xf32, #tpu.memory_space<hbm>>) target_semaphore(%run_scoped3A : memref<!tpu.dma_semaphore, #tpu.memory_space<semaphore_mem>>)
        %dma_wait3A = arith.constant 0 : i32
        %dma_wait3A_98 = tpu.memref_slice %arg28[%dma_wait3A] : memref<272xf32, #tpu.memory_space<vmem>> -> memref<256xf32, #tpu.memory_space<vmem>>
        %dma_wait3A_99 = arith.constant 2816 : i32
        %dma_wait3A_100 = tpu.memref_slice %arg7[%dma_wait3A_99] : memref<10272xf32, #tpu.memory_space<hbm>> -> memref<256xf32, #tpu.memory_space<hbm>>
        %dma_wait3A_101 = arith.constant 2816 : i32
        %dma_wait3A_102 = tpu.memref_slice %arg7[%dma_wait3A_101] : memref<10272xf32, #tpu.memory_space<hbm>> -> memref<256xf32, #tpu.memory_space<hbm>>
        %dma_wait3A_103 = arith.constant 0 : i32
        %dma_wait3A_104 = tpu.memref_slice %arg28[%dma_wait3A_103] : memref<272xf32, #tpu.memory_space<vmem>> -> memref<256xf32, #tpu.memory_space<vmem>>
        tpu.wait_dma2 semaphore(%run_scoped3A : memref<!tpu.dma_semaphore, #tpu.memory_space<semaphore_mem>>) src(%dma_wait3A_104 : memref<256xf32, #tpu.memory_space<vmem>>) dst(%dma_wait3A_102 : memref<256xf32, #tpu.memory_space<hbm>>)
        tpu.yield
      }) : () -> ()
      "tpu.region"() ({
        %run_scoped3A = tpu.sem_alloc : memref<!tpu.dma_semaphore, #tpu.memory_space<semaphore_mem>>
        %dma_start3A = arith.constant 0 : i32
        %dma_start3A_91 = tpu.memref_slice %arg29[%dma_start3A] : memref<272xf32, #tpu.memory_space<vmem>> -> memref<256xf32, #tpu.memory_space<vmem>>
        %dma_start3A_92 = arith.constant 3072 : i32
        %dma_start3A_93 = tpu.memref_slice %arg7[%dma_start3A_92] : memref<10272xf32, #tpu.memory_space<hbm>> -> memref<256xf32, #tpu.memory_space<hbm>>
        %dma_start3A_94 = arith.constant 3072 : i32
        %dma_start3A_95 = tpu.memref_slice %arg7[%dma_start3A_94] : memref<10272xf32, #tpu.memory_space<hbm>> -> memref<256xf32, #tpu.memory_space<hbm>>
        %dma_start3A_96 = arith.constant 0 : i32
        %dma_start3A_97 = tpu.memref_slice %arg29[%dma_start3A_96] : memref<272xf32, #tpu.memory_space<vmem>> -> memref<256xf32, #tpu.memory_space<vmem>>
        tpu.enqueue_dma source(%dma_start3A_97 : memref<256xf32, #tpu.memory_space<vmem>>) target(%dma_start3A_95 : memref<256xf32, #tpu.memory_space<hbm>>) target_semaphore(%run_scoped3A : memref<!tpu.dma_semaphore, #tpu.memory_space<semaphore_mem>>)
        %dma_wait3A = arith.constant 0 : i32
        %dma_wait3A_98 = tpu.memref_slice %arg29[%dma_wait3A] : memref<272xf32, #tpu.memory_space<vmem>> -> memref<256xf32, #tpu.memory_space<vmem>>
        %dma_wait3A_99 = arith.constant 3072 : i32
        %dma_wait3A_100 = tpu.memref_slice %arg7[%dma_wait3A_99] : memref<10272xf32, #tpu.memory_space<hbm>> -> memref<256xf32, #tpu.memory_space<hbm>>
        %dma_wait3A_101 = arith.constant 3072 : i32
        %dma_wait3A_102 = tpu.memref_slice %arg7[%dma_wait3A_101] : memref<10272xf32, #tpu.memory_space<hbm>> -> memref<256xf32, #tpu.memory_space<hbm>>
        %dma_wait3A_103 = arith.constant 0 : i32
        %dma_wait3A_104 = tpu.memref_slice %arg29[%dma_wait3A_103] : memref<272xf32, #tpu.memory_space<vmem>> -> memref<256xf32, #tpu.memory_space<vmem>>
        tpu.wait_dma2 semaphore(%run_scoped3A : memref<!tpu.dma_semaphore, #tpu.memory_space<semaphore_mem>>) src(%dma_wait3A_104 : memref<256xf32, #tpu.memory_space<vmem>>) dst(%dma_wait3A_102 : memref<256xf32, #tpu.memory_space<hbm>>)
        tpu.yield
      }) : () -> ()
      "tpu.region"() ({
        %run_scoped3A = tpu.sem_alloc : memref<!tpu.dma_semaphore, #tpu.memory_space<semaphore_mem>>
        %dma_start3A = arith.constant 0 : i32
        %dma_start3A_91 = tpu.memref_slice %arg30[%dma_start3A] : memref<272xf32, #tpu.memory_space<vmem>> -> memref<256xf32, #tpu.memory_space<vmem>>
        %dma_start3A_92 = arith.constant 3328 : i32
        %dma_start3A_93 = tpu.memref_slice %arg7[%dma_start3A_92] : memref<10272xf32, #tpu.memory_space<hbm>> -> memref<256xf32, #tpu.memory_space<hbm>>
        %dma_start3A_94 = arith.constant 3328 : i32
        %dma_start3A_95 = tpu.memref_slice %arg7[%dma_start3A_94] : memref<10272xf32, #tpu.memory_space<hbm>> -> memref<256xf32, #tpu.memory_space<hbm>>
        %dma_start3A_96 = arith.constant 0 : i32
        %dma_start3A_97 = tpu.memref_slice %arg30[%dma_start3A_96] : memref<272xf32, #tpu.memory_space<vmem>> -> memref<256xf32, #tpu.memory_space<vmem>>
        tpu.enqueue_dma source(%dma_start3A_97 : memref<256xf32, #tpu.memory_space<vmem>>) target(%dma_start3A_95 : memref<256xf32, #tpu.memory_space<hbm>>) target_semaphore(%run_scoped3A : memref<!tpu.dma_semaphore, #tpu.memory_space<semaphore_mem>>)
        %dma_wait3A = arith.constant 0 : i32
        %dma_wait3A_98 = tpu.memref_slice %arg30[%dma_wait3A] : memref<272xf32, #tpu.memory_space<vmem>> -> memref<256xf32, #tpu.memory_space<vmem>>
        %dma_wait3A_99 = arith.constant 3328 : i32
        %dma_wait3A_100 = tpu.memref_slice %arg7[%dma_wait3A_99] : memref<10272xf32, #tpu.memory_space<hbm>> -> memref<256xf32, #tpu.memory_space<hbm>>
        %dma_wait3A_101 = arith.constant 3328 : i32
        %dma_wait3A_102 = tpu.memref_slice %arg7[%dma_wait3A_101] : memref<10272xf32, #tpu.memory_space<hbm>> -> memref<256xf32, #tpu.memory_space<hbm>>
        %dma_wait3A_103 = arith.constant 0 : i32
        %dma_wait3A_104 = tpu.memref_slice %arg30[%dma_wait3A_103] : memref<272xf32, #tpu.memory_space<vmem>> -> memref<256xf32, #tpu.memory_space<vmem>>
        tpu.wait_dma2 semaphore(%run_scoped3A : memref<!tpu.dma_semaphore, #tpu.memory_space<semaphore_mem>>) src(%dma_wait3A_104 : memref<256xf32, #tpu.memory_space<vmem>>) dst(%dma_wait3A_102 : memref<256xf32, #tpu.memory_space<hbm>>)
        tpu.yield
      }) : () -> ()
      "tpu.region"() ({
        %run_scoped3A = tpu.sem_alloc : memref<!tpu.dma_semaphore, #tpu.memory_space<semaphore_mem>>
        %dma_start3A = arith.constant 0 : i32
        %dma_start3A_91 = tpu.memref_slice %arg31[%dma_start3A] : memref<272xf32, #tpu.memory_space<vmem>> -> memref<256xf32, #tpu.memory_space<vmem>>
        %dma_start3A_92 = arith.constant 3584 : i32
        %dma_start3A_93 = tpu.memref_slice %arg7[%dma_start3A_92] : memref<10272xf32, #tpu.memory_space<hbm>> -> memref<256xf32, #tpu.memory_space<hbm>>
        %dma_start3A_94 = arith.constant 3584 : i32
        %dma_start3A_95 = tpu.memref_slice %arg7[%dma_start3A_94] : memref<10272xf32, #tpu.memory_space<hbm>> -> memref<256xf32, #tpu.memory_space<hbm>>
        %dma_start3A_96 = arith.constant 0 : i32
        %dma_start3A_97 = tpu.memref_slice %arg31[%dma_start3A_96] : memref<272xf32, #tpu.memory_space<vmem>> -> memref<256xf32, #tpu.memory_space<vmem>>
        tpu.enqueue_dma source(%dma_start3A_97 : memref<256xf32, #tpu.memory_space<vmem>>) target(%dma_start3A_95 : memref<256xf32, #tpu.memory_space<hbm>>) target_semaphore(%run_scoped3A : memref<!tpu.dma_semaphore, #tpu.memory_space<semaphore_mem>>)
        %dma_wait3A = arith.constant 0 : i32
        %dma_wait3A_98 = tpu.memref_slice %arg31[%dma_wait3A] : memref<272xf32, #tpu.memory_space<vmem>> -> memref<256xf32, #tpu.memory_space<vmem>>
        %dma_wait3A_99 = arith.constant 3584 : i32
        %dma_wait3A_100 = tpu.memref_slice %arg7[%dma_wait3A_99] : memref<10272xf32, #tpu.memory_space<hbm>> -> memref<256xf32, #tpu.memory_space<hbm>>
        %dma_wait3A_101 = arith.constant 3584 : i32
        %dma_wait3A_102 = tpu.memref_slice %arg7[%dma_wait3A_101] : memref<10272xf32, #tpu.memory_space<hbm>> -> memref<256xf32, #tpu.memory_space<hbm>>
        %dma_wait3A_103 = arith.constant 0 : i32
        %dma_wait3A_104 = tpu.memref_slice %arg31[%dma_wait3A_103] : memref<272xf32, #tpu.memory_space<vmem>> -> memref<256xf32, #tpu.memory_space<vmem>>
        tpu.wait_dma2 semaphore(%run_scoped3A : memref<!tpu.dma_semaphore, #tpu.memory_space<semaphore_mem>>) src(%dma_wait3A_104 : memref<256xf32, #tpu.memory_space<vmem>>) dst(%dma_wait3A_102 : memref<256xf32, #tpu.memory_space<hbm>>)
        tpu.yield
      }) : () -> ()
      "tpu.region"() ({
        %run_scoped3A = tpu.sem_alloc : memref<!tpu.dma_semaphore, #tpu.memory_space<semaphore_mem>>
        %dma_start3A = arith.constant 0 : i32
        %dma_start3A_91 = tpu.memref_slice %arg32[%dma_start3A] : memref<272xf32, #tpu.memory_space<vmem>> -> memref<256xf32, #tpu.memory_space<vmem>>
        %dma_start3A_92 = arith.constant 3840 : i32
        %dma_start3A_93 = tpu.memref_slice %arg7[%dma_start3A_92] : memref<10272xf32, #tpu.memory_space<hbm>> -> memref<256xf32, #tpu.memory_space<hbm>>
        %dma_start3A_94 = arith.constant 3840 : i32
        %dma_start3A_95 = tpu.memref_slice %arg7[%dma_start3A_94] : memref<10272xf32, #tpu.memory_space<hbm>> -> memref<256xf32, #tpu.memory_space<hbm>>
        %dma_start3A_96 = arith.constant 0 : i32
        %dma_start3A_97 = tpu.memref_slice %arg32[%dma_start3A_96] : memref<272xf32, #tpu.memory_space<vmem>> -> memref<256xf32, #tpu.memory_space<vmem>>
        tpu.enqueue_dma source(%dma_start3A_97 : memref<256xf32, #tpu.memory_space<vmem>>) target(%dma_start3A_95 : memref<256xf32, #tpu.memory_space<hbm>>) target_semaphore(%run_scoped3A : memref<!tpu.dma_semaphore, #tpu.memory_space<semaphore_mem>>)
        %dma_wait3A = arith.constant 0 : i32
        %dma_wait3A_98 = tpu.memref_slice %arg32[%dma_wait3A] : memref<272xf32, #tpu.memory_space<vmem>> -> memref<256xf32, #tpu.memory_space<vmem>>
        %dma_wait3A_99 = arith.constant 3840 : i32
        %dma_wait3A_100 = tpu.memref_slice %arg7[%dma_wait3A_99] : memref<10272xf32, #tpu.memory_space<hbm>> -> memref<256xf32, #tpu.memory_space<hbm>>
        %dma_wait3A_101 = arith.constant 3840 : i32
        %dma_wait3A_102 = tpu.memref_slice %arg7[%dma_wait3A_101] : memref<10272xf32, #tpu.memory_space<hbm>> -> memref<256xf32, #tpu.memory_space<hbm>>
        %dma_wait3A_103 = arith.constant 0 : i32
        %dma_wait3A_104 = tpu.memref_slice %arg32[%dma_wait3A_103] : memref<272xf32, #tpu.memory_space<vmem>> -> memref<256xf32, #tpu.memory_space<vmem>>
        tpu.wait_dma2 semaphore(%run_scoped3A : memref<!tpu.dma_semaphore, #tpu.memory_space<semaphore_mem>>) src(%dma_wait3A_104 : memref<256xf32, #tpu.memory_space<vmem>>) dst(%dma_wait3A_102 : memref<256xf32, #tpu.memory_space<hbm>>)
        tpu.yield
      }) : () -> ()
      "tpu.region"() ({
        %run_scoped3A = tpu.sem_alloc : memref<!tpu.dma_semaphore, #tpu.memory_space<semaphore_mem>>
        %dma_start3A = arith.constant 0 : i32
        %dma_start3A_91 = tpu.memref_slice %arg33[%dma_start3A] : memref<272xf32, #tpu.memory_space<vmem>> -> memref<256xf32, #tpu.memory_space<vmem>>
        %dma_start3A_92 = arith.constant 4096 : i32
        %dma_start3A_93 = tpu.memref_slice %arg7[%dma_start3A_92] : memref<10272xf32, #tpu.memory_space<hbm>> -> memref<256xf32, #tpu.memory_space<hbm>>
        %dma_start3A_94 = arith.constant 4096 : i32
        %dma_start3A_95 = tpu.memref_slice %arg7[%dma_start3A_94] : memref<10272xf32, #tpu.memory_space<hbm>> -> memref<256xf32, #tpu.memory_space<hbm>>
        %dma_start3A_96 = arith.constant 0 : i32
        %dma_start3A_97 = tpu.memref_slice %arg33[%dma_start3A_96] : memref<272xf32, #tpu.memory_space<vmem>> -> memref<256xf32, #tpu.memory_space<vmem>>
        tpu.enqueue_dma source(%dma_start3A_97 : memref<256xf32, #tpu.memory_space<vmem>>) target(%dma_start3A_95 : memref<256xf32, #tpu.memory_space<hbm>>) target_semaphore(%run_scoped3A : memref<!tpu.dma_semaphore, #tpu.memory_space<semaphore_mem>>)
        %dma_wait3A = arith.constant 0 : i32
        %dma_wait3A_98 = tpu.memref_slice %arg33[%dma_wait3A] : memref<272xf32, #tpu.memory_space<vmem>> -> memref<256xf32, #tpu.memory_space<vmem>>
        %dma_wait3A_99 = arith.constant 4096 : i32
        %dma_wait3A_100 = tpu.memref_slice %arg7[%dma_wait3A_99] : memref<10272xf32, #tpu.memory_space<hbm>> -> memref<256xf32, #tpu.memory_space<hbm>>
        %dma_wait3A_101 = arith.constant 4096 : i32
        %dma_wait3A_102 = tpu.memref_slice %arg7[%dma_wait3A_101] : memref<10272xf32, #tpu.memory_space<hbm>> -> memref<256xf32, #tpu.memory_space<hbm>>
        %dma_wait3A_103 = arith.constant 0 : i32
        %dma_wait3A_104 = tpu.memref_slice %arg33[%dma_wait3A_103] : memref<272xf32, #tpu.memory_space<vmem>> -> memref<256xf32, #tpu.memory_space<vmem>>
        tpu.wait_dma2 semaphore(%run_scoped3A : memref<!tpu.dma_semaphore, #tpu.memory_space<semaphore_mem>>) src(%dma_wait3A_104 : memref<256xf32, #tpu.memory_space<vmem>>) dst(%dma_wait3A_102 : memref<256xf32, #tpu.memory_space<hbm>>)
        tpu.yield
      }) : () -> ()
      "tpu.region"() ({
        %run_scoped3A = tpu.sem_alloc : memref<!tpu.dma_semaphore, #tpu.memory_space<semaphore_mem>>
        %dma_start3A = arith.constant 0 : i32
        %dma_start3A_91 = tpu.memref_slice %arg34[%dma_start3A] : memref<272xf32, #tpu.memory_space<vmem>> -> memref<256xf32, #tpu.memory_space<vmem>>
        %dma_start3A_92 = arith.constant 4352 : i32
        %dma_start3A_93 = tpu.memref_slice %arg7[%dma_start3A_92] : memref<10272xf32, #tpu.memory_space<hbm>> -> memref<256xf32, #tpu.memory_space<hbm>>
        %dma_start3A_94 = arith.constant 4352 : i32
        %dma_start3A_95 = tpu.memref_slice %arg7[%dma_start3A_94] : memref<10272xf32, #tpu.memory_space<hbm>> -> memref<256xf32, #tpu.memory_space<hbm>>
        %dma_start3A_96 = arith.constant 0 : i32
        %dma_start3A_97 = tpu.memref_slice %arg34[%dma_start3A_96] : memref<272xf32, #tpu.memory_space<vmem>> -> memref<256xf32, #tpu.memory_space<vmem>>
        tpu.enqueue_dma source(%dma_start3A_97 : memref<256xf32, #tpu.memory_space<vmem>>) target(%dma_start3A_95 : memref<256xf32, #tpu.memory_space<hbm>>) target_semaphore(%run_scoped3A : memref<!tpu.dma_semaphore, #tpu.memory_space<semaphore_mem>>)
        %dma_wait3A = arith.constant 0 : i32
        %dma_wait3A_98 = tpu.memref_slice %arg34[%dma_wait3A] : memref<272xf32, #tpu.memory_space<vmem>> -> memref<256xf32, #tpu.memory_space<vmem>>
        %dma_wait3A_99 = arith.constant 4352 : i32
        %dma_wait3A_100 = tpu.memref_slice %arg7[%dma_wait3A_99] : memref<10272xf32, #tpu.memory_space<hbm>> -> memref<256xf32, #tpu.memory_space<hbm>>
        %dma_wait3A_101 = arith.constant 4352 : i32
        %dma_wait3A_102 = tpu.memref_slice %arg7[%dma_wait3A_101] : memref<10272xf32, #tpu.memory_space<hbm>> -> memref<256xf32, #tpu.memory_space<hbm>>
        %dma_wait3A_103 = arith.constant 0 : i32
        %dma_wait3A_104 = tpu.memref_slice %arg34[%dma_wait3A_103] : memref<272xf32, #tpu.memory_space<vmem>> -> memref<256xf32, #tpu.memory_space<vmem>>
        tpu.wait_dma2 semaphore(%run_scoped3A : memref<!tpu.dma_semaphore, #tpu.memory_space<semaphore_mem>>) src(%dma_wait3A_104 : memref<256xf32, #tpu.memory_space<vmem>>) dst(%dma_wait3A_102 : memref<256xf32, #tpu.memory_space<hbm>>)
        tpu.yield
      }) : () -> ()
      "tpu.region"() ({
        %run_scoped3A = tpu.sem_alloc : memref<!tpu.dma_semaphore, #tpu.memory_space<semaphore_mem>>
        %dma_start3A = arith.constant 0 : i32
        %dma_start3A_91 = tpu.memref_slice %arg35[%dma_start3A] : memref<272xf32, #tpu.memory_space<vmem>> -> memref<256xf32, #tpu.memory_space<vmem>>
        %dma_start3A_92 = arith.constant 4608 : i32
        %dma_start3A_93 = tpu.memref_slice %arg7[%dma_start3A_92] : memref<10272xf32, #tpu.memory_space<hbm>> -> memref<256xf32, #tpu.memory_space<hbm>>
        %dma_start3A_94 = arith.constant 4608 : i32
        %dma_start3A_95 = tpu.memref_slice %arg7[%dma_start3A_94] : memref<10272xf32, #tpu.memory_space<hbm>> -> memref<256xf32, #tpu.memory_space<hbm>>
        %dma_start3A_96 = arith.constant 0 : i32
        %dma_start3A_97 = tpu.memref_slice %arg35[%dma_start3A_96] : memref<272xf32, #tpu.memory_space<vmem>> -> memref<256xf32, #tpu.memory_space<vmem>>
        tpu.enqueue_dma source(%dma_start3A_97 : memref<256xf32, #tpu.memory_space<vmem>>) target(%dma_start3A_95 : memref<256xf32, #tpu.memory_space<hbm>>) target_semaphore(%run_scoped3A : memref<!tpu.dma_semaphore, #tpu.memory_space<semaphore_mem>>)
        %dma_wait3A = arith.constant 0 : i32
        %dma_wait3A_98 = tpu.memref_slice %arg35[%dma_wait3A] : memref<272xf32, #tpu.memory_space<vmem>> -> memref<256xf32, #tpu.memory_space<vmem>>
        %dma_wait3A_99 = arith.constant 4608 : i32
        %dma_wait3A_100 = tpu.memref_slice %arg7[%dma_wait3A_99] : memref<10272xf32, #tpu.memory_space<hbm>> -> memref<256xf32, #tpu.memory_space<hbm>>
        %dma_wait3A_101 = arith.constant 4608 : i32
        %dma_wait3A_102 = tpu.memref_slice %arg7[%dma_wait3A_101] : memref<10272xf32, #tpu.memory_space<hbm>> -> memref<256xf32, #tpu.memory_space<hbm>>
        %dma_wait3A_103 = arith.constant 0 : i32
        %dma_wait3A_104 = tpu.memref_slice %arg35[%dma_wait3A_103] : memref<272xf32, #tpu.memory_space<vmem>> -> memref<256xf32, #tpu.memory_space<vmem>>
        tpu.wait_dma2 semaphore(%run_scoped3A : memref<!tpu.dma_semaphore, #tpu.memory_space<semaphore_mem>>) src(%dma_wait3A_104 : memref<256xf32, #tpu.memory_space<vmem>>) dst(%dma_wait3A_102 : memref<256xf32, #tpu.memory_space<hbm>>)
        tpu.yield
      }) : () -> ()
      "tpu.region"() ({
        %run_scoped3A = tpu.sem_alloc : memref<!tpu.dma_semaphore, #tpu.memory_space<semaphore_mem>>
        %dma_start3A = arith.constant 0 : i32
        %dma_start3A_91 = tpu.memref_slice %arg36[%dma_start3A] : memref<272xf32, #tpu.memory_space<vmem>> -> memref<256xf32, #tpu.memory_space<vmem>>
        %dma_start3A_92 = arith.constant 4864 : i32
        %dma_start3A_93 = tpu.memref_slice %arg7[%dma_start3A_92] : memref<10272xf32, #tpu.memory_space<hbm>> -> memref<256xf32, #tpu.memory_space<hbm>>
        %dma_start3A_94 = arith.constant 4864 : i32
        %dma_start3A_95 = tpu.memref_slice %arg7[%dma_start3A_94] : memref<10272xf32, #tpu.memory_space<hbm>> -> memref<256xf32, #tpu.memory_space<hbm>>
        %dma_start3A_96 = arith.constant 0 : i32
        %dma_start3A_97 = tpu.memref_slice %arg36[%dma_start3A_96] : memref<272xf32, #tpu.memory_space<vmem>> -> memref<256xf32, #tpu.memory_space<vmem>>
        tpu.enqueue_dma source(%dma_start3A_97 : memref<256xf32, #tpu.memory_space<vmem>>) target(%dma_start3A_95 : memref<256xf32, #tpu.memory_space<hbm>>) target_semaphore(%run_scoped3A : memref<!tpu.dma_semaphore, #tpu.memory_space<semaphore_mem>>)
        %dma_wait3A = arith.constant 0 : i32
        %dma_wait3A_98 = tpu.memref_slice %arg36[%dma_wait3A] : memref<272xf32, #tpu.memory_space<vmem>> -> memref<256xf32, #tpu.memory_space<vmem>>
        %dma_wait3A_99 = arith.constant 4864 : i32
        %dma_wait3A_100 = tpu.memref_slice %arg7[%dma_wait3A_99] : memref<10272xf32, #tpu.memory_space<hbm>> -> memref<256xf32, #tpu.memory_space<hbm>>
        %dma_wait3A_101 = arith.constant 4864 : i32
        %dma_wait3A_102 = tpu.memref_slice %arg7[%dma_wait3A_101] : memref<10272xf32, #tpu.memory_space<hbm>> -> memref<256xf32, #tpu.memory_space<hbm>>
        %dma_wait3A_103 = arith.constant 0 : i32
        %dma_wait3A_104 = tpu.memref_slice %arg36[%dma_wait3A_103] : memref<272xf32, #tpu.memory_space<vmem>> -> memref<256xf32, #tpu.memory_space<vmem>>
        tpu.wait_dma2 semaphore(%run_scoped3A : memref<!tpu.dma_semaphore, #tpu.memory_space<semaphore_mem>>) src(%dma_wait3A_104 : memref<256xf32, #tpu.memory_space<vmem>>) dst(%dma_wait3A_102 : memref<256xf32, #tpu.memory_space<hbm>>)
        tpu.yield
      }) : () -> ()
      "tpu.region"() ({
        %run_scoped3A = tpu.sem_alloc : memref<!tpu.dma_semaphore, #tpu.memory_space<semaphore_mem>>
        %dma_start3A = arith.constant 0 : i32
        %dma_start3A_91 = tpu.memref_slice %arg37[%dma_start3A] : memref<272xf32, #tpu.memory_space<vmem>> -> memref<256xf32, #tpu.memory_space<vmem>>
        %dma_start3A_92 = arith.constant 5120 : i32
        %dma_start3A_93 = tpu.memref_slice %arg7[%dma_start3A_92] : memref<10272xf32, #tpu.memory_space<hbm>> -> memref<256xf32, #tpu.memory_space<hbm>>
        %dma_start3A_94 = arith.constant 5120 : i32
        %dma_start3A_95 = tpu.memref_slice %arg7[%dma_start3A_94] : memref<10272xf32, #tpu.memory_space<hbm>> -> memref<256xf32, #tpu.memory_space<hbm>>
        %dma_start3A_96 = arith.constant 0 : i32
        %dma_start3A_97 = tpu.memref_slice %arg37[%dma_start3A_96] : memref<272xf32, #tpu.memory_space<vmem>> -> memref<256xf32, #tpu.memory_space<vmem>>
        tpu.enqueue_dma source(%dma_start3A_97 : memref<256xf32, #tpu.memory_space<vmem>>) target(%dma_start3A_95 : memref<256xf32, #tpu.memory_space<hbm>>) target_semaphore(%run_scoped3A : memref<!tpu.dma_semaphore, #tpu.memory_space<semaphore_mem>>)
        %dma_wait3A = arith.constant 0 : i32
        %dma_wait3A_98 = tpu.memref_slice %arg37[%dma_wait3A] : memref<272xf32, #tpu.memory_space<vmem>> -> memref<256xf32, #tpu.memory_space<vmem>>
        %dma_wait3A_99 = arith.constant 5120 : i32
        %dma_wait3A_100 = tpu.memref_slice %arg7[%dma_wait3A_99] : memref<10272xf32, #tpu.memory_space<hbm>> -> memref<256xf32, #tpu.memory_space<hbm>>
        %dma_wait3A_101 = arith.constant 5120 : i32
        %dma_wait3A_102 = tpu.memref_slice %arg7[%dma_wait3A_101] : memref<10272xf32, #tpu.memory_space<hbm>> -> memref<256xf32, #tpu.memory_space<hbm>>
        %dma_wait3A_103 = arith.constant 0 : i32
        %dma_wait3A_104 = tpu.memref_slice %arg37[%dma_wait3A_103] : memref<272xf32, #tpu.memory_space<vmem>> -> memref<256xf32, #tpu.memory_space<vmem>>
        tpu.wait_dma2 semaphore(%run_scoped3A : memref<!tpu.dma_semaphore, #tpu.memory_space<semaphore_mem>>) src(%dma_wait3A_104 : memref<256xf32, #tpu.memory_space<vmem>>) dst(%dma_wait3A_102 : memref<256xf32, #tpu.memory_space<hbm>>)
        tpu.yield
      }) : () -> ()
      "tpu.region"() ({
        %run_scoped3A = tpu.sem_alloc : memref<!tpu.dma_semaphore, #tpu.memory_space<semaphore_mem>>
        %dma_start3A = arith.constant 0 : i32
        %dma_start3A_91 = tpu.memref_slice %arg38[%dma_start3A] : memref<272xf32, #tpu.memory_space<vmem>> -> memref<256xf32, #tpu.memory_space<vmem>>
        %dma_start3A_92 = arith.constant 5376 : i32
        %dma_start3A_93 = tpu.memref_slice %arg7[%dma_start3A_92] : memref<10272xf32, #tpu.memory_space<hbm>> -> memref<256xf32, #tpu.memory_space<hbm>>
        %dma_start3A_94 = arith.constant 5376 : i32
        %dma_start3A_95 = tpu.memref_slice %arg7[%dma_start3A_94] : memref<10272xf32, #tpu.memory_space<hbm>> -> memref<256xf32, #tpu.memory_space<hbm>>
        %dma_start3A_96 = arith.constant 0 : i32
        %dma_start3A_97 = tpu.memref_slice %arg38[%dma_start3A_96] : memref<272xf32, #tpu.memory_space<vmem>> -> memref<256xf32, #tpu.memory_space<vmem>>
        tpu.enqueue_dma source(%dma_start3A_97 : memref<256xf32, #tpu.memory_space<vmem>>) target(%dma_start3A_95 : memref<256xf32, #tpu.memory_space<hbm>>) target_semaphore(%run_scoped3A : memref<!tpu.dma_semaphore, #tpu.memory_space<semaphore_mem>>)
        %dma_wait3A = arith.constant 0 : i32
        %dma_wait3A_98 = tpu.memref_slice %arg38[%dma_wait3A] : memref<272xf32, #tpu.memory_space<vmem>> -> memref<256xf32, #tpu.memory_space<vmem>>
        %dma_wait3A_99 = arith.constant 5376 : i32
        %dma_wait3A_100 = tpu.memref_slice %arg7[%dma_wait3A_99] : memref<10272xf32, #tpu.memory_space<hbm>> -> memref<256xf32, #tpu.memory_space<hbm>>
        %dma_wait3A_101 = arith.constant 5376 : i32
        %dma_wait3A_102 = tpu.memref_slice %arg7[%dma_wait3A_101] : memref<10272xf32, #tpu.memory_space<hbm>> -> memref<256xf32, #tpu.memory_space<hbm>>
        %dma_wait3A_103 = arith.constant 0 : i32
        %dma_wait3A_104 = tpu.memref_slice %arg38[%dma_wait3A_103] : memref<272xf32, #tpu.memory_space<vmem>> -> memref<256xf32, #tpu.memory_space<vmem>>
        tpu.wait_dma2 semaphore(%run_scoped3A : memref<!tpu.dma_semaphore, #tpu.memory_space<semaphore_mem>>) src(%dma_wait3A_104 : memref<256xf32, #tpu.memory_space<vmem>>) dst(%dma_wait3A_102 : memref<256xf32, #tpu.memory_space<hbm>>)
        tpu.yield
      }) : () -> ()
      "tpu.region"() ({
        %run_scoped3A = tpu.sem_alloc : memref<!tpu.dma_semaphore, #tpu.memory_space<semaphore_mem>>
        %dma_start3A = arith.constant 0 : i32
        %dma_start3A_91 = tpu.memref_slice %arg39[%dma_start3A] : memref<272xf32, #tpu.memory_space<vmem>> -> memref<256xf32, #tpu.memory_space<vmem>>
        %dma_start3A_92 = arith.constant 5632 : i32
        %dma_start3A_93 = tpu.memref_slice %arg7[%dma_start3A_92] : memref<10272xf32, #tpu.memory_space<hbm>> -> memref<256xf32, #tpu.memory_space<hbm>>
        %dma_start3A_94 = arith.constant 5632 : i32
        %dma_start3A_95 = tpu.memref_slice %arg7[%dma_start3A_94] : memref<10272xf32, #tpu.memory_space<hbm>> -> memref<256xf32, #tpu.memory_space<hbm>>
        %dma_start3A_96 = arith.constant 0 : i32
        %dma_start3A_97 = tpu.memref_slice %arg39[%dma_start3A_96] : memref<272xf32, #tpu.memory_space<vmem>> -> memref<256xf32, #tpu.memory_space<vmem>>
        tpu.enqueue_dma source(%dma_start3A_97 : memref<256xf32, #tpu.memory_space<vmem>>) target(%dma_start3A_95 : memref<256xf32, #tpu.memory_space<hbm>>) target_semaphore(%run_scoped3A : memref<!tpu.dma_semaphore, #tpu.memory_space<semaphore_mem>>)
        %dma_wait3A = arith.constant 0 : i32
        %dma_wait3A_98 = tpu.memref_slice %arg39[%dma_wait3A] : memref<272xf32, #tpu.memory_space<vmem>> -> memref<256xf32, #tpu.memory_space<vmem>>
        %dma_wait3A_99 = arith.constant 5632 : i32
        %dma_wait3A_100 = tpu.memref_slice %arg7[%dma_wait3A_99] : memref<10272xf32, #tpu.memory_space<hbm>> -> memref<256xf32, #tpu.memory_space<hbm>>
        %dma_wait3A_101 = arith.constant 5632 : i32
        %dma_wait3A_102 = tpu.memref_slice %arg7[%dma_wait3A_101] : memref<10272xf32, #tpu.memory_space<hbm>> -> memref<256xf32, #tpu.memory_space<hbm>>
        %dma_wait3A_103 = arith.constant 0 : i32
        %dma_wait3A_104 = tpu.memref_slice %arg39[%dma_wait3A_103] : memref<272xf32, #tpu.memory_space<vmem>> -> memref<256xf32, #tpu.memory_space<vmem>>
        tpu.wait_dma2 semaphore(%run_scoped3A : memref<!tpu.dma_semaphore, #tpu.memory_space<semaphore_mem>>) src(%dma_wait3A_104 : memref<256xf32, #tpu.memory_space<vmem>>) dst(%dma_wait3A_102 : memref<256xf32, #tpu.memory_space<hbm>>)
        tpu.yield
      }) : () -> ()
      "tpu.region"() ({
        %run_scoped3A = tpu.sem_alloc : memref<!tpu.dma_semaphore, #tpu.memory_space<semaphore_mem>>
        %dma_start3A = arith.constant 0 : i32
        %dma_start3A_91 = tpu.memref_slice %arg40[%dma_start3A] : memref<272xf32, #tpu.memory_space<vmem>> -> memref<256xf32, #tpu.memory_space<vmem>>
        %dma_start3A_92 = arith.constant 5888 : i32
        %dma_start3A_93 = tpu.memref_slice %arg7[%dma_start3A_92] : memref<10272xf32, #tpu.memory_space<hbm>> -> memref<256xf32, #tpu.memory_space<hbm>>
        %dma_start3A_94 = arith.constant 5888 : i32
        %dma_start3A_95 = tpu.memref_slice %arg7[%dma_start3A_94] : memref<10272xf32, #tpu.memory_space<hbm>> -> memref<256xf32, #tpu.memory_space<hbm>>
        %dma_start3A_96 = arith.constant 0 : i32
        %dma_start3A_97 = tpu.memref_slice %arg40[%dma_start3A_96] : memref<272xf32, #tpu.memory_space<vmem>> -> memref<256xf32, #tpu.memory_space<vmem>>
        tpu.enqueue_dma source(%dma_start3A_97 : memref<256xf32, #tpu.memory_space<vmem>>) target(%dma_start3A_95 : memref<256xf32, #tpu.memory_space<hbm>>) target_semaphore(%run_scoped3A : memref<!tpu.dma_semaphore, #tpu.memory_space<semaphore_mem>>)
        %dma_wait3A = arith.constant 0 : i32
        %dma_wait3A_98 = tpu.memref_slice %arg40[%dma_wait3A] : memref<272xf32, #tpu.memory_space<vmem>> -> memref<256xf32, #tpu.memory_space<vmem>>
        %dma_wait3A_99 = arith.constant 5888 : i32
        %dma_wait3A_100 = tpu.memref_slice %arg7[%dma_wait3A_99] : memref<10272xf32, #tpu.memory_space<hbm>> -> memref<256xf32, #tpu.memory_space<hbm>>
        %dma_wait3A_101 = arith.constant 5888 : i32
        %dma_wait3A_102 = tpu.memref_slice %arg7[%dma_wait3A_101] : memref<10272xf32, #tpu.memory_space<hbm>> -> memref<256xf32, #tpu.memory_space<hbm>>
        %dma_wait3A_103 = arith.constant 0 : i32
        %dma_wait3A_104 = tpu.memref_slice %arg40[%dma_wait3A_103] : memref<272xf32, #tpu.memory_space<vmem>> -> memref<256xf32, #tpu.memory_space<vmem>>
        tpu.wait_dma2 semaphore(%run_scoped3A : memref<!tpu.dma_semaphore, #tpu.memory_space<semaphore_mem>>) src(%dma_wait3A_104 : memref<256xf32, #tpu.memory_space<vmem>>) dst(%dma_wait3A_102 : memref<256xf32, #tpu.memory_space<hbm>>)
        tpu.yield
      }) : () -> ()
      "tpu.region"() ({
        %run_scoped3A = tpu.sem_alloc : memref<!tpu.dma_semaphore, #tpu.memory_space<semaphore_mem>>
        %dma_start3A = arith.constant 10240 : i32
        %dma_start3A_91 = tpu.memref_slice %arg7[%dma_start3A] : memref<10272xf32, #tpu.memory_space<hbm>> -> memref<16xf32, #tpu.memory_space<hbm>>
        %dma_start3A_92 = arith.constant 10240 : i32
        %dma_start3A_93 = tpu.memref_slice %arg7[%dma_start3A_92] : memref<10272xf32, #tpu.memory_space<hbm>> -> memref<16xf32, #tpu.memory_space<hbm>>
        tpu.enqueue_dma source(%arg13 : memref<16xf32, #tpu.memory_space<vmem>>) target(%dma_start3A_93 : memref<16xf32, #tpu.memory_space<hbm>>) target_semaphore(%run_scoped3A : memref<!tpu.dma_semaphore, #tpu.memory_space<semaphore_mem>>)
        %dma_wait3A = arith.constant 10240 : i32
        %dma_wait3A_94 = tpu.memref_slice %arg7[%dma_wait3A] : memref<10272xf32, #tpu.memory_space<hbm>> -> memref<16xf32, #tpu.memory_space<hbm>>
        %dma_wait3A_95 = arith.constant 10240 : i32
        %dma_wait3A_96 = tpu.memref_slice %arg7[%dma_wait3A_95] : memref<10272xf32, #tpu.memory_space<hbm>> -> memref<16xf32, #tpu.memory_space<hbm>>
        tpu.wait_dma2 semaphore(%run_scoped3A : memref<!tpu.dma_semaphore, #tpu.memory_space<semaphore_mem>>) src(%arg13 : memref<16xf32, #tpu.memory_space<vmem>>) dst(%dma_wait3A_96 : memref<16xf32, #tpu.memory_space<hbm>>)
        tpu.yield
      }) : () -> ()
      %broadcast_in_dim3A_22 = arith.constant 0.000000e+00 : f32
      %broadcast_in_dim3A_23 = vector.broadcast %broadcast_in_dim3A_22 : f32 to vector<16xf32>
      %swap3A_24 = arith.constant 0 : index
      %swap3A_25 = tpu.vector_load %arg14[%swap3A_24] {strides = array<i32>} : memref<272xf32, #tpu.memory_space<vmem>>, vector<16xf32>,
      tpu.vector_store %arg14[%swap3A_24], %broadcast_in_dim3A_23 {strides = array<i32>} : memref<272xf32, #tpu.memory_space<vmem>>, vector<16xf32>,
      %broadcast_in_dim3A_26 = arith.constant 0.000000e+00 : f32
      %broadcast_in_dim3A_27 = vector.broadcast %broadcast_in_dim3A_26 : f32 to vector<16xf32>
      %swap3A_28 = arith.constant 16 : index
      %swap3A_29 = tpu.vector_load %arg14[%swap3A_28] {strides = array<i32>} : memref<272xf32, #tpu.memory_space<vmem>>, vector<16xf32>,
      tpu.vector_store %arg14[%swap3A_28], %broadcast_in_dim3A_27 {strides = array<i32>} : memref<272xf32, #tpu.memory_space<vmem>>, vector<16xf32>,
      %broadcast_in_dim3A_30 = arith.constant 0.000000e+00 : f32
      %broadcast_in_dim3A_31 = vector.broadcast %broadcast_in_dim3A_30 : f32 to vector<16xf32>
      %swap3A_32 = arith.constant 32 : index
      %swap3A_33 = tpu.vector_load %arg14[%swap3A_32] {strides = array<i32>} : memref<272xf32, #tpu.memory_space<vmem>>, vector<16xf32>,
      tpu.vector_store %arg14[%swap3A_32], %broadcast_in_dim3A_31 {strides = array<i32>} : memref<272xf32, #tpu.memory_space<vmem>>, vector<16xf32>,
      %broadcast_in_dim3A_34 = arith.constant 0.000000e+00 : f32
      %broadcast_in_dim3A_35 = vector.broadcast %broadcast_in_dim3A_34 : f32 to vector<16xf32>
      %swap3A_36 = arith.constant 48 : index
      %swap3A_37 = tpu.vector_load %arg14[%swap3A_36] {strides = array<i32>} : memref<272xf32, #tpu.memory_space<vmem>>, vector<16xf32>,
      tpu.vector_store %arg14[%swap3A_36], %broadcast_in_dim3A_35 {strides = array<i32>} : memref<272xf32, #tpu.memory_space<vmem>>, vector<16xf32>,
      %broadcast_in_dim3A_38 = arith.constant 0.000000e+00 : f32
      %broadcast_in_dim3A_39 = vector.broadcast %broadcast_in_dim3A_38 : f32 to vector<16xf32>
      %swap3A_40 = arith.constant 64 : index
      %swap3A_41 = tpu.vector_load %arg14[%swap3A_40] {strides = array<i32>} : memref<272xf32, #tpu.memory_space<vmem>>, vector<16xf32>,
      tpu.vector_store %arg14[%swap3A_40], %broadcast_in_dim3A_39 {strides = array<i32>} : memref<272xf32, #tpu.memory_space<vmem>>, vector<16xf32>,
      %broadcast_in_dim3A_42 = arith.constant 0.000000e+00 : f32
      %broadcast_in_dim3A_43 = vector.broadcast %broadcast_in_dim3A_42 : f32 to vector<16xf32>
      %swap3A_44 = arith.constant 80 : index
      %swap3A_45 = tpu.vector_load %arg14[%swap3A_44] {strides = array<i32>} : memref<272xf32, #tpu.memory_space<vmem>>, vector<16xf32>,
      tpu.vector_store %arg14[%swap3A_44], %broadcast_in_dim3A_43 {strides = array<i32>} : memref<272xf32, #tpu.memory_space<vmem>>, vector<16xf32>,
      %broadcast_in_dim3A_46 = arith.constant 0.000000e+00 : f32
      %broadcast_in_dim3A_47 = vector.broadcast %broadcast_in_dim3A_46 : f32 to vector<16xf32>
      %swap3A_48 = arith.constant 96 : index
      %swap3A_49 = tpu.vector_load %arg14[%swap3A_48] {strides = array<i32>} : memref<272xf32, #tpu.memory_space<vmem>>, vector<16xf32>,
      tpu.vector_store %arg14[%swap3A_48], %broadcast_in_dim3A_47 {strides = array<i32>} : memref<272xf32, #tpu.memory_space<vmem>>, vector<16xf32>,
      %broadcast_in_dim3A_50 = arith.constant 0.000000e+00 : f32
      %broadcast_in_dim3A_51 = vector.broadcast %broadcast_in_dim3A_50 : f32 to vector<16xf32>
      %swap3A_52 = arith.constant 112 : index
      %swap3A_53 = tpu.vector_load %arg14[%swap3A_52] {strides = array<i32>} : memref<272xf32, #tpu.memory_space<vmem>>, vector<16xf32>,
      tpu.vector_store %arg14[%swap3A_52], %broadcast_in_dim3A_51 {strides = array<i32>} : memref<272xf32, #tpu.memory_space<vmem>>, vector<16xf32>,
      %broadcast_in_dim3A_54 = arith.constant 0.000000e+00 : f32
      %broadcast_in_dim3A_55 = vector.broadcast %broadcast_in_dim3A_54 : f32 to vector<16xf32>
      %swap3A_56 = arith.constant 128 : index
      %swap3A_57 = tpu.vector_load %arg14[%swap3A_56] {strides = array<i32>} : memref<272xf32, #tpu.memory_space<vmem>>, vector<16xf32>,
      tpu.vector_store %arg14[%swap3A_56], %broadcast_in_dim3A_55 {strides = array<i32>} : memref<272xf32, #tpu.memory_space<vmem>>, vector<16xf32>,
      %broadcast_in_dim3A_58 = arith.constant 0.000000e+00 : f32
      %broadcast_in_dim3A_59 = vector.broadcast %broadcast_in_dim3A_58 : f32 to vector<16xf32>
      %swap3A_60 = arith.constant 144 : index
      %swap3A_61 = tpu.vector_load %arg14[%swap3A_60] {strides = array<i32>} : memref<272xf32, #tpu.memory_space<vmem>>, vector<16xf32>,
      tpu.vector_store %arg14[%swap3A_60], %broadcast_in_dim3A_59 {strides = array<i32>} : memref<272xf32, #tpu.memory_space<vmem>>, vector<16xf32>,
      %broadcast_in_dim3A_62 = arith.constant 0.000000e+00 : f32
      %broadcast_in_dim3A_63 = vector.broadcast %broadcast_in_dim3A_62 : f32 to vector<16xf32>
      %swap3A_64 = arith.constant 160 : index
      %swap3A_65 = tpu.vector_load %arg14[%swap3A_64] {strides = array<i32>} : memref<272xf32, #tpu.memory_space<vmem>>, vector<16xf32>,
      tpu.vector_store %arg14[%swap3A_64], %broadcast_in_dim3A_63 {strides = array<i32>} : memref<272xf32, #tpu.memory_space<vmem>>, vector<16xf32>,
      %broadcast_in_dim3A_66 = arith.constant 0.000000e+00 : f32
      %broadcast_in_dim3A_67 = vector.broadcast %broadcast_in_dim3A_66 : f32 to vector<16xf32>
      %swap3A_68 = arith.constant 176 : index
      %swap3A_69 = tpu.vector_load %arg14[%swap3A_68] {strides = array<i32>} : memref<272xf32, #tpu.memory_space<vmem>>, vector<16xf32>,
      tpu.vector_store %arg14[%swap3A_68], %broadcast_in_dim3A_67 {strides = array<i32>} : memref<272xf32, #tpu.memory_space<vmem>>, vector<16xf32>,
      %broadcast_in_dim3A_70 = arith.constant 0.000000e+00 : f32
      %broadcast_in_dim3A_71 = vector.broadcast %broadcast_in_dim3A_70 : f32 to vector<16xf32>
      %swap3A_72 = arith.constant 192 : index
      %swap3A_73 = tpu.vector_load %arg14[%swap3A_72] {strides = array<i32>} : memref<272xf32, #tpu.memory_space<vmem>>, vector<16xf32>,
      tpu.vector_store %arg14[%swap3A_72], %broadcast_in_dim3A_71 {strides = array<i32>} : memref<272xf32, #tpu.memory_space<vmem>>, vector<16xf32>,
      %broadcast_in_dim3A_74 = arith.constant 0.000000e+00 : f32
      %broadcast_in_dim3A_75 = vector.broadcast %broadcast_in_dim3A_74 : f32 to vector<16xf32>
      %swap3A_76 = arith.constant 208 : index
      %swap3A_77 = tpu.vector_load %arg14[%swap3A_76] {strides = array<i32>} : memref<272xf32, #tpu.memory_space<vmem>>, vector<16xf32>,
      tpu.vector_store %arg14[%swap3A_76], %broadcast_in_dim3A_75 {strides = array<i32>} : memref<272xf32, #tpu.memory_space<vmem>>, vector<16xf32>,
      %broadcast_in_dim3A_78 = arith.constant 0.000000e+00 : f32
      %broadcast_in_dim3A_79 = vector.broadcast %broadcast_in_dim3A_78 : f32 to vector<16xf32>
      %swap3A_80 = arith.constant 224 : index
      %swap3A_81 = tpu.vector_load %arg14[%swap3A_80] {strides = array<i32>} : memref<272xf32, #tpu.memory_space<vmem>>, vector<16xf32>,
      tpu.vector_store %arg14[%swap3A_80], %broadcast_in_dim3A_79 {strides = array<i32>} : memref<272xf32, #tpu.memory_space<vmem>>, vector<16xf32>,
      %broadcast_in_dim3A_82 = arith.constant 0.000000e+00 : f32
      %broadcast_in_dim3A_83 = vector.broadcast %broadcast_in_dim3A_82 : f32 to vector<16xf32>
      %swap3A_84 = arith.constant 240 : index
      %swap3A_85 = tpu.vector_load %arg14[%swap3A_84] {strides = array<i32>} : memref<272xf32, #tpu.memory_space<vmem>>, vector<16xf32>,
      tpu.vector_store %arg14[%swap3A_84], %broadcast_in_dim3A_83 {strides = array<i32>} : memref<272xf32, #tpu.memory_space<vmem>>, vector<16xf32>,
      %scan3A_86 = arith.constant 0 : i32
      %scan3A_87 = arith.constant 16 : i32
      %scan3A_88 = arith.addi %scan3A_86, %scan3A_87 : i32
      %scan3A_89 = arith.constant 1 : i32
      scf.for %scan3A_91 = %scan3A_86 to %scan3A_88 step %scan3A_89  : i32 {
        %mul3A_92 = arith.constant 1 : i32
        %mul3A_93 = arith.muli %scan3A_91, %mul3A_92 : i32
        %add3A_94 = arith.constant 0 : i32
        %add3A_95 = arith.addi %add3A_94, %mul3A_93 : i32
        %mul3A_96 = arith.constant 16 : i32
        %mul3A_97 = arith.muli %add3A_95, %mul3A_96 : i32
        %broadcast_in_dim3A_98 = vector.broadcast %mul3A_97 : i32 to vector<16xi32>
        %gather3A = tpu.vector_load_idx %arg12[%broadcast_in_dim3A_98] : memref<256xf32, #tpu.memory_space<vmem>>[vector<16xi32>], vector<16xf32>,
        %add3A_99 = arith.constant 16 : i32
        %add3A_100 = arith.addi %mul3A_97, %add3A_99 : i32
        %sub3A = arith.constant 1 : i32
        %sub3A_101 = arith.subi %add3A_100, %sub3A : i32
        %broadcast_in_dim3A_102 = vector.broadcast %sub3A_101 : i32 to vector<16xi32>
        %gather3A_103 = tpu.vector_load_idx %arg12[%broadcast_in_dim3A_102] : memref<256xf32, #tpu.memory_space<vmem>>[vector<16xi32>], vector<16xf32>,
        %broadcast_in_dim3A_104 = arith.constant 0 : i32
        %broadcast_in_dim3A_105 = vector.broadcast %broadcast_in_dim3A_104 : i32 to vector<16xi32>
        %add3A_106 = arith.constant 0 : i32
        %add3A_107 = vector.broadcast %add3A_106 : i32 to vector<16xi32>
        %add3A_108 = arith.addi %add3A_107, %iota3A : vector<16xi32>
        %get3A = arith.constant 0 : index
        %get3A_109 = tpu.vector_load %arg33[%get3A] {strides = array<i32>} : memref<272xf32, #tpu.memory_space<vmem>>, vector<16xf32>,
        %get3A_110 = arith.constant 0 : index
        %get3A_111 = tpu.vector_load %arg34[%get3A_110] {strides = array<i32>} : memref<272xf32, #tpu.memory_space<vmem>>, vector<16xf32>,
        %lt3A = arith.cmpi slt, %add3A_108, %scan3A_15 : vector<16xi32>
        %ge3A = arith.cmpf oge, %get3A_111, %gather3A_103 : vector<16xf32>
        %and3A = arith.andi %lt3A, %ge3A : vector<16xi1>
        %le3A = arith.cmpf ole, %get3A_109, %gather3A : vector<16xf32>
        %and3A_112 = arith.andi %and3A, %le3A : vector<16xi1>
        %convert_element_type3A_113 = arith.extui %and3A_112 : vector<16xi1> to vector<16xi32>
        %broadcast_in_dim3A_114 = arith.constant true
        %broadcast_in_dim3A_115 = vector.broadcast %broadcast_in_dim3A_114 : i1 to vector<16xi1>
        %masked_cumsum3A = tpu.scan <sum>, %convert_element_type3A_113 masked %broadcast_in_dim3A_115 : vector<16xi32>, vector<16xi1> -> vector<16xi32>
        %add3A_116 = arith.addi %broadcast_in_dim3A_105, %masked_cumsum3A : vector<16xi32>
        %sub3A_117 = arith.constant 1 : i32
        %sub3A_118 = vector.broadcast %sub3A_117 : i32 to vector<16xi32>
        %sub3A_119 = arith.subi %add3A_116, %sub3A_118 : vector<16xi32>
        %max3A = arith.constant 0 : i32
        %max3A_120 = vector.broadcast %max3A : i32 to vector<16xi32>
        %max3A_121 = arith.maxsi %sub3A_119, %max3A_120 : vector<16xi32>
        %convert_element_type3A_122 = arith.sitofp %add3A_108 : vector<16xi32> to vector<16xf32>
        tpu.vector_store_idx %arg14[%max3A_121], %convert_element_type3A_122 masked %and3A_112 : memref<272xf32, #tpu.memory_space<vmem>>[vector<16xi32>], vector<16xf32>, vector<16xi1>
        %all_reduce_population_count3A = tpu.all_reduce %and3A_112 {dim = 0 : i64, kind = #tpu.reduction_kind<sum>} : vector<16xi1> -> vector<16xi32>
        %add3A_123 = arith.addi %broadcast_in_dim3A_105, %all_reduce_population_count3A : vector<16xi32>
        %add3A_124 = arith.constant 16 : i32
        %add3A_125 = vector.broadcast %add3A_124 : i32 to vector<16xi32>
        %add3A_126 = arith.addi %add3A_125, %iota3A : vector<16xi32>
        %get3A_127 = arith.constant 16 : index
        %get3A_128 = tpu.vector_load %arg33[%get3A_127] {strides = array<i32>} : memref<272xf32, #tpu.memory_space<vmem>>, vector<16xf32>,
        %get3A_129 = arith.constant 16 : index
        %get3A_130 = tpu.vector_load %arg34[%get3A_129] {strides = array<i32>} : memref<272xf32, #tpu.memory_space<vmem>>, vector<16xf32>,
        %lt3A_131 = arith.cmpi slt, %add3A_126, %scan3A_15 : vector<16xi32>
        %ge3A_132 = arith.cmpf oge, %get3A_130, %gather3A_103 : vector<16xf32>
        %and3A_133 = arith.andi %lt3A_131, %ge3A_132 : vector<16xi1>
        %le3A_134 = arith.cmpf ole, %get3A_128, %gather3A : vector<16xf32>
        %and3A_135 = arith.andi %and3A_133, %le3A_134 : vector<16xi1>
        %convert_element_type3A_136 = arith.extui %and3A_135 : vector<16xi1> to vector<16xi32>
        %broadcast_in_dim3A_137 = arith.constant true
        %broadcast_in_dim3A_138 = vector.broadcast %broadcast_in_dim3A_137 : i1 to vector<16xi1>
        %masked_cumsum3A_139 = tpu.scan <sum>, %convert_element_type3A_136 masked %broadcast_in_dim3A_138 : vector<16xi32>, vector<16xi1> -> vector<16xi32>
        %add3A_140 = arith.addi %add3A_123, %masked_cumsum3A_139 : vector<16xi32>
        %sub3A_141 = arith.constant 1 : i32
        %sub3A_142 = vector.broadcast %sub3A_141 : i32 to vector<16xi32>
        %sub3A_143 = arith.subi %add3A_140, %sub3A_142 : vector<16xi32>
        %max3A_144 = arith.constant 0 : i32
        %max3A_145 = vector.broadcast %max3A_144 : i32 to vector<16xi32>
        %max3A_146 = arith.maxsi %sub3A_143, %max3A_145 : vector<16xi32>
        %convert_element_type3A_147 = arith.sitofp %add3A_126 : vector<16xi32> to vector<16xf32>
        tpu.vector_store_idx %arg14[%max3A_146], %convert_element_type3A_147 masked %and3A_135 : memref<272xf32, #tpu.memory_space<vmem>>[vector<16xi32>], vector<16xf32>, vector<16xi1>
        %all_reduce_population_count3A_148 = tpu.all_reduce %and3A_135 {dim = 0 : i64, kind = #tpu.reduction_kind<sum>} : vector<16xi1> -> vector<16xi32>
        %add3A_149 = arith.addi %add3A_123, %all_reduce_population_count3A_148 : vector<16xi32>
        %add3A_150 = arith.constant 32 : i32
        %add3A_151 = vector.broadcast %add3A_150 : i32 to vector<16xi32>
        %add3A_152 = arith.addi %add3A_151, %iota3A : vector<16xi32>
        %get3A_153 = arith.constant 32 : index
        %get3A_154 = tpu.vector_load %arg33[%get3A_153] {strides = array<i32>} : memref<272xf32, #tpu.memory_space<vmem>>, vector<16xf32>,
        %get3A_155 = arith.constant 32 : index
        %get3A_156 = tpu.vector_load %arg34[%get3A_155] {strides = array<i32>} : memref<272xf32, #tpu.memory_space<vmem>>, vector<16xf32>,
        %lt3A_157 = arith.cmpi slt, %add3A_152, %scan3A_15 : vector<16xi32>
        %ge3A_158 = arith.cmpf oge, %get3A_156, %gather3A_103 : vector<16xf32>
        %and3A_159 = arith.andi %lt3A_157, %ge3A_158 : vector<16xi1>
        %le3A_160 = arith.cmpf ole, %get3A_154, %gather3A : vector<16xf32>
        %and3A_161 = arith.andi %and3A_159, %le3A_160 : vector<16xi1>
        %convert_element_type3A_162 = arith.extui %and3A_161 : vector<16xi1> to vector<16xi32>
        %broadcast_in_dim3A_163 = arith.constant true
        %broadcast_in_dim3A_164 = vector.broadcast %broadcast_in_dim3A_163 : i1 to vector<16xi1>
        %masked_cumsum3A_165 = tpu.scan <sum>, %convert_element_type3A_162 masked %broadcast_in_dim3A_164 : vector<16xi32>, vector<16xi1> -> vector<16xi32>
        %add3A_166 = arith.addi %add3A_149, %masked_cumsum3A_165 : vector<16xi32>
        %sub3A_167 = arith.constant 1 : i32
        %sub3A_168 = vector.broadcast %sub3A_167 : i32 to vector<16xi32>
        %sub3A_169 = arith.subi %add3A_166, %sub3A_168 : vector<16xi32>
        %max3A_170 = arith.constant 0 : i32
        %max3A_171 = vector.broadcast %max3A_170 : i32 to vector<16xi32>
        %max3A_172 = arith.maxsi %sub3A_169, %max3A_171 : vector<16xi32>
        %convert_element_type3A_173 = arith.sitofp %add3A_152 : vector<16xi32> to vector<16xf32>
        tpu.vector_store_idx %arg14[%max3A_172], %convert_element_type3A_173 masked %and3A_161 : memref<272xf32, #tpu.memory_space<vmem>>[vector<16xi32>], vector<16xf32>, vector<16xi1>
        %all_reduce_population_count3A_174 = tpu.all_reduce %and3A_161 {dim = 0 : i64, kind = #tpu.reduction_kind<sum>} : vector<16xi1> -> vector<16xi32>
        %add3A_175 = arith.addi %add3A_149, %all_reduce_population_count3A_174 : vector<16xi32>
        %add3A_176 = arith.constant 48 : i32
        %add3A_177 = vector.broadcast %add3A_176 : i32 to vector<16xi32>
        %add3A_178 = arith.addi %add3A_177, %iota3A : vector<16xi32>
        %get3A_179 = arith.constant 48 : index
        %get3A_180 = tpu.vector_load %arg33[%get3A_179] {strides = array<i32>} : memref<272xf32, #tpu.memory_space<vmem>>, vector<16xf32>,
        %get3A_181 = arith.constant 48 : index
        %get3A_182 = tpu.vector_load %arg34[%get3A_181] {strides = array<i32>} : memref<272xf32, #tpu.memory_space<vmem>>, vector<16xf32>,
        %lt3A_183 = arith.cmpi slt, %add3A_178, %scan3A_15 : vector<16xi32>
        %ge3A_184 = arith.cmpf oge, %get3A_182, %gather3A_103 : vector<16xf32>
        %and3A_185 = arith.andi %lt3A_183, %ge3A_184 : vector<16xi1>
        %le3A_186 = arith.cmpf ole, %get3A_180, %gather3A : vector<16xf32>
        %and3A_187 = arith.andi %and3A_185, %le3A_186 : vector<16xi1>
        %convert_element_type3A_188 = arith.extui %and3A_187 : vector<16xi1> to vector<16xi32>
        %broadcast_in_dim3A_189 = arith.constant true
        %broadcast_in_dim3A_190 = vector.broadcast %broadcast_in_dim3A_189 : i1 to vector<16xi1>
        %masked_cumsum3A_191 = tpu.scan <sum>, %convert_element_type3A_188 masked %broadcast_in_dim3A_190 : vector<16xi32>, vector<16xi1> -> vector<16xi32>
        %add3A_192 = arith.addi %add3A_175, %masked_cumsum3A_191 : vector<16xi32>
        %sub3A_193 = arith.constant 1 : i32
        %sub3A_194 = vector.broadcast %sub3A_193 : i32 to vector<16xi32>
        %sub3A_195 = arith.subi %add3A_192, %sub3A_194 : vector<16xi32>
        %max3A_196 = arith.constant 0 : i32
        %max3A_197 = vector.broadcast %max3A_196 : i32 to vector<16xi32>
        %max3A_198 = arith.maxsi %sub3A_195, %max3A_197 : vector<16xi32>
        %convert_element_type3A_199 = arith.sitofp %add3A_178 : vector<16xi32> to vector<16xf32>
        tpu.vector_store_idx %arg14[%max3A_198], %convert_element_type3A_199 masked %and3A_187 : memref<272xf32, #tpu.memory_space<vmem>>[vector<16xi32>], vector<16xf32>, vector<16xi1>
        %all_reduce_population_count3A_200 = tpu.all_reduce %and3A_187 {dim = 0 : i64, kind = #tpu.reduction_kind<sum>} : vector<16xi1> -> vector<16xi32>
        %add3A_201 = arith.addi %add3A_175, %all_reduce_population_count3A_200 : vector<16xi32>
        %add3A_202 = arith.constant 64 : i32
        %add3A_203 = vector.broadcast %add3A_202 : i32 to vector<16xi32>
        %add3A_204 = arith.addi %add3A_203, %iota3A : vector<16xi32>
        %get3A_205 = arith.constant 64 : index
        %get3A_206 = tpu.vector_load %arg33[%get3A_205] {strides = array<i32>} : memref<272xf32, #tpu.memory_space<vmem>>, vector<16xf32>,
        %get3A_207 = arith.constant 64 : index
        %get3A_208 = tpu.vector_load %arg34[%get3A_207] {strides = array<i32>} : memref<272xf32, #tpu.memory_space<vmem>>, vector<16xf32>,
        %lt3A_209 = arith.cmpi slt, %add3A_204, %scan3A_15 : vector<16xi32>
        %ge3A_210 = arith.cmpf oge, %get3A_208, %gather3A_103 : vector<16xf32>
        %and3A_211 = arith.andi %lt3A_209, %ge3A_210 : vector<16xi1>
        %le3A_212 = arith.cmpf ole, %get3A_206, %gather3A : vector<16xf32>
        %and3A_213 = arith.andi %and3A_211, %le3A_212 : vector<16xi1>
        %convert_element_type3A_214 = arith.extui %and3A_213 : vector<16xi1> to vector<16xi32>
        %broadcast_in_dim3A_215 = arith.constant true
        %broadcast_in_dim3A_216 = vector.broadcast %broadcast_in_dim3A_215 : i1 to vector<16xi1>
        %masked_cumsum3A_217 = tpu.scan <sum>, %convert_element_type3A_214 masked %broadcast_in_dim3A_216 : vector<16xi32>, vector<16xi1> -> vector<16xi32>
        %add3A_218 = arith.addi %add3A_201, %masked_cumsum3A_217 : vector<16xi32>
        %sub3A_219 = arith.constant 1 : i32
        %sub3A_220 = vector.broadcast %sub3A_219 : i32 to vector<16xi32>
        %sub3A_221 = arith.subi %add3A_218, %sub3A_220 : vector<16xi32>
        %max3A_222 = arith.constant 0 : i32
        %max3A_223 = vector.broadcast %max3A_222 : i32 to vector<16xi32>
        %max3A_224 = arith.maxsi %sub3A_221, %max3A_223 : vector<16xi32>
        %convert_element_type3A_225 = arith.sitofp %add3A_204 : vector<16xi32> to vector<16xf32>
        tpu.vector_store_idx %arg14[%max3A_224], %convert_element_type3A_225 masked %and3A_213 : memref<272xf32, #tpu.memory_space<vmem>>[vector<16xi32>], vector<16xf32>, vector<16xi1>
        %all_reduce_population_count3A_226 = tpu.all_reduce %and3A_213 {dim = 0 : i64, kind = #tpu.reduction_kind<sum>} : vector<16xi1> -> vector<16xi32>
        %add3A_227 = arith.addi %add3A_201, %all_reduce_population_count3A_226 : vector<16xi32>
        %add3A_228 = arith.constant 80 : i32
        %add3A_229 = vector.broadcast %add3A_228 : i32 to vector<16xi32>
        %add3A_230 = arith.addi %add3A_229, %iota3A : vector<16xi32>
        %get3A_231 = arith.constant 80 : index
        %get3A_232 = tpu.vector_load %arg33[%get3A_231] {strides = array<i32>} : memref<272xf32, #tpu.memory_space<vmem>>, vector<16xf32>,
        %get3A_233 = arith.constant 80 : index
        %get3A_234 = tpu.vector_load %arg34[%get3A_233] {strides = array<i32>} : memref<272xf32, #tpu.memory_space<vmem>>, vector<16xf32>,
        %lt3A_235 = arith.cmpi slt, %add3A_230, %scan3A_15 : vector<16xi32>
        %ge3A_236 = arith.cmpf oge, %get3A_234, %gather3A_103 : vector<16xf32>
        %and3A_237 = arith.andi %lt3A_235, %ge3A_236 : vector<16xi1>
        %le3A_238 = arith.cmpf ole, %get3A_232, %gather3A : vector<16xf32>
        %and3A_239 = arith.andi %and3A_237, %le3A_238 : vector<16xi1>
        %convert_element_type3A_240 = arith.extui %and3A_239 : vector<16xi1> to vector<16xi32>
        %broadcast_in_dim3A_241 = arith.constant true
        %broadcast_in_dim3A_242 = vector.broadcast %broadcast_in_dim3A_241 : i1 to vector<16xi1>
        %masked_cumsum3A_243 = tpu.scan <sum>, %convert_element_type3A_240 masked %broadcast_in_dim3A_242 : vector<16xi32>, vector<16xi1> -> vector<16xi32>
        %add3A_244 = arith.addi %add3A_227, %masked_cumsum3A_243 : vector<16xi32>
        %sub3A_245 = arith.constant 1 : i32
        %sub3A_246 = vector.broadcast %sub3A_245 : i32 to vector<16xi32>
        %sub3A_247 = arith.subi %add3A_244, %sub3A_246 : vector<16xi32>
        %max3A_248 = arith.constant 0 : i32
        %max3A_249 = vector.broadcast %max3A_248 : i32 to vector<16xi32>
        %max3A_250 = arith.maxsi %sub3A_247, %max3A_249 : vector<16xi32>
        %convert_element_type3A_251 = arith.sitofp %add3A_230 : vector<16xi32> to vector<16xf32>
        tpu.vector_store_idx %arg14[%max3A_250], %convert_element_type3A_251 masked %and3A_239 : memref<272xf32, #tpu.memory_space<vmem>>[vector<16xi32>], vector<16xf32>, vector<16xi1>
        %all_reduce_population_count3A_252 = tpu.all_reduce %and3A_239 {dim = 0 : i64, kind = #tpu.reduction_kind<sum>} : vector<16xi1> -> vector<16xi32>
        %add3A_253 = arith.addi %add3A_227, %all_reduce_population_count3A_252 : vector<16xi32>
        %add3A_254 = arith.constant 96 : i32
        %add3A_255 = vector.broadcast %add3A_254 : i32 to vector<16xi32>
        %add3A_256 = arith.addi %add3A_255, %iota3A : vector<16xi32>
        %get3A_257 = arith.constant 96 : index
        %get3A_258 = tpu.vector_load %arg33[%get3A_257] {strides = array<i32>} : memref<272xf32, #tpu.memory_space<vmem>>, vector<16xf32>,
        %get3A_259 = arith.constant 96 : index
        %get3A_260 = tpu.vector_load %arg34[%get3A_259] {strides = array<i32>} : memref<272xf32, #tpu.memory_space<vmem>>, vector<16xf32>,
        %lt3A_261 = arith.cmpi slt, %add3A_256, %scan3A_15 : vector<16xi32>
        %ge3A_262 = arith.cmpf oge, %get3A_260, %gather3A_103 : vector<16xf32>
        %and3A_263 = arith.andi %lt3A_261, %ge3A_262 : vector<16xi1>
        %le3A_264 = arith.cmpf ole, %get3A_258, %gather3A : vector<16xf32>
        %and3A_265 = arith.andi %and3A_263, %le3A_264 : vector<16xi1>
        %convert_element_type3A_266 = arith.extui %and3A_265 : vector<16xi1> to vector<16xi32>
        %broadcast_in_dim3A_267 = arith.constant true
        %broadcast_in_dim3A_268 = vector.broadcast %broadcast_in_dim3A_267 : i1 to vector<16xi1>
        %masked_cumsum3A_269 = tpu.scan <sum>, %convert_element_type3A_266 masked %broadcast_in_dim3A_268 : vector<16xi32>, vector<16xi1> -> vector<16xi32>
        %add3A_270 = arith.addi %add3A_253, %masked_cumsum3A_269 : vector<16xi32>
        %sub3A_271 = arith.constant 1 : i32
        %sub3A_272 = vector.broadcast %sub3A_271 : i32 to vector<16xi32>
        %sub3A_273 = arith.subi %add3A_270, %sub3A_272 : vector<16xi32>
        %max3A_274 = arith.constant 0 : i32
        %max3A_275 = vector.broadcast %max3A_274 : i32 to vector<16xi32>
        %max3A_276 = arith.maxsi %sub3A_273, %max3A_275 : vector<16xi32>
        %convert_element_type3A_277 = arith.sitofp %add3A_256 : vector<16xi32> to vector<16xf32>
        tpu.vector_store_idx %arg14[%max3A_276], %convert_element_type3A_277 masked %and3A_265 : memref<272xf32, #tpu.memory_space<vmem>>[vector<16xi32>], vector<16xf32>, vector<16xi1>
        %all_reduce_population_count3A_278 = tpu.all_reduce %and3A_265 {dim = 0 : i64, kind = #tpu.reduction_kind<sum>} : vector<16xi1> -> vector<16xi32>
        %add3A_279 = arith.addi %add3A_253, %all_reduce_population_count3A_278 : vector<16xi32>
        %add3A_280 = arith.constant 112 : i32
        %add3A_281 = vector.broadcast %add3A_280 : i32 to vector<16xi32>
        %add3A_282 = arith.addi %add3A_281, %iota3A : vector<16xi32>
        %get3A_283 = arith.constant 112 : index
        %get3A_284 = tpu.vector_load %arg33[%get3A_283] {strides = array<i32>} : memref<272xf32, #tpu.memory_space<vmem>>, vector<16xf32>,
        %get3A_285 = arith.constant 112 : index
        %get3A_286 = tpu.vector_load %arg34[%get3A_285] {strides = array<i32>} : memref<272xf32, #tpu.memory_space<vmem>>, vector<16xf32>,
        %lt3A_287 = arith.cmpi slt, %add3A_282, %scan3A_15 : vector<16xi32>
        %ge3A_288 = arith.cmpf oge, %get3A_286, %gather3A_103 : vector<16xf32>
        %and3A_289 = arith.andi %lt3A_287, %ge3A_288 : vector<16xi1>
        %le3A_290 = arith.cmpf ole, %get3A_284, %gather3A : vector<16xf32>
        %and3A_291 = arith.andi %and3A_289, %le3A_290 : vector<16xi1>
        %convert_element_type3A_292 = arith.extui %and3A_291 : vector<16xi1> to vector<16xi32>
        %broadcast_in_dim3A_293 = arith.constant true
        %broadcast_in_dim3A_294 = vector.broadcast %broadcast_in_dim3A_293 : i1 to vector<16xi1>
        %masked_cumsum3A_295 = tpu.scan <sum>, %convert_element_type3A_292 masked %broadcast_in_dim3A_294 : vector<16xi32>, vector<16xi1> -> vector<16xi32>
        %add3A_296 = arith.addi %add3A_279, %masked_cumsum3A_295 : vector<16xi32>
        %sub3A_297 = arith.constant 1 : i32
        %sub3A_298 = vector.broadcast %sub3A_297 : i32 to vector<16xi32>
        %sub3A_299 = arith.subi %add3A_296, %sub3A_298 : vector<16xi32>
        %max3A_300 = arith.constant 0 : i32
        %max3A_301 = vector.broadcast %max3A_300 : i32 to vector<16xi32>
        %max3A_302 = arith.maxsi %sub3A_299, %max3A_301 : vector<16xi32>
        %convert_element_type3A_303 = arith.sitofp %add3A_282 : vector<16xi32> to vector<16xf32>
        tpu.vector_store_idx %arg14[%max3A_302], %convert_element_type3A_303 masked %and3A_291 : memref<272xf32, #tpu.memory_space<vmem>>[vector<16xi32>], vector<16xf32>, vector<16xi1>
        %all_reduce_population_count3A_304 = tpu.all_reduce %and3A_291 {dim = 0 : i64, kind = #tpu.reduction_kind<sum>} : vector<16xi1> -> vector<16xi32>
        %add3A_305 = arith.addi %add3A_279, %all_reduce_population_count3A_304 : vector<16xi32>
        %add3A_306 = arith.constant 128 : i32
        %add3A_307 = vector.broadcast %add3A_306 : i32 to vector<16xi32>
        %add3A_308 = arith.addi %add3A_307, %iota3A : vector<16xi32>
        %get3A_309 = arith.constant 128 : index
        %get3A_310 = tpu.vector_load %arg33[%get3A_309] {strides = array<i32>} : memref<272xf32, #tpu.memory_space<vmem>>, vector<16xf32>,
        %get3A_311 = arith.constant 128 : index
        %get3A_312 = tpu.vector_load %arg34[%get3A_311] {strides = array<i32>} : memref<272xf32, #tpu.memory_space<vmem>>, vector<16xf32>,
        %lt3A_313 = arith.cmpi slt, %add3A_308, %scan3A_15 : vector<16xi32>
        %ge3A_314 = arith.cmpf oge, %get3A_312, %gather3A_103 : vector<16xf32>
        %and3A_315 = arith.andi %lt3A_313, %ge3A_314 : vector<16xi1>
        %le3A_316 = arith.cmpf ole, %get3A_310, %gather3A : vector<16xf32>
        %and3A_317 = arith.andi %and3A_315, %le3A_316 : vector<16xi1>
        %convert_element_type3A_318 = arith.extui %and3A_317 : vector<16xi1> to vector<16xi32>
        %broadcast_in_dim3A_319 = arith.constant true
        %broadcast_in_dim3A_320 = vector.broadcast %broadcast_in_dim3A_319 : i1 to vector<16xi1>
        %masked_cumsum3A_321 = tpu.scan <sum>, %convert_element_type3A_318 masked %broadcast_in_dim3A_320 : vector<16xi32>, vector<16xi1> -> vector<16xi32>
        %add3A_322 = arith.addi %add3A_305, %masked_cumsum3A_321 : vector<16xi32>
        %sub3A_323 = arith.constant 1 : i32
        %sub3A_324 = vector.broadcast %sub3A_323 : i32 to vector<16xi32>
        %sub3A_325 = arith.subi %add3A_322, %sub3A_324 : vector<16xi32>
        %max3A_326 = arith.constant 0 : i32
        %max3A_327 = vector.broadcast %max3A_326 : i32 to vector<16xi32>
        %max3A_328 = arith.maxsi %sub3A_325, %max3A_327 : vector<16xi32>
        %convert_element_type3A_329 = arith.sitofp %add3A_308 : vector<16xi32> to vector<16xf32>
        tpu.vector_store_idx %arg14[%max3A_328], %convert_element_type3A_329 masked %and3A_317 : memref<272xf32, #tpu.memory_space<vmem>>[vector<16xi32>], vector<16xf32>, vector<16xi1>
        %all_reduce_population_count3A_330 = tpu.all_reduce %and3A_317 {dim = 0 : i64, kind = #tpu.reduction_kind<sum>} : vector<16xi1> -> vector<16xi32>
        %add3A_331 = arith.addi %add3A_305, %all_reduce_population_count3A_330 : vector<16xi32>
        %add3A_332 = arith.constant 144 : i32
        %add3A_333 = vector.broadcast %add3A_332 : i32 to vector<16xi32>
        %add3A_334 = arith.addi %add3A_333, %iota3A : vector<16xi32>
        %get3A_335 = arith.constant 144 : index
        %get3A_336 = tpu.vector_load %arg33[%get3A_335] {strides = array<i32>} : memref<272xf32, #tpu.memory_space<vmem>>, vector<16xf32>,
        %get3A_337 = arith.constant 144 : index
        %get3A_338 = tpu.vector_load %arg34[%get3A_337] {strides = array<i32>} : memref<272xf32, #tpu.memory_space<vmem>>, vector<16xf32>,
        %lt3A_339 = arith.cmpi slt, %add3A_334, %scan3A_15 : vector<16xi32>
        %ge3A_340 = arith.cmpf oge, %get3A_338, %gather3A_103 : vector<16xf32>
        %and3A_341 = arith.andi %lt3A_339, %ge3A_340 : vector<16xi1>
        %le3A_342 = arith.cmpf ole, %get3A_336, %gather3A : vector<16xf32>
        %and3A_343 = arith.andi %and3A_341, %le3A_342 : vector<16xi1>
        %convert_element_type3A_344 = arith.extui %and3A_343 : vector<16xi1> to vector<16xi32>
        %broadcast_in_dim3A_345 = arith.constant true
        %broadcast_in_dim3A_346 = vector.broadcast %broadcast_in_dim3A_345 : i1 to vector<16xi1>
        %masked_cumsum3A_347 = tpu.scan <sum>, %convert_element_type3A_344 masked %broadcast_in_dim3A_346 : vector<16xi32>, vector<16xi1> -> vector<16xi32>
        %add3A_348 = arith.addi %add3A_331, %masked_cumsum3A_347 : vector<16xi32>
        %sub3A_349 = arith.constant 1 : i32
        %sub3A_350 = vector.broadcast %sub3A_349 : i32 to vector<16xi32>
        %sub3A_351 = arith.subi %add3A_348, %sub3A_350 : vector<16xi32>
        %max3A_352 = arith.constant 0 : i32
        %max3A_353 = vector.broadcast %max3A_352 : i32 to vector<16xi32>
        %max3A_354 = arith.maxsi %sub3A_351, %max3A_353 : vector<16xi32>
        %convert_element_type3A_355 = arith.sitofp %add3A_334 : vector<16xi32> to vector<16xf32>
        tpu.vector_store_idx %arg14[%max3A_354], %convert_element_type3A_355 masked %and3A_343 : memref<272xf32, #tpu.memory_space<vmem>>[vector<16xi32>], vector<16xf32>, vector<16xi1>
        %all_reduce_population_count3A_356 = tpu.all_reduce %and3A_343 {dim = 0 : i64, kind = #tpu.reduction_kind<sum>} : vector<16xi1> -> vector<16xi32>
        %add3A_357 = arith.addi %add3A_331, %all_reduce_population_count3A_356 : vector<16xi32>
        %add3A_358 = arith.constant 160 : i32
        %add3A_359 = vector.broadcast %add3A_358 : i32 to vector<16xi32>
        %add3A_360 = arith.addi %add3A_359, %iota3A : vector<16xi32>
        %get3A_361 = arith.constant 160 : index
        %get3A_362 = tpu.vector_load %arg33[%get3A_361] {strides = array<i32>} : memref<272xf32, #tpu.memory_space<vmem>>, vector<16xf32>,
        %get3A_363 = arith.constant 160 : index
        %get3A_364 = tpu.vector_load %arg34[%get3A_363] {strides = array<i32>} : memref<272xf32, #tpu.memory_space<vmem>>, vector<16xf32>,
        %lt3A_365 = arith.cmpi slt, %add3A_360, %scan3A_15 : vector<16xi32>
        %ge3A_366 = arith.cmpf oge, %get3A_364, %gather3A_103 : vector<16xf32>
        %and3A_367 = arith.andi %lt3A_365, %ge3A_366 : vector<16xi1>
        %le3A_368 = arith.cmpf ole, %get3A_362, %gather3A : vector<16xf32>
        %and3A_369 = arith.andi %and3A_367, %le3A_368 : vector<16xi1>
        %convert_element_type3A_370 = arith.extui %and3A_369 : vector<16xi1> to vector<16xi32>
        %broadcast_in_dim3A_371 = arith.constant true
        %broadcast_in_dim3A_372 = vector.broadcast %broadcast_in_dim3A_371 : i1 to vector<16xi1>
        %masked_cumsum3A_373 = tpu.scan <sum>, %convert_element_type3A_370 masked %broadcast_in_dim3A_372 : vector<16xi32>, vector<16xi1> -> vector<16xi32>
        %add3A_374 = arith.addi %add3A_357, %masked_cumsum3A_373 : vector<16xi32>
        %sub3A_375 = arith.constant 1 : i32
        %sub3A_376 = vector.broadcast %sub3A_375 : i32 to vector<16xi32>
        %sub3A_377 = arith.subi %add3A_374, %sub3A_376 : vector<16xi32>
        %max3A_378 = arith.constant 0 : i32
        %max3A_379 = vector.broadcast %max3A_378 : i32 to vector<16xi32>
        %max3A_380 = arith.maxsi %sub3A_377, %max3A_379 : vector<16xi32>
        %convert_element_type3A_381 = arith.sitofp %add3A_360 : vector<16xi32> to vector<16xf32>
        tpu.vector_store_idx %arg14[%max3A_380], %convert_element_type3A_381 masked %and3A_369 : memref<272xf32, #tpu.memory_space<vmem>>[vector<16xi32>], vector<16xf32>, vector<16xi1>
        %all_reduce_population_count3A_382 = tpu.all_reduce %and3A_369 {dim = 0 : i64, kind = #tpu.reduction_kind<sum>} : vector<16xi1> -> vector<16xi32>
        %add3A_383 = arith.addi %add3A_357, %all_reduce_population_count3A_382 : vector<16xi32>
        %add3A_384 = arith.constant 176 : i32
        %add3A_385 = vector.broadcast %add3A_384 : i32 to vector<16xi32>
        %add3A_386 = arith.addi %add3A_385, %iota3A : vector<16xi32>
        %get3A_387 = arith.constant 176 : index
        %get3A_388 = tpu.vector_load %arg33[%get3A_387] {strides = array<i32>} : memref<272xf32, #tpu.memory_space<vmem>>, vector<16xf32>,
        %get3A_389 = arith.constant 176 : index
        %get3A_390 = tpu.vector_load %arg34[%get3A_389] {strides = array<i32>} : memref<272xf32, #tpu.memory_space<vmem>>, vector<16xf32>,
        %lt3A_391 = arith.cmpi slt, %add3A_386, %scan3A_15 : vector<16xi32>
        %ge3A_392 = arith.cmpf oge, %get3A_390, %gather3A_103 : vector<16xf32>
        %and3A_393 = arith.andi %lt3A_391, %ge3A_392 : vector<16xi1>
        %le3A_394 = arith.cmpf ole, %get3A_388, %gather3A : vector<16xf32>
        %and3A_395 = arith.andi %and3A_393, %le3A_394 : vector<16xi1>
        %convert_element_type3A_396 = arith.extui %and3A_395 : vector<16xi1> to vector<16xi32>
        %broadcast_in_dim3A_397 = arith.constant true
        %broadcast_in_dim3A_398 = vector.broadcast %broadcast_in_dim3A_397 : i1 to vector<16xi1>
        %masked_cumsum3A_399 = tpu.scan <sum>, %convert_element_type3A_396 masked %broadcast_in_dim3A_398 : vector<16xi32>, vector<16xi1> -> vector<16xi32>
        %add3A_400 = arith.addi %add3A_383, %masked_cumsum3A_399 : vector<16xi32>
        %sub3A_401 = arith.constant 1 : i32
        %sub3A_402 = vector.broadcast %sub3A_401 : i32 to vector<16xi32>
        %sub3A_403 = arith.subi %add3A_400, %sub3A_402 : vector<16xi32>
        %max3A_404 = arith.constant 0 : i32
        %max3A_405 = vector.broadcast %max3A_404 : i32 to vector<16xi32>
        %max3A_406 = arith.maxsi %sub3A_403, %max3A_405 : vector<16xi32>
        %convert_element_type3A_407 = arith.sitofp %add3A_386 : vector<16xi32> to vector<16xf32>
        tpu.vector_store_idx %arg14[%max3A_406], %convert_element_type3A_407 masked %and3A_395 : memref<272xf32, #tpu.memory_space<vmem>>[vector<16xi32>], vector<16xf32>, vector<16xi1>
        %all_reduce_population_count3A_408 = tpu.all_reduce %and3A_395 {dim = 0 : i64, kind = #tpu.reduction_kind<sum>} : vector<16xi1> -> vector<16xi32>
        %add3A_409 = arith.addi %add3A_383, %all_reduce_population_count3A_408 : vector<16xi32>
        %add3A_410 = arith.constant 192 : i32
        %add3A_411 = vector.broadcast %add3A_410 : i32 to vector<16xi32>
        %add3A_412 = arith.addi %add3A_411, %iota3A : vector<16xi32>
        %get3A_413 = arith.constant 192 : index
        %get3A_414 = tpu.vector_load %arg33[%get3A_413] {strides = array<i32>} : memref<272xf32, #tpu.memory_space<vmem>>, vector<16xf32>,
        %get3A_415 = arith.constant 192 : index
        %get3A_416 = tpu.vector_load %arg34[%get3A_415] {strides = array<i32>} : memref<272xf32, #tpu.memory_space<vmem>>, vector<16xf32>,
        %lt3A_417 = arith.cmpi slt, %add3A_412, %scan3A_15 : vector<16xi32>
        %ge3A_418 = arith.cmpf oge, %get3A_416, %gather3A_103 : vector<16xf32>
        %and3A_419 = arith.andi %lt3A_417, %ge3A_418 : vector<16xi1>
        %le3A_420 = arith.cmpf ole, %get3A_414, %gather3A : vector<16xf32>
        %and3A_421 = arith.andi %and3A_419, %le3A_420 : vector<16xi1>
        %convert_element_type3A_422 = arith.extui %and3A_421 : vector<16xi1> to vector<16xi32>
        %broadcast_in_dim3A_423 = arith.constant true
        %broadcast_in_dim3A_424 = vector.broadcast %broadcast_in_dim3A_423 : i1 to vector<16xi1>
        %masked_cumsum3A_425 = tpu.scan <sum>, %convert_element_type3A_422 masked %broadcast_in_dim3A_424 : vector<16xi32>, vector<16xi1> -> vector<16xi32>
        %add3A_426 = arith.addi %add3A_409, %masked_cumsum3A_425 : vector<16xi32>
        %sub3A_427 = arith.constant 1 : i32
        %sub3A_428 = vector.broadcast %sub3A_427 : i32 to vector<16xi32>
        %sub3A_429 = arith.subi %add3A_426, %sub3A_428 : vector<16xi32>
        %max3A_430 = arith.constant 0 : i32
        %max3A_431 = vector.broadcast %max3A_430 : i32 to vector<16xi32>
        %max3A_432 = arith.maxsi %sub3A_429, %max3A_431 : vector<16xi32>
        %convert_element_type3A_433 = arith.sitofp %add3A_412 : vector<16xi32> to vector<16xf32>
        tpu.vector_store_idx %arg14[%max3A_432], %convert_element_type3A_433 masked %and3A_421 : memref<272xf32, #tpu.memory_space<vmem>>[vector<16xi32>], vector<16xf32>, vector<16xi1>
        %all_reduce_population_count3A_434 = tpu.all_reduce %and3A_421 {dim = 0 : i64, kind = #tpu.reduction_kind<sum>} : vector<16xi1> -> vector<16xi32>
        %add3A_435 = arith.addi %add3A_409, %all_reduce_population_count3A_434 : vector<16xi32>
        %add3A_436 = arith.constant 208 : i32
        %add3A_437 = vector.broadcast %add3A_436 : i32 to vector<16xi32>
        %add3A_438 = arith.addi %add3A_437, %iota3A : vector<16xi32>
        %get3A_439 = arith.constant 208 : index
        %get3A_440 = tpu.vector_load %arg33[%get3A_439] {strides = array<i32>} : memref<272xf32, #tpu.memory_space<vmem>>, vector<16xf32>,
        %get3A_441 = arith.constant 208 : index
        %get3A_442 = tpu.vector_load %arg34[%get3A_441] {strides = array<i32>} : memref<272xf32, #tpu.memory_space<vmem>>, vector<16xf32>,
        %lt3A_443 = arith.cmpi slt, %add3A_438, %scan3A_15 : vector<16xi32>
        %ge3A_444 = arith.cmpf oge, %get3A_442, %gather3A_103 : vector<16xf32>
        %and3A_445 = arith.andi %lt3A_443, %ge3A_444 : vector<16xi1>
        %le3A_446 = arith.cmpf ole, %get3A_440, %gather3A : vector<16xf32>
        %and3A_447 = arith.andi %and3A_445, %le3A_446 : vector<16xi1>
        %convert_element_type3A_448 = arith.extui %and3A_447 : vector<16xi1> to vector<16xi32>
        %broadcast_in_dim3A_449 = arith.constant true
        %broadcast_in_dim3A_450 = vector.broadcast %broadcast_in_dim3A_449 : i1 to vector<16xi1>
        %masked_cumsum3A_451 = tpu.scan <sum>, %convert_element_type3A_448 masked %broadcast_in_dim3A_450 : vector<16xi32>, vector<16xi1> -> vector<16xi32>
        %add3A_452 = arith.addi %add3A_435, %masked_cumsum3A_451 : vector<16xi32>
        %sub3A_453 = arith.constant 1 : i32
        %sub3A_454 = vector.broadcast %sub3A_453 : i32 to vector<16xi32>
        %sub3A_455 = arith.subi %add3A_452, %sub3A_454 : vector<16xi32>
        %max3A_456 = arith.constant 0 : i32
        %max3A_457 = vector.broadcast %max3A_456 : i32 to vector<16xi32>
        %max3A_458 = arith.maxsi %sub3A_455, %max3A_457 : vector<16xi32>
        %convert_element_type3A_459 = arith.sitofp %add3A_438 : vector<16xi32> to vector<16xf32>
        tpu.vector_store_idx %arg14[%max3A_458], %convert_element_type3A_459 masked %and3A_447 : memref<272xf32, #tpu.memory_space<vmem>>[vector<16xi32>], vector<16xf32>, vector<16xi1>
        %all_reduce_population_count3A_460 = tpu.all_reduce %and3A_447 {dim = 0 : i64, kind = #tpu.reduction_kind<sum>} : vector<16xi1> -> vector<16xi32>
        %add3A_461 = arith.addi %add3A_435, %all_reduce_population_count3A_460 : vector<16xi32>
        %add3A_462 = arith.constant 224 : i32
        %add3A_463 = vector.broadcast %add3A_462 : i32 to vector<16xi32>
        %add3A_464 = arith.addi %add3A_463, %iota3A : vector<16xi32>
        %get3A_465 = arith.constant 224 : index
        %get3A_466 = tpu.vector_load %arg33[%get3A_465] {strides = array<i32>} : memref<272xf32, #tpu.memory_space<vmem>>, vector<16xf32>,
        %get3A_467 = arith.constant 224 : index
        %get3A_468 = tpu.vector_load %arg34[%get3A_467] {strides = array<i32>} : memref<272xf32, #tpu.memory_space<vmem>>, vector<16xf32>,
        %lt3A_469 = arith.cmpi slt, %add3A_464, %scan3A_15 : vector<16xi32>
        %ge3A_470 = arith.cmpf oge, %get3A_468, %gather3A_103 : vector<16xf32>
        %and3A_471 = arith.andi %lt3A_469, %ge3A_470 : vector<16xi1>
        %le3A_472 = arith.cmpf ole, %get3A_466, %gather3A : vector<16xf32>
        %and3A_473 = arith.andi %and3A_471, %le3A_472 : vector<16xi1>
        %convert_element_type3A_474 = arith.extui %and3A_473 : vector<16xi1> to vector<16xi32>
        %broadcast_in_dim3A_475 = arith.constant true
        %broadcast_in_dim3A_476 = vector.broadcast %broadcast_in_dim3A_475 : i1 to vector<16xi1>
        %masked_cumsum3A_477 = tpu.scan <sum>, %convert_element_type3A_474 masked %broadcast_in_dim3A_476 : vector<16xi32>, vector<16xi1> -> vector<16xi32>
        %add3A_478 = arith.addi %add3A_461, %masked_cumsum3A_477 : vector<16xi32>
        %sub3A_479 = arith.constant 1 : i32
        %sub3A_480 = vector.broadcast %sub3A_479 : i32 to vector<16xi32>
        %sub3A_481 = arith.subi %add3A_478, %sub3A_480 : vector<16xi32>
        %max3A_482 = arith.constant 0 : i32
        %max3A_483 = vector.broadcast %max3A_482 : i32 to vector<16xi32>
        %max3A_484 = arith.maxsi %sub3A_481, %max3A_483 : vector<16xi32>
        %convert_element_type3A_485 = arith.sitofp %add3A_464 : vector<16xi32> to vector<16xf32>
        tpu.vector_store_idx %arg14[%max3A_484], %convert_element_type3A_485 masked %and3A_473 : memref<272xf32, #tpu.memory_space<vmem>>[vector<16xi32>], vector<16xf32>, vector<16xi1>
        %all_reduce_population_count3A_486 = tpu.all_reduce %and3A_473 {dim = 0 : i64, kind = #tpu.reduction_kind<sum>} : vector<16xi1> -> vector<16xi32>
        %add3A_487 = arith.addi %add3A_461, %all_reduce_population_count3A_486 : vector<16xi32>
        %add3A_488 = arith.constant 240 : i32
        %add3A_489 = vector.broadcast %add3A_488 : i32 to vector<16xi32>
        %add3A_490 = arith.addi %add3A_489, %iota3A : vector<16xi32>
        %get3A_491 = arith.constant 240 : index
        %get3A_492 = tpu.vector_load %arg33[%get3A_491] {strides = array<i32>} : memref<272xf32, #tpu.memory_space<vmem>>, vector<16xf32>,
        %get3A_493 = arith.constant 240 : index
        %get3A_494 = tpu.vector_load %arg34[%get3A_493] {strides = array<i32>} : memref<272xf32, #tpu.memory_space<vmem>>, vector<16xf32>,
        %lt3A_495 = arith.cmpi slt, %add3A_490, %scan3A_15 : vector<16xi32>
        %ge3A_496 = arith.cmpf oge, %get3A_494, %gather3A_103 : vector<16xf32>
        %and3A_497 = arith.andi %lt3A_495, %ge3A_496 : vector<16xi1>
        %le3A_498 = arith.cmpf ole, %get3A_492, %gather3A : vector<16xf32>
        %and3A_499 = arith.andi %and3A_497, %le3A_498 : vector<16xi1>
        %convert_element_type3A_500 = arith.extui %and3A_499 : vector<16xi1> to vector<16xi32>
        %broadcast_in_dim3A_501 = arith.constant true
        %broadcast_in_dim3A_502 = vector.broadcast %broadcast_in_dim3A_501 : i1 to vector<16xi1>
        %masked_cumsum3A_503 = tpu.scan <sum>, %convert_element_type3A_500 masked %broadcast_in_dim3A_502 : vector<16xi32>, vector<16xi1> -> vector<16xi32>
        %add3A_504 = arith.addi %add3A_487, %masked_cumsum3A_503 : vector<16xi32>
        %sub3A_505 = arith.constant 1 : i32
        %sub3A_506 = vector.broadcast %sub3A_505 : i32 to vector<16xi32>
        %sub3A_507 = arith.subi %add3A_504, %sub3A_506 : vector<16xi32>
        %max3A_508 = arith.constant 0 : i32
        %max3A_509 = vector.broadcast %max3A_508 : i32 to vector<16xi32>
        %max3A_510 = arith.maxsi %sub3A_507, %max3A_509 : vector<16xi32>
        %convert_element_type3A_511 = arith.sitofp %add3A_490 : vector<16xi32> to vector<16xf32>
        tpu.vector_store_idx %arg14[%max3A_510], %convert_element_type3A_511 masked %and3A_499 : memref<272xf32, #tpu.memory_space<vmem>>[vector<16xi32>], vector<16xf32>, vector<16xi1>
        %all_reduce_population_count3A_512 = tpu.all_reduce %and3A_499 {dim = 0 : i64, kind = #tpu.reduction_kind<sum>} : vector<16xi1> -> vector<16xi32>
        %add3A_513 = arith.addi %add3A_487, %all_reduce_population_count3A_512 : vector<16xi32>
        %broadcast_in_dim3A_514 = vector.broadcast %add3A_95 : i32 to vector<16xi32>
        %convert_element_type3A_515 = arith.sitofp %add3A_513 : vector<16xi32> to vector<16xf32>
        %eq3A_516 = arith.constant 0 : i32
        %eq3A_517 = vector.broadcast %eq3A_516 : i32 to vector<16xi32>
        %eq3A_518 = arith.cmpi eq, %iota3A, %eq3A_517 : vector<16xi32>
        tpu.vector_store_idx %arg15[%broadcast_in_dim3A_514], %convert_element_type3A_515 masked %eq3A_518 : memref<16xf32, #tpu.memory_space<vmem>>[vector<16xi32>], vector<16xf32>, vector<16xi1>
        %mul3A_519 = arith.constant 256 : i32
        %mul3A_520 = arith.muli %add3A_95, %mul3A_519 : i32
        %add3A_521 = arith.constant 6144 : i32
        %add3A_522 = arith.addi %add3A_521, %mul3A_520 : i32
        "tpu.region"() ({
          %run_scoped3A = tpu.sem_alloc : memref<!tpu.dma_semaphore, #tpu.memory_space<semaphore_mem>>
          %dma_start3A = arith.constant 0 : i32
          %dma_start3A_523 = tpu.memref_slice %arg14[%dma_start3A] : memref<272xf32, #tpu.memory_space<vmem>> -> memref<256xf32, #tpu.memory_space<vmem>>
          %dma_start3A_524 = tpu.memref_slice %arg7[%add3A_522] : memref<10272xf32, #tpu.memory_space<hbm>> -> memref<256xf32, #tpu.memory_space<hbm>>
          %dma_start3A_525 = tpu.memref_slice %arg7[%add3A_522] : memref<10272xf32, #tpu.memory_space<hbm>> -> memref<256xf32, #tpu.memory_space<hbm>>
          %dma_start3A_526 = arith.constant 0 : i32
          %dma_start3A_527 = tpu.memref_slice %arg14[%dma_start3A_526] : memref<272xf32, #tpu.memory_space<vmem>> -> memref<256xf32, #tpu.memory_space<vmem>>
          tpu.enqueue_dma source(%dma_start3A_527 : memref<256xf32, #tpu.memory_space<vmem>>) target(%dma_start3A_525 : memref<256xf32, #tpu.memory_space<hbm>>) target_semaphore(%run_scoped3A : memref<!tpu.dma_semaphore, #tpu.memory_space<semaphore_mem>>)
          %dma_wait3A = arith.constant 0 : i32
          %dma_wait3A_528 = tpu.memref_slice %arg14[%dma_wait3A] : memref<272xf32, #tpu.memory_space<vmem>> -> memref<256xf32, #tpu.memory_space<vmem>>
          %dma_wait3A_529 = tpu.memref_slice %arg7[%add3A_522] : memref<10272xf32, #tpu.memory_space<hbm>> -> memref<256xf32, #tpu.memory_space<hbm>>
          %dma_wait3A_530 = tpu.memref_slice %arg7[%add3A_522] : memref<10272xf32, #tpu.memory_space<hbm>> -> memref<256xf32, #tpu.memory_space<hbm>>
          %dma_wait3A_531 = arith.constant 0 : i32
          %dma_wait3A_532 = tpu.memref_slice %arg14[%dma_wait3A_531] : memref<272xf32, #tpu.memory_space<vmem>> -> memref<256xf32, #tpu.memory_space<vmem>>
          tpu.wait_dma2 semaphore(%run_scoped3A : memref<!tpu.dma_semaphore, #tpu.memory_space<semaphore_mem>>) src(%dma_wait3A_532 : memref<256xf32, #tpu.memory_space<vmem>>) dst(%dma_wait3A_530 : memref<256xf32, #tpu.memory_space<hbm>>)
          tpu.yield
        }) : () -> ()
      }
      %scan3A_90 = arith.constant 16 : i32
      "tpu.region"() ({
        %run_scoped3A = tpu.sem_alloc : memref<!tpu.dma_semaphore, #tpu.memory_space<semaphore_mem>>
        %dma_start3A = arith.constant 10256 : i32
        %dma_start3A_91 = tpu.memref_slice %arg7[%dma_start3A] : memref<10272xf32, #tpu.memory_space<hbm>> -> memref<16xf32, #tpu.memory_space<hbm>>
        %dma_start3A_92 = arith.constant 10256 : i32
        %dma_start3A_93 = tpu.memref_slice %arg7[%dma_start3A_92] : memref<10272xf32, #tpu.memory_space<hbm>> -> memref<16xf32, #tpu.memory_space<hbm>>
        tpu.enqueue_dma source(%arg15 : memref<16xf32, #tpu.memory_space<vmem>>) target(%dma_start3A_93 : memref<16xf32, #tpu.memory_space<hbm>>) target_semaphore(%run_scoped3A : memref<!tpu.dma_semaphore, #tpu.memory_space<semaphore_mem>>)
        %dma_wait3A = arith.constant 10256 : i32
        %dma_wait3A_94 = tpu.memref_slice %arg7[%dma_wait3A] : memref<10272xf32, #tpu.memory_space<hbm>> -> memref<16xf32, #tpu.memory_space<hbm>>
        %dma_wait3A_95 = arith.constant 10256 : i32
        %dma_wait3A_96 = tpu.memref_slice %arg7[%dma_wait3A_95] : memref<10272xf32, #tpu.memory_space<hbm>> -> memref<16xf32, #tpu.memory_space<hbm>>
        tpu.wait_dma2 semaphore(%run_scoped3A : memref<!tpu.dma_semaphore, #tpu.memory_space<semaphore_mem>>) src(%arg15 : memref<16xf32, #tpu.memory_space<vmem>>) dst(%dma_wait3A_96 : memref<16xf32, #tpu.memory_space<hbm>>)
        tpu.yield
      }) : () -> ()
    } else {
    }
    return
  }
}

module attributes {stable_mosaic.version = 14 : i64} {
  func.func @_raster_body(%arg0: i32, %arg1: memref<18x256xf32, #tpu.memory_space<smem>>, %arg2: memref<16x256xi32, #tpu.memory_space<smem>>, %arg3: memref<1x16xi32, #tpu.memory_space<smem>>, %arg4: memref<1x256xf32, #tpu.memory_space<vmem>>, %arg5: memref<16x1xf32, #tpu.memory_space<vmem>>, %arg6: memref<1x1xf32, #tpu.memory_space<smem>>, %arg7: memref<16x256xi32, #tpu.memory_space<vmem>>, %arg8: memref<16x256xf32, #tpu.memory_space<vmem>>, %arg9: memref<16x256xf32, #tpu.memory_space<vmem>>) attributes {dimension_semantics = [#tpu.dimension_semantics<arbitrary>], iteration_bounds = array<i64: 16>, scalar_prefetch = 0 : i64, scratch_operands = 0 : i64, tpu.core_type = #tpu.core_type<tc>, window_params = [{transform_indices = @transform_0, window_bounds = array<i64: 18, 256>}, {transform_indices = @transform_1, window_bounds = array<i64: 16, 256>}, {transform_indices = @transform_2, window_bounds = array<i64: 1, 16>}, {pipeline_mode = #tpu.pipeline_mode<synchronous>, transform_indices = @transform_3, window_bounds = array<i64: 1, 256>}, {transform_indices = @transform_4, window_bounds = array<i64: 16, 1>}, {transform_indices = @transform_5, window_bounds = array<i64: 1, 1>}, {transform_indices = @transform_6, window_bounds = array<i64: 16, 256>}, {transform_indices = @transform_7, window_bounds = array<i64: 16, 256>}, {transform_indices = @transform_8, window_bounds = array<i64: 16, 256>}]} {
    %get3A = arith.constant 0 : index
    %get3A_0 = arith.constant 0 : index
    %get3A_1 = vector.load %arg4[%get3A, %get3A_0] : memref<1x256xf32, #tpu.memory_space<vmem>>, vector<1x256xf32>
    %broadcast_in_dim3A = vector.shape_cast %get3A_1 : vector<1x256xf32> to vector<1x256xf32>
    %broadcast_in_dim3A_2 = vector.broadcast %broadcast_in_dim3A : vector<1x256xf32> to vector<16x256xf32>
    %get3A_3 = arith.constant 0 : index
    %get3A_4 = arith.constant 0 : index
    %get3A_5 = vector.load %arg5[%get3A_3, %get3A_4] : memref<16x1xf32, #tpu.memory_space<vmem>>, vector<16x1xf32>
    %broadcast_in_dim3A_6 = vector.shape_cast %get3A_5 : vector<16x1xf32> to vector<16x1xf32>
    %broadcast_in_dim3A_7 = vector.broadcast %broadcast_in_dim3A_6 : vector<16x1xf32> to vector<16x256xf32>
    %get3A_8 = arith.constant 0 : index
    %get3A_9 = arith.constant 0 : index
    %get3A_10 = memref.load %arg6[%get3A_8, %get3A_9] : memref<1x1xf32, #tpu.memory_space<smem>>
    %broadcast_in_dim3A_11 = vector.broadcast %get3A_10 : f32 to vector<16x256xf32>
    %broadcast_in_dim3A_12 = arith.constant -1 : i32
    %broadcast_in_dim3A_13 = vector.broadcast %broadcast_in_dim3A_12 : i32 to vector<16x256xi32>
    %broadcast_in_dim3A_14 = arith.constant 0.000000e+00 : f32
    %broadcast_in_dim3A_15 = vector.broadcast %broadcast_in_dim3A_14 : f32 to vector<16x256xf32>
    %broadcast_in_dim3A_16 = arith.constant 0.000000e+00 : f32
    %broadcast_in_dim3A_17 = vector.broadcast %broadcast_in_dim3A_16 : f32 to vector<16x256xf32>
    %get3A_18 = arith.constant 0 : index
    %get3A_19 = arith.index_cast %arg0 : i32 to index
    %get3A_20 = memref.load %arg3[%get3A_18, %get3A_19] : memref<1x16xi32, #tpu.memory_space<smem>>
    %get3A_21 = arith.index_cast %arg0 : i32 to index
    %get3A_22 = arith.constant 0 : index
    %get3A_23 = memref.load %arg2[%get3A_21, %get3A_22] : memref<16x256xi32, #tpu.memory_space<smem>>
    %get3A_24 = arith.constant 0 : index
    %get3A_25 = arith.index_cast %get3A_23 : i32 to index
    %get3A_26 = memref.load %arg1[%get3A_24, %get3A_25] : memref<18x256xf32, #tpu.memory_space<smem>>
    %get3A_27 = arith.constant 1 : index
    %get3A_28 = arith.index_cast %get3A_23 : i32 to index
    %get3A_29 = memref.load %arg1[%get3A_27, %get3A_28] : memref<18x256xf32, #tpu.memory_space<smem>>
    %get3A_30 = arith.constant 2 : index
    %get3A_31 = arith.index_cast %get3A_23 : i32 to index
    %get3A_32 = memref.load %arg1[%get3A_30, %get3A_31] : memref<18x256xf32, #tpu.memory_space<smem>>
    %get3A_33 = arith.constant 3 : index
    %get3A_34 = arith.index_cast %get3A_23 : i32 to index
    %get3A_35 = memref.load %arg1[%get3A_33, %get3A_34] : memref<18x256xf32, #tpu.memory_space<smem>>
    %get3A_36 = arith.constant 4 : index
    %get3A_37 = arith.index_cast %get3A_23 : i32 to index
    %get3A_38 = memref.load %arg1[%get3A_36, %get3A_37] : memref<18x256xf32, #tpu.memory_space<smem>>
    %get3A_39 = arith.constant 5 : index
    %get3A_40 = arith.index_cast %get3A_23 : i32 to index
    %get3A_41 = memref.load %arg1[%get3A_39, %get3A_40] : memref<18x256xf32, #tpu.memory_space<smem>>
    %get3A_42 = arith.constant 6 : index
    %get3A_43 = arith.index_cast %get3A_23 : i32 to index
    %get3A_44 = memref.load %arg1[%get3A_42, %get3A_43] : memref<18x256xf32, #tpu.memory_space<smem>>
    %get3A_45 = arith.constant 7 : index
    %get3A_46 = arith.index_cast %get3A_23 : i32 to index
    %get3A_47 = memref.load %arg1[%get3A_45, %get3A_46] : memref<18x256xf32, #tpu.memory_space<smem>>
    %get3A_48 = arith.constant 8 : index
    %get3A_49 = arith.index_cast %get3A_23 : i32 to index
    %get3A_50 = memref.load %arg1[%get3A_48, %get3A_49] : memref<18x256xf32, #tpu.memory_space<smem>>
    %get3A_51 = arith.constant 9 : index
    %get3A_52 = arith.index_cast %get3A_23 : i32 to index
    %get3A_53 = memref.load %arg1[%get3A_51, %get3A_52] : memref<18x256xf32, #tpu.memory_space<smem>>
    %get3A_54 = arith.constant 10 : index
    %get3A_55 = arith.index_cast %get3A_23 : i32 to index
    %get3A_56 = memref.load %arg1[%get3A_54, %get3A_55] : memref<18x256xf32, #tpu.memory_space<smem>>
    %get3A_57 = arith.constant 11 : index
    %get3A_58 = arith.index_cast %get3A_23 : i32 to index
    %get3A_59 = memref.load %arg1[%get3A_57, %get3A_58] : memref<18x256xf32, #tpu.memory_space<smem>>
    %get3A_60 = arith.constant 12 : index
    %get3A_61 = arith.index_cast %get3A_23 : i32 to index
    %get3A_62 = memref.load %arg1[%get3A_60, %get3A_61] : memref<18x256xf32, #tpu.memory_space<smem>>
    %get3A_63 = arith.constant 13 : index
    %get3A_64 = arith.index_cast %get3A_23 : i32 to index
    %get3A_65 = memref.load %arg1[%get3A_63, %get3A_64] : memref<18x256xf32, #tpu.memory_space<smem>>
    %get3A_66 = arith.constant 14 : index
    %get3A_67 = arith.index_cast %get3A_23 : i32 to index
    %get3A_68 = memref.load %arg1[%get3A_66, %get3A_67] : memref<18x256xf32, #tpu.memory_space<smem>>
    %get3A_69 = arith.constant 15 : index
    %get3A_70 = arith.index_cast %get3A_23 : i32 to index
    %get3A_71 = memref.load %arg1[%get3A_69, %get3A_70] : memref<18x256xf32, #tpu.memory_space<smem>>
    %while3A = arith.constant 0 : i32
    %while3A_72 = arith.subi %get3A_20, %while3A : i32
    %while3A_73 = arith.addi %while3A, %while3A_72 : i32
    %while3A_74 = arith.constant 1 : i32
    %while3A_75 = arith.divsi %while3A_72, %while3A_74 : i32
    %while3A_76 = arith.muli %while3A_75, %while3A_74 : i32
    %while3A_77 = arith.addi %while3A, %while3A_76 : i32
    %while3A_78 = arith.constant 1 : i32
    %while3A_79:21 = scf.for %while3A_90 = %while3A to %while3A_77 step %while3A_78 iter_args(%while3A_91 = %broadcast_in_dim3A_11, %while3A_92 = %broadcast_in_dim3A_13, %while3A_93 = %broadcast_in_dim3A_15, %while3A_94 = %broadcast_in_dim3A_17, %while3A_95 = %get3A_23, %while3A_96 = %get3A_26, %while3A_97 = %get3A_29, %while3A_98 = %get3A_32, %while3A_99 = %get3A_35, %while3A_100 = %get3A_38, %while3A_101 = %get3A_41, %while3A_102 = %get3A_44, %while3A_103 = %get3A_47, %while3A_104 = %get3A_50, %while3A_105 = %get3A_53, %while3A_106 = %get3A_56, %while3A_107 = %get3A_59, %while3A_108 = %get3A_62, %while3A_109 = %get3A_65, %while3A_110 = %get3A_68, %while3A_111 = %get3A_71) -> (vector<16x256xf32>, vector<16x256xi32>, vector<16x256xf32>, vector<16x256xf32>, i32, f32, f32, f32, f32, f32, f32, f32, f32, f32, f32, f32, f32, f32, f32, f32, f32)  : i32 {
      %add3A = arith.constant 1 : i32
      %add3A_112 = arith.addi %while3A_90, %add3A : i32
      %sub3A = arith.constant 1 : i32
      %sub3A_113 = arith.subi %get3A_20, %sub3A : i32
      %min3A = arith.minsi %add3A_112, %sub3A_113 : i32
      %get3A_114 = arith.index_cast %arg0 : i32 to index
      %get3A_115 = arith.index_cast %min3A : i32 to index
      %get3A_116 = memref.load %arg2[%get3A_114, %get3A_115] : memref<16x256xi32, #tpu.memory_space<smem>>
      %get3A_117 = arith.constant 0 : index
      %get3A_118 = arith.index_cast %get3A_116 : i32 to index
      %get3A_119 = memref.load %arg1[%get3A_117, %get3A_118] : memref<18x256xf32, #tpu.memory_space<smem>>
      %get3A_120 = arith.constant 1 : index
      %get3A_121 = arith.index_cast %get3A_116 : i32 to index
      %get3A_122 = memref.load %arg1[%get3A_120, %get3A_121] : memref<18x256xf32, #tpu.memory_space<smem>>
      %get3A_123 = arith.constant 2 : index
      %get3A_124 = arith.index_cast %get3A_116 : i32 to index
      %get3A_125 = memref.load %arg1[%get3A_123, %get3A_124] : memref<18x256xf32, #tpu.memory_space<smem>>
      %get3A_126 = arith.constant 3 : index
      %get3A_127 = arith.index_cast %get3A_116 : i32 to index
      %get3A_128 = memref.load %arg1[%get3A_126, %get3A_127] : memref<18x256xf32, #tpu.memory_space<smem>>
      %get3A_129 = arith.constant 4 : index
      %get3A_130 = arith.index_cast %get3A_116 : i32 to index
      %get3A_131 = memref.load %arg1[%get3A_129, %get3A_130] : memref<18x256xf32, #tpu.memory_space<smem>>
      %get3A_132 = arith.constant 5 : index
      %get3A_133 = arith.index_cast %get3A_116 : i32 to index
      %get3A_134 = memref.load %arg1[%get3A_132, %get3A_133] : memref<18x256xf32, #tpu.memory_space<smem>>
      %get3A_135 = arith.constant 6 : index
      %get3A_136 = arith.index_cast %get3A_116 : i32 to index
      %get3A_137 = memref.load %arg1[%get3A_135, %get3A_136] : memref<18x256xf32, #tpu.memory_space<smem>>
      %get3A_138 = arith.constant 7 : index
      %get3A_139 = arith.index_cast %get3A_116 : i32 to index
      %get3A_140 = memref.load %arg1[%get3A_138, %get3A_139] : memref<18x256xf32, #tpu.memory_space<smem>>
      %get3A_141 = arith.constant 8 : index
      %get3A_142 = arith.index_cast %get3A_116 : i32 to index
      %get3A_143 = memref.load %arg1[%get3A_141, %get3A_142] : memref<18x256xf32, #tpu.memory_space<smem>>
      %get3A_144 = arith.constant 9 : index
      %get3A_145 = arith.index_cast %get3A_116 : i32 to index
      %get3A_146 = memref.load %arg1[%get3A_144, %get3A_145] : memref<18x256xf32, #tpu.memory_space<smem>>
      %get3A_147 = arith.constant 10 : index
      %get3A_148 = arith.index_cast %get3A_116 : i32 to index
      %get3A_149 = memref.load %arg1[%get3A_147, %get3A_148] : memref<18x256xf32, #tpu.memory_space<smem>>
      %get3A_150 = arith.constant 11 : index
      %get3A_151 = arith.index_cast %get3A_116 : i32 to index
      %get3A_152 = memref.load %arg1[%get3A_150, %get3A_151] : memref<18x256xf32, #tpu.memory_space<smem>>
      %get3A_153 = arith.constant 12 : index
      %get3A_154 = arith.index_cast %get3A_116 : i32 to index
      %get3A_155 = memref.load %arg1[%get3A_153, %get3A_154] : memref<18x256xf32, #tpu.memory_space<smem>>
      %get3A_156 = arith.constant 13 : index
      %get3A_157 = arith.index_cast %get3A_116 : i32 to index
      %get3A_158 = memref.load %arg1[%get3A_156, %get3A_157] : memref<18x256xf32, #tpu.memory_space<smem>>
      %get3A_159 = arith.constant 14 : index
      %get3A_160 = arith.index_cast %get3A_116 : i32 to index
      %get3A_161 = memref.load %arg1[%get3A_159, %get3A_160] : memref<18x256xf32, #tpu.memory_space<smem>>
      %get3A_162 = arith.constant 15 : index
      %get3A_163 = arith.index_cast %get3A_116 : i32 to index
      %get3A_164 = memref.load %arg1[%get3A_162, %get3A_163] : memref<18x256xf32, #tpu.memory_space<smem>>
      %sub3A_165 = vector.broadcast %while3A_96 : f32 to vector<16x256xf32>
      %sub3A_166 = arith.subf %broadcast_in_dim3A_2, %sub3A_165 : vector<16x256xf32>
      %mul3A = vector.broadcast %while3A_98 : f32 to vector<16x256xf32>
      %mul3A_167 = arith.mulf %sub3A_166, %mul3A : vector<16x256xf32>
      %sub3A_168 = vector.broadcast %while3A_97 : f32 to vector<16x256xf32>
      %sub3A_169 = arith.subf %broadcast_in_dim3A_7, %sub3A_168 : vector<16x256xf32>
      %mul3A_170 = vector.broadcast %while3A_99 : f32 to vector<16x256xf32>
      %mul3A_171 = arith.mulf %sub3A_169, %mul3A_170 : vector<16x256xf32>
      %sub3A_172 = arith.subf %mul3A_167, %mul3A_171 : vector<16x256xf32>
      %sub3A_173 = vector.broadcast %while3A_100 : f32 to vector<16x256xf32>
      %sub3A_174 = arith.subf %broadcast_in_dim3A_2, %sub3A_173 : vector<16x256xf32>
      %mul3A_175 = vector.broadcast %while3A_102 : f32 to vector<16x256xf32>
      %mul3A_176 = arith.mulf %sub3A_174, %mul3A_175 : vector<16x256xf32>
      %sub3A_177 = vector.broadcast %while3A_101 : f32 to vector<16x256xf32>
      %sub3A_178 = arith.subf %broadcast_in_dim3A_7, %sub3A_177 : vector<16x256xf32>
      %mul3A_179 = vector.broadcast %while3A_103 : f32 to vector<16x256xf32>
      %mul3A_180 = arith.mulf %sub3A_178, %mul3A_179 : vector<16x256xf32>
      %sub3A_181 = arith.subf %mul3A_176, %mul3A_180 : vector<16x256xf32>
      %sub3A_182 = vector.broadcast %while3A_104 : f32 to vector<16x256xf32>
      %sub3A_183 = arith.subf %broadcast_in_dim3A_2, %sub3A_182 : vector<16x256xf32>
      %mul3A_184 = vector.broadcast %while3A_106 : f32 to vector<16x256xf32>
      %mul3A_185 = arith.mulf %sub3A_183, %mul3A_184 : vector<16x256xf32>
      %sub3A_186 = vector.broadcast %while3A_105 : f32 to vector<16x256xf32>
      %sub3A_187 = arith.subf %broadcast_in_dim3A_7, %sub3A_186 : vector<16x256xf32>
      %mul3A_188 = vector.broadcast %while3A_107 : f32 to vector<16x256xf32>
      %mul3A_189 = arith.mulf %sub3A_187, %mul3A_188 : vector<16x256xf32>
      %sub3A_190 = arith.subf %mul3A_185, %mul3A_189 : vector<16x256xf32>
      %max3A = arith.constant 0.000000e+00 : f32
      %max3A_191 = vector.broadcast %max3A : f32 to vector<16x256xf32>
      %max3A_192 = arith.maximumf %sub3A_172, %max3A_191 : vector<16x256xf32>
      %max3A_193 = arith.constant 0.000000e+00 : f32
      %max3A_194 = vector.broadcast %max3A_193 : f32 to vector<16x256xf32>
      %max3A_195 = arith.maximumf %sub3A_181, %max3A_194 : vector<16x256xf32>
      %mul3A_196 = arith.mulf %max3A_192, %max3A_195 : vector<16x256xf32>
      %max3A_197 = arith.constant 0.000000e+00 : f32
      %max3A_198 = vector.broadcast %max3A_197 : f32 to vector<16x256xf32>
      %max3A_199 = arith.maximumf %sub3A_190, %max3A_198 : vector<16x256xf32>
      %mul3A_200 = arith.mulf %mul3A_196, %max3A_199 : vector<16x256xf32>
      %gt3A = arith.constant 0.000000e+00 : f32
      %gt3A_201 = vector.broadcast %gt3A : f32 to vector<16x256xf32>
      %gt3A_202 = arith.cmpf ogt, %mul3A_200, %gt3A_201 : vector<16x256xf32>
      %mul3A_203 = vector.broadcast %while3A_111 : f32 to vector<16x256xf32>
      %mul3A_204 = arith.mulf %sub3A_181, %mul3A_203 : vector<16x256xf32>
      %mul3A_205 = vector.broadcast %while3A_111 : f32 to vector<16x256xf32>
      %mul3A_206 = arith.mulf %sub3A_190, %mul3A_205 : vector<16x256xf32>
      %sub3A_207 = arith.constant 1.000000e+00 : f32
      %sub3A_208 = vector.broadcast %sub3A_207 : f32 to vector<16x256xf32>
      %sub3A_209 = arith.subf %sub3A_208, %mul3A_204 : vector<16x256xf32>
      %sub3A_210 = arith.subf %sub3A_209, %mul3A_206 : vector<16x256xf32>
      %mul3A_211 = vector.broadcast %while3A_108 : f32 to vector<16x256xf32>
      %mul3A_212 = arith.mulf %mul3A_204, %mul3A_211 : vector<16x256xf32>
      %mul3A_213 = vector.broadcast %while3A_109 : f32 to vector<16x256xf32>
      %mul3A_214 = arith.mulf %mul3A_206, %mul3A_213 : vector<16x256xf32>
      %add3A_215 = arith.addf %mul3A_212, %mul3A_214 : vector<16x256xf32>
      %mul3A_216 = vector.broadcast %while3A_110 : f32 to vector<16x256xf32>
      %mul3A_217 = arith.mulf %sub3A_210, %mul3A_216 : vector<16x256xf32>
      %add3A_218 = arith.addf %add3A_215, %mul3A_217 : vector<16x256xf32>
      %ge3A = arith.cmpf oge, %add3A_218, %while3A_91 : vector<16x256xf32>
      %and3A = arith.andi %gt3A_202, %ge3A : vector<16x256xi1>
      %select_n3A = arith.select %and3A, %add3A_218, %while3A_91 : vector<16x256xi1>, vector<16x256xf32>
      %broadcast_in_dim3A_219 = vector.broadcast %while3A_95 : i32 to vector<16x256xi32>
      %select_n3A_220 = arith.select %and3A, %broadcast_in_dim3A_219, %while3A_92 : vector<16x256xi1>, vector<16x256xi32>
      %select_n3A_221 = arith.select %and3A, %mul3A_204, %while3A_93 : vector<16x256xi1>, vector<16x256xf32>
      %select_n3A_222 = arith.select %and3A, %mul3A_206, %while3A_94 : vector<16x256xi1>, vector<16x256xf32>
      scf.yield %select_n3A, %select_n3A_220, %select_n3A_221, %select_n3A_222, %get3A_116, %get3A_119, %get3A_122, %get3A_125, %get3A_128, %get3A_131, %get3A_134, %get3A_137, %get3A_140, %get3A_143, %get3A_146, %get3A_149, %get3A_152, %get3A_155, %get3A_158, %get3A_161, %get3A_164 : vector<16x256xf32>, vector<16x256xi32>, vector<16x256xf32>, vector<16x256xf32>, i32, f32, f32, f32, f32, f32, f32, f32, f32, f32, f32, f32, f32, f32, f32, f32, f32
    }
    %while3A_80 = arith.constant 1 : i32
    %while3A_81:21 = scf.for %while3A_90 = %while3A_77 to %while3A_73 step %while3A_80 iter_args(%while3A_91 = %while3A_79#0, %while3A_92 = %while3A_79#1, %while3A_93 = %while3A_79#2, %while3A_94 = %while3A_79#3, %while3A_95 = %while3A_79#4, %while3A_96 = %while3A_79#5, %while3A_97 = %while3A_79#6, %while3A_98 = %while3A_79#7, %while3A_99 = %while3A_79#8, %while3A_100 = %while3A_79#9, %while3A_101 = %while3A_79#10, %while3A_102 = %while3A_79#11, %while3A_103 = %while3A_79#12, %while3A_104 = %while3A_79#13, %while3A_105 = %while3A_79#14, %while3A_106 = %while3A_79#15, %while3A_107 = %while3A_79#16, %while3A_108 = %while3A_79#17, %while3A_109 = %while3A_79#18, %while3A_110 = %while3A_79#19, %while3A_111 = %while3A_79#20) -> (vector<16x256xf32>, vector<16x256xi32>, vector<16x256xf32>, vector<16x256xf32>, i32, f32, f32, f32, f32, f32, f32, f32, f32, f32, f32, f32, f32, f32, f32, f32, f32)  : i32 {
      %add3A = arith.constant 1 : i32
      %add3A_112 = arith.addi %while3A_90, %add3A : i32
      %sub3A = arith.constant 1 : i32
      %sub3A_113 = arith.subi %get3A_20, %sub3A : i32
      %min3A = arith.minsi %add3A_112, %sub3A_113 : i32
      %get3A_114 = arith.index_cast %arg0 : i32 to index
      %get3A_115 = arith.index_cast %min3A : i32 to index
      %get3A_116 = memref.load %arg2[%get3A_114, %get3A_115] : memref<16x256xi32, #tpu.memory_space<smem>>
      %get3A_117 = arith.constant 0 : index
      %get3A_118 = arith.index_cast %get3A_116 : i32 to index
      %get3A_119 = memref.load %arg1[%get3A_117, %get3A_118] : memref<18x256xf32, #tpu.memory_space<smem>>
      %get3A_120 = arith.constant 1 : index
      %get3A_121 = arith.index_cast %get3A_116 : i32 to index
      %get3A_122 = memref.load %arg1[%get3A_120, %get3A_121] : memref<18x256xf32, #tpu.memory_space<smem>>
      %get3A_123 = arith.constant 2 : index
      %get3A_124 = arith.index_cast %get3A_116 : i32 to index
      %get3A_125 = memref.load %arg1[%get3A_123, %get3A_124] : memref<18x256xf32, #tpu.memory_space<smem>>
      %get3A_126 = arith.constant 3 : index
      %get3A_127 = arith.index_cast %get3A_116 : i32 to index
      %get3A_128 = memref.load %arg1[%get3A_126, %get3A_127] : memref<18x256xf32, #tpu.memory_space<smem>>
      %get3A_129 = arith.constant 4 : index
      %get3A_130 = arith.index_cast %get3A_116 : i32 to index
      %get3A_131 = memref.load %arg1[%get3A_129, %get3A_130] : memref<18x256xf32, #tpu.memory_space<smem>>
      %get3A_132 = arith.constant 5 : index
      %get3A_133 = arith.index_cast %get3A_116 : i32 to index
      %get3A_134 = memref.load %arg1[%get3A_132, %get3A_133] : memref<18x256xf32, #tpu.memory_space<smem>>
      %get3A_135 = arith.constant 6 : index
      %get3A_136 = arith.index_cast %get3A_116 : i32 to index
      %get3A_137 = memref.load %arg1[%get3A_135, %get3A_136] : memref<18x256xf32, #tpu.memory_space<smem>>
      %get3A_138 = arith.constant 7 : index
      %get3A_139 = arith.index_cast %get3A_116 : i32 to index
      %get3A_140 = memref.load %arg1[%get3A_138, %get3A_139] : memref<18x256xf32, #tpu.memory_space<smem>>
      %get3A_141 = arith.constant 8 : index
      %get3A_142 = arith.index_cast %get3A_116 : i32 to index
      %get3A_143 = memref.load %arg1[%get3A_141, %get3A_142] : memref<18x256xf32, #tpu.memory_space<smem>>
      %get3A_144 = arith.constant 9 : index
      %get3A_145 = arith.index_cast %get3A_116 : i32 to index
      %get3A_146 = memref.load %arg1[%get3A_144, %get3A_145] : memref<18x256xf32, #tpu.memory_space<smem>>
      %get3A_147 = arith.constant 10 : index
      %get3A_148 = arith.index_cast %get3A_116 : i32 to index
      %get3A_149 = memref.load %arg1[%get3A_147, %get3A_148] : memref<18x256xf32, #tpu.memory_space<smem>>
      %get3A_150 = arith.constant 11 : index
      %get3A_151 = arith.index_cast %get3A_116 : i32 to index
      %get3A_152 = memref.load %arg1[%get3A_150, %get3A_151] : memref<18x256xf32, #tpu.memory_space<smem>>
      %get3A_153 = arith.constant 12 : index
      %get3A_154 = arith.index_cast %get3A_116 : i32 to index
      %get3A_155 = memref.load %arg1[%get3A_153, %get3A_154] : memref<18x256xf32, #tpu.memory_space<smem>>
      %get3A_156 = arith.constant 13 : index
      %get3A_157 = arith.index_cast %get3A_116 : i32 to index
      %get3A_158 = memref.load %arg1[%get3A_156, %get3A_157] : memref<18x256xf32, #tpu.memory_space<smem>>
      %get3A_159 = arith.constant 14 : index
      %get3A_160 = arith.index_cast %get3A_116 : i32 to index
      %get3A_161 = memref.load %arg1[%get3A_159, %get3A_160] : memref<18x256xf32, #tpu.memory_space<smem>>
      %get3A_162 = arith.constant 15 : index
      %get3A_163 = arith.index_cast %get3A_116 : i32 to index
      %get3A_164 = memref.load %arg1[%get3A_162, %get3A_163] : memref<18x256xf32, #tpu.memory_space<smem>>
      %sub3A_165 = vector.broadcast %while3A_96 : f32 to vector<16x256xf32>
      %sub3A_166 = arith.subf %broadcast_in_dim3A_2, %sub3A_165 : vector<16x256xf32>
      %mul3A = vector.broadcast %while3A_98 : f32 to vector<16x256xf32>
      %mul3A_167 = arith.mulf %sub3A_166, %mul3A : vector<16x256xf32>
      %sub3A_168 = vector.broadcast %while3A_97 : f32 to vector<16x256xf32>
      %sub3A_169 = arith.subf %broadcast_in_dim3A_7, %sub3A_168 : vector<16x256xf32>
      %mul3A_170 = vector.broadcast %while3A_99 : f32 to vector<16x256xf32>
      %mul3A_171 = arith.mulf %sub3A_169, %mul3A_170 : vector<16x256xf32>
      %sub3A_172 = arith.subf %mul3A_167, %mul3A_171 : vector<16x256xf32>
      %sub3A_173 = vector.broadcast %while3A_100 : f32 to vector<16x256xf32>
      %sub3A_174 = arith.subf %broadcast_in_dim3A_2, %sub3A_173 : vector<16x256xf32>
      %mul3A_175 = vector.broadcast %while3A_102 : f32 to vector<16x256xf32>
      %mul3A_176 = arith.mulf %sub3A_174, %mul3A_175 : vector<16x256xf32>
      %sub3A_177 = vector.broadcast %while3A_101 : f32 to vector<16x256xf32>
      %sub3A_178 = arith.subf %broadcast_in_dim3A_7, %sub3A_177 : vector<16x256xf32>
      %mul3A_179 = vector.broadcast %while3A_103 : f32 to vector<16x256xf32>
      %mul3A_180 = arith.mulf %sub3A_178, %mul3A_179 : vector<16x256xf32>
      %sub3A_181 = arith.subf %mul3A_176, %mul3A_180 : vector<16x256xf32>
      %sub3A_182 = vector.broadcast %while3A_104 : f32 to vector<16x256xf32>
      %sub3A_183 = arith.subf %broadcast_in_dim3A_2, %sub3A_182 : vector<16x256xf32>
      %mul3A_184 = vector.broadcast %while3A_106 : f32 to vector<16x256xf32>
      %mul3A_185 = arith.mulf %sub3A_183, %mul3A_184 : vector<16x256xf32>
      %sub3A_186 = vector.broadcast %while3A_105 : f32 to vector<16x256xf32>
      %sub3A_187 = arith.subf %broadcast_in_dim3A_7, %sub3A_186 : vector<16x256xf32>
      %mul3A_188 = vector.broadcast %while3A_107 : f32 to vector<16x256xf32>
      %mul3A_189 = arith.mulf %sub3A_187, %mul3A_188 : vector<16x256xf32>
      %sub3A_190 = arith.subf %mul3A_185, %mul3A_189 : vector<16x256xf32>
      %max3A = arith.constant 0.000000e+00 : f32
      %max3A_191 = vector.broadcast %max3A : f32 to vector<16x256xf32>
      %max3A_192 = arith.maximumf %sub3A_172, %max3A_191 : vector<16x256xf32>
      %max3A_193 = arith.constant 0.000000e+00 : f32
      %max3A_194 = vector.broadcast %max3A_193 : f32 to vector<16x256xf32>
      %max3A_195 = arith.maximumf %sub3A_181, %max3A_194 : vector<16x256xf32>
      %mul3A_196 = arith.mulf %max3A_192, %max3A_195 : vector<16x256xf32>
      %max3A_197 = arith.constant 0.000000e+00 : f32
      %max3A_198 = vector.broadcast %max3A_197 : f32 to vector<16x256xf32>
      %max3A_199 = arith.maximumf %sub3A_190, %max3A_198 : vector<16x256xf32>
      %mul3A_200 = arith.mulf %mul3A_196, %max3A_199 : vector<16x256xf32>
      %gt3A = arith.constant 0.000000e+00 : f32
      %gt3A_201 = vector.broadcast %gt3A : f32 to vector<16x256xf32>
      %gt3A_202 = arith.cmpf ogt, %mul3A_200, %gt3A_201 : vector<16x256xf32>
      %mul3A_203 = vector.broadcast %while3A_111 : f32 to vector<16x256xf32>
      %mul3A_204 = arith.mulf %sub3A_181, %mul3A_203 : vector<16x256xf32>
      %mul3A_205 = vector.broadcast %while3A_111 : f32 to vector<16x256xf32>
      %mul3A_206 = arith.mulf %sub3A_190, %mul3A_205 : vector<16x256xf32>
      %sub3A_207 = arith.constant 1.000000e+00 : f32
      %sub3A_208 = vector.broadcast %sub3A_207 : f32 to vector<16x256xf32>
      %sub3A_209 = arith.subf %sub3A_208, %mul3A_204 : vector<16x256xf32>
      %sub3A_210 = arith.subf %sub3A_209, %mul3A_206 : vector<16x256xf32>
      %mul3A_211 = vector.broadcast %while3A_108 : f32 to vector<16x256xf32>
      %mul3A_212 = arith.mulf %mul3A_204, %mul3A_211 : vector<16x256xf32>
      %mul3A_213 = vector.broadcast %while3A_109 : f32 to vector<16x256xf32>
      %mul3A_214 = arith.mulf %mul3A_206, %mul3A_213 : vector<16x256xf32>
      %add3A_215 = arith.addf %mul3A_212, %mul3A_214 : vector<16x256xf32>
      %mul3A_216 = vector.broadcast %while3A_110 : f32 to vector<16x256xf32>
      %mul3A_217 = arith.mulf %sub3A_210, %mul3A_216 : vector<16x256xf32>
      %add3A_218 = arith.addf %add3A_215, %mul3A_217 : vector<16x256xf32>
      %ge3A = arith.cmpf oge, %add3A_218, %while3A_91 : vector<16x256xf32>
      %and3A = arith.andi %gt3A_202, %ge3A : vector<16x256xi1>
      %select_n3A = arith.select %and3A, %add3A_218, %while3A_91 : vector<16x256xi1>, vector<16x256xf32>
      %broadcast_in_dim3A_219 = vector.broadcast %while3A_95 : i32 to vector<16x256xi32>
      %select_n3A_220 = arith.select %and3A, %broadcast_in_dim3A_219, %while3A_92 : vector<16x256xi1>, vector<16x256xi32>
      %select_n3A_221 = arith.select %and3A, %mul3A_204, %while3A_93 : vector<16x256xi1>, vector<16x256xf32>
      %select_n3A_222 = arith.select %and3A, %mul3A_206, %while3A_94 : vector<16x256xi1>, vector<16x256xf32>
      scf.yield %select_n3A, %select_n3A_220, %select_n3A_221, %select_n3A_222, %get3A_116, %get3A_119, %get3A_122, %get3A_125, %get3A_128, %get3A_131, %get3A_134, %get3A_137, %get3A_140, %get3A_143, %get3A_146, %get3A_149, %get3A_152, %get3A_155, %get3A_158, %get3A_161, %get3A_164 : vector<16x256xf32>, vector<16x256xi32>, vector<16x256xf32>, vector<16x256xf32>, i32, f32, f32, f32, f32, f32, f32, f32, f32, f32, f32, f32, f32, f32, f32, f32, f32
    }
    %swap3A = arith.constant 0 : index
    %swap3A_82 = arith.constant 0 : index
    %swap3A_83 = vector.load %arg7[%swap3A, %swap3A_82] : memref<16x256xi32, #tpu.memory_space<vmem>>, vector<16x256xi32>
    tpu.vector_store %arg7[%swap3A, %swap3A_82], %while3A_81#1 {strides = array<i32>} : memref<16x256xi32, #tpu.memory_space<vmem>>, vector<16x256xi32>,
    %swap3A_84 = arith.constant 0 : index
    %swap3A_85 = arith.constant 0 : index
    %swap3A_86 = vector.load %arg8[%swap3A_84, %swap3A_85] : memref<16x256xf32, #tpu.memory_space<vmem>>, vector<16x256xf32>
    tpu.vector_store %arg8[%swap3A_84, %swap3A_85], %while3A_81#2 {strides = array<i32>} : memref<16x256xf32, #tpu.memory_space<vmem>>, vector<16x256xf32>,
    %swap3A_87 = arith.constant 0 : index
    %swap3A_88 = arith.constant 0 : index
    %swap3A_89 = vector.load %arg9[%swap3A_87, %swap3A_88] : memref<16x256xf32, #tpu.memory_space<vmem>>, vector<16x256xf32>
    tpu.vector_store %arg9[%swap3A_87, %swap3A_88], %while3A_81#3 {strides = array<i32>} : memref<16x256xf32, #tpu.memory_space<vmem>>, vector<16x256xf32>,
    return
  }
  func.func @transform_0(%arg0: i32) -> (i32, i32) {
    %c0_i32 = arith.constant 0 : i32
    %c0_i32_0 = arith.constant 0 : i32
    %c0_i32_1 = arith.constant 0 : i32
    return %c0_i32, %c0_i32_0 : i32, i32
  }
  func.func @transform_1(%arg0: i32) -> (i32, i32) {
    %c0_i32 = arith.constant 0 : i32
    %c0_i32_0 = arith.constant 0 : i32
    %c0_i32_1 = arith.constant 0 : i32
    return %c0_i32, %c0_i32_0 : i32, i32
  }
  func.func @transform_2(%arg0: i32) -> (i32, i32) {
    %c0_i32 = arith.constant 0 : i32
    %c0_i32_0 = arith.constant 0 : i32
    %c0_i32_1 = arith.constant 0 : i32
    return %c0_i32, %c0_i32_0 : i32, i32
  }
  func.func @transform_3(%arg0: i32) -> (i32, i32) {
    %c0_i32 = arith.constant 0 : i32
    %c0_i32_0 = arith.constant 0 : i32
    %c0_i32_1 = arith.constant 0 : i32
    return %c0_i32, %c0_i32_0 : i32, i32
  }
  func.func @transform_4(%arg0: i32) -> (i32, i32) {
    %c0_i32 = arith.constant 0 : i32
    %c0_i32_0 = arith.constant 0 : i32
    return %arg0, %c0_i32 : i32, i32
  }
  func.func @transform_5(%arg0: i32) -> (i32, i32) {
    %c0_i32 = arith.constant 0 : i32
    %c0_i32_0 = arith.constant 0 : i32
    %c0_i32_1 = arith.constant 0 : i32
    return %c0_i32, %c0_i32_0 : i32, i32
  }
  func.func @transform_6(%arg0: i32) -> (i32, i32) {
    %c0_i32 = arith.constant 0 : i32
    %c0_i32_0 = arith.constant 0 : i32
    return %arg0, %c0_i32 : i32, i32
  }
  func.func @transform_7(%arg0: i32) -> (i32, i32) {
    %c0_i32 = arith.constant 0 : i32
    %c0_i32_0 = arith.constant 0 : i32
    return %arg0, %c0_i32 : i32, i32
  }
  func.func @transform_8(%arg0: i32) -> (i32, i32) {
    %c0_i32 = arith.constant 0 : i32
    %c0_i32_0 = arith.constant 0 : i32
    return %arg0, %c0_i32 : i32, i32
  }
}

</mosaic_0001>

<sc_bundles>
// kernel: kernel.5.cloned.1.call-start
scs
__scs_entry_jumppad:
0x0: {  	(pc) =	sbr.rel $0x88, $3  }
0x1: {  	(tag) =	ssettag $0x0;
	lr =	simm.s32 $0x1  }
0x2: {  	[smem:$0x3F9C] =	sst lr;
	_ =	strace $0xD0000000  }
0x3: {  	_ = 	snop  }
0x4: {  	_ = 	snop  }
0x5: {  	_ = 	snop  }
0x6: {  	_ = 	snop  }
0x7: {  	_ = 	snop  }
__scs_overlays_trampoline_lowered:
0x8: {  	[smem:$0x3FAB] =	sst s0  }
0x9: {  	[smem:$0x3FAC] =	sst s1  }
0xa: {  	[smem:$0x3FAD] =	sst s2  }
0xb: {  	[smem:$0x3FAE] =	sst s3  }
0xc: {  	[smem:$0x3FAF] =	sst s4  }
0xd: {  	[smem:$0x3FB0] =	sst s5  }
0xe: {  	[smem:$0x3FB1] =	sst s6  }
0xf: {  	[smem:$0x3FB2] =	sst s7  }
0x10: {  	[smem:$0x3FB3] =	sst s8  }
0x11: {  	[smem:$0x3FB4] =	sst s9;
	s0 =	simm.s32 @!p0 $0x0  }
0x12: {  	s1 =	sld [smem:$0x3F9A];
	s0 =	simm.s32 @p0 $0x1  }
0x13: {  	[smem:$0x3FB5] =	sst s0;
	s0 =	simm.s32 @!p1 $0x0  }
0x14: {  	s2 =	sld [smem:$0x3F99];
	s0 =	simm.s32 @p1 $0x1  }
0x15: {  	[smem:$0x3FB6] =	sst s0;
	s0 =	simm.s32 @!p2 $0x0  }
0x16: {  	s3 =	sld [smem:$0x3FDB];
	s0 =	simm.s32 @p2 $0x1  }
0x17: {  	s4 =	simm.s32 $0x1BF5;
	[smem:$0x3FB8] =	sst s0  }
0x18: {  	s0 =	sld [smem:$0x3F9B];
	_ =	swait.ge [sflag:s4], $0x0  }
0x19: {  	s7 =	sld [smem:$0x3F9C]  }
0x1a: {  	s8 =	sadd.s32 $0xFFFFE003, lr  }
0x1b: {  	s9 =	sadd.s32 $0xFFFFFEF7, lr;
	s5 =	simm.s32 $0xFFFFFFFF;
	p2 =	slt.u32 s8, $0xFFFFF086  }
0x1c: {  	p1 =	slt.u32 s9, $0xF7A;
	s5 =	simm.s32 @!p2 $0x0  }
0x1d: {  	s5 =	simm.s32 @p1 $0x1;
	p0 =	seq.s32 s7, s2  }
0x1e: {  	s7 =	smul.u32 @!p0 $0xF7A, s2;
	p2 =	seq.s32 @!p0 s5, $0x0  }
0x1f: {  	s9 =	smul.u32 $0xF7A, s1;
	s8 =	simm.s32 @!p0 $0x1BF5;
	p2 =	por !p2, p0  }
0x20: {  	[sflag:s8] =	ssyncset.s32 @!p0 $0xFFFFF086;
	s6 =	sadd.s32 @!p0 s3, s7;
	s7 =	simm.s32 @!p0 $0x108  }
0x21: {  	s3 =	sadd.s32 s3, s9;
	s6 =	sadd.s32 @!p0 $0x88, s6;
	s7 =	simm.s32 @p2 $0x1082  }
0x22: {  	[simem:s7], [sflag:s8] =	dma.local @!p0 [hbm:s6], $0xF7A  }
0x23: {  	s9 =	sor.u32 $0xD0000000, s2;
	s6 =	simm.s32 $0x108;
	_ =	swait.ge @!p0 [sflag:s8], $0x0  }
0x24: {  	s3 =	sadd.s32 $0x88, s3;
	s6 =	simm.s32 @!p1 $0x1082;
	[sflag:s4] =	ssyncset.s32 $0xFFFFF086  }
0x25: {  	[simem:s6], [sflag:s4] =	dma.local [hbm:s3], $0xF7A  }
0x26: {  	[smem:$0x3F9C] =	sst s1;
	(tag) =	ssettag s2;
	_ =	strace s9  }
0x27: {  	s1 =	sld [smem:$0x3FAC]  }
0x28: {  	s2 =	sld [smem:$0x3FAD]  }
0x29: {  	s4 =	sld [smem:$0x3FAF]  }
0x2a: {  	p0 =	seq.s32 s5, $0x0;
	s5 =	sld [smem:$0x3FB0]  }
0x2b: {  	s6 =	sld [smem:$0x3FB1]  }
0x2c: {  	s7 =	sld [smem:$0x3FB2]  }
0x2d: {  	s3 =	simm.s32 $0x108;
	s8 =	sld [smem:$0x3FB3]  }
0x2e: {  	s3 =	simm.s32 @!p0 $0x1082;
	s9 =	sld [smem:$0x3FB4]  }
0x2f: {  	lr =	sadd.s32 s0, s3;
	s0 =	sld [smem:$0x3FAB]  }
0x30: {  	s3 =	sld [smem:$0x3FAE]  }
0x31: {  	[smem:$0x3FB7] =	sst s10  }
0x32: {  	s10 =	sld [smem:$0x3FB5];
	_ =	sdelay $0x3  }
0x33: {  	p0 =	seq.s32 s10, $0x1;
	s10 =	sld [smem:$0x3FB7];
	_ =	sdelay $0x3  }
0x34: {  	[smem:$0x3FB7] =	sst s10  }
0x35: {  	s10 =	sld [smem:$0x3FB6];
	_ =	sdelay $0x3  }
0x36: {  	p1 =	seq.s32 s10, $0x1;
	s10 =	sld [smem:$0x3FB7];
	_ =	sdelay $0x3  }
0x37: {  	[smem:$0x3FB7] =	sst s10  }
0x38: {  	s10 =	sld [smem:$0x3FB8]  }
0x39: {  	_ = 	snop;
	(pc) =	sbr.ind lr, $3  }
0x3a: {  	_ = 	snop  }
0x3b: {  	_ = 	snop  }
0x3c: {  	p2 =	seq.s32 s10, $0x1;
	s10 =	sld [smem:$0x3FB7]  }
0x3d: {  	_ =	shalt  }
0x3e: {  	_ =	shalt  }
0x3f: {  	_ =	shalt  }
0x40: {  	_ =	shalt  }
0x41: {  	_ =	shalt  }
0x42: {  	_ =	shalt  }
0x43: {  	_ =	shalt  }
0x44: {  	_ =	shalt  }
0x45: {  	_ =	shalt  }
0x46: {  	_ =	shalt  }
0x47: {  	_ =	shalt  }
0x48: {  	_ =	shalt  }
0x49: {  	_ =	shalt  }
0x4a: {  	_ =	shalt  }
0x4b: {  	_ =	shalt  }
0x4c: {  	_ =	shalt  }
0x4d: {  	_ =	shalt  }
0x4e: {  	_ =	shalt  }
0x4f: {  	_ =	shalt  }
0x50: {  	_ =	shalt  }
0x51: {  	_ =	shalt  }
0x52: {  	_ =	shalt  }
0x53: {  	_ =	shalt  }
0x54: {  	_ =	shalt  }
0x55: {  	_ =	shalt  }
0x56: {  	_ =	shalt  }
0x57: {  	_ =	shalt  }
0x58: {  	_ =	shalt  }
0x59: {  	_ =	shalt  }
0x5a: {  	_ =	shalt  }
0x5b: {  	_ =	shalt  }
0x5c: {  	_ =	shalt  }
0x5d: {  	_ =	shalt  }
0x5e: {  	_ =	shalt  }
0x5f: {  	_ =	shalt  }
0x60: {  	_ =	shalt  }
0x61: {  	_ =	shalt  }
0x62: {  	_ =	shalt  }
0x63: {  	_ =	shalt  }
0x64: {  	_ =	shalt  }
0x65: {  	_ =	shalt  }
0x66: {  	_ =	shalt  }
0x67: {  	_ =	shalt  }
0x68: {  	_ =	shalt  }
0x69: {  	_ =	shalt  }
0x6a: {  	_ =	shalt  }
0x6b: {  	_ =	shalt  }
0x6c: {  	_ =	shalt  }
0x6d: {  	_ =	shalt  }
0x6e: {  	_ =	shalt  }
0x6f: {  	_ =	shalt  }
0x70: {  	_ =	shalt  }
0x71: {  	_ =	shalt  }
0x72: {  	_ =	shalt  }
0x73: {  	_ =	shalt  }
0x74: {  	_ =	shalt  }
0x75: {  	_ =	shalt  }
0x76: {  	_ =	shalt  }
0x77: {  	_ =	shalt  }
0x78: {  	_ =	shalt  }
0x79: {  	_ =	shalt  }
0x7a: {  	_ =	shalt  }
0x7b: {  	_ =	shalt  }
0x7c: {  	_ =	shalt  }
0x7d: {  	_ =	shalt  }
0x7e: {  	_ =	shalt  }
0x7f: {  	_ =	shalt  }
0x80: {  	_ =	shalt  }
0x81: {  	_ =	shalt  }
0x82: {  	_ =	shalt  }
0x83: {  	_ =	shalt  }
0x84: {  	_ =	shalt  }
0x85: {  	_ =	shalt  }
0x86: {  	_ =	shalt  }
0x87: {  	_ =	shalt  }
.Lfunc_end0:
.L_simem_size_0:
called_computation_lowered:
.L_overlay_start_0:
0x88: {  	s2 =	sld [smem:$0x3FD9]  }
0x89: {  	s3 =	sld [smem:$0x3FFE];
	_ =	sdelay $0x1  }
0x8a: {  	s1 =	srdreg.scid  }
0x8b: {  	s0 =	sand.u32 $0x1, s1  }
0x8c: {  	s17 =	sshll.u32 s0, $0xA;
	s2 =	sadd.s32 s3, s2  }
0x8d: {  	s2 =	sadd.s32 s2, s17  }
0x8e: {  	[smem:$0x3FC3] =	sst s2  }
0x8f: {  	_ = 	snop  }
0x90: {  	s2 =	sld [smem:$0x3FD0];
	(tm) =	ssettm $0x1  }
0x91: {  	s18 =	sld [smem:$0x3FFB];
	_ =	sdelay $0x3  }
0x92: {  	_ =	strace s18  }
0x93: {  	s3 =	sld [smem:$0x3FFC];
	_ =	sdelay $0x3  }
0x94: {  	_ =	strace s3  }
0x95: {  	s3 =	sld [smem:$0x3FFD];
	_ =	sdelay $0x3  }
0x96: {  	_ =	strace s3  }
0x97: {  	_ =	strace $0x8FFFFFFF  }
0x98: {  	s19 =	sld [smem:$0x3FDB];
	_ =	sdelay $0x1  }
0x99: {  	s4 =	simm.s32 $_scs_section_size  }
0x9a: {  	s5 =	simm.s32 $_size__tile_overlayer_lowered;
	s6 =	simm.s32 $_tile_overlayer_lowered  }
0x9b: {  	s22 =	simm.s32 $0x1BFF;
	s21 =	sshll.u32 s6, $0x1;
	s3 =	sadd.s32 s4, s19  }
0x9c: {  	s7 =	simm.s32 $0x0;
	s20 =	sshll.u32 s5, $0x1;
	s5 =	sadd.s32 s21, s3  }
0x9d: {  	[timem:s7], [sflag:s22] =	dma.local [hbm:s5], s20  }
0x9e: {  	_ =	swait.ge [sflag:s22], s20  }
0x9f: {  	s4 =	ssub.s32 $0x0, s20;
	[sflag:s22] =	ssyncset.done $0x0  }
0xa0: {  	[sflag:s22] =	ssyncadd.s32 s4;
	_ =	sdelay $0x1  }
0xa1: {  	s23 =	simm.s32 $0x1B8B  }
0xa2: {  	_ =	swait.ge [sflag:s23], $0x1  }
0xa3: {  	[sflag:s23] =	ssyncset.done $0x0  }
0xa4: {  	s25 =	simm.s32 $0x1B8E;
	s24 =	sld [smem:$0x3FFE];
	[sflag:s23] =	ssyncadd.s32 $0xFFFFFFFF  }
0xa5: {  	s26 =	simm.s32 $execute0_lowered;
	[smem:$0x3FD2] =	sst s25  }
0xa6: {  	s5 =	sshll.u32 s26, $0x1;
	_ =	strace $0x80000046;
	[dreg:$0x1] =	wrdreg $0xFFFFFFFF  }
0xa7: {  	s28 =	simm.s32 $_size_execute0_lowered;
	s3 =	sadd.s32 s3, s5;
	[dreg:$0x0] =	wrdreg $0x0  }
0xa8: {  	s5 =	sshll.u32 s28, $0x1;
	[dreg:$0x2] =	wrdreg s3  }
0xa9: {  	[dreg:$0x3] =	wrdreg s5  }
0xaa: {  	[dreg:$0x4] =	wrdreg $0xC0  }
0xab: {  	_ =	task [dreg:s7], $0x5FFFF  }
0xac: {  	[dreg:$0x1] =	wrdreg $0xFFFFFFFF  }
0xad: {  	[dreg:$0x0] =	wrdreg $0x60  }
0xae: {  	[dreg:$0x2] =	wrdreg s24  }
0xaf: {  	[dreg:$0x3] =	wrdreg s2  }
0xb0: {  	[dreg:$0x4] =	wrdreg $0x9  }
0xb1: {  	_ =	task.clear_ibuf [dreg:s7], $0x5FFFF;
	_ =	strace $0x90000046  }
0xb2: {  	s29 =	simm.s32 $0x9;
	_ =	strace $0x80000048  }
0xb3: {  	_ =	swait.ge [sflag:s29], $0x1  }
0xb4: {  	[sflag:s29] =	ssyncadd.s32 $0xFFFFFFFF  }
0xb5: {  	_ =	strace $0x90000048  }
0xb6: {  	_ =	sfence  }
0xb7: {  	s30 =	sld [smem:$0x0];
	_ =	sdelay $0x2  }
0xb8: {  	s31 =	sshll.u32 s1, $0xD;
	s1 =	sshrl.u32 s1, $0x2  }
0xb9: {  	s3 =	sand.u32 $0x4000, s31;
	s1 =	sadd.s32 s1, s30  }
0xba: {  	s0 =	sor.u32 s3, s0;
	s1 =	sshll.u32 s1, $0x11  }
0xbb: {  	s0 =	sor.u32 s1, s0  }
0xbc: {  	s0 =	sadd.s32 $0x8F2B, s0  }
0xbd: {  	[sflag:s0] =	ssyncadd.remote.s32 $0x1  }
0xbe: {  	_ =	sfence.sel $0xFFFF  }
0xbf: {  	[dreg:$0x0] =	wrdreg $0xFFFFFFFF;
	(pc) =	sbr.abs _section_cstart, $3  }
0xc0: {  	[dreg:$0x1] =	wrdreg $0xFFFFFFFF  }
0xc1: {  	_ =	task.clear_ibuf [dreg:s7], $0x2FFFF;
	_ =	strace $0x9FFFFFFF  }
0xc2: {  	(tm) =	ssettm $0x7FFFFFFF  }
0xc3: {  	_ =	shalt  }
tec
execute0_lowered:
.L_overlay_start_1:
0x0: {  	(tag) =	ssettag $0x1  }
0x1: {  	s0 =	srdreg.scid  }
0x2: {  	s4 =	stileid.u32;
	s0 =	sand.u32 $0x1, s0  }
0x3: {  	s4 =	ssub.s32 $0x0, s4;
	s2 =	sshll.u32 s0, $0x4  }
0x4: {  	p0 =	sne.s32 s2, s4  }
.Ltmp0:
0x5: {  	_ = 	snop;
	(pc) =	sbr.rel @p0 .LBB2_9-.Ltmp0, $4  }
0x6: {  	_ = 	snop  }
0x7: {  	s3 =	simm.s32 $0x0  }
0x8: {  	[smem:$0x7FF] =	sst s3  }
0x9: {  	s1 =	rddreg [dreg:$0x0];
	_ =	strace $0x80000047  }
0xa: {  	v0 =	vlaneseq.u32  }
0xb: {  	v4 =	vimm.s32 $0x0;
	v6 =	vimm.f32 $1.500000000e+01;
	vm14 =	vcmask $0x300  }
0xc: {  	v5 =	vimm.f32 $0.0e+00;
	vm12 =	vcmask $0x704;
	vm13 =	vcmask $0xB08  }
0xd: {  	vm11 =	vcmask $0xF0C;
	vm10 =	vcmask $0x1310;
	vm9 =	vcmask $0x1714  }
0xe: {  	vm8 =	vcmask $0x1B18;
	vm7 =	vcmask $0x1F1C;
	vm6 =	vcmask $0x2320  }
0xf: {  	vm5 =	vcmask $0x2724;
	vm4 =	vcmask $0x2B28;
	vm3 =	vcmask $0x2F2C  }
0x10: {  	vm2 =	vcmask $0x3330;
	vm1 =	vcmask $0x3734;
	vm0 =	vcmask $0x3B38  }
0x11: {  	v22 =	vimm.f32 $3.100000000e+01;
	v23 =	vimm.f32 $4.700000000e+01;
	v24 =	vimm.f32 $6.300000000e+01  }
0x12: {  	v25 =	vimm.f32 $7.900000000e+01;
	v26 =	vimm.f32 $9.500000000e+01;
	v27 =	vimm.f32 $1.110000000e+02  }
0x13: {  	v28 =	vimm.f32 $1.270000000e+02;
	v29 =	vimm.f32 $1.430000000e+02;
	v30 =	vimm.f32 $1.590000000e+02  }
0x14: {  	v31 =	vimm.f32 $1.750000000e+02;
	v32 =	vimm.f32 $1.910000000e+02;
	v33 =	vimm.f32 $2.070000000e+02  }
0x15: {  	v34 =	vimm.f32 $2.230000000e+02;
	v35 =	vimm.f32 $2.390000000e+02;
	v36 =	vimm.f32 $2.550000000e+02  }
0x16: {  	v1 =	vmul.u32 $0x3, v0;
	v7 =	vsel vm14, $0x0, v6;
	v6 =	vor.u32 $0xF0, v0  }
0x17: {  	v20 =	vor.u32 $0x10, v0;
	v22 =	vsel vm14, $0x41800000, v22;
	v23 =	vsel vm14, $0x42000000, v23  }
0x18: {  	v24 =	vsel vm14, $0x42400000, v24;
	v25 =	vsel vm14, $0x42800000, v25;
	v26 =	vsel vm14, $0x42A00000, v26  }
0x19: {  	v27 =	vsel vm14, $0x42C00000, v27;
	v28 =	vsel vm14, $0x42E00000, v28;
	v29 =	vsel vm14, $0x43000000, v29  }
0x1a: {  	v30 =	vsel vm14, $0x43100000, v30;
	v31 =	vsel vm14, $0x43200000, v31;
	v32 =	vsel vm14, $0x43300000, v32  }
0x1b: {  	v33 =	vsel vm14, $0x43400000, v33;
	v34 =	vsel vm14, $0x43500000, v34;
	v35 =	vsel vm14, $0x43600000, v35  }
0x1c: {  	v36 =	vsel vm14, $0x43700000, v36;
	[tilespmem:$0x1FFE0] =	vst v6;
	v8 =	vsel vm12, $0x3F800000, v7;
	v6 =	vor.u32 $0xE0, v0  }
0x1d: {  	v22 =	vsel vm12, $0x41880000, v22;
	v23 =	vsel vm12, $0x42040000, v23;
	v24 =	vsel vm12, $0x42440000, v24  }
0x1e: {  	v25 =	vsel vm12, $0x42820000, v25;
	v26 =	vsel vm12, $0x42A20000, v26;
	v27 =	vsel vm12, $0x42C20000, v27  }
0x1f: {  	v28 =	vsel vm12, $0x42E20000, v28;
	v29 =	vsel vm12, $0x43010000, v29;
	v30 =	vsel vm12, $0x43110000, v30  }
0x20: {  	v31 =	vsel vm12, $0x43210000, v31;
	v32 =	vsel vm12, $0x43310000, v32;
	v33 =	vsel vm12, $0x43410000, v33  }
0x21: {  	v34 =	vsel vm12, $0x43510000, v34;
	v35 =	vsel vm12, $0x43610000, v35;
	v36 =	vsel vm12, $0x43710000, v36  }
0x22: {  	v2 =	vadd.s32 $0x1, v1;
	v3 =	vadd.s32 $0x2, v1;
	v9 =	vsel vm13, $0x40000000, v8  }
0x23: {  	v8 =	vor.u32 $0xD0, v0;
	v22 =	vsel vm13, $0x41900000, v22;
	v23 =	vsel vm13, $0x42080000, v23  }
0x24: {  	v24 =	vsel vm13, $0x42480000, v24;
	v25 =	vsel vm13, $0x42840000, v25;
	v26 =	vsel vm13, $0x42A40000, v26  }
0x25: {  	v27 =	vsel vm13, $0x42C40000, v27;
	v28 =	vsel vm13, $0x42E40000, v28;
	v29 =	vsel vm13, $0x43020000, v29  }
0x26: {  	v30 =	vsel vm13, $0x43120000, v30;
	v31 =	vsel vm13, $0x43220000, v31;
	v32 =	vsel vm13, $0x43320000, v32  }
0x27: {  	v33 =	vsel vm13, $0x43420000, v33;
	v34 =	vsel vm13, $0x43520000, v34;
	v35 =	vsel vm13, $0x43620000, v35  }
0x28: {  	v36 =	vsel vm13, $0x43720000, v36;
	v10 =	vsel vm11, $0x40400000, v9;
	v9 =	vor.u32 $0xC0, v0  }
0x29: {  	v22 =	vsel vm11, $0x41980000, v22;
	v23 =	vsel vm11, $0x420C0000, v23;
	v24 =	vsel vm11, $0x424C0000, v24  }
0x2a: {  	v25 =	vsel vm11, $0x42860000, v25;
	v26 =	vsel vm11, $0x42A60000, v26;
	v27 =	vsel vm11, $0x42C60000, v27  }
0x2b: {  	v28 =	vsel vm11, $0x42E60000, v28;
	v29 =	vsel vm11, $0x43030000, v29;
	v30 =	vsel vm11, $0x43130000, v30  }
0x2c: {  	v31 =	vsel vm11, $0x43230000, v31;
	v32 =	vsel vm11, $0x43330000, v32;
	v33 =	vsel vm11, $0x43430000, v33  }
0x2d: {  	v34 =	vsel vm11, $0x43530000, v34;
	v35 =	vsel vm11, $0x43630000, v35;
	v36 =	vsel vm11, $0x43730000, v36  }
0x2e: {  	v11 =	vsel vm10, $0x40800000, v10;
	v10 =	vor.u32 $0xB0, v0;
	v22 =	vsel vm10, $0x41A00000, v22  }
0x2f: {  	v23 =	vsel vm10, $0x42100000, v23;
	v24 =	vsel vm10, $0x42500000, v24;
	v25 =	vsel vm10, $0x42880000, v25  }
0x30: {  	v26 =	vsel vm10, $0x42A80000, v26;
	v27 =	vsel vm10, $0x42C80000, v27;
	v28 =	vsel vm10, $0x42E80000, v28  }
0x31: {  	v29 =	vsel vm10, $0x43040000, v29;
	v30 =	vsel vm10, $0x43140000, v30;
	v31 =	vsel vm10, $0x43240000, v31  }
0x32: {  	v32 =	vsel vm10, $0x43340000, v32;
	v33 =	vsel vm10, $0x43440000, v33;
	v34 =	vsel vm10, $0x43540000, v34  }
0x33: {  	v35 =	vsel vm10, $0x43640000, v35;
	v36 =	vsel vm10, $0x43740000, v36;
	v12 =	vsel vm9, $0x40A00000, v11  }
0x34: {  	v11 =	vor.u32 $0xA0, v0;
	v22 =	vsel vm9, $0x41A80000, v22;
	v23 =	vsel vm9, $0x42140000, v23  }
0x35: {  	v24 =	vsel vm9, $0x42540000, v24;
	v25 =	vsel vm9, $0x428A0000, v25;
	v26 =	vsel vm9, $0x42AA0000, v26  }
0x36: {  	v27 =	vsel vm9, $0x42CA0000, v27;
	v28 =	vsel vm9, $0x42EA0000, v28;
	v29 =	vsel vm9, $0x43050000, v29  }
0x37: {  	v30 =	vsel vm9, $0x43150000, v30;
	v31 =	vsel vm9, $0x43250000, v31;
	v32 =	vsel vm9, $0x43350000, v32  }
0x38: {  	v33 =	vsel vm9, $0x43450000, v33;
	v34 =	vsel vm9, $0x43550000, v34;
	v35 =	vsel vm9, $0x43650000, v35  }
0x39: {  	v36 =	vsel vm9, $0x43750000, v36;
	v13 =	vsel vm8, $0x40C00000, v12;
	v12 =	vor.u32 $0x90, v0  }
0x3a: {  	v22 =	vsel vm8, $0x41B00000, v22;
	v23 =	vsel vm8, $0x42180000, v23;
	v24 =	vsel vm8, $0x42580000, v24  }
0x3b: {  	v25 =	vsel vm8, $0x428C0000, v25;
	v26 =	vsel vm8, $0x42AC0000, v26;
	v27 =	vsel vm8, $0x42CC0000, v27  }
0x3c: {  	v28 =	vsel vm8, $0x42EC0000, v28;
	v29 =	vsel vm8, $0x43060000, v29;
	v30 =	vsel vm8, $0x43160000, v30  }
0x3d: {  	v31 =	vsel vm8, $0x43260000, v31;
	v32 =	vsel vm8, $0x43360000, v32;
	v33 =	vsel vm8, $0x43460000, v33  }
0x3e: {  	v34 =	vsel vm8, $0x43560000, v34;
	v35 =	vsel vm8, $0x43660000, v35;
	v36 =	vsel vm8, $0x43760000, v36  }
0x3f: {  	v14 =	vsel vm7, $0x40E00000, v13;
	v13 =	vor.u32 $0x80, v0;
	v22 =	vsel vm7, $0x41B80000, v22  }
0x40: {  	v23 =	vsel vm7, $0x421C0000, v23;
	v24 =	vsel vm7, $0x425C0000, v24;
	v25 =	vsel vm7, $0x428E0000, v25  }
0x41: {  	v26 =	vsel vm7, $0x42AE0000, v26;
	v27 =	vsel vm7, $0x42CE0000, v27;
	v28 =	vsel vm7, $0x42EE0000, v28  }
0x42: {  	v29 =	vsel vm7, $0x43070000, v29;
	v30 =	vsel vm7, $0x43170000, v30;
	v31 =	vsel vm7, $0x43270000, v31  }
0x43: {  	v32 =	vsel vm7, $0x43370000, v32;
	v33 =	vsel vm7, $0x43470000, v33;
	v34 =	vsel vm7, $0x43570000, v34  }
0x44: {  	v35 =	vsel vm7, $0x43670000, v35;
	v36 =	vsel vm7, $0x43770000, v36;
	v15 =	vsel vm6, $0x41000000, v14  }
0x45: {  	v14 =	vor.u32 $0x70, v0;
	v22 =	vsel vm6, $0x41C00000, v22;
	v23 =	vsel vm6, $0x42200000, v23  }
0x46: {  	s2 =	sadd.s32 $0x1C00, s1;
	v24 =	vsel vm6, $0x42600000, v24;
	v25 =	vsel vm6, $0x42900000, v25;
	v26 =	vsel vm6, $0x42B00000, v26  }
0x47: {  	s20 =	sadd.s32 $0x1E00, s1;
	[dreg:$0x3] =	wrdreg s2;
	v27 =	vsel vm6, $0x42D00000, v27;
	v28 =	vsel vm6, $0x42F00000, v28;
	v29 =	vsel vm6, $0x43080000, v29  }
0x48: {  	s21 =	sadd.s32 $0x2200, s1;
	[dreg:$0x4] =	wrdreg s20;
	v30 =	vsel vm6, $0x43180000, v30;
	v31 =	vsel vm6, $0x43280000, v31;
	v32 =	vsel vm6, $0x43380000, v32  }
0x49: {  	s22 =	sadd.s32 $0x2000, s1;
	[dreg:$0x5] =	wrdreg s21;
	v33 =	vsel vm6, $0x43480000, v33;
	v34 =	vsel vm6, $0x43580000, v34;
	v35 =	vsel vm6, $0x43680000, v35  }
0x4a: {  	[dreg:$0x6] =	wrdreg s22;
	v36 =	vsel vm6, $0x43780000, v36;
	v16 =	vsel vm5, $0x41100000, v15;
	v15 =	vor.u32 $0x60, v0  }
0x4b: {  	s23 =	sadd.s32 $0x1A00, s1;
	s2 =	rddreg [dreg:$0x1];
	v22 =	vsel vm5, $0x41C80000, v22;
	v23 =	vsel vm5, $0x42240000, v23;
	v24 =	vsel vm5, $0x42640000, v24  }
0x4c: {  	[dreg:$0x7] =	wrdreg s23;
	s24 =	sadd.s32 $0x20, s2;
	v25 =	vsel vm5, $0x42920000, v25;
	v26 =	vsel vm5, $0x42B20000, v26;
	v27 =	vsel vm5, $0x42D20000, v27  }
0x4d: {  	s25 =	sadd.s32 $0x40, s2;
	[dreg:$0x8] =	wrdreg s24;
	v28 =	vsel vm5, $0x42F20000, v28;
	v29 =	vsel vm5, $0x43090000, v29;
	v30 =	vsel vm5, $0x43190000, v30  }
0x4e: {  	s26 =	sadd.s32 $0x60, s2;
	[dreg:$0x9] =	wrdreg s25;
	v31 =	vsel vm5, $0x43290000, v31;
	v32 =	vsel vm5, $0x43390000, v32;
	v33 =	vsel vm5, $0x43490000, v33  }
0x4f: {  	s4 =	sadd.s32 $0x80, s2;
	[dreg:$0xa] =	wrdreg s26;
	v34 =	vsel vm5, $0x43590000, v34;
	v35 =	vsel vm5, $0x43690000, v35;
	v36 =	vsel vm5, $0x43790000, v36  }
0x50: {  	s5 =	sadd.s32 $0xA0, s2;
	[dreg:$0xb] =	wrdreg s4;
	v17 =	vsel vm4, $0x41200000, v16;
	v16 =	vor.u32 $0x50, v0;
	v22 =	vsel vm4, $0x41D00000, v22  }
0x51: {  	s6 =	sadd.s32 $0xC0, s2;
	[dreg:$0xc] =	wrdreg s5;
	v23 =	vsel vm4, $0x42280000, v23;
	v24 =	vsel vm4, $0x42680000, v24;
	v25 =	vsel vm4, $0x42940000, v25  }
0x52: {  	s7 =	sadd.s32 $0xE0, s2;
	[dreg:$0xd] =	wrdreg s6;
	v26 =	vsel vm4, $0x42B40000, v26;
	v27 =	vsel vm4, $0x42D40000, v27;
	v28 =	vsel vm4, $0x42F40000, v28  }
0x53: {  	s8 =	sadd.s32 $0x100, s2;
	[dreg:$0xe] =	wrdreg s7;
	v29 =	vsel vm4, $0x430A0000, v29;
	v30 =	vsel vm4, $0x431A0000, v30;
	v31 =	vsel vm4, $0x432A0000, v31  }
0x54: {  	s9 =	sadd.s32 $0x120, s2;
	[dreg:$0xf] =	wrdreg s8;
	v32 =	vsel vm4, $0x433A0000, v32;
	v33 =	vsel vm4, $0x434A0000, v33;
	v34 =	vsel vm4, $0x435A0000, v34  }
0x55: {  	s10 =	sadd.s32 $0x140, s2;
	[dreg:$0x10] =	wrdreg s9;
	v35 =	vsel vm4, $0x436A0000, v35;
	v36 =	vsel vm4, $0x437A0000, v36;
	v18 =	vsel vm3, $0x41300000, v17  }
0x56: {  	s11 =	sadd.s32 $0x160, s2;
	[dreg:$0x11] =	wrdreg s10;
	v17 =	vor.u32 $0x40, v0;
	v22 =	vsel vm3, $0x41D80000, v22;
	v23 =	vsel vm3, $0x422C0000, v23  }
0x57: {  	s0 =	ssub.s32 $0x2, s0;
	s12 =	sadd.s32 $0x180, s2;
	[dreg:$0x12] =	wrdreg s11;
	v24 =	vsel vm3, $0x426C0000, v24;
	v25 =	vsel vm3, $0x42960000, v25;
	v26 =	vsel vm3, $0x42B60000, v26  }
0x58: {  	s28 =	simm.s32 $0x2680;
	s13 =	sadd.s32 $0x1A0, s2;
	[dreg:$0x13] =	wrdreg s12;
	v27 =	vsel vm3, $0x42D60000, v27;
	v28 =	vsel vm3, $0x42F60000, v28;
	v29 =	vsel vm3, $0x430B0000, v29  }
0x59: {  	s29 =	simm.s32 $0x2800;
	s14 =	sadd.s32 $0x1C0, s2;
	[dreg:$0x14] =	wrdreg s13;
	v30 =	vsel vm3, $0x431B0000, v30;
	v31 =	vsel vm3, $0x432B0000, v31;
	v32 =	vsel vm3, $0x433B0000, v32  }
0x5a: {  	s30 =	simm.s32 $0x2980;
	s15 =	sadd.s32 $0x1E0, s2;
	[dreg:$0x15] =	wrdreg s14;
	v33 =	vsel vm3, $0x434B0000, v33;
	v34 =	vsel vm3, $0x435B0000, v34;
	v35 =	vsel vm3, $0x436B0000, v35  }
0x5b: {  	s31 =	simm.s32 $0x2B00;
	s16 =	sadd.s32 $0x200, s2;
	[dreg:$0x16] =	wrdreg s15;
	v36 =	vsel vm3, $0x437B0000, v36;
	v19 =	vsel vm2, $0x41400000, v18;
	v18 =	vor.u32 $0x30, v0  }
0x5c: {  	s1 =	simm.s32 $0x2E00;
	s18 =	sadd.s32 $0x240, s2;
	[dreg:$0x17] =	wrdreg s16;
	v22 =	vsel vm2, $0x41E00000, v22;
	v23 =	vsel vm2, $0x42300000, v23;
	v24 =	vsel vm2, $0x42700000, v24  }
0x5d: {  	s17 =	sshrl.u32 s0, $0x1;
	s19 =	sadd.s32 $0x260, s2;
	[dreg:$0x19] =	wrdreg s18;
	v25 =	vsel vm2, $0x42980000, v25;
	v26 =	vsel vm2, $0x42B80000, v26;
	v27 =	vsel vm2, $0x42D80000, v27  }
0x5e: {  	s0 =	ssub.s32 s0, s17;
	s20 =	sadd.s32 $0x280, s2;
	[dreg:$0x1a] =	wrdreg s19;
	v28 =	vsel vm2, $0x42F80000, v28;
	v29 =	vsel vm2, $0x430C0000, v29;
	v30 =	vsel vm2, $0x431C0000, v30  }
0x5f: {  	s21 =	sadd.s32 $0x2A0, s2;
	s22 =	sadd.s32 $0x2C0, s2;
	[dreg:$0x1b] =	wrdreg s20;
	v31 =	vsel vm2, $0x432C0000, v31;
	v32 =	vsel vm2, $0x433C0000, v32;
	v33 =	vsel vm2, $0x434C0000, v33  }
0x60: {  	s23 =	sadd.s32 $0x2E0, s2;
	s17 =	simm.s32 $0x1780;
	[dreg:$0x1d] =	wrdreg s21;
	v34 =	vsel vm2, $0x435C0000, v34;
	v35 =	vsel vm2, $0x436C0000, v35;
	v36 =	vsel vm2, $0x437C0000, v36  }
0x61: {  	s4 =	sadd.s32 $0x220, s2;
	s0 =	smax.u32 s0, $0x1;
	[dreg:$0x1e] =	wrdreg s22;
	v21 =	vsel vm1, $0x41500000, v19;
	v19 =	vor.u32 $0x20, v0;
	v22 =	vsel vm1, $0x41E80000, v22  }
0x62: {  	[dreg:$0x1f] =	wrdreg s23;
	s24 =	sadd.s32 $0x500, s2;
	s25 =	sadd.s32 $0x502, s2;
	v23 =	vsel vm1, $0x42340000, v23;
	v24 =	vsel vm1, $0x42740000, v24;
	v25 =	vsel vm1, $0x429A0000, v25  }
0x63: {  	s26 =	sadd.s32 $0x300, s2;
	s7 =	simm.s32 $0x280;
	s8 =	simm.s32 $0x580;
	v26 =	vsel vm1, $0x42BA0000, v26;
	v27 =	vsel vm1, $0x42DA0000, v27;
	v28 =	vsel vm1, $0x42FA0000, v28  }
0x64: {  	s9 =	simm.s32 $0x800;
	s12 =	simm.s32 $0x1000;
	s13 =	simm.s32 $0x1180;
	v29 =	vsel vm1, $0x430D0000, v29;
	v30 =	vsel vm1, $0x431D0000, v30;
	v31 =	vsel vm1, $0x432D0000, v31  }
0x65: {  	s14 =	simm.s32 $0x1300;
	s15 =	simm.s32 $0x1480;
	s16 =	simm.s32 $0x1600;
	v32 =	vsel vm1, $0x433D0000, v32;
	v33 =	vsel vm1, $0x434D0000, v33;
	v34 =	vsel vm1, $0x435D0000, v34  }
0x66: {  	s18 =	simm.s32 $0x1900;
	s19 =	simm.s32 $0x1A80;
	[dreg:$0x18] =	wrdreg s4;
	v35 =	vsel vm1, $0x436D0000, v35;
	v36 =	vsel vm1, $0x437D0000, v36;
	v21 =	vsel vm0, $0x41600000, v21  }
0x67: {  	s20 =	simm.s32 $0x1C00;
	s21 =	simm.s32 $0x1D80;
	[dreg:$0x1c] =	wrdreg s0;
	v22 =	vsel vm0, $0x41F00000, v22;
	v23 =	vsel vm0, $0x42380000, v23;
	v24 =	vsel vm0, $0x42780000, v24  }
0x68: {  	s22 =	simm.s32 $0x1F00;
	s23 =	simm.s32 $0x2080;
	[smem:$0x7FB] =	sst s24;
	v25 =	vsel vm0, $0x429C0000, v25;
	v26 =	vsel vm0, $0x42BC0000, v26;
	v27 =	vsel vm0, $0x42DC0000, v27  }
0x69: {  	[tilespmem:$0x1FFF0] =	vst v6;
	s2 =	simm.s32 $0x2F80;
	s6 =	simm.s32 $0x0;
	[smem:$0x7FC] =	sst s25;
	v28 =	vsel vm0, $0x42FC0000, v28;
	v29 =	vsel vm0, $0x430E0000, v29;
	v30 =	vsel vm0, $0x431E0000, v30  }
0x6a: {  	[smem:$0x7FD] =	sst s26;
	s24 =	simm.s32 $0x2200;
	s25 =	simm.s32 $0x2380;
	v31 =	vsel vm0, $0x432E0000, v31;
	v32 =	vsel vm0, $0x433E0000, v32;
	v33 =	vsel vm0, $0x434E0000, v33  }
0x6b: {  	s26 =	simm.s32 $0x2500;
	s0 =	simm.s32 $0x2C80;
	s4 =	simm.s32 $0x3100;
	v34 =	vsel vm0, $0x435E0000, v34;
	v35 =	vsel vm0, $0x436E0000, v35;
	v36 =	vsel vm0, $0x437E0000, v36  }
.LBB2_2:
0x6c: {  	[smem:$0x7FA] =	sst s6  }
0x6d: {  	s6 =	simm.s32 $0x0;
	s5 =	rddreg [dreg:$0x3];
	s11 =	simm.s32 $0x1  }
0x6e: {  	[tilespmem:s6], [sflag:$0x1] =	stream.linear.gather [hbm4b:s5+s6], $0x280, $0x38;
	[tilespmem:$0x3280] =	vst v63  }
0x6f: {  	_ =	swait.ge [sflag:s11], $0x280  }
0x70: {  	[sflag:s11] =	ssyncset.done $0x0  }
0x71: {  	s10 =	rddreg [dreg:$0x4];
	[sflag:s11] =	ssyncadd.s32 $0xFFFFFD80  }
0x72: {  	[tilespmem:s7], [sflag:$0x1] =	stream.linear.gather [hbm4b:s10+s6], $0x300, $0x38;
	[tilespmem:$0x3280] =	vst v63  }
0x73: {  	_ =	swait.ge [sflag:s11], $0x300  }
0x74: {  	[sflag:s11] =	ssyncset.done $0x0  }
0x75: {  	s10 =	rddreg [dreg:$0x5];
	[sflag:s11] =	ssyncadd.s32 $0xFFFFFD00  }
0x76: {  	[tilespmem:s8], [sflag:$0x1] =	stream.linear.gather [hbm4b:s10+s6], $0x280, $0x38;
	[tilespmem:$0x3280] =	vst v63  }
0x77: {  	_ =	swait.ge [sflag:s11], $0x280  }
0x78: {  	v37 =	vor.u32 s6, v0;
	[sflag:s11] =	ssyncset.done $0x0  }
0x79: {  	vm0 =	vlt.s32 v37, $0xC7;
	s10 =	rddreg [dreg:$0x6];
	[sflag:s11] =	ssyncadd.s32 $0xFFFFFD80  }
0x7a: {  	v37 =	vnsel vm0, $0xC7, v37;
	[tilespmem:s9], [sflag:$0x1] =	stream.linear.gather [hbm4b:s10+s6], $0x300, $0x38;
	[tilespmem:$0x3280] =	vst v63  }
0x7b: {  	v37 =	vmul.u32 $0x3, v37;
	_ =	swait.ge [sflag:s11], $0x300  }
0x7c: {  	s10 =	simm.s32 $0x10;
	[sflag:s11] =	ssyncset.done $0x0  }
0x7d: {  	s5 =	simm.s32 $0xB00;
	v38 =	vadd.s32 $0x2, v37;
	v63 =	vor.u32 s10, v0;
	s10 =	rddreg [dreg:$0x7];
	[sflag:s11] =	ssyncadd.s32 $0xFFFFFD00  }
0x7e: {  	vm15 =	vlt.s32 v63, $0xC7;
	[tilespmem:s5], [sflag:$0x1] =	stream.linear.gather [hbm4b:s10+s6], $0x100, $0x38;
	[tilespmem:$0x3280] =	vst v63  }
0x7f: {  	v37 =	vnsel vm15, $0xC7, v63;
	_ =	swait.ge [sflag:s11], $0x100  }
0x80: {  	v39 =	vmul.u32 $0x3, v37;
	[sflag:s11] =	ssyncset.done $0x0  }
0x81: {  	[sflag:s11] =	ssyncadd.s32 $0xFFFFFF00  }
0x82: {  	v37 =	vimm.f32 $+Inf;
	s10 =	simm.s32 $0x20;
	v39 =	vadd.s32 $0x2, v39;
	v38 =	vld.idx.msk [tilespmem:v38+s6+$0x0], $0xffff  }
.LBB2_3:
0x83: {  	v40 =	vor.u32 s10, v0;
	p0 =	sne.s32 s10, $0xC0;
	s10 =	sadd.s32 $0x10, s10  }
.Ltmp1:
0x84: {  	vm0 =	vlt.s32 v40, $0xC7;
	(pc) =	sbr.rel @p0 .LBB2_3-.Ltmp1, $4  }
0x85: {  	v40 =	vnsel vm0, $0xC7, v40  }
0x86: {  	v40 =	vmul.u32 $0x3, v40  }
0x87: {  	v37 =	vmin.f32 v37, v38;
	v38 =	vld.idx.msk [tilespmem:v39+s6+$0x0], $0xffff  }
0x88: {  	v39 =	vadd.s32 $0x2, v40  }
0x89: {  	v40 =	vmov s6  }
0x8a: {  	v40 =	vmul.u32 $0x3, v40;
	_ =	sdelay $0x1  }
0x8b: {  	v40 =	vbroadcast v40, $0x0;
	_ =	sdelay $0x1  }
0x8c: {  	v41 =	vadd.s32 v3, v40  }
0x8d: {  	v42 =	vadd.s32 v1, v40  }
0x8e: {  	v40 =	vadd.s32 v2, v40;
	_ =	sdelay $0x2  }
0x8f: {  	v43 =	vld.idx.msk [tilespmem:v41+s7+$0x0], $0xffff  }
0x90: {  	v44 =	vld.idx.msk [tilespmem:v42+s7+$0x0], $0xffff  }
0x91: {  	v45 =	vld.idx.msk [tilespmem:v40+s7+$0x0], $0xffff;
	_ =	sdelay $0x2  }
0x92: {  	v43 =	vmul.u32 $0x3, v43  }
0x93: {  	v44 =	vmul.u32 $0x3, v44  }
0x94: {  	v45 =	vmul.u32 $0x3, v45;
	_ =	sdelay $0x1  }
0x95: {  	v46 =	vadd.s32 $0x1, v43  }
0x96: {  	v47 =	vadd.s32 $0x1, v44  }
0x97: {  	v48 =	vadd.s32 $0x1, v45;
	v49 =	vld.idx.msk [tilespmem:v43+s3+$0x0], $0xffff  }
0x98: {  	v50 =	vld.idx.msk [tilespmem:v44+s3+$0x0], $0xffff  }
0x99: {  	v51 =	vld.idx.msk [tilespmem:v45+s3+$0x0], $0xffff  }
0x9a: {  	v46 =	vld.idx.msk [tilespmem:v46+s3+$0x0], $0xffff  }
0x9b: {  	v47 =	vld.idx.msk [tilespmem:v47+s3+$0x0], $0xffff  }
0x9c: {  	v48 =	vld.idx.msk [tilespmem:v48+s3+$0x0], $0xffff;
	_ =	sdelay $0x3  }
0x9d: {  	v52 =	vsub.f32 v51, v50;
	v53 =	vsub.f32 v49, v50  }
0x9e: {  	v54 =	vsub.f32 v46, v47;
	v55 =	vsub.f32 v48, v47;
	_ =	sdelay $0x1  }
0x9f: {  	v52 =	vmul.f32 v54, v52;
	v55 =	vmul.f32 v53, v55;
	_ =	sdelay $0x1  }
0xa0: {  	v40 =	vld.idx.msk [tilespmem:v40+s9+$0x0], $0xffff;
	v52 =	vsub.f32 v52, v55  }
0xa1: {  	v42 =	vld.idx.msk [tilespmem:v42+s9+$0x0], $0xffff  }
0xa2: {  	v41 =	vld.idx.msk [tilespmem:v41+s9+$0x0], $0xffff;
	vm0 =	vge.f32 v52, $9.999999710e-10  }
0xa3: {  	v62 =	vsel vm0, $0x1, v4  }
0xa4: {  	(xrf0) =	vadd.scan.msk.s32 $0xffff, v62;
	_ =	sdelay $0x1  }
0xa5: {  	v40 =	vshll.u32 v40, $0x1  }
0xa6: {  	v42 =	vshll.u32 v42, $0x1;
	v41 =	vshll.u32 v41, $0x1  }
0xa7: {  	v59 =	vor.u32 $0x1, v41  }
0xa8: {  	v43 =	vadd.s32 $0x2, v43  }
0xa9: {  	v39 =	vld.idx.msk [tilespmem:v39+s6+$0x0], $0xffff;
	v56 =	vimm.s32 $0x0;
	v44 =	vadd.s32 $0x2, v44;
	v57, _, _ =	vpop (xrf0)  }
0xaa: {  	v60 =	vld.idx.msk [tilespmem:v40+s8+$0x0], $0xffff;
	v45 =	vadd.s32 $0x2, v45;
	v57 =	vadd.s32 v57, v56  }
0xab: {  	v58 =	vor.u32 $0x1, v42;
	v42 =	vld.idx.msk [tilespmem:v42+s8+$0x0], $0xffff;
	v55 =	vor.u32 $0x1, v40;
	v57 =	vadd.s32 $0xFFFFFFFF, v57  }
0xac: {  	v59 =	vld.idx.msk [tilespmem:v59+s8+$0x0], $0xffff;
	vm1 =	vgt.s32 v57, $0x0  }
0xad: {  	v43 =	vld.idx.msk [tilespmem:v43+s3+$0x0], $0xffff;
	v40 =	vnsel vm1, $0x0, v57  }
0xae: {  	v44 =	vld.idx.msk [tilespmem:v44+s3+$0x0], $0xffff  }
0xaf: {  	v45 =	vld.idx.msk [tilespmem:v45+s3+$0x0], $0xffff  }
0xb0: {  	v55 =	vld.idx.msk [tilespmem:v55+s8+$0x0], $0xffff  }
0xb1: {  	s10 =	simm.s32 $0xE80;
	v57 =	vld.idx.msk [tilespmem:v58+s8+$0x0], $0xffff  }
0xb2: {  	v58 =	vld.idx.msk [tilespmem:v41+s8+$0x0], $0xffff;
	v41 =	vsub.f32 v47, v48;
	[tilespmem:v40+s10+$0x0] =	vst.idx.msk vm0, v51  }
0xb3: {  	v61 =	vsub.f32 v50, v51;
	[tilespmem:v40+s12+$0x0] =	vst.idx.msk vm0, v48  }
0xb4: {  	v62 =	vand.u32 $0x7FFFFFFF, v52;
	[tilespmem:v40+s13+$0x0] =	vst.idx.msk vm0, v41  }
0xb5: {  	vm1 =	vlt.f32 v62, $9.999999960e-13;
	[tilespmem:v40+s14+$0x0] =	vst.idx.msk vm0, v61  }
0xb6: {  	v63 =	vsub.f32 v48, v46;
	v52 =	vsel vm1, $0x3F800000, v52;
	[tilespmem:v40+s15+$0x0] =	vst.idx.msk vm0, v49  }
0xb7: {  	(erf) = vrcp.f32 v52;
	v49 =	vsub.f32 v51, v49;
	[tilespmem:v40+s16+$0x0] =	vst.idx.msk vm0, v46  }
0xb8: {  	[tilespmem:v40+s17+$0x0] =	vst.idx.msk vm0, v63  }
0xb9: {  	[tilespmem:v40+s18+$0x0] =	vst.idx.msk vm0, v49  }
0xba: {  	[tilespmem:v40+s19+$0x0] =	vst.idx.msk vm0, v50  }
0xbb: {  	v52 =	vmpcnt.ones.xlane vm0;
	[tilespmem:v40+s20+$0x0] =	vst.idx.msk vm0, v47  }
0xbc: {  	v37 =	vmin.f32 v37, v38;
	[tilespmem:v40+s21+$0x0] =	vst.idx.msk vm0, v54  }
0xbd: {  	v38 =	vmin.f32 v37, v39;
	v37 =	vadd.s32 v56, v52;
	[tilespmem:v40+s22+$0x0] =	vst.idx.msk vm0, v53  }
0xbe: {  	s5 =	simm.s32 $0x10;
	v56 =	vadd.f32 v60, v60;
	v51 =	vmax.f32 v47, v48;
	[tilespmem:v40+s23+$0x0] =	vst.idx.msk vm0, v44  }
0xbf: {  	v60 =	vadd.f32 v42, v42;
	v61 =	vmov s5;
	v39 =	vmax.f32 v51, v46;
	[tilespmem:v40+s24+$0x0] =	vst.idx.msk vm0, v45  }
0xc0: {  	v62 =	vpop (erf);
	v63 =	vadd.f32 v57, v57;
	v50 =	vmin.f32 v47, v48;
	v45 =	vmul.u32 $0x3, v61;
	[tilespmem:v40+s25+$0x0] =	vst.idx.msk vm0, v43  }
0xc1: {  	v42 =	vadd.f32 $-1.000000000e+00, v56;
	v41 =	vadd.f32 v55, v55;
	v54 =	vmin.f32 v50, v46;
	[tilespmem:v40+s26+$0x0] =	vst.idx.msk vm0, v62  }
0xc2: {  	v47 =	vadd.f32 $-1.000000000e+00, v60;
	v46 =	vadd.f32 $-1.000000000e+00, v63;
	v45 =	vbroadcast v45, $0x0;
	[tilespmem:v40+s28+$0x0] =	vst.idx.msk vm0, v54  }
0xc3: {  	s5 =	simm.s32 $0x20;
	v44 =	vadd.f32 v58, v58;
	v43 =	vadd.f32 v59, v59;
	[tilespmem:v40+s29+$0x0] =	vst.idx.msk vm0, v39;
	v39 =	vmov v37  }
.LBB2_5:
0xc4: {  	p0 =	sne.s32 s5, $0xF0;
	v48 =	vadd.s32 v1, v45;
	v49 =	vadd.s32 v2, v45;
	[tilespmem:v40+s30+$0x0] =	vst.idx.msk vm0, v47;
	s6 =	smov.u32 s5;
	s5 =	sadd.s32 $0x10, s5  }
0xc5: {  	v45 =	vadd.s32 v3, v45;
	v41 =	vadd.f32 $-1.000000000e+00, v41;
	[tilespmem:v40+s31+$0x0] =	vst.idx.msk vm0, v46  }
0xc6: {  	v44 =	vadd.f32 $-1.000000000e+00, v44;
	[tilespmem:v40+s0+$0x0] =	vst.idx.msk vm0, v42  }
0xc7: {  	v42 =	vadd.f32 $-1.000000000e+00, v43;
	[tilespmem:v40+s1+$0x0] =	vst.idx.msk vm0, v41  }
0xc8: {  	[tilespmem:v40+s2+$0x0] =	vst.idx.msk vm0, v44  }
0xc9: {  	[tilespmem:v40+s4+$0x0] =	vst.idx.msk vm0, v42  }
0xca: {  	v40 =	vld.idx.msk [tilespmem:v45+s7+$0x0], $0xffff  }
0xcb: {  	v41 =	vld.idx.msk [tilespmem:v48+s7+$0x0], $0xffff  }
0xcc: {  	v42 =	vld.idx.msk [tilespmem:v49+s7+$0x0], $0xffff;
	_ =	sdelay $0x3  }
0xcd: {  	v40 =	vmul.u32 $0x3, v40  }
0xce: {  	v41 =	vmul.u32 $0x3, v41  }
0xcf: {  	v42 =	vmul.u32 $0x3, v42;
	v43 =	vadd.s32 $0x1, v40;
	v44 =	vadd.s32 $0x2, v40  }
0xd0: {  	v46 =	vadd.s32 $0x1, v41;
	v47 =	vadd.s32 $0x2, v41  }
0xd1: {  	v50 =	vadd.s32 $0x1, v42;
	v51 =	vadd.s32 $0x2, v42;
	_ =	sdelay $0x1  }
0xd2: {  	v52 =	vld.idx.msk [tilespmem:v40+s3+$0x0], $0xffff  }
0xd3: {  	v53 =	vld.idx.msk [tilespmem:v41+s3+$0x0], $0xffff  }
0xd4: {  	v54 =	vld.idx.msk [tilespmem:v43+s3+$0x0], $0xffff  }
0xd5: {  	v46 =	vld.idx.msk [tilespmem:v46+s3+$0x0], $0xffff  }
0xd6: {  	v41 =	vld.idx.msk [tilespmem:v42+s3+$0x0], $0xffff  }
0xd7: {  	v42 =	vld.idx.msk [tilespmem:v50+s3+$0x0], $0xffff;
	_ =	sdelay $0x4  }
0xd8: {  	v50 =	vsub.f32 v52, v53;
	v40 =	vsub.f32 v41, v53  }
0xd9: {  	v55 =	vsub.f32 v54, v46;
	v43 =	vsub.f32 v42, v46;
	v56 =	vmin.f32 v46, v42  }
0xda: {  	v58 =	vsub.f32 v53, v41;
	v57 =	vsub.f32 v46, v42;
	v56 =	vmin.f32 v56, v54  }
0xdb: {  	v59 =	vsub.f32 v42, v54;
	v40 =	vmul.f32 v55, v40;
	v43 =	vmul.f32 v50, v43  }
0xdc: {  	v61 =	vsub.f32 v41, v52;
	v60 =	vmax.f32 v46, v42  }
0xdd: {  	v60 =	vmax.f32 v60, v54;
	v40 =	vsub.f32 v40, v43;
	_ =	sdelay $0x1  }
0xde: {  	vm0 =	vge.f32 v40, $9.999999710e-10;
	v43 =	vld.idx.msk [tilespmem:v49+s9+$0x0], $0xffff;
	v49 =	vand.u32 $0x7FFFFFFF, v40  }
0xdf: {  	v62 =	vmpcnt.ones.xlane vm0;
	v48 =	vld.idx.msk [tilespmem:v48+s9+$0x0], $0xffff;
	vm1 =	vlt.f32 v49, $9.999999960e-13;
	v49 =	vsel vm0, $0x1, v4  }
0xe0: {  	v45 =	vld.idx.msk [tilespmem:v45+s9+$0x0], $0xffff;
	v63 =	vsel vm1, $0x3F800000, v40;
	(xrf0) =	vadd.scan.msk.s32 $0xffff, v49  }
0xe1: {  	v37 =	vadd.s32 v37, v62;
	_ =	sdelay $0x2  }
0xe2: {  	v40 =	vshll.u32 v43, $0x1  }
0xe3: {  	v43 =	vshll.u32 v48, $0x1;
	v48 =	vor.u32 $0x1, v40  }
0xe4: {  	v49 =	vld.idx.msk [tilespmem:v44+s3+$0x0], $0xffff;
	v44 =	vshll.u32 v45, $0x1;
	v45 =	vor.u32 $0x1, v43;
	v62, _, _ =	vpop (xrf0)  }
0xe5: {  	v47 =	vld.idx.msk [tilespmem:v47+s3+$0x0], $0xffff;
	v6 =	vor.u32 $0x1, v44;
	v62 =	vadd.s32 v62, v39;
	v39 =	vmov v37  }
0xe6: {  	v51 =	vld.idx.msk [tilespmem:v51+s3+$0x0], $0xffff;
	v62 =	vadd.s32 $0xFFFFFFFF, v62  }
0xe7: {  	v7 =	vld.idx.msk [tilespmem:v40+s8+$0x0], $0xffff;
	vm1 =	vgt.s32 v62, $0x0  }
0xe8: {  	v48 =	vld.idx.msk [tilespmem:v48+s8+$0x0], $0xffff;
	v40 =	vnsel vm1, $0x0, v62  }
0xe9: {  	v43 =	vld.idx.msk [tilespmem:v43+s8+$0x0], $0xffff  }
0xea: {  	v45 =	vld.idx.msk [tilespmem:v45+s8+$0x0], $0xffff  }
0xeb: {  	v44 =	vld.idx.msk [tilespmem:v44+s8+$0x0], $0xffff  }
0xec: {  	v6 =	vld.idx.msk [tilespmem:v6+s8+$0x0], $0xffff  }
0xed: {  	v7 =	vadd.f32 v7, v7;
	[tilespmem:v40+s10+$0x0] =	vst.idx.msk vm0, v41  }
0xee: {  	v41 =	vadd.f32 v48, v48;
	[tilespmem:v40+s12+$0x0] =	vst.idx.msk vm0, v42  }
0xef: {  	v48 =	vadd.f32 v43, v43;
	v42 =	vadd.f32 $-1.000000000e+00, v7;
	[tilespmem:v40+s13+$0x0] =	vst.idx.msk vm0, v57  }
0xf0: {  	v7 =	vadd.f32 v45, v45;
	[tilespmem:v40+s14+$0x0] =	vst.idx.msk vm0, v58  }
0xf1: {  	v44 =	vadd.f32 v44, v44;
	[tilespmem:v40+s15+$0x0] =	vst.idx.msk vm0, v52  }
0xf2: {  	v43 =	vadd.f32 v6, v6;
	[tilespmem:v40+s16+$0x0] =	vst.idx.msk vm0, v54;
	(erf) = vrcp.f32 v63  }
0xf3: {  	[tilespmem:v40+s17+$0x0] =	vst.idx.msk vm0, v59  }
0xf4: {  	[tilespmem:v40+s18+$0x0] =	vst.idx.msk vm0, v61  }
0xf5: {  	[tilespmem:v40+s19+$0x0] =	vst.idx.msk vm0, v53  }
0xf6: {  	[tilespmem:v40+s20+$0x0] =	vst.idx.msk vm0, v46  }
0xf7: {  	[tilespmem:v40+s21+$0x0] =	vst.idx.msk vm0, v55  }
0xf8: {  	[tilespmem:v40+s22+$0x0] =	vst.idx.msk vm0, v50  }
0xf9: {  	[tilespmem:v40+s23+$0x0] =	vst.idx.msk vm0, v47  }
.Ltmp2:
0xfa: {  	v6 =	vmov s6;
	[tilespmem:v40+s24+$0x0] =	vst.idx.msk vm0, v51;
	(pc) =	sbr.rel @p0 .LBB2_5-.Ltmp2, $4  }
0xfb: {  	v6 =	vmul.u32 $0x3, v6;
	[tilespmem:v40+s25+$0x0] =	vst.idx.msk vm0, v49;
	v45 =	vpop (erf)  }
0xfc: {  	[tilespmem:v40+s26+$0x0] =	vst.idx.msk vm0, v45  }
0xfd: {  	v47 =	vadd.f32 $-1.000000000e+00, v48;
	v45 =	vbroadcast v6, $0x0;
	[tilespmem:v40+s28+$0x0] =	vst.idx.msk vm0, v56  }
0xfe: {  	v46 =	vadd.f32 $-1.000000000e+00, v7;
	[tilespmem:v40+s29+$0x0] =	vst.idx.msk vm0, v60  }
0xff: {  	_ =	sdelay $0x4  }
0x100: {  	[tilespmem:v40+s30+$0x0] =	vst.idx.msk vm0, v47  }
0x101: {  	v6 =	vadd.s32 v3, v45;
	v7 =	vadd.f32 $-1.000000000e+00, v41;
	[tilespmem:v40+s31+$0x0] =	vst.idx.msk vm0, v46  }
0x102: {  	v63 =	vadd.s32 v1, v45;
	v44 =	vadd.f32 $-1.000000000e+00, v44;
	[tilespmem:v40+s0+$0x0] =	vst.idx.msk vm0, v42  }
0x103: {  	v55 =	vadd.f32 $-1.000000000e+00, v43;
	[tilespmem:v40+s1+$0x0] =	vst.idx.msk vm0, v7  }
0x104: {  	[tilespmem:v40+s2+$0x0] =	vst.idx.msk vm0, v44  }
0x105: {  	v7 =	vadd.s32 v2, v45;
	[tilespmem:v40+s4+$0x0] =	vst.idx.msk vm0, v55  }
0x106: {  	v40 =	vld.idx.msk [tilespmem:v6+s7+$0x0], $0xffff  }
0x107: {  	v42 =	vld.idx.msk [tilespmem:v63+s7+$0x0], $0xffff;
	_ =	sdelay $0x2  }
0x108: {  	v56 =	vld.idx.msk [tilespmem:v7+s7+$0x0], $0xffff  }
0x109: {  	v40 =	vmul.u32 $0x3, v40  }
0x10a: {  	v42 =	vmul.u32 $0x3, v42;
	_ =	sdelay $0x1  }
0x10b: {  	v57 =	vadd.s32 $0x1, v40  }
0x10c: {  	v43 =	vmul.u32 $0x3, v56;
	v58 =	vadd.s32 $0x1, v42;
	_ =	sdelay $0x1  }
0x10d: {  	v59 =	vadd.s32 $0x1, v43;
	v47 =	vld.idx.msk [tilespmem:v40+s3+$0x0], $0xffff  }
0x10e: {  	v48 =	vld.idx.msk [tilespmem:v42+s3+$0x0], $0xffff  }
0x10f: {  	v44 =	vld.idx.msk [tilespmem:v57+s3+$0x0], $0xffff  }
0x110: {  	v45 =	vld.idx.msk [tilespmem:v58+s3+$0x0], $0xffff  }
0x111: {  	v49 =	vld.idx.msk [tilespmem:v43+s3+$0x0], $0xffff  }
0x112: {  	v46 =	vld.idx.msk [tilespmem:v59+s3+$0x0], $0xffff;
	_ =	sdelay $0x3  }
0x113: {  	v51 =	vsub.f32 v47, v48;
	v52 =	vsub.f32 v44, v45  }
0x114: {  	v50 =	vsub.f32 v49, v48;
	v53 =	vsub.f32 v46, v45;
	_ =	sdelay $0x1  }
0x115: {  	v50 =	vmul.f32 v52, v50;
	v53 =	vmul.f32 v51, v53;
	_ =	sdelay $0x1  }
0x116: {  	v50 =	vsub.f32 v50, v53  }
0x117: {  	v41 =	vld.idx.msk [tilespmem:v63+s9+$0x0], $0xffff  }
0x118: {  	v6 =	vld.idx.msk [tilespmem:v6+s9+$0x0], $0xffff;
	vm0 =	vge.f32 v50, $9.999999710e-10  }
0x119: {  	v60 =	vsel vm0, $0x1, v4  }
0x11a: {  	v7 =	vld.idx.msk [tilespmem:v7+s9+$0x0], $0xffff;
	(xrf0) =	vadd.scan.msk.s32 $0xffff, v60;
	_ =	sdelay $0x1  }
0x11b: {  	v41 =	vshll.u32 v41, $0x1  }
0x11c: {  	v6 =	vshll.u32 v6, $0x1  }
0x11d: {  	v55 =	vor.u32 $0x1, v41  }
0x11e: {  	v7 =	vshll.u32 v7, $0x1  }
0x11f: {  	v40 =	vadd.s32 $0x2, v40;
	v54, _, _ =	vpop (xrf0)  }
0x120: {  	v41 =	vld.idx.msk [tilespmem:v41+s8+$0x0], $0xffff;
	v42 =	vadd.s32 $0x2, v42;
	v39 =	vadd.s32 v54, v39  }
0x121: {  	v62 =	vor.u32 $0x1, v6;
	v6 =	vld.idx.msk [tilespmem:v6+s8+$0x0], $0xffff;
	v43 =	vadd.s32 $0x2, v43;
	v39 =	vadd.s32 $0xFFFFFFFF, v39  }
0x122: {  	v61 =	vor.u32 $0x1, v7;
	v55 =	vld.idx.msk [tilespmem:v55+s8+$0x0], $0xffff;
	vm1 =	vgt.s32 v39, $0x0  }
0x123: {  	v7 =	vld.idx.msk [tilespmem:v7+s8+$0x0], $0xffff;
	v39 =	vnsel vm1, $0x0, v39  }
0x124: {  	v40 =	vld.idx.msk [tilespmem:v40+s3+$0x0], $0xffff  }
0x125: {  	v42 =	vld.idx.msk [tilespmem:v42+s3+$0x0], $0xffff  }
0x126: {  	v43 =	vld.idx.msk [tilespmem:v43+s3+$0x0], $0xffff  }
0x127: {  	v53 =	vld.idx.msk [tilespmem:v61+s8+$0x0], $0xffff  }
0x128: {  	v56 =	vsub.f32 v45, v46;
	v54 =	vld.idx.msk [tilespmem:v62+s8+$0x0], $0xffff;
	[tilespmem:v39+s10+$0x0] =	vst.idx.msk vm0, v49  }
0x129: {  	v57 =	vsub.f32 v48, v49;
	[tilespmem:v39+s12+$0x0] =	vst.idx.msk vm0, v46  }
0x12a: {  	v58 =	vand.u32 $0x7FFFFFFF, v50;
	[tilespmem:v39+s13+$0x0] =	vst.idx.msk vm0, v56  }
0x12b: {  	vm1 =	vlt.f32 v58, $9.999999960e-13;
	[tilespmem:v39+s14+$0x0] =	vst.idx.msk vm0, v57  }
0x12c: {  	v63 =	vsub.f32 v46, v44;
	v50 =	vsel vm1, $0x3F800000, v50;
	[tilespmem:v39+s15+$0x0] =	vst.idx.msk vm0, v47  }
0x12d: {  	(erf) = vrcp.f32 v50;
	v47 =	vsub.f32 v49, v47;
	[tilespmem:v39+s16+$0x0] =	vst.idx.msk vm0, v44  }
0x12e: {  	[tilespmem:v39+s17+$0x0] =	vst.idx.msk vm0, v63  }
0x12f: {  	[tilespmem:v39+s18+$0x0] =	vst.idx.msk vm0, v47  }
0x130: {  	[tilespmem:v39+s19+$0x0] =	vst.idx.msk vm0, v48  }
0x131: {  	[tilespmem:v39+s20+$0x0] =	vst.idx.msk vm0, v45  }
0x132: {  	[tilespmem:v39+s21+$0x0] =	vst.idx.msk vm0, v52  }
0x133: {  	[tilespmem:v39+s22+$0x0] =	vst.idx.msk vm0, v51  }
0x134: {  	[tilespmem:v39+s23+$0x0] =	vst.idx.msk vm0, v42  }
0x135: {  	v41 =	vadd.f32 v41, v41;
	[tilespmem:v39+s24+$0x0] =	vst.idx.msk vm0, v43  }
0x136: {  	v50 =	vmin.f32 v45, v46;
	v56 =	vadd.f32 v55, v55;
	v51 =	vpop (erf);
	[tilespmem:v39+s25+$0x0] =	vst.idx.msk vm0, v40  }
0x137: {  	(xrf0) =	vmin.scan.msk.f32 $0xffff, v38;
	v52 =	vmax.f32 v45, v46;
	v42 =	vmin.f32 v50, v44;
	[tilespmem:v39+s26+$0x0] =	vst.idx.msk vm0, v51  }
0x138: {  	v7 =	vadd.f32 v7, v7;
	v58 =	vadd.f32 $-1.000000000e+00, v41;
	v57 =	vmax.f32 v52, v44;
	[tilespmem:v39+s28+$0x0] =	vst.idx.msk vm0, v42  }
0x139: {  	v59 =	vadd.f32 v53, v53;
	v60 =	vadd.f32 $-1.000000000e+00, v56;
	[tilespmem:v39+s29+$0x0] =	vst.idx.msk vm0, v57  }
0x13a: {  	v6 =	vadd.f32 v6, v6;
	v7 =	vadd.f32 $-1.000000000e+00, v7;
	[tilespmem:v39+s30+$0x0] =	vst.idx.msk vm0, v58  }
0x13b: {  	v62 =	vadd.f32 $-1.000000000e+00, v59;
	v61 =	vadd.f32 v54, v54;
	[tilespmem:v39+s31+$0x0] =	vst.idx.msk vm0, v60  }
0x13c: {  	v6 =	vadd.f32 $-1.000000000e+00, v6;
	[tilespmem:v39+s0+$0x0] =	vst.idx.msk vm0, v7  }
0x13d: {  	v63, _, _ =	vpop (xrf0);
	v7 =	vadd.f32 $-1.000000000e+00, v61;
	[tilespmem:v39+s1+$0x0] =	vst.idx.msk vm0, v62  }
0x13e: {  	[tilespmem:v39+s2+$0x0] =	vst.idx.msk vm0, v6;
	v6 =	vbroadcast v63, $0xF  }
0x13f: {  	s6 =	simm.s32 $0xE80;
	[tilespmem:v39+s4+$0x0] =	vst.idx.msk vm0, v7  }
0x140: {  	s5 =	rddreg [dreg:$0x1];
	s11 =	simm.s32 $0x1;
	s10 =	simm.s32 $0x0;
	[tilespmem:$0xC00] =	vst v6  }
0x141: {  	[hbm4b:s5+s10] =	stream.linear.scatter [tilespmem:s6], [sflag:$0x1], $0x100, $0x38;
	[tilespmem:$0x3280] =	vst v63  }
0x142: {  	_ =	swait.ge [sflag:s11], $0x100  }
0x143: {  	[sflag:s11] =	ssyncset.done $0x0  }
0x144: {  	s6 =	rddreg [dreg:$0x8];
	[sflag:s11] =	ssyncadd.s32 $0xFFFFFF00  }
0x145: {  	[hbm4b:s6+s10] =	stream.linear.scatter [tilespmem:s12], [sflag:$0x1], $0x100, $0x38;
	[tilespmem:$0x3280] =	vst v63  }
0x146: {  	_ =	swait.ge [sflag:s11], $0x100  }
0x147: {  	[sflag:s11] =	ssyncset.done $0x0  }
0x148: {  	s6 =	rddreg [dreg:$0x9];
	[sflag:s11] =	ssyncadd.s32 $0xFFFFFF00  }
0x149: {  	[hbm4b:s6+s10] =	stream.linear.scatter [tilespmem:s13], [sflag:$0x1], $0x100, $0x38;
	[tilespmem:$0x3280] =	vst v63  }
0x14a: {  	_ =	swait.ge [sflag:s11], $0x100  }
0x14b: {  	[sflag:s11] =	ssyncset.done $0x0  }
0x14c: {  	s12 =	rddreg [dreg:$0xa];
	[sflag:s11] =	ssyncadd.s32 $0xFFFFFF00  }
0x14d: {  	[hbm4b:s12+s10] =	stream.linear.scatter [tilespmem:s14], [sflag:$0x1], $0x100, $0x38;
	[tilespmem:$0x3280] =	vst v63  }
0x14e: {  	_ =	swait.ge [sflag:s11], $0x100  }
0x14f: {  	[sflag:s11] =	ssyncset.done $0x0  }
0x150: {  	s6 =	rddreg [dreg:$0xb];
	[sflag:s11] =	ssyncadd.s32 $0xFFFFFF00  }
0x151: {  	[hbm4b:s6+s10] =	stream.linear.scatter [tilespmem:s15], [sflag:$0x1], $0x100, $0x38;
	[tilespmem:$0x3280] =	vst v63  }
0x152: {  	_ =	swait.ge [sflag:s11], $0x100  }
0x153: {  	[sflag:s11] =	ssyncset.done $0x0  }
0x154: {  	s12 =	rddreg [dreg:$0xc];
	[sflag:s11] =	ssyncadd.s32 $0xFFFFFF00  }
0x155: {  	[hbm4b:s12+s10] =	stream.linear.scatter [tilespmem:s16], [sflag:$0x1], $0x100, $0x38;
	[tilespmem:$0x3280] =	vst v63  }
0x156: {  	_ =	swait.ge [sflag:s11], $0x100  }
0x157: {  	[sflag:s11] =	ssyncset.done $0x0  }
0x158: {  	s6 =	rddreg [dreg:$0xd];
	[sflag:s11] =	ssyncadd.s32 $0xFFFFFF00  }
0x159: {  	[hbm4b:s6+s10] =	stream.linear.scatter [tilespmem:s17], [sflag:$0x1], $0x100, $0x38;
	[tilespmem:$0x3280] =	vst v63  }
0x15a: {  	_ =	swait.ge [sflag:s11], $0x100  }
0x15b: {  	[sflag:s11] =	ssyncset.done $0x0  }
0x15c: {  	s12 =	rddreg [dreg:$0xe];
	[sflag:s11] =	ssyncadd.s32 $0xFFFFFF00  }
0x15d: {  	[hbm4b:s12+s10] =	stream.linear.scatter [tilespmem:s18], [sflag:$0x1], $0x100, $0x38;
	[tilespmem:$0x3280] =	vst v63  }
0x15e: {  	_ =	swait.ge [sflag:s11], $0x100  }
0x15f: {  	[sflag:s11] =	ssyncset.done $0x0  }
0x160: {  	s6 =	rddreg [dreg:$0xf];
	[sflag:s11] =	ssyncadd.s32 $0xFFFFFF00  }
0x161: {  	[hbm4b:s6+s10] =	stream.linear.scatter [tilespmem:s19], [sflag:$0x1], $0x100, $0x38;
	[tilespmem:$0x3280] =	vst v63  }
0x162: {  	_ =	swait.ge [sflag:s11], $0x100  }
0x163: {  	[sflag:s11] =	ssyncset.done $0x0  }
0x164: {  	s12 =	rddreg [dreg:$0x10];
	[sflag:s11] =	ssyncadd.s32 $0xFFFFFF00  }
0x165: {  	[hbm4b:s12+s10] =	stream.linear.scatter [tilespmem:s20], [sflag:$0x1], $0x100, $0x38;
	[tilespmem:$0x3280] =	vst v63  }
0x166: {  	_ =	swait.ge [sflag:s11], $0x100  }
0x167: {  	[sflag:s11] =	ssyncset.done $0x0  }
0x168: {  	s6 =	rddreg [dreg:$0x11];
	[sflag:s11] =	ssyncadd.s32 $0xFFFFFF00  }
0x169: {  	[hbm4b:s6+s10] =	stream.linear.scatter [tilespmem:s21], [sflag:$0x1], $0x100, $0x38;
	[tilespmem:$0x3280] =	vst v63  }
0x16a: {  	_ =	swait.ge [sflag:s11], $0x100  }
0x16b: {  	[sflag:s11] =	ssyncset.done $0x0  }
0x16c: {  	s12 =	rddreg [dreg:$0x12];
	[sflag:s11] =	ssyncadd.s32 $0xFFFFFF00  }
0x16d: {  	[hbm4b:s12+s10] =	stream.linear.scatter [tilespmem:s22], [sflag:$0x1], $0x100, $0x38;
	[tilespmem:$0x3280] =	vst v63  }
0x16e: {  	_ =	swait.ge [sflag:s11], $0x100  }
0x16f: {  	[sflag:s11] =	ssyncset.done $0x0  }
0x170: {  	s6 =	rddreg [dreg:$0x13];
	[sflag:s11] =	ssyncadd.s32 $0xFFFFFF00  }
0x171: {  	[hbm4b:s6+s10] =	stream.linear.scatter [tilespmem:s23], [sflag:$0x1], $0x100, $0x38;
	[tilespmem:$0x3280] =	vst v63  }
0x172: {  	_ =	swait.ge [sflag:s11], $0x100  }
0x173: {  	[sflag:s11] =	ssyncset.done $0x0  }
0x174: {  	s12 =	rddreg [dreg:$0x14];
	[sflag:s11] =	ssyncadd.s32 $0xFFFFFF00  }
0x175: {  	[hbm4b:s12+s10] =	stream.linear.scatter [tilespmem:s24], [sflag:$0x1], $0x100, $0x38;
	[tilespmem:$0x3280] =	vst v63  }
0x176: {  	_ =	swait.ge [sflag:s11], $0x100  }
0x177: {  	[sflag:s11] =	ssyncset.done $0x0  }
0x178: {  	s6 =	rddreg [dreg:$0x15];
	[sflag:s11] =	ssyncadd.s32 $0xFFFFFF00  }
0x179: {  	[hbm4b:s6+s10] =	stream.linear.scatter [tilespmem:s25], [sflag:$0x1], $0x100, $0x38;
	[tilespmem:$0x3280] =	vst v63  }
0x17a: {  	_ =	swait.ge [sflag:s11], $0x100  }
0x17b: {  	[sflag:s11] =	ssyncset.done $0x0  }
0x17c: {  	s12 =	rddreg [dreg:$0x16];
	[sflag:s11] =	ssyncadd.s32 $0xFFFFFF00  }
0x17d: {  	[hbm4b:s12+s10] =	stream.linear.scatter [tilespmem:s26], [sflag:$0x1], $0x100, $0x38;
	[tilespmem:$0x3280] =	vst v63  }
0x17e: {  	_ =	swait.ge [sflag:s11], $0x100  }
0x17f: {  	[sflag:s11] =	ssyncset.done $0x0  }
0x180: {  	s6 =	rddreg [dreg:$0x17];
	[sflag:s11] =	ssyncadd.s32 $0xFFFFFF00  }
0x181: {  	[hbm4b:s6+s10] =	stream.linear.scatter [tilespmem:s28], [sflag:$0x1], $0x100, $0x38;
	[tilespmem:$0x3280] =	vst v63  }
0x182: {  	_ =	swait.ge [sflag:s11], $0x100  }
0x183: {  	[sflag:s11] =	ssyncset.done $0x0  }
0x184: {  	s12 =	rddreg [dreg:$0x18];
	[sflag:s11] =	ssyncadd.s32 $0xFFFFFF00  }
0x185: {  	[hbm4b:s12+s10] =	stream.linear.scatter [tilespmem:s29], [sflag:$0x1], $0x100, $0x38;
	[tilespmem:$0x3280] =	vst v63  }
0x186: {  	_ =	swait.ge [sflag:s11], $0x100  }
0x187: {  	[sflag:s11] =	ssyncset.done $0x0  }
0x188: {  	s6 =	rddreg [dreg:$0x19];
	[sflag:s11] =	ssyncadd.s32 $0xFFFFFF00  }
0x189: {  	[hbm4b:s6+s10] =	stream.linear.scatter [tilespmem:s30], [sflag:$0x1], $0x100, $0x38;
	[tilespmem:$0x3280] =	vst v63  }
0x18a: {  	_ =	swait.ge [sflag:s11], $0x100  }
0x18b: {  	[sflag:s11] =	ssyncset.done $0x0  }
0x18c: {  	s12 =	rddreg [dreg:$0x1a];
	[sflag:s11] =	ssyncadd.s32 $0xFFFFFF00  }
0x18d: {  	[hbm4b:s12+s10] =	stream.linear.scatter [tilespmem:s31], [sflag:$0x1], $0x100, $0x38;
	[tilespmem:$0x3280] =	vst v63  }
0x18e: {  	_ =	swait.ge [sflag:s11], $0x100  }
0x18f: {  	[sflag:s11] =	ssyncset.done $0x0  }
0x190: {  	s6 =	rddreg [dreg:$0x1b];
	[sflag:s11] =	ssyncadd.s32 $0xFFFFFF00  }
0x191: {  	[hbm4b:s6+s10] =	stream.linear.scatter [tilespmem:s0], [sflag:$0x1], $0x100, $0x38;
	[tilespmem:$0x3280] =	vst v63  }
0x192: {  	_ =	swait.ge [sflag:s11], $0x100  }
0x193: {  	[sflag:s11] =	ssyncset.done $0x0  }
0x194: {  	s12 =	rddreg [dreg:$0x1d];
	[sflag:s11] =	ssyncadd.s32 $0xFFFFFF00  }
0x195: {  	[hbm4b:s12+s10] =	stream.linear.scatter [tilespmem:s1], [sflag:$0x1], $0x100, $0x38;
	[tilespmem:$0x3280] =	vst v63  }
0x196: {  	_ =	swait.ge [sflag:s11], $0x100  }
0x197: {  	[sflag:s11] =	ssyncset.done $0x0  }
0x198: {  	s6 =	rddreg [dreg:$0x1e];
	[sflag:s11] =	ssyncadd.s32 $0xFFFFFF00  }
0x199: {  	[hbm4b:s6+s10] =	stream.linear.scatter [tilespmem:s2], [sflag:$0x1], $0x100, $0x38;
	[tilespmem:$0x3280] =	vst v63  }
0x19a: {  	_ =	swait.ge [sflag:s11], $0x100  }
0x19b: {  	[sflag:s11] =	ssyncset.done $0x0  }
0x19c: {  	s12 =	rddreg [dreg:$0x1f];
	[sflag:s11] =	ssyncadd.s32 $0xFFFFFF00  }
0x19d: {  	[hbm4b:s12+s10] =	stream.linear.scatter [tilespmem:s4], [sflag:$0x1], $0x100, $0x38;
	[tilespmem:$0x3280] =	vst v63  }
0x19e: {  	_ =	swait.ge [sflag:s11], $0x100  }
0x19f: {  	s6 =	sld [smem:$0x7FB]  }
0x1a0: {  	[sflag:s11] =	ssyncset.done $0x0  }
0x1a1: {  	s12 =	simm.s32 $0xC00;
	[sflag:s11] =	ssyncadd.s32 $0xFFFFFF00  }
0x1a2: {  	[hbm4b:s6+s10] =	stream.linear.scatter [tilespmem:s12], [sflag:$0x1], $0x10, $0x38;
	[tilespmem:$0x3280] =	vst v63  }
0x1a3: {  	_ =	swait.ge [sflag:s11], $0x10  }
0x1a4: {  	[sflag:s11] =	ssyncset.done $0x0  }
0x1a5: {  	[sflag:s11] =	ssyncadd.s32 $0xFFFFFFF0  }
0x1a6: {  	[tilespmem:$0xC80] =	vst v5  }
0x1a7: {  	[tilespmem:$0xC90] =	vst v5  }
0x1a8: {  	v7 =	vld [tilespmem:$0x1FFE0];
	[tilespmem:$0xCA0] =	vst v5  }
0x1a9: {  	[tilespmem:$0xCB0] =	vst v5  }
0x1aa: {  	v6 =	vmpcnt.ones.xlane vm0;
	[tilespmem:$0xCC0] =	vst v5  }
0x1ab: {  	[tilespmem:$0xCD0] =	vst v5  }
0x1ac: {  	v6 =	vadd.s32 v37, v6;
	[tilespmem:$0xCE0] =	vst v5  }
0x1ad: {  	[tilespmem:$0xCF0] =	vst v5;
	vm0 =	vgt.s32 v6, v7;
	v7 =	vimm.s32 $0x0  }
0x1ae: {  	[tilespmem:$0xD00] =	vst v5;
	v7 =	vsel vm0, $0xFFFFFFFF, v7  }
0x1af: {  	[tilespmem:$0x1FFB0] =	vst v7;
	v7 =	vld [tilespmem:$0x1FFF0]  }
0x1b0: {  	[tilespmem:$0xD10] =	vst v5  }
0x1b1: {  	[tilespmem:$0xD20] =	vst v5  }
0x1b2: {  	vm3 =	vgt.s32 v6, v9;
	[tilespmem:$0xD30] =	vst v5  }
0x1b3: {  	vm4 =	vgt.s32 v6, v10;
	vm5 =	vgt.s32 v6, v11;
	vm6 =	vgt.s32 v6, v12;
	[tilespmem:$0xD40] =	vst v5  }
0x1b4: {  	vm7 =	vgt.s32 v6, v13;
	[tilespmem:$0xD50] =	vst v5;
	vm0 =	vgt.s32 v6, v7;
	v7 =	vimm.s32 $0x0  }
0x1b5: {  	vm8 =	vgt.s32 v6, v14;
	vm9 =	vgt.s32 v6, v15;
	[tilespmem:$0xD60] =	vst v5;
	v7 =	vsel vm0, $0xFFFFFFFF, v7  }
0x1b6: {  	vm10 =	vgt.s32 v6, v16;
	vm0 =	vgt.s32 v6, v8;
	[tilespmem:$0x1FFC0] =	vst v7;
	v7 =	vimm.s32 $0x0  }
0x1b7: {  	vm11 =	vgt.s32 v6, v17;
	vm12 =	vgt.s32 v6, v18;
	[tilespmem:$0xD70] =	vst v5;
	v7 =	vsel vm0, $0xFFFFFFFF, v7  }
0x1b8: {  	vm13 =	vgt.s32 v6, v19;
	vm14 =	vgt.s32 v6, v20;
	vm15 =	vgt.s32 v6, v0;
	s6 =	simm.s32 $0xF;
	s12 =	simm.s32 $0xC80;
	s5 =	sld [smem:$0x7FD];
	[tilespmem:$0x1FFD0] =	vst v7  }
.LBB2_7:
0x1b9: {  	s11 =	sadd.s32 $0xFFFFFFF1, s6  }
0x1ba: {  	v6 =	vmov s11  }
0x1bb: {  	v6 =	vand.u32 $0xFFFFFFF0, v6  }
0x1bc: {  	v7 =	vmov s6;
	v6 =	vbroadcast v6, $0x0;
	_ =	sdelay $0x3  }
0x1bd: {  	s11 =	simm.s32 $0xB00  }
0x1be: {  	v38 =	vld.idx.msk [tilespmem:v7+s11+$0x0], $0xffff  }
0x1bf: {  	v37 =	vld.idx.msk [tilespmem:v6+s11+$0x0], $0xffff  }
0x1c0: {  	v6 =	vld [tilespmem:$0x2800]  }
0x1c1: {  	v7 =	vld [tilespmem:$0x2680];
	_ =	sdelay $0x3  }
0x1c2: {  	vm0 =	vge.f32 v6, v38  }
0x1c3: {  	vm1 =	vle.f32 v7, v37;
	vm0 =	vmand vm15, vm0  }
0x1c4: {  	vm0 =	vmand vm1, vm0  }
0x1c5: {  	v6 =	vsel vm0, $0x1, v4  }
0x1c6: {  	(xrf0) =	vadd.scan.msk.s32 $0xffff, v6;
	_ =	sdelay $0x5  }
0x1c7: {  	v6, _, _ =	vpop (xrf0)  }
0x1c8: {  	v6 =	vadd.s32 $0xFFFFFFFF, v6  }
0x1c9: {  	vm1 =	vgt.s32 v6, $0x0  }
0x1ca: {  	v6 =	vnsel vm1, $0x0, v6;
	_ =	sdelay $0x4  }
0x1cb: {  	[tilespmem:v6+s12+$0x0] =	vst.idx.msk vm0, v21  }
0x1cc: {  	v6 =	vld [tilespmem:$0x2810]  }
0x1cd: {  	v7 =	vld [tilespmem:$0x2690];
	_ =	sdelay $0x3  }
0x1ce: {  	vm1 =	vge.f32 v6, v38  }
0x1cf: {  	vm2 =	vle.f32 v7, v37;
	vm1 =	vmand vm14, vm1  }
0x1d0: {  	vm1 =	vmand vm2, vm1  }
0x1d1: {  	v6 =	vsel vm1, $0x1, v4  }
0x1d2: {  	(xrf0) =	vadd.scan.msk.s32 $0xffff, v6;
	_ =	sdelay $0x4  }
0x1d3: {  	v6 =	vmpcnt.ones.xlane vm0  }
0x1d4: {  	v7, _, _ =	vpop (xrf0)  }
0x1d5: {  	v7 =	vadd.s32 v7, v6  }
0x1d6: {  	v7 =	vadd.s32 $0xFFFFFFFF, v7  }
0x1d7: {  	vm0 =	vgt.s32 v7, $0x0  }
0x1d8: {  	v7 =	vnsel vm0, $0x0, v7;
	_ =	sdelay $0x4  }
0x1d9: {  	[tilespmem:v7+s12+$0x0] =	vst.idx.msk vm1, v22  }
0x1da: {  	v7 =	vld [tilespmem:$0x2820]  }
0x1db: {  	v39 =	vld [tilespmem:$0x26A0];
	_ =	sdelay $0x3  }
0x1dc: {  	vm0 =	vge.f32 v7, v38  }
0x1dd: {  	vm2 =	vle.f32 v39, v37;
	vm0 =	vmand vm13, vm0  }
0x1de: {  	vm0 =	vmand vm2, vm0  }
0x1df: {  	v7 =	vsel vm0, $0x1, v4  }
0x1e0: {  	(xrf0) =	vadd.scan.msk.s32 $0xffff, v7;
	_ =	sdelay $0x1  }
0x1e1: {  	v7 =	vmpcnt.ones.xlane vm1;
	_ =	sdelay $0x3  }
0x1e2: {  	v6 =	vadd.s32 v6, v7;
	v7, _, _ =	vpop (xrf0)  }
0x1e3: {  	v7 =	vadd.s32 v7, v6  }
0x1e4: {  	v7 =	vadd.s32 $0xFFFFFFFF, v7  }
0x1e5: {  	vm1 =	vgt.s32 v7, $0x0  }
0x1e6: {  	v7 =	vnsel vm1, $0x0, v7;
	_ =	sdelay $0x4  }
0x1e7: {  	[tilespmem:v7+s12+$0x0] =	vst.idx.msk vm0, v23  }
0x1e8: {  	v7 =	vld [tilespmem:$0x2830]  }
0x1e9: {  	v49 =	vld [tilespmem:$0x26B0];
	_ =	sdelay $0x3  }
0x1ea: {  	vm1 =	vge.f32 v7, v38  }
0x1eb: {  	vm2 =	vle.f32 v49, v37;
	vm1 =	vmand vm12, vm1  }
0x1ec: {  	vm1 =	vmand vm2, vm1  }
0x1ed: {  	v7 =	vsel vm1, $0x1, v4  }
0x1ee: {  	(xrf0) =	vadd.scan.msk.s32 $0xffff, v7;
	_ =	sdelay $0x1  }
0x1ef: {  	v7 =	vmpcnt.ones.xlane vm0;
	_ =	sdelay $0x3  }
0x1f0: {  	v6 =	vadd.s32 v6, v7;
	v7, _, _ =	vpop (xrf0)  }
0x1f1: {  	v7 =	vadd.s32 v7, v6  }
0x1f2: {  	v7 =	vadd.s32 $0xFFFFFFFF, v7  }
0x1f3: {  	vm0 =	vgt.s32 v7, $0x0  }
0x1f4: {  	v7 =	vnsel vm0, $0x0, v7;
	_ =	sdelay $0x4  }
0x1f5: {  	[tilespmem:v7+s12+$0x0] =	vst.idx.msk vm1, v24  }
0x1f6: {  	v7 =	vld [tilespmem:$0x2840]  }
0x1f7: {  	v50 =	vld [tilespmem:$0x26C0];
	_ =	sdelay $0x3  }
0x1f8: {  	vm0 =	vge.f32 v7, v38  }
0x1f9: {  	vm2 =	vle.f32 v50, v37;
	vm0 =	vmand vm11, vm0  }
0x1fa: {  	vm0 =	vmand vm2, vm0  }
0x1fb: {  	v7 =	vsel vm0, $0x1, v4  }
0x1fc: {  	(xrf0) =	vadd.scan.msk.s32 $0xffff, v7;
	_ =	sdelay $0x1  }
0x1fd: {  	v7 =	vmpcnt.ones.xlane vm1;
	_ =	sdelay $0x3  }
0x1fe: {  	v6 =	vadd.s32 v6, v7;
	v7, _, _ =	vpop (xrf0)  }
0x1ff: {  	v7 =	vadd.s32 v7, v6  }
0x200: {  	v7 =	vadd.s32 $0xFFFFFFFF, v7  }
0x201: {  	vm1 =	vgt.s32 v7, $0x0  }
0x202: {  	v7 =	vnsel vm1, $0x0, v7;
	_ =	sdelay $0x4  }
0x203: {  	[tilespmem:v7+s12+$0x0] =	vst.idx.msk vm0, v25  }
0x204: {  	v7 =	vld [tilespmem:$0x2850]  }
0x205: {  	v51 =	vld [tilespmem:$0x26D0];
	_ =	sdelay $0x3  }
0x206: {  	vm1 =	vge.f32 v7, v38  }
0x207: {  	vm2 =	vle.f32 v51, v37;
	vm1 =	vmand vm10, vm1  }
0x208: {  	vm1 =	vmand vm2, vm1  }
0x209: {  	v7 =	vsel vm1, $0x1, v4  }
0x20a: {  	(xrf0) =	vadd.scan.msk.s32 $0xffff, v7;
	_ =	sdelay $0x1  }
0x20b: {  	v7 =	vmpcnt.ones.xlane vm0;
	_ =	sdelay $0x3  }
0x20c: {  	v6 =	vadd.s32 v6, v7;
	v7, _, _ =	vpop (xrf0)  }
0x20d: {  	v7 =	vadd.s32 v7, v6  }
0x20e: {  	v7 =	vadd.s32 $0xFFFFFFFF, v7  }
0x20f: {  	vm0 =	vgt.s32 v7, $0x0  }
0x210: {  	v7 =	vnsel vm0, $0x0, v7;
	_ =	sdelay $0x4  }
0x211: {  	[tilespmem:v7+s12+$0x0] =	vst.idx.msk vm1, v26  }
0x212: {  	v7 =	vld [tilespmem:$0x2860]  }
0x213: {  	v52 =	vld [tilespmem:$0x26E0];
	_ =	sdelay $0x3  }
0x214: {  	vm0 =	vge.f32 v7, v38  }
0x215: {  	vm2 =	vle.f32 v52, v37;
	vm0 =	vmand vm9, vm0  }
0x216: {  	vm0 =	vmand vm2, vm0  }
0x217: {  	v7 =	vsel vm0, $0x1, v4  }
0x218: {  	(xrf0) =	vadd.scan.msk.s32 $0xffff, v7;
	_ =	sdelay $0x1  }
0x219: {  	v7 =	vmpcnt.ones.xlane vm1;
	_ =	sdelay $0x3  }
0x21a: {  	v6 =	vadd.s32 v6, v7;
	v7, _, _ =	vpop (xrf0)  }
0x21b: {  	v7 =	vadd.s32 v7, v6  }
0x21c: {  	v7 =	vadd.s32 $0xFFFFFFFF, v7  }
0x21d: {  	vm1 =	vgt.s32 v7, $0x0  }
0x21e: {  	v7 =	vnsel vm1, $0x0, v7;
	_ =	sdelay $0x4  }
0x21f: {  	[tilespmem:v7+s12+$0x0] =	vst.idx.msk vm0, v27  }
0x220: {  	v7 =	vld [tilespmem:$0x2870]  }
0x221: {  	v53 =	vld [tilespmem:$0x26F0];
	_ =	sdelay $0x3  }
0x222: {  	vm1 =	vge.f32 v7, v38  }
0x223: {  	vm2 =	vle.f32 v53, v37;
	vm1 =	vmand vm8, vm1  }
0x224: {  	vm1 =	vmand vm2, vm1  }
0x225: {  	v7 =	vsel vm1, $0x1, v4  }
0x226: {  	(xrf0) =	vadd.scan.msk.s32 $0xffff, v7;
	_ =	sdelay $0x1  }
0x227: {  	v7 =	vmpcnt.ones.xlane vm0;
	_ =	sdelay $0x3  }
0x228: {  	v6 =	vadd.s32 v6, v7;
	v7, _, _ =	vpop (xrf0)  }
0x229: {  	v7 =	vadd.s32 v7, v6  }
0x22a: {  	v7 =	vadd.s32 $0xFFFFFFFF, v7  }
0x22b: {  	vm0 =	vgt.s32 v7, $0x0  }
0x22c: {  	v7 =	vnsel vm0, $0x0, v7;
	_ =	sdelay $0x4  }
0x22d: {  	[tilespmem:v7+s12+$0x0] =	vst.idx.msk vm1, v28  }
0x22e: {  	v7 =	vld [tilespmem:$0x2880]  }
0x22f: {  	v54 =	vld [tilespmem:$0x2700];
	_ =	sdelay $0x3  }
0x230: {  	vm0 =	vge.f32 v7, v38  }
0x231: {  	vm2 =	vle.f32 v54, v37;
	vm0 =	vmand vm7, vm0  }
0x232: {  	vm0 =	vmand vm2, vm0  }
0x233: {  	v7 =	vsel vm0, $0x1, v4  }
0x234: {  	(xrf0) =	vadd.scan.msk.s32 $0xffff, v7;
	_ =	sdelay $0x1  }
0x235: {  	v7 =	vmpcnt.ones.xlane vm1;
	_ =	sdelay $0x3  }
0x236: {  	v6 =	vadd.s32 v6, v7;
	v7, _, _ =	vpop (xrf0)  }
0x237: {  	v7 =	vadd.s32 v7, v6  }
0x238: {  	v7 =	vadd.s32 $0xFFFFFFFF, v7  }
0x239: {  	vm1 =	vgt.s32 v7, $0x0  }
0x23a: {  	v7 =	vnsel vm1, $0x0, v7;
	_ =	sdelay $0x4  }
0x23b: {  	[tilespmem:v7+s12+$0x0] =	vst.idx.msk vm0, v29  }
0x23c: {  	v7 =	vld [tilespmem:$0x2890]  }
0x23d: {  	v55 =	vld [tilespmem:$0x2710];
	_ =	sdelay $0x3  }
0x23e: {  	vm1 =	vge.f32 v7, v38  }
0x23f: {  	vm2 =	vle.f32 v55, v37;
	vm1 =	vmand vm6, vm1  }
0x240: {  	vm1 =	vmand vm2, vm1  }
0x241: {  	v7 =	vsel vm1, $0x1, v4  }
0x242: {  	(xrf0) =	vadd.scan.msk.s32 $0xffff, v7;
	_ =	sdelay $0x1  }
0x243: {  	v7 =	vmpcnt.ones.xlane vm0;
	_ =	sdelay $0x3  }
0x244: {  	v6 =	vadd.s32 v6, v7;
	v7, _, _ =	vpop (xrf0)  }
0x245: {  	v7 =	vadd.s32 v7, v6  }
0x246: {  	v7 =	vadd.s32 $0xFFFFFFFF, v7  }
0x247: {  	vm0 =	vgt.s32 v7, $0x0  }
0x248: {  	v7 =	vnsel vm0, $0x0, v7;
	_ =	sdelay $0x4  }
0x249: {  	[tilespmem:v7+s12+$0x0] =	vst.idx.msk vm1, v30  }
0x24a: {  	v7 =	vld [tilespmem:$0x28A0]  }
0x24b: {  	v56 =	vld [tilespmem:$0x2720];
	_ =	sdelay $0x3  }
0x24c: {  	vm0 =	vge.f32 v7, v38  }
0x24d: {  	vm2 =	vle.f32 v56, v37;
	vm0 =	vmand vm5, vm0  }
0x24e: {  	vm0 =	vmand vm2, vm0  }
0x24f: {  	v7 =	vsel vm0, $0x1, v4  }
0x250: {  	(xrf0) =	vadd.scan.msk.s32 $0xffff, v7;
	_ =	sdelay $0x1  }
0x251: {  	v7 =	vmpcnt.ones.xlane vm1;
	_ =	sdelay $0x3  }
0x252: {  	v6 =	vadd.s32 v6, v7;
	v7, _, _ =	vpop (xrf0)  }
0x253: {  	v7 =	vadd.s32 v7, v6  }
0x254: {  	v7 =	vadd.s32 $0xFFFFFFFF, v7  }
0x255: {  	vm1 =	vgt.s32 v7, $0x0  }
0x256: {  	v7 =	vnsel vm1, $0x0, v7;
	_ =	sdelay $0x4  }
0x257: {  	[tilespmem:v7+s12+$0x0] =	vst.idx.msk vm0, v31  }
0x258: {  	v7 =	vld [tilespmem:$0x28B0]  }
0x259: {  	v57 =	vld [tilespmem:$0x2730];
	_ =	sdelay $0x3  }
0x25a: {  	vm1 =	vge.f32 v7, v38  }
0x25b: {  	vm2 =	vle.f32 v57, v37;
	vm1 =	vmand vm4, vm1  }
0x25c: {  	vm1 =	vmand vm2, vm1  }
0x25d: {  	v7 =	vsel vm1, $0x1, v4  }
0x25e: {  	(xrf0) =	vadd.scan.msk.s32 $0xffff, v7;
	_ =	sdelay $0x1  }
0x25f: {  	v7 =	vmpcnt.ones.xlane vm0;
	_ =	sdelay $0x3  }
0x260: {  	v6 =	vadd.s32 v6, v7;
	v7, _, _ =	vpop (xrf0)  }
0x261: {  	v7 =	vadd.s32 v7, v6  }
0x262: {  	v7 =	vadd.s32 $0xFFFFFFFF, v7  }
0x263: {  	vm0 =	vgt.s32 v7, $0x0  }
0x264: {  	v7 =	vnsel vm0, $0x0, v7;
	_ =	sdelay $0x4  }
0x265: {  	[tilespmem:v7+s12+$0x0] =	vst.idx.msk vm1, v32  }
0x266: {  	v7 =	vld [tilespmem:$0x28C0]  }
0x267: {  	v58 =	vld [tilespmem:$0x2740];
	_ =	sdelay $0x3  }
0x268: {  	vm0 =	vge.f32 v7, v38  }
0x269: {  	vm2 =	vle.f32 v58, v37;
	vm0 =	vmand vm3, vm0  }
0x26a: {  	vm0 =	vmand vm2, vm0  }
0x26b: {  	v7 =	vsel vm0, $0x1, v4  }
0x26c: {  	(xrf0) =	vadd.scan.msk.s32 $0xffff, v7;
	_ =	sdelay $0x1  }
0x26d: {  	v7 =	vmpcnt.ones.xlane vm1;
	_ =	sdelay $0x3  }
0x26e: {  	v6 =	vadd.s32 v6, v7;
	v7, _, _ =	vpop (xrf0)  }
0x26f: {  	v7 =	vadd.s32 v7, v6  }
0x270: {  	v7 =	vadd.s32 $0xFFFFFFFF, v7  }
0x271: {  	vm1 =	vgt.s32 v7, $0x0  }
0x272: {  	v7 =	vnsel vm1, $0x0, v7;
	_ =	sdelay $0x4  }
0x273: {  	[tilespmem:v7+s12+$0x0] =	vst.idx.msk vm0, v33  }
0x274: {  	v7 =	vld [tilespmem:$0x28D0];
	_ =	sdelay $0x4  }
0x275: {  	vm1 =	vge.f32 v7, v38;
	v7 =	vld [tilespmem:$0x1FFD0]  }
0x276: {  	v59 =	vld [tilespmem:$0x2750];
	_ =	sdelay $0x3  }
0x277: {  	vm2 =	vnez.u8 v7  }
0x278: {  	vm1 =	vmand vm2, vm1;
	vm2 =	vle.f32 v59, v37  }
0x279: {  	vm1 =	vmand vm2, vm1  }
0x27a: {  	v7 =	vsel vm1, $0x1, v4  }
0x27b: {  	(xrf0) =	vadd.scan.msk.s32 $0xffff, v7;
	_ =	sdelay $0x1  }
0x27c: {  	v7 =	vmpcnt.ones.xlane vm0;
	_ =	sdelay $0x3  }
0x27d: {  	v6 =	vadd.s32 v6, v7;
	v7, _, _ =	vpop (xrf0)  }
0x27e: {  	v7 =	vadd.s32 v7, v6  }
0x27f: {  	v7 =	vadd.s32 $0xFFFFFFFF, v7  }
0x280: {  	vm0 =	vgt.s32 v7, $0x0  }
0x281: {  	v7 =	vnsel vm0, $0x0, v7;
	_ =	sdelay $0x4  }
0x282: {  	[tilespmem:v7+s12+$0x0] =	vst.idx.msk vm1, v34  }
0x283: {  	v7 =	vld [tilespmem:$0x28E0];
	_ =	sdelay $0x4  }
0x284: {  	vm0 =	vge.f32 v7, v38;
	v7 =	vld [tilespmem:$0x1FFC0]  }
0x285: {  	v60 =	vld [tilespmem:$0x2760];
	_ =	sdelay $0x3  }
0x286: {  	vm2 =	vnez.u8 v7  }
0x287: {  	vm0 =	vmand vm2, vm0;
	vm2 =	vle.f32 v60, v37  }
0x288: {  	vm0 =	vmand vm2, vm0  }
0x289: {  	v7 =	vsel vm0, $0x1, v4  }
0x28a: {  	(xrf0) =	vadd.scan.msk.s32 $0xffff, v7;
	_ =	sdelay $0x1  }
0x28b: {  	v7 =	vmpcnt.ones.xlane vm1;
	_ =	sdelay $0x3  }
0x28c: {  	v6 =	vadd.s32 v6, v7;
	v7, _, _ =	vpop (xrf0)  }
0x28d: {  	v7 =	vadd.s32 v7, v6  }
0x28e: {  	v7 =	vadd.s32 $0xFFFFFFFF, v7  }
0x28f: {  	vm1 =	vgt.s32 v7, $0x0  }
0x290: {  	v7 =	vnsel vm1, $0x0, v7;
	_ =	sdelay $0x4  }
0x291: {  	[tilespmem:v7+s12+$0x0] =	vst.idx.msk vm0, v35  }
0x292: {  	v7 =	vld [tilespmem:$0x28F0];
	_ =	sdelay $0x4  }
0x293: {  	vm1 =	vge.f32 v7, v38;
	v7 =	vld [tilespmem:$0x1FFB0]  }
0x294: {  	v61 =	vld [tilespmem:$0x2770];
	_ =	sdelay $0x3  }
0x295: {  	vm2 =	vnez.u8 v7  }
0x296: {  	vm1 =	vmand vm2, vm1;
	vm2 =	vle.f32 v61, v37  }
0x297: {  	vm1 =	vmand vm2, vm1  }
0x298: {  	v7 =	vsel vm1, $0x1, v4  }
0x299: {  	(xrf0) =	vadd.scan.msk.s32 $0xffff, v7;
	_ =	sdelay $0x1  }
0x29a: {  	v7 =	vmpcnt.ones.xlane vm0;
	_ =	sdelay $0x3  }
0x29b: {  	v6 =	vadd.s32 v6, v7;
	v7, _, _ =	vpop (xrf0)  }
0x29c: {  	v7 =	vadd.s32 v7, v6  }
0x29d: {  	v7 =	vadd.s32 $0xFFFFFFFF, v7  }
0x29e: {  	vm0 =	vgt.s32 v7, $0x0  }
0x29f: {  	v7 =	vnsel vm0, $0x0, v7  }
0x2a0: {  	v63 =	vmov s10;
	v62 =	vmpcnt.ones.xlane vm1;
	_ =	sdelay $0x1  }
0x2a1: {  	v6 =	vadd.s32 v6, v62  }
0x2a2: {  	v6 =	vcvt.s32.f32 v6  }
0x2a3: {  	p0 =	sne.s32 s10, $0xF;
	s11 =	simm.s32 $0xE00;
	[tilespmem:v7+s12+$0x0] =	vst.idx.msk vm1, v36  }
.Ltmp3:
0x2a4: {  	[tilespmem:v63+s11+$0x0] =	vst.idx.msk $0x1, v6;
	s11 =	simm.s32 $0x1;
	(pc) =	sbr.rel @p0 .LBB2_7-.Ltmp3, $4  }
0x2a5: {  	[hbm4b:s5+s3] =	stream.linear.scatter [tilespmem:s12], [sflag:$0x1], $0x100, $0x38;
	[tilespmem:$0x3280] =	vst v63  }
0x2a6: {  	_ =	swait.ge [sflag:s11], $0x100  }
0x2a7: {  	s6 =	sadd.s32 $0x10, s6;
	[sflag:s11] =	ssyncset.done $0x0  }
0x2a8: {  	s10 =	sadd.s32 $0x1, s10;
	s5 =	sadd.s32 $0x20, s5;
	[sflag:s11] =	ssyncadd.s32 $0xFFFFFF00  }
0x2a9: {  	s5 =	sld [smem:$0x7FC];
	_ =	sdelay $0x1  }
0x2aa: {  	s6 =	simm.s32 $0xE00;
	s10 =	simm.s32 $0x1  }
0x2ab: {  	[hbm4b:s5+s3] =	stream.linear.scatter [tilespmem:s6], [sflag:$0x1], $0x10, $0x38;
	[tilespmem:$0x3280] =	vst v63  }
0x2ac: {  	_ =	swait.ge [sflag:s10], $0x10  }
0x2ad: {  	s11 =	sld [smem:$0x7FA];
	_ =	sdelay $0x2  }
0x2ae: {  	s12 =	rddreg [dreg:$0x1c];
	s6 =	sadd.s32 $0x1, s11  }
0x2af: {  	p0 =	sne.s32 s6, s12  }
.Ltmp4:
0x2b0: {  	_ = 	snop;
	(pc) =	sbr.rel @p0 .LBB2_2-.Ltmp4, $3  }
0x2b1: {  	_ =	sdelay $0x1  }
0x2b2: {  	[sflag:s10] =	ssyncset.done $0x0  }
0x2b3: {  	[sflag:s10] =	ssyncadd.s32 $0xFFFFFFF0;
	s12 =	simm.s32 $0x1000  }
.LBB2_9:
0x2b4: {  	_ =	sfence.sel $0x180000  }
0x2b5: {  	[bflag:$0x0] =	sbarrier.arrive $0xFFFF  }
0x2b6: {  	_ =	strace $0x90000047  }
0x2b7: {  	s0 =	stileid.u32;
	[bflag:$0x2] =	sbarrier.arrive $0xFFFF  }
0x2b8: {  	p0 =	sne.s32 s0, $0x0;
	s0 =	rddreg [dreg:$0x2]  }
0x2b9: {  	s0 =	sadd.s32 @!p0 $0x100000, s0  }
0x2ba: {  	[sflag:s0] =	ssyncadd.tile.s32 @!p0 $0x1;
	_ =	shalt  }
.Lfunc_end2:
_tile_overlayer_lowered:
.L_overlay_start_2:
0x2bb: {  	(tag) =	ssettag $0x2  }
0x2bc: {  	s0 =	rddreg [dreg:$0x0];
	s2 =	stileid.u32  }
0x2bd: {  	s1 =	rddreg [dreg:$0x1];
	p0 =	sne.s32 s2, $0x0  }
0x2be: {  	s3 =	rddreg [dreg:$0x2];
	[bflag:$0x3] =	sbarrier.arrive $0xFFFF;
	s2 =	simm.s32 @!p0 $0x1C01  }
0x2bf: {  	[timem:s3], [sflag:s2] =	dma.local @!p0 [hbm:s0], s1  }
0x2c0: {  	s0 =	simm.s32 @!p0 $0x1  }
0x2c1: {  	_ =	swait.ge @!p0 [sflag:s0], s1  }
0x2c2: {  	s1 =	ssub.s32 @!p0 $0x0, s1;
	[sflag:s0] =	ssyncset.done @!p0 $0x0  }
0x2c3: {  	[sflag:s0] =	ssyncadd.s32 @!p0 s1  }
0x2c4: {  	[bflag:$0x3] =	sbarrier.arrive $0xFFFF  }
0x2c5: {  	_ =	shalt  }

// kernel: kernel.8.cloned.1.call-start
scs
__scs_entry_jumppad:
0x0: {  	(pc) =	sbr.rel $0x88, $3  }
0x1: {  	(tag) =	ssettag $0x0;
	lr =	simm.s32 $0x1  }
0x2: {  	[smem:$0x3F9C] =	sst lr;
	_ =	strace $0xD0000000  }
0x3: {  	_ = 	snop  }
0x4: {  	_ = 	snop  }
0x5: {  	_ = 	snop  }
0x6: {  	_ = 	snop  }
0x7: {  	_ = 	snop  }
__scs_overlays_trampoline_lowered:
0x8: {  	[smem:$0x3FAB] =	sst s0  }
0x9: {  	[smem:$0x3FAC] =	sst s1  }
0xa: {  	[smem:$0x3FAD] =	sst s2  }
0xb: {  	[smem:$0x3FAE] =	sst s3  }
0xc: {  	[smem:$0x3FAF] =	sst s4  }
0xd: {  	[smem:$0x3FB0] =	sst s5  }
0xe: {  	[smem:$0x3FB1] =	sst s6  }
0xf: {  	[smem:$0x3FB2] =	sst s7  }
0x10: {  	[smem:$0x3FB3] =	sst s8  }
0x11: {  	[smem:$0x3FB4] =	sst s9;
	s0 =	simm.s32 @!p0 $0x0  }
0x12: {  	s1 =	sld [smem:$0x3F9A];
	s0 =	simm.s32 @p0 $0x1  }
0x13: {  	[smem:$0x3FB5] =	sst s0;
	s0 =	simm.s32 @!p1 $0x0  }
0x14: {  	s2 =	sld [smem:$0x3F99];
	s0 =	simm.s32 @p1 $0x1  }
0x15: {  	[smem:$0x3FB6] =	sst s0;
	s0 =	simm.s32 @!p2 $0x0  }
0x16: {  	s3 =	sld [smem:$0x3FDB];
	s0 =	simm.s32 @p2 $0x1  }
0x17: {  	s4 =	simm.s32 $0x1BF5;
	[smem:$0x3FB8] =	sst s0  }
0x18: {  	s0 =	sld [smem:$0x3F9B];
	_ =	swait.ge [sflag:s4], $0x0  }
0x19: {  	s7 =	sld [smem:$0x3F9C]  }
0x1a: {  	s8 =	sadd.s32 $0xFFFFE003, lr  }
0x1b: {  	s9 =	sadd.s32 $0xFFFFFEF7, lr;
	s5 =	simm.s32 $0xFFFFFFFF;
	p2 =	slt.u32 s8, $0xFFFFF086  }
0x1c: {  	p1 =	slt.u32 s9, $0xF7A;
	s5 =	simm.s32 @!p2 $0x0  }
0x1d: {  	s5 =	simm.s32 @p1 $0x1;
	p0 =	seq.s32 s7, s2  }
0x1e: {  	s7 =	smul.u32 @!p0 $0xF7A, s2;
	p2 =	seq.s32 @!p0 s5, $0x0  }
0x1f: {  	s9 =	smul.u32 $0xF7A, s1;
	s8 =	simm.s32 @!p0 $0x1BF5;
	p2 =	por !p2, p0  }
0x20: {  	[sflag:s8] =	ssyncset.s32 @!p0 $0xFFFFF086;
	s6 =	sadd.s32 @!p0 s3, s7;
	s7 =	simm.s32 @!p0 $0x108  }
0x21: {  	s3 =	sadd.s32 s3, s9;
	s6 =	sadd.s32 @!p0 $0x88, s6;
	s7 =	simm.s32 @p2 $0x1082  }
0x22: {  	[simem:s7], [sflag:s8] =	dma.local @!p0 [hbm:s6], $0xF7A  }
0x23: {  	s9 =	sor.u32 $0xD0000000, s2;
	s6 =	simm.s32 $0x108;
	_ =	swait.ge @!p0 [sflag:s8], $0x0  }
0x24: {  	s3 =	sadd.s32 $0x88, s3;
	s6 =	simm.s32 @!p1 $0x1082;
	[sflag:s4] =	ssyncset.s32 $0xFFFFF086  }
0x25: {  	[simem:s6], [sflag:s4] =	dma.local [hbm:s3], $0xF7A  }
0x26: {  	[smem:$0x3F9C] =	sst s1;
	(tag) =	ssettag s2;
	_ =	strace s9  }
0x27: {  	s1 =	sld [smem:$0x3FAC]  }
0x28: {  	s2 =	sld [smem:$0x3FAD]  }
0x29: {  	s4 =	sld [smem:$0x3FAF]  }
0x2a: {  	p0 =	seq.s32 s5, $0x0;
	s5 =	sld [smem:$0x3FB0]  }
0x2b: {  	s6 =	sld [smem:$0x3FB1]  }
0x2c: {  	s7 =	sld [smem:$0x3FB2]  }
0x2d: {  	s3 =	simm.s32 $0x108;
	s8 =	sld [smem:$0x3FB3]  }
0x2e: {  	s3 =	simm.s32 @!p0 $0x1082;
	s9 =	sld [smem:$0x3FB4]  }
0x2f: {  	lr =	sadd.s32 s0, s3;
	s0 =	sld [smem:$0x3FAB]  }
0x30: {  	s3 =	sld [smem:$0x3FAE]  }
0x31: {  	[smem:$0x3FB7] =	sst s10  }
0x32: {  	s10 =	sld [smem:$0x3FB5];
	_ =	sdelay $0x3  }
0x33: {  	p0 =	seq.s32 s10, $0x1;
	s10 =	sld [smem:$0x3FB7];
	_ =	sdelay $0x3  }
0x34: {  	[smem:$0x3FB7] =	sst s10  }
0x35: {  	s10 =	sld [smem:$0x3FB6];
	_ =	sdelay $0x3  }
0x36: {  	p1 =	seq.s32 s10, $0x1;
	s10 =	sld [smem:$0x3FB7];
	_ =	sdelay $0x3  }
0x37: {  	[smem:$0x3FB7] =	sst s10  }
0x38: {  	s10 =	sld [smem:$0x3FB8]  }
0x39: {  	_ = 	snop;
	(pc) =	sbr.ind lr, $3  }
0x3a: {  	_ = 	snop  }
0x3b: {  	_ = 	snop  }
0x3c: {  	p2 =	seq.s32 s10, $0x1;
	s10 =	sld [smem:$0x3FB7]  }
0x3d: {  	_ =	shalt  }
0x3e: {  	_ =	shalt  }
0x3f: {  	_ =	shalt  }
0x40: {  	_ =	shalt  }
0x41: {  	_ =	shalt  }
0x42: {  	_ =	shalt  }
0x43: {  	_ =	shalt  }
0x44: {  	_ =	shalt  }
0x45: {  	_ =	shalt  }
0x46: {  	_ =	shalt  }
0x47: {  	_ =	shalt  }
0x48: {  	_ =	shalt  }
0x49: {  	_ =	shalt  }
0x4a: {  	_ =	shalt  }
0x4b: {  	_ =	shalt  }
0x4c: {  	_ =	shalt  }
0x4d: {  	_ =	shalt  }
0x4e: {  	_ =	shalt  }
0x4f: {  	_ =	shalt  }
0x50: {  	_ =	shalt  }
0x51: {  	_ =	shalt  }
0x52: {  	_ =	shalt  }
0x53: {  	_ =	shalt  }
0x54: {  	_ =	shalt  }
0x55: {  	_ =	shalt  }
0x56: {  	_ =	shalt  }
0x57: {  	_ =	shalt  }
0x58: {  	_ =	shalt  }
0x59: {  	_ =	shalt  }
0x5a: {  	_ =	shalt  }
0x5b: {  	_ =	shalt  }
0x5c: {  	_ =	shalt  }
0x5d: {  	_ =	shalt  }
0x5e: {  	_ =	shalt  }
0x5f: {  	_ =	shalt  }
0x60: {  	_ =	shalt  }
0x61: {  	_ =	shalt  }
0x62: {  	_ =	shalt  }
0x63: {  	_ =	shalt  }
0x64: {  	_ =	shalt  }
0x65: {  	_ =	shalt  }
0x66: {  	_ =	shalt  }
0x67: {  	_ =	shalt  }
0x68: {  	_ =	shalt  }
0x69: {  	_ =	shalt  }
0x6a: {  	_ =	shalt  }
0x6b: {  	_ =	shalt  }
0x6c: {  	_ =	shalt  }
0x6d: {  	_ =	shalt  }
0x6e: {  	_ =	shalt  }
0x6f: {  	_ =	shalt  }
0x70: {  	_ =	shalt  }
0x71: {  	_ =	shalt  }
0x72: {  	_ =	shalt  }
0x73: {  	_ =	shalt  }
0x74: {  	_ =	shalt  }
0x75: {  	_ =	shalt  }
0x76: {  	_ =	shalt  }
0x77: {  	_ =	shalt  }
0x78: {  	_ =	shalt  }
0x79: {  	_ =	shalt  }
0x7a: {  	_ =	shalt  }
0x7b: {  	_ =	shalt  }
0x7c: {  	_ =	shalt  }
0x7d: {  	_ =	shalt  }
0x7e: {  	_ =	shalt  }
0x7f: {  	_ =	shalt  }
0x80: {  	_ =	shalt  }
0x81: {  	_ =	shalt  }
0x82: {  	_ =	shalt  }
0x83: {  	_ =	shalt  }
0x84: {  	_ =	shalt  }
0x85: {  	_ =	shalt  }
0x86: {  	_ =	shalt  }
0x87: {  	_ =	shalt  }
.Lfunc_end0:
.L_simem_size_0:
called_computation.1_lowered:
.L_overlay_start_0:
0x88: {  	s2 =	sld [smem:$0x3FD9]  }
0x89: {  	s3 =	sld [smem:$0x3FFE];
	_ =	sdelay $0x1  }
0x8a: {  	s1 =	srdreg.scid  }
0x8b: {  	s0 =	sand.u32 $0x1, s1  }
0x8c: {  	s17 =	sshll.u32 s0, $0xA;
	s2 =	sadd.s32 s3, s2  }
0x8d: {  	s2 =	sadd.s32 s2, s17  }
0x8e: {  	[smem:$0x3FC3] =	sst s2  }
0x8f: {  	_ = 	snop  }
0x90: {  	s2 =	sld [smem:$0x3FC5]  }
0x91: {  	s18 =	sld [smem:$0x3FD0];
	(tm) =	ssettm $0x1  }
0x92: {  	s4 =	sld [smem:$0x3FFB];
	_ =	sdelay $0x3  }
0x93: {  	_ =	strace s4  }
0x94: {  	s4 =	sld [smem:$0x3FFC];
	_ =	sdelay $0x3  }
0x95: {  	_ =	strace s4  }
0x96: {  	s4 =	sld [smem:$0x3FFD];
	_ =	sdelay $0x3  }
0x97: {  	_ =	strace s4  }
0x98: {  	_ =	strace $0x8FFFFFFF  }
0x99: {  	s19 =	sld [smem:$0x3FDB];
	_ =	sdelay $0x1  }
0x9a: {  	s5 =	simm.s32 $_scs_section_size  }
0x9b: {  	s6 =	simm.s32 $_size__tile_overlayer_lowered;
	s7 =	simm.s32 $_tile_overlayer_lowered  }
0x9c: {  	s22 =	simm.s32 $0x1BFF;
	s21 =	sshll.u32 s7, $0x1;
	s4 =	sadd.s32 s5, s19  }
0x9d: {  	s8 =	simm.s32 $0x0;
	s20 =	sshll.u32 s6, $0x1;
	s6 =	sadd.s32 s21, s4  }
0x9e: {  	[timem:s8], [sflag:s22] =	dma.local [hbm:s6], s20  }
0x9f: {  	_ =	swait.ge [sflag:s22], s20  }
0xa0: {  	s5 =	ssub.s32 $0x0, s20;
	[sflag:s22] =	ssyncset.done $0x0  }
0xa1: {  	[sflag:s22] =	ssyncadd.s32 s5;
	_ =	sdelay $0x1  }
0xa2: {  	s23 =	simm.s32 $0x1B8B  }
0xa3: {  	_ =	swait.ge [sflag:s23], $0x1  }
0xa4: {  	[sflag:s23] =	ssyncset.done $0x0  }
0xa5: {  	s25 =	simm.s32 $0x1B8E;
	s24 =	sld [smem:$0x3FFE];
	[sflag:s23] =	ssyncadd.s32 $0xFFFFFFFF  }
0xa6: {  	s26 =	simm.s32 $execute0_lowered;
	[smem:$0x3FD2] =	sst s25  }
0xa7: {  	s6 =	sshll.u32 s26, $0x1;
	_ =	strace $0x80000049;
	[dreg:$0x1] =	wrdreg $0xFFFFFFFF  }
0xa8: {  	s28 =	simm.s32 $_size_execute0_lowered;
	s4 =	sadd.s32 s4, s6;
	[dreg:$0x0] =	wrdreg $0x0  }
0xa9: {  	s6 =	sshll.u32 s28, $0x1;
	[dreg:$0x2] =	wrdreg s4  }
0xaa: {  	[dreg:$0x3] =	wrdreg s6  }
0xab: {  	[dreg:$0x4] =	wrdreg $0xC0  }
0xac: {  	_ =	task [dreg:s8], $0x5FFFF  }
0xad: {  	[dreg:$0x1] =	wrdreg $0xFFFFFFFF  }
0xae: {  	[dreg:$0x0] =	wrdreg $0x60  }
0xaf: {  	[dreg:$0x2] =	wrdreg s18  }
0xb0: {  	[dreg:$0x3] =	wrdreg s24  }
0xb1: {  	[dreg:$0x4] =	wrdreg s2  }
0xb2: {  	[dreg:$0x5] =	wrdreg $0x9  }
0xb3: {  	_ =	task.clear_ibuf [dreg:s8], $0x6FFFF;
	_ =	strace $0x90000049  }
0xb4: {  	s29 =	simm.s32 $0x9;
	_ =	strace $0x8000004B  }
0xb5: {  	_ =	swait.ge [sflag:s29], $0x1  }
0xb6: {  	[sflag:s29] =	ssyncadd.s32 $0xFFFFFFFF  }
0xb7: {  	_ =	strace $0x9000004B  }
0xb8: {  	_ =	sfence  }
0xb9: {  	s30 =	sld [smem:$0x0];
	_ =	sdelay $0x2  }
0xba: {  	s31 =	sshll.u32 s1, $0xD;
	s1 =	sshrl.u32 s1, $0x2  }
0xbb: {  	s3 =	sand.u32 $0x4000, s31;
	s1 =	sadd.s32 s1, s30  }
0xbc: {  	s0 =	sor.u32 s3, s0;
	s1 =	sshll.u32 s1, $0x11  }
0xbd: {  	s0 =	sor.u32 s1, s0  }
0xbe: {  	s0 =	sadd.s32 $0x8F2B, s0  }
0xbf: {  	[sflag:s0] =	ssyncadd.remote.s32 $0x1  }
0xc0: {  	_ =	sfence.sel $0xFFFF  }
0xc1: {  	[dreg:$0x0] =	wrdreg $0xFFFFFFFF;
	(pc) =	sbr.abs _section_cstart, $3  }
0xc2: {  	[dreg:$0x1] =	wrdreg $0xFFFFFFFF  }
0xc3: {  	_ =	task.clear_ibuf [dreg:s8], $0x2FFFF;
	_ =	strace $0x9FFFFFFF  }
0xc4: {  	(tm) =	ssettm $0x7FFFFFFF  }
0xc5: {  	_ =	shalt  }
tec
execute0_lowered:
.L_overlay_start_1:
0x0: {  	(tag) =	ssettag $0x1  }
0x1: {  	s5 =	rddreg [dreg:$0x0]  }
0x2: {  	s6 =	rddreg [dreg:$0x1]  }
0x3: {  	s1 =	rddreg [dreg:$0x2]  }
0x4: {  	s0 =	rddreg [dreg:$0x3]  }
0x5: {  	s3 =	simm.s32 $0x0;
	s4 =	srdreg.scid;
	s2 =	stileid.u32  }
0x6: {  	s15 =	simm.s32 $0x800;
	s16 =	simm.s32 $0x1000;
	s17 =	simm.s32 $0x1800  }
0x7: {  	s18 =	simm.s32 $0x5000;
	s19 =	simm.s32 $0x1;
	s20 =	simm.s32 $0x15800  }
0x8: {  	s21 =	simm.s32 $0x2;
	s22 =	simm.s32 $0x15000;
	s23 =	simm.s32 $0x0  }
0x9: {  	[smem:$0x7FF] =	sst s3;
	s4 =	sand.u32 $0x1, s4;
	s8 =	sshll.u32 s2, $0x8  }
0xa: {  	s10 =	sadd.s32 $0x2000, s1;
	s12 =	sadd.s32 $0x4000, s1;
	s7 =	sshll.u32 s4, $0xC  }
0xb: {  	_ =	strace $0x8000004A;
	s9 =	ssub.s32 $0x2, s4;
	s7 =	sor.u32 s8, s7  }
0xc: {  	s4 =	sadd.s32 $0x1A00, s6;
	s31 =	sshrl.u32 s9, $0x1;
	s13 =	sadd.s32 s7, s6  }
0xd: {  	s14 =	ssub.s32 s9, s31;
	s5 =	sadd.s32 s5, s7;
	s6 =	sadd.s32 $0x1C00, s13  }
0xe: {  	s7 =	sadd.s32 $0x3C00, s13;
	s8 =	sadd.s32 $0xBC00, s13;
	s9 =	sadd.s32 $0x5C00, s13  }
0xf: {  	v0 =	vimm.f32 $0.0e+00;
	s11 =	sadd.s32 $0x7C00, s13;
	s13 =	sadd.s32 $0x9C00, s13;
	s14 =	smax.u32 s14, $0x1  }
.LBB2_1:
0x10: {  	[tilespmem:s3], [sflag:$0x1] =	stream.linear.gather [hbm4b:s5+s3], $0x800, $0x38;
	[tilespmem:$0x16000] =	vst v63  }
0x11: {  	_ = 	snop  }
0x12: {  	[tilespmem:s15], [sflag:$0x1] =	stream.linear.gather [hbm4b:s6+s3], $0x800, $0x38;
	[tilespmem:$0x16000] =	vst v63  }
0x13: {  	_ = 	snop  }
0x14: {  	[tilespmem:s16], [sflag:$0x1] =	stream.linear.gather [hbm4b:s7+s3], $0x800, $0x38;
	[tilespmem:$0x16000] =	vst v63  }
0x15: {  	_ = 	snop  }
0x16: {  	[tilespmem:s17], [sflag:$0x1] =	stream.linear.gather [hbm4b:s4+s3], $0x800, $0x38;
	[tilespmem:$0x16000] =	vst v63  }
0x17: {  	_ = 	snop  }
0x18: {  	[tilespmem:s18], [sflag:$0x1] =	stream.linear.gather [hbm4b:s1+s3], $0x10000, $0x38;
	[tilespmem:$0x16000] =	vst v63  }
0x19: {  	_ =	swait.ge [sflag:s19], $0x800  }
0x1a: {  	[sflag:s19] =	ssyncset.done $0x0  }
0x1b: {  	[sflag:s19] =	ssyncadd.s32 $0xFFFFF800  }
0x1c: {  	_ =	swait.ge [sflag:s19], $0x800  }
0x1d: {  	[sflag:s19] =	ssyncset.done $0x0  }
0x1e: {  	[sflag:s19] =	ssyncadd.s32 $0xFFFFF800  }
0x1f: {  	_ =	swait.ge [sflag:s19], $0x800  }
0x20: {  	[sflag:s19] =	ssyncset.done $0x0  }
0x21: {  	[sflag:s19] =	ssyncadd.s32 $0xFFFFF800  }
0x22: {  	_ =	swait.ge [sflag:s19], $0x800  }
0x23: {  	[sflag:s19] =	ssyncset.done $0x0  }
0x24: {  	s25 =	simm.s32 $0x0;
	[sflag:s19] =	ssyncadd.s32 $0xFFFFF800  }
0x25: {  	v2 =	vld [tilespmem:s25+$0x0];
	_ =	sdelay $0x4  }
0x26: {  	vm0 =	vgt.s32 v2, $0x0  }
0x27: {  	v1 =	vnsel vm0, $0x0, v2  }
0x28: {  	v3 =	vshll.u32 v1, $0x3  }
0x29: {  	v10 =	vld [tilespmem:s25+$0x800];
	v1 =	vand.u32 $0x7F, v1;
	v3 =	vand.u32 $0xFFFFFC00, v3  }
0x2a: {  	v3 =	vor.u32 v1, v3  }
0x2b: {  	s24 =	simm.s32 $0x10;
	v9 =	vld [tilespmem:s25+$0x1000];
	v8 =	vor.u32 $0x80, v3  }
0x2c: {  	v1 =	vld [tilespmem:s24+$0x0];
	v5 =	vor.u32 $0x180, v3;
	_ =	sdelay $0x1  }
0x2d: {  	v11 =	vsub.f32 $1.000000000e+00, v10;
	v6 =	vor.u32 $0x280, v3;
	_ =	sdelay $0x1  }
0x2e: {  	s26 =	simm.s32 $0x80;
	v11 =	vsub.f32 v11, v9;
	v4 =	vor.u32 $0x200, v3;
	v7 =	vor.u32 $0x100, v3;
	v12 =	vld.idx.msk [tilespmem:v8+s17+$0x0], $0xffff  }
.LBB2_2:
0x2f: {  	p0 =	sne.s32 s26, $0x1FC0;
	vm0 =	vgt.s32 v1, $0x0;
	v13 =	vld.idx.msk [tilespmem:v5+s17+$0x0], $0xffff;
	s28 =	smov.u32 s26;
	s26 =	sadd.s32 $0x40, s26  }
0x30: {  	v5 =	vnsel vm0, $0x0, v1  }
0x31: {  	v8 =	vshll.u32 v5, $0x3;
	v14 =	vld.idx.msk [tilespmem:v6+s17+$0x0], $0xffff  }
0x32: {  	v5 =	vand.u32 $0x7F, v5;
	v6 =	vand.u32 $0xFFFFFC00, v8  }
0x33: {  	v6 =	vor.u32 v5, v6;
	v15 =	vld.idx.msk [tilespmem:v7+s17+$0x0], $0xffff  }
0x34: {  	v7 =	vmul.f32 v12, v10;
	v8 =	vor.u32 $0x80, v6;
	v5 =	vor.u32 $0x180, v6;
	v16 =	vld.idx.msk [tilespmem:v3+s17+$0x0], $0xffff;
	v3 =	vmovc v6  }
0x35: {  	v13 =	vmul.f32 v13, v9;
	v12 =	vor.u32 $0x200, v3;
	v6 =	vor.u32 $0x280, v3  }
0x36: {  	v17 =	vld.idx.msk [tilespmem:v4+s17+$0x0], $0xffff;
	v4 =	vmov v12  }
0x37: {  	v12 =	vadd.f32 v13, v7;
	v13 =	vmul.f32 v14, v11  }
0x38: {  	v7 =	vor.u32 $0x100, v3  }
0x39: {  	v12 =	vadd.f32 v13, v12  }
0x3a: {  	v9 =	vmul.f32 v15, v9;
	v10 =	vmul.f32 v16, v10  }
0x3b: {  	v12 =	vadd.f32 $1.000000000e+00, v12  }
0x3c: {  	v9 =	vadd.f32 v9, v10;
	v10 =	vmul.f32 v17, v11  }
0x3d: {  	v11 =	vmul.f32 $2.560000000e+02, v12  }
0x3e: {  	v9 =	vadd.f32 v10, v9  }
0x3f: {  	v10 =	vadd.f32 $-1.000000000e+00, v11  }
0x40: {  	v9 =	vadd.f32 $1.000000000e+00, v9  }
0x41: {  	v10 =	vmul.f32 $5.000000000e-01, v10  }
0x42: {  	v9 =	vmul.f32 $2.560000000e+02, v9  }
0x43: {  	v11 =	vtrunc.f32 v10  }
0x44: {  	v9 =	vadd.f32 $-1.000000000e+00, v9;
	v11 =	vcvt.f32.s32 v11;
	_ =	sdelay $0x1  }
0x45: {  	vm0 =	vgt.s32 v2, $0xFFFFFFFF;
	v2 =	vmovc v1;
	v9 =	vmul.f32 $5.000000000e-01, v9;
	v11 =	vcvt.s32.f32 v11  }
0x46: {  	v1 =	vsel vm0, $0x3F800000, v0  }
0x47: {  	v12 =	vtrunc.f32 v9;
	vm0 =	vlt.f32 v10, v11;
	[tilespmem:s25+$0x15800] =	vst v1  }
0x48: {  	v12 =	vcvt.f32.s32 v12;
	v13 =	vsel vm0, $0x3F800000, v0  }
0x49: {  	v11 =	vsub.f32 v11, v13  }
0x4a: {  	v12 =	vcvt.s32.f32 v12  }
0x4b: {  	v10 =	vsub.f32 v10, v11;
	vm0 =	vge.f32 v11, $0.0e+00;
	vm1 =	vge.f32 v11, $-1.000000000e+00  }
0x4c: {  	vm3 =	vle.f32 v11, $2.540000000e+02;
	v13 =	vmax.f32 v11, $0.0e+00;
	vm2 =	vlt.f32 v9, v12  }
0x4d: {  	vm1 =	vmand vm1, vm3;
	v14 =	vsel vm2, $0x3F800000, v0;
	v15 =	vsub.f32 $1.000000000e+00, v10  }
0x4e: {  	vm2 =	vle.f32 v11, $2.550000000e+02;
	v11 =	vsel vm1, $0x3F800000, v0;
	v12 =	vsub.f32 v12, v14  }
0x4f: {  	v13 =	vmin.f32 v13, $2.550000000e+02;
	vm0 =	vmand vm0, vm2;
	v11 =	vmul.f32 v11, v10  }
0x50: {  	v10 =	vsub.f32 v9, v12;
	vm1 =	vge.f32 v12, $0.0e+00;
	v9 =	vtrunc.f32 v13  }
0x51: {  	vm2 =	vle.f32 v12, $2.550000000e+02;
	vm3 =	vge.f32 v12, $-1.000000000e+00;
	vm4 =	vle.f32 v12, $2.540000000e+02  }
0x52: {  	v12 =	vmax.f32 v12, $0.0e+00;
	vm3 =	vmand vm3, vm4;
	v13 =	vsub.f32 $1.000000000e+00, v10  }
0x53: {  	v12 =	vmin.f32 v12, $2.550000000e+02;
	v16 =	vcvt.f32.s32 v9;
	v14 =	vsel vm3, $0x3F800000, v0  }
0x54: {  	v17 =	vsel vm0, $0x3F800000, v0;
	vm1 =	vmand vm1, vm2;
	v14 =	vmul.f32 v14, v10;
	v9 =	vld [tilespmem:s24+$0x1000]  }
0x55: {  	v15 =	vmul.f32 v17, v15;
	v18 =	vsel vm1, $0x3F800000, v0;
	v12 =	vtrunc.f32 v12;
	v10 =	vld [tilespmem:s24+$0x800];
	[tilespmem:s25+$0x2800] =	vst v16  }
0x56: {  	v11 =	vmul.f32 v11, v1;
	v12 =	vcvt.f32.s32 v12  }
0x57: {  	s28 =	sshra.s32 s28, $0x2;
	v13 =	vmul.f32 v18, v13;
	[tilespmem:s25+$0x3800] =	vst v14;
	v14 =	vmul.f32 v15, v1  }
.Ltmp0:
0x58: {  	v1 =	vld [tilespmem:s28+$0x0];
	[tilespmem:s25+$0x2000] =	vst v12;
	(pc) =	sbr.rel @p0 .LBB2_2-.Ltmp0, $4  }
0x59: {  	[tilespmem:s25+$0x4000] =	vst v14  }
0x5a: {  	v14 =	vsub.f32 $1.000000000e+00, v10;
	[tilespmem:s25+$0x3000] =	vst v13  }
0x5b: {  	[tilespmem:s25+$0x4800] =	vst v11;
	s25 =	smov.u32 s24;
	s24 =	smov.u32 s28  }
0x5c: {  	v12 =	vld.idx.msk [tilespmem:v8+s17+$0x0], $0xffff;
	v11 =	vsub.f32 v14, v9  }
0x5d: {  	_ =	sdelay $0x3  }
0x5e: {  	v5 =	vld.idx.msk [tilespmem:v5+s17+$0x0], $0xffff;
	_ =	sdelay $0x1  }
0x5f: {  	v6 =	vld.idx.msk [tilespmem:v6+s17+$0x0], $0xffff;
	_ =	sdelay $0x1  }
0x60: {  	v7 =	vld.idx.msk [tilespmem:v7+s17+$0x0], $0xffff  }
0x61: {  	v3 =	vld.idx.msk [tilespmem:v3+s17+$0x0], $0xffff;
	v8 =	vmul.f32 v12, v10;
	v5 =	vmul.f32 v5, v9;
	_ =	sdelay $0x1  }
0x62: {  	v4 =	vld.idx.msk [tilespmem:v4+s17+$0x0], $0xffff;
	v6 =	vmul.f32 v6, v11;
	v5 =	vadd.f32 v5, v8;
	_ =	sdelay $0x1  }
0x63: {  	v5 =	vadd.f32 v6, v5  }
0x64: {  	v3 =	vmul.f32 v3, v10;
	v6 =	vmul.f32 v7, v9  }
0x65: {  	v5 =	vadd.f32 $1.000000000e+00, v5  }
0x66: {  	v4 =	vmul.f32 v4, v11;
	v3 =	vadd.f32 v6, v3  }
0x67: {  	v5 =	vmul.f32 $2.560000000e+02, v5  }
0x68: {  	v3 =	vadd.f32 v4, v3  }
0x69: {  	v4 =	vadd.f32 $-1.000000000e+00, v5  }
0x6a: {  	v3 =	vadd.f32 $1.000000000e+00, v3  }
0x6b: {  	v4 =	vmul.f32 $5.000000000e-01, v4  }
0x6c: {  	v3 =	vmul.f32 $2.560000000e+02, v3  }
0x6d: {  	v5 =	vtrunc.f32 v4  }
0x6e: {  	v3 =	vadd.f32 $-1.000000000e+00, v3;
	v5 =	vcvt.f32.s32 v5;
	_ =	sdelay $0x1  }
0x6f: {  	v3 =	vmul.f32 $5.000000000e-01, v3;
	v5 =	vcvt.s32.f32 v5  }
0x70: {  	vm0 =	vgt.s32 v1, $0x0  }
0x71: {  	v6 =	vnsel vm0, $0x0, v1;
	v8 =	vtrunc.f32 v3;
	vm5 =	vlt.f32 v4, v5  }
0x72: {  	v7 =	vshll.u32 v6, $0x3;
	v8 =	vcvt.f32.s32 v8;
	v9 =	vsel vm5, $0x3F800000, v0  }
0x73: {  	v6 =	vand.u32 $0x7F, v6;
	v7 =	vand.u32 $0xFFFFFC00, v7;
	v5 =	vsub.f32 v5, v9  }
0x74: {  	vm6 =	vgt.s32 v2, $0xFFFFFFFF;
	v6 =	vor.u32 v6, v7;
	v2 =	vcvt.s32.f32 v8  }
0x75: {  	v7 =	vor.u32 $0x80, v6;
	v8 =	vsel vm6, $0x3F800000, v0;
	v4 =	vsub.f32 v4, v5  }
0x76: {  	vm7 =	vge.f32 v5, $0.0e+00;
	vm1 =	vge.f32 v5, $-1.000000000e+00;
	vm2 =	vlt.f32 v3, v2  }
0x77: {  	vm3 =	vle.f32 v5, $2.540000000e+02;
	v9 =	vmax.f32 v5, $0.0e+00;
	vm8 =	vle.f32 v5, $2.550000000e+02  }
0x78: {  	v10 =	vsel vm2, $0x3F800000, v0;
	vm1 =	vmand vm1, vm3;
	vm0 =	vmand vm7, vm8  }
0x79: {  	v9 =	vmin.f32 v9, $2.550000000e+02;
	v11 =	vsub.f32 $1.000000000e+00, v4;
	v2 =	vsub.f32 v2, v10  }
0x7a: {  	v5 =	vsel vm1, $0x3F800000, v0;
	v9 =	vtrunc.f32 v9;
	v14 =	vsel vm0, $0x3F800000, v0  }
0x7b: {  	v9 =	vcvt.f32.s32 v9;
	v4 =	vmul.f32 v5, v4;
	v3 =	vsub.f32 v3, v2  }
0x7c: {  	vm9 =	vge.f32 v2, $-1.000000000e+00;
	vm10 =	vle.f32 v2, $2.540000000e+02;
	vm11 =	vge.f32 v2, $0.0e+00  }
0x7d: {  	[tilespmem:s25+$0x15800] =	vst v8;
	v10 =	vmax.f32 v2, $0.0e+00;
	v11 =	vmul.f32 v14, v11;
	vm1 =	vmand vm9, vm10  }
0x7e: {  	v13 =	vld [tilespmem:s24+$0x1000];
	v10 =	vmin.f32 v10, $2.550000000e+02;
	v4 =	vmul.f32 v4, v8;
	v60 =	vsel vm1, $0x3F800000, v0  }
0x7f: {  	vm12 =	vle.f32 v2, $2.550000000e+02;
	v2 =	vld [tilespmem:s24+$0x800];
	[tilespmem:s25+$0x2800] =	vst v9;
	v10 =	vtrunc.f32 v10;
	v12 =	vmul.f32 v60, v3  }
0x80: {  	vm0 =	vmand vm11, vm12;
	v3 =	vsub.f32 $1.000000000e+00, v3;
	v9 =	vcvt.f32.s32 v10;
	[tilespmem:s25+$0x4800] =	vst v4  }
0x81: {  	v5 =	vsel vm0, $0x3F800000, v0;
	v10 =	vmul.f32 v11, v8;
	v11 =	vor.u32 $0x180, v6;
	[tilespmem:s25+$0x3800] =	vst v12  }
0x82: {  	v3 =	vmul.f32 v5, v3;
	[tilespmem:s25+$0x2000] =	vst v9  }
0x83: {  	[tilespmem:s25+$0x4000] =	vst v10;
	v5 =	vor.u32 $0x280, v6  }
0x84: {  	[tilespmem:s25+$0x3000] =	vst v3  }
0x85: {  	v4 =	vld.idx.msk [tilespmem:v7+s17+$0x0], $0xffff  }
0x86: {  	v3 =	vor.u32 $0x100, v6;
	v7 =	vld.idx.msk [tilespmem:v11+s17+$0x0], $0xffff;
	_ =	sdelay $0x1  }
0x87: {  	v8 =	vor.u32 $0x200, v6;
	v5 =	vld.idx.msk [tilespmem:v5+s17+$0x0], $0xffff  }
0x88: {  	v9 =	vsub.f32 $1.000000000e+00, v2  }
0x89: {  	v6 =	vld.idx.msk [tilespmem:v6+s17+$0x0], $0xffff  }
0x8a: {  	v9 =	vsub.f32 v9, v13;
	v3 =	vld.idx.msk [tilespmem:v3+s17+$0x0], $0xffff;
	v4 =	vmul.f32 v4, v2;
	v7 =	vmul.f32 v7, v13;
	_ =	sdelay $0x1  }
0x8b: {  	v8 =	vld.idx.msk [tilespmem:v8+s17+$0x0], $0xffff;
	v4 =	vadd.f32 v7, v4;
	v5 =	vmul.f32 v5, v9;
	_ =	sdelay $0x1  }
0x8c: {  	v4 =	vadd.f32 v5, v4  }
0x8d: {  	v2 =	vmul.f32 v6, v2;
	v3 =	vmul.f32 v3, v13  }
0x8e: {  	v4 =	vadd.f32 $1.000000000e+00, v4  }
0x8f: {  	v2 =	vadd.f32 v3, v2;
	v3 =	vmul.f32 v8, v9  }
0x90: {  	v4 =	vmul.f32 $2.560000000e+02, v4  }
0x91: {  	v2 =	vadd.f32 v3, v2  }
0x92: {  	v3 =	vadd.f32 $-1.000000000e+00, v4  }
0x93: {  	v2 =	vadd.f32 $1.000000000e+00, v2  }
0x94: {  	v3 =	vmul.f32 $5.000000000e-01, v3  }
0x95: {  	v2 =	vmul.f32 $2.560000000e+02, v2  }
0x96: {  	v4 =	vtrunc.f32 v3  }
0x97: {  	v2 =	vadd.f32 $-1.000000000e+00, v2;
	v4 =	vcvt.f32.s32 v4;
	_ =	sdelay $0x1  }
0x98: {  	v2 =	vmul.f32 $5.000000000e-01, v2;
	v4 =	vcvt.s32.f32 v4;
	_ =	sdelay $0x1  }
0x99: {  	v5 =	vtrunc.f32 v2;
	vm13 =	vlt.f32 v3, v4  }
0x9a: {  	v5 =	vcvt.f32.s32 v5;
	v6 =	vsel vm13, $0x3F800000, v0  }
0x9b: {  	vm14 =	vgt.s32 v1, $0xFFFFFFFF;
	v4 =	vsub.f32 v4, v6  }
0x9c: {  	v1 =	vcvt.s32.f32 v5;
	v5 =	vsel vm14, $0x3F800000, v0  }
0x9d: {  	v3 =	vsub.f32 v3, v4;
	vm15 =	vge.f32 v4, $0.0e+00;
	vm6 =	vge.f32 v4, $-1.000000000e+00  }
0x9e: {  	vm7 =	vlt.f32 v2, v1;
	vm8 =	vle.f32 v4, $2.540000000e+02;
	v6 =	vmax.f32 v4, $0.0e+00  }
0x9f: {  	vm9 =	vle.f32 v4, $2.550000000e+02;
	v7 =	vsel vm7, $0x3F800000, v0;
	vm1 =	vmand vm6, vm8  }
0xa0: {  	vm0 =	vmand vm15, vm9;
	v6 =	vmin.f32 v6, $2.550000000e+02;
	v1 =	vsub.f32 v1, v7  }
0xa1: {  	v8 =	vsub.f32 $1.000000000e+00, v3;
	v4 =	vsel vm1, $0x3F800000, v0;
	v6 =	vtrunc.f32 v6  }
0xa2: {  	v10 =	vsel vm0, $0x3F800000, v0;
	v6 =	vcvt.f32.s32 v6;
	v2 =	vsub.f32 v2, v1  }
0xa3: {  	vm10 =	vge.f32 v1, $-1.000000000e+00;
	vm11 =	vle.f32 v1, $2.540000000e+02;
	v7 =	vmax.f32 v1, $0.0e+00  }
0xa4: {  	vm12 =	vge.f32 v1, $0.0e+00;
	vm1 =	vmand vm10, vm11;
	v7 =	vmin.f32 v7, $2.550000000e+02  }
0xa5: {  	vm13 =	vle.f32 v1, $2.550000000e+02;
	v9 =	vsel vm1, $0x3F800000, v0;
	v1 =	vtrunc.f32 v7  }
0xa6: {  	[tilespmem:s24+$0x15800] =	vst v5;
	v7 =	vmul.f32 v10, v8;
	v9 =	vmul.f32 v9, v2  }
0xa7: {  	vm0 =	vmand vm12, vm13;
	[tilespmem:s24+$0x2800] =	vst v6;
	v2 =	vsub.f32 $1.000000000e+00, v2;
	v1 =	vcvt.f32.s32 v1  }
0xa8: {  	v3 =	vmul.f32 v4, v3;
	v4 =	vsel vm0, $0x3F800000, v0;
	v6 =	vmul.f32 v7, v5;
	[tilespmem:s24+$0x3800] =	vst v9  }
0xa9: {  	v2 =	vmul.f32 v4, v2;
	[tilespmem:s24+$0x2000] =	vst v1  }
0xaa: {  	v1 =	vmul.f32 v3, v5;
	[tilespmem:s24+$0x4000] =	vst v6  }
0xab: {  	[tilespmem:s24+$0x3000] =	vst v2  }
0xac: {  	s31 =	simm.s32 $0x0;
	[tilespmem:s24+$0x4800] =	vst v1  }
0xad: {  	[hbm4b:s8+s31] =	stream.linear.scatter [tilespmem:s20], [sflag:$0x2], $0x800, $0x38;
	[tilespmem:$0x16000] =	vst v63  }
0xae: {  	_ =	swait.ge [sflag:s21], $0x800  }
0xaf: {  	[sflag:s21] =	ssyncset.done $0x0  }
0xb0: {  	[sflag:s21] =	ssyncadd.s32 $0xFFFFF800  }
0xb1: {  	_ =	swait.ge [sflag:s19], $0x10000  }
0xb2: {  	[sflag:s19] =	ssyncset.done $0x0  }
0xb3: {  	s24 =	simm.s32 $0x0;
	[sflag:s19] =	ssyncadd.s32 $0xFFFF0000  }
0xb4: {  	v1 =	vld [tilespmem:s24+$0x2000]  }
0xb5: {  	v2 =	vld [tilespmem:s24+$0x2800];
	_ =	sdelay $0x3  }
0xb6: {  	v9 =	vand.u32 $0x7F, v1  }
0xb7: {  	v3 =	vshll.u32 v2, $0x8;
	v4 =	vshll.u32 v2, $0x7;
	v5 =	vadd.s32 $0x1, v1  }
0xb8: {  	v2 =	vadd.s32 $0x1, v2;
	v1 =	vshll.u32 v1, $0x3;
	v6 =	vand.u32 $0xFFFFF800, v3  }
0xb9: {  	v8 =	vand.u32 $0xFFFFFC00, v1;
	v10 =	vand.u32 $0x380, v4;
	vm14 =	vlt.s32 v5, $0xFF  }
0xba: {  	vm15 =	vlt.s32 v2, $0xFF;
	v1 =	vadd.s32 v8, v6;
	v3 =	vnsel vm14, $0xFF, v5  }
0xbb: {  	v4 =	vnsel vm15, $0xFF, v2;
	v2 =	vld [tilespmem:s24+$0x4800];
	v5 =	vor.u32 v10, v1;
	v7 =	vshll.u32 v3, $0x3  }
0xbc: {  	v1 =	vand.u32 $0x7F, v3;
	v11 =	vshll.u32 v4, $0x8;
	v3 =	vld [tilespmem:s24+$0x3000];
	v62 =	vand.u32 $0xFFFFFC00, v7  }
0xbd: {  	v61 =	vshll.u32 v4, $0x7;
	v4 =	vld [tilespmem:s24+$0x3800];
	v7 =	vor.u32 v9, v5;
	v5 =	vadd.s32 v6, v62  }
0xbe: {  	s25 =	simm.s32 $0x10;
	v11 =	vand.u32 $0xFFFFF800, v11;
	v6 =	vld [tilespmem:s24+$0x4000];
	v10 =	vor.u32 v10, v5  }
0xbf: {  	v12 =	vand.u32 $0x380, v61;
	v8 =	vadd.s32 v8, v11;
	v5 =	vld [tilespmem:s25+$0x2800];
	v10 =	vor.u32 v1, v10  }
0xc0: {  	v63 =	vor.u32 v12, v8;
	v8 =	vld [tilespmem:s25+$0x2000]  }
0xc1: {  	v11 =	vadd.s32 v62, v11;
	v9 =	vor.u32 v9, v63  }
0xc2: {  	s26 =	simm.s32 $0x80;
	v11 =	vor.u32 v12, v11  }
.LBB2_4:
0xc3: {  	p0 =	sne.s32 s26, $0x1FC0;
	v7 =	vld.idx.msk [tilespmem:v7+s18+$0x0], $0xffff;
	v1 =	vor.u32 v1, v11;
	v11 =	vmul.f32 v2, v3;
	v12 =	vmul.f32 v2, v4  }
0xc4: {  	v3 =	vmul.f32 v6, v3;
	v4 =	vmul.f32 v6, v4;
	v2 =	vld.idx.msk [tilespmem:v10+s18+$0x0], $0xffff  }
0xc5: {  	v6 =	vshll.u32 v5, $0x8;
	v10 =	vshll.u32 v5, $0x7;
	v13 =	vand.u32 $0x7F, v8  }
0xc6: {  	v5 =	vadd.s32 $0x1, v5;
	v14 =	vadd.s32 $0x1, v8;
	v8 =	vshll.u32 v8, $0x3;
	v9 =	vld.idx.msk [tilespmem:v9+s18+$0x0], $0xffff  }
0xc7: {  	v6 =	vand.u32 $0xFFFFF800, v6;
	v10 =	vand.u32 $0x380, v10;
	v8 =	vand.u32 $0xFFFFFC00, v8  }
0xc8: {  	vm1 =	vlt.s32 v5, $0xFF;
	vm0 =	vlt.s32 v14, $0xFF;
	v15 =	vadd.s32 v8, v6;
	v16 =	vld.idx.msk [tilespmem:v1+s18+$0x0], $0xffff  }
0xc9: {  	v5 =	vnsel vm1, $0xFF, v5;
	v14 =	vnsel vm0, $0xFF, v14;
	v15 =	vor.u32 v10, v15  }
0xca: {  	v1 =	vand.u32 $0x7F, v14;
	v7 =	vmul.f32 v7, v3;
	v4 =	vmul.f32 v2, v4  }
0xcb: {  	v17 =	vshll.u32 v5, $0x8;
	v18 =	vshll.u32 v5, $0x7;
	v14 =	vshll.u32 v14, $0x3;
	v2 =	vld [tilespmem:s25+$0x4800]  }
0xcc: {  	v14 =	vand.u32 $0xFFFFFC00, v14;
	v5 =	vadd.f32 v4, v7;
	v9 =	vmul.f32 v9, v11;
	v3 =	vld [tilespmem:s25+$0x3000]  }
0xcd: {  	v7 =	vor.u32 v13, v15;
	v11 =	vadd.s32 v6, v14;
	v15 =	vand.u32 $0xFFFFF800, v17;
	v4 =	vld [tilespmem:s25+$0x3800]  }
.Ltmp1:
0xce: {  	s28 =	sshra.s32 s26, $0x2;
	v10 =	vor.u32 v10, v11;
	v9 =	vadd.f32 v9, v5;
	v11 =	vmul.f32 v16, v12;
	v6 =	vld [tilespmem:s25+$0x4000];
	(pc) =	sbr.rel @p0 .LBB2_4-.Ltmp1, $4  }
0xcf: {  	v10 =	vor.u32 v1, v10;
	v12 =	vadd.s32 v8, v15;
	v16 =	vand.u32 $0x380, v18;
	v5 =	vld [tilespmem:s28+$0x2800]  }
0xd0: {  	v12 =	vor.u32 v16, v12;
	v17 =	vadd.f32 v11, v9;
	v8 =	vld [tilespmem:s28+$0x2000]  }
0xd1: {  	v9 =	vor.u32 v13, v12;
	v11 =	vadd.s32 v14, v15  }
0xd2: {  	s26 =	sadd.s32 $0x40, s26;
	v11 =	vor.u32 v16, v11;
	[tilespmem:s24+$0x15000] =	vst v17;
	s24 =	smov.u32 s25;
	s25 =	smov.u32 s28  }
0xd3: {  	_ =	sdelay $0x2  }
0xd4: {  	v12 =	vmul.f32 v2, v3;
	v2 =	vmul.f32 v2, v4  }
0xd5: {  	v7 =	vld.idx.msk [tilespmem:v7+s18+$0x0], $0xffff;
	v1 =	vor.u32 v1, v11;
	v3 =	vmul.f32 v6, v3;
	v4 =	vmul.f32 v6, v4  }
0xd6: {  	v6 =	vld.idx.msk [tilespmem:v10+s18+$0x0], $0xffff;
	v11 =	vshll.u32 v5, $0x8;
	v13 =	vshll.u32 v5, $0x7;
	v5 =	vadd.s32 $0x1, v5  }
0xd7: {  	v10 =	vand.u32 $0x7F, v8;
	v14 =	vadd.s32 $0x1, v8;
	v8 =	vshll.u32 v8, $0x3  }
0xd8: {  	v9 =	vld.idx.msk [tilespmem:v9+s18+$0x0], $0xffff;
	v11 =	vand.u32 $0xFFFFF800, v11;
	v13 =	vand.u32 $0x380, v13;
	v8 =	vand.u32 $0xFFFFFC00, v8  }
0xd9: {  	vm1 =	vlt.s32 v5, $0xFF;
	vm0 =	vlt.s32 v14, $0xFF;
	v15 =	vadd.s32 v8, v11  }
0xda: {  	v5 =	vnsel vm1, $0xFF, v5;
	v14 =	vnsel vm0, $0xFF, v14;
	v1 =	vld.idx.msk [tilespmem:v1+s18+$0x0], $0xffff;
	v15 =	vor.u32 v13, v15  }
0xdb: {  	v16 =	vand.u32 $0x7F, v14;
	v3 =	vmul.f32 v7, v3;
	v4 =	vmul.f32 v6, v4  }
0xdc: {  	v6 =	vshll.u32 v14, $0x3;
	v7 =	vshll.u32 v5, $0x8;
	v5 =	vshll.u32 v5, $0x7  }
0xdd: {  	v6 =	vand.u32 $0xFFFFFC00, v6;
	v3 =	vadd.f32 v4, v3;
	v4 =	vmul.f32 v9, v12  }
0xde: {  	v7 =	vand.u32 $0xFFFFF800, v7;
	v9 =	vor.u32 v10, v15;
	v11 =	vadd.s32 v11, v6  }
0xdf: {  	v11 =	vor.u32 v13, v11;
	v3 =	vadd.f32 v4, v3;
	v1 =	vmul.f32 v1, v2  }
0xe0: {  	v60 =	vld [tilespmem:s25+$0x4800];
	v5 =	vand.u32 $0x380, v5;
	v8 =	vadd.s32 v8, v7;
	v4 =	vor.u32 v16, v11  }
0xe1: {  	v8 =	vor.u32 v5, v8;
	v11 =	vld [tilespmem:s25+$0x3800];
	v1 =	vadd.f32 v1, v3  }
0xe2: {  	v6 =	vadd.s32 v6, v7;
	v8 =	vor.u32 v10, v8;
	v2 =	vld [tilespmem:s25+$0x3000]  }
0xe3: {  	v5 =	vor.u32 v5, v6;
	v3 =	vld [tilespmem:s25+$0x4000];
	[tilespmem:s24+$0x15000] =	vst v1  }
0xe4: {  	v5 =	vor.u32 v16, v5;
	v1 =	vld.idx.msk [tilespmem:v9+s18+$0x0], $0xffff  }
0xe5: {  	v4 =	vld.idx.msk [tilespmem:v4+s18+$0x0], $0xffff;
	_ =	sdelay $0x1  }
0xe6: {  	v6 =	vld.idx.msk [tilespmem:v8+s18+$0x0], $0xffff  }
0xe7: {  	v7 =	vmul.f32 v3, v2;
	v3 =	vmul.f32 v3, v11  }
0xe8: {  	v5 =	vld.idx.msk [tilespmem:v5+s18+$0x0], $0xffff;
	v2 =	vmul.f32 v60, v2  }
0xe9: {  	v1 =	vmul.f32 v1, v7;
	v3 =	vmul.f32 v4, v3;
	_ =	sdelay $0x1  }
0xea: {  	v4 =	vmul.f32 v60, v11;
	v2 =	vmul.f32 v6, v2;
	v1 =	vadd.f32 v3, v1;
	_ =	sdelay $0x1  }
0xeb: {  	v1 =	vadd.f32 v2, v1;
	v2 =	vmul.f32 v5, v4;
	_ =	sdelay $0x1  }
0xec: {  	v1 =	vadd.f32 v2, v1;
	_ =	sdelay $0x1  }
0xed: {  	s31 =	simm.s32 $0x0;
	[tilespmem:s25+$0x15000] =	vst v1  }
0xee: {  	[hbm4b:s9+s31] =	stream.linear.scatter [tilespmem:s22], [sflag:$0x2], $0x800, $0x38;
	[tilespmem:$0x16000] =	vst v63  }
0xef: {  	_ =	swait.ge [sflag:s21], $0x800  }
0xf0: {  	[sflag:s21] =	ssyncset.done $0x0  }
0xf1: {  	[sflag:s21] =	ssyncadd.s32 $0xFFFFF800  }
0xf2: {  	[tilespmem:s18], [sflag:$0x2] =	stream.linear.gather [hbm4b:s10+s31], $0x10000, $0x38;
	[tilespmem:$0x16000] =	vst v63  }
0xf3: {  	_ =	swait.ge [sflag:s21], $0x10000  }
0xf4: {  	[sflag:s21] =	ssyncset.done $0x0  }
0xf5: {  	s24 =	simm.s32 $0x0;
	[sflag:s21] =	ssyncadd.s32 $0xFFFF0000  }
0xf6: {  	v1 =	vld [tilespmem:s24+$0x2000]  }
0xf7: {  	v2 =	vld [tilespmem:s24+$0x2800];
	_ =	sdelay $0x3  }
0xf8: {  	v9 =	vand.u32 $0x7F, v1  }
0xf9: {  	v3 =	vshll.u32 v2, $0x8;
	v4 =	vshll.u32 v2, $0x7;
	v5 =	vadd.s32 $0x1, v1  }
0xfa: {  	v2 =	vadd.s32 $0x1, v2;
	v1 =	vshll.u32 v1, $0x3;
	v6 =	vand.u32 $0xFFFFF800, v3  }
0xfb: {  	v8 =	vand.u32 $0xFFFFFC00, v1;
	v10 =	vand.u32 $0x380, v4;
	vm14 =	vlt.s32 v5, $0xFF  }
0xfc: {  	vm15 =	vlt.s32 v2, $0xFF;
	v1 =	vadd.s32 v8, v6;
	v3 =	vnsel vm14, $0xFF, v5  }
0xfd: {  	v4 =	vnsel vm15, $0xFF, v2;
	v2 =	vld [tilespmem:s24+$0x4800];
	v5 =	vor.u32 v10, v1;
	v7 =	vshll.u32 v3, $0x3  }
0xfe: {  	v1 =	vand.u32 $0x7F, v3;
	v11 =	vshll.u32 v4, $0x8;
	v3 =	vld [tilespmem:s24+$0x3000];
	v62 =	vand.u32 $0xFFFFFC00, v7  }
0xff: {  	v61 =	vshll.u32 v4, $0x7;
	v4 =	vld [tilespmem:s24+$0x3800];
	v7 =	vor.u32 v9, v5;
	v5 =	vadd.s32 v6, v62  }
0x100: {  	s25 =	simm.s32 $0x10;
	v11 =	vand.u32 $0xFFFFF800, v11;
	v6 =	vld [tilespmem:s24+$0x4000];
	v10 =	vor.u32 v10, v5  }
0x101: {  	v12 =	vand.u32 $0x380, v61;
	v8 =	vadd.s32 v8, v11;
	v5 =	vld [tilespmem:s25+$0x2800];
	v10 =	vor.u32 v1, v10  }
0x102: {  	v63 =	vor.u32 v12, v8;
	v8 =	vld [tilespmem:s25+$0x2000]  }
0x103: {  	v11 =	vadd.s32 v62, v11;
	v9 =	vor.u32 v9, v63  }
0x104: {  	s26 =	simm.s32 $0x80;
	v11 =	vor.u32 v12, v11  }
.LBB2_6:
0x105: {  	p0 =	sne.s32 s26, $0x1FC0;
	v7 =	vld.idx.msk [tilespmem:v7+s18+$0x0], $0xffff;
	v1 =	vor.u32 v1, v11;
	v11 =	vmul.f32 v2, v3;
	v12 =	vmul.f32 v2, v4  }
0x106: {  	v3 =	vmul.f32 v6, v3;
	v4 =	vmul.f32 v6, v4;
	v2 =	vld.idx.msk [tilespmem:v10+s18+$0x0], $0xffff  }
0x107: {  	v6 =	vshll.u32 v5, $0x8;
	v10 =	vshll.u32 v5, $0x7;
	v13 =	vand.u32 $0x7F, v8  }
0x108: {  	v5 =	vadd.s32 $0x1, v5;
	v14 =	vadd.s32 $0x1, v8;
	v8 =	vshll.u32 v8, $0x3;
	v9 =	vld.idx.msk [tilespmem:v9+s18+$0x0], $0xffff  }
0x109: {  	v6 =	vand.u32 $0xFFFFF800, v6;
	v10 =	vand.u32 $0x380, v10;
	v8 =	vand.u32 $0xFFFFFC00, v8  }
0x10a: {  	vm1 =	vlt.s32 v5, $0xFF;
	vm0 =	vlt.s32 v14, $0xFF;
	v15 =	vadd.s32 v8, v6;
	v16 =	vld.idx.msk [tilespmem:v1+s18+$0x0], $0xffff  }
0x10b: {  	v5 =	vnsel vm1, $0xFF, v5;
	v14 =	vnsel vm0, $0xFF, v14;
	v15 =	vor.u32 v10, v15  }
0x10c: {  	v1 =	vand.u32 $0x7F, v14;
	v7 =	vmul.f32 v7, v3;
	v4 =	vmul.f32 v2, v4  }
0x10d: {  	v17 =	vshll.u32 v5, $0x8;
	v18 =	vshll.u32 v5, $0x7;
	v14 =	vshll.u32 v14, $0x3;
	v2 =	vld [tilespmem:s25+$0x4800]  }
0x10e: {  	v14 =	vand.u32 $0xFFFFFC00, v14;
	v5 =	vadd.f32 v4, v7;
	v9 =	vmul.f32 v9, v11;
	v3 =	vld [tilespmem:s25+$0x3000]  }
0x10f: {  	v7 =	vor.u32 v13, v15;
	v11 =	vadd.s32 v6, v14;
	v15 =	vand.u32 $0xFFFFF800, v17;
	v4 =	vld [tilespmem:s25+$0x3800]  }
.Ltmp2:
0x110: {  	s28 =	sshra.s32 s26, $0x2;
	v10 =	vor.u32 v10, v11;
	v9 =	vadd.f32 v9, v5;
	v11 =	vmul.f32 v16, v12;
	v6 =	vld [tilespmem:s25+$0x4000];
	(pc) =	sbr.rel @p0 .LBB2_6-.Ltmp2, $4  }
0x111: {  	v10 =	vor.u32 v1, v10;
	v12 =	vadd.s32 v8, v15;
	v16 =	vand.u32 $0x380, v18;
	v5 =	vld [tilespmem:s28+$0x2800]  }
0x112: {  	v12 =	vor.u32 v16, v12;
	v17 =	vadd.f32 v11, v9;
	v8 =	vld [tilespmem:s28+$0x2000]  }
0x113: {  	v9 =	vor.u32 v13, v12;
	v11 =	vadd.s32 v14, v15  }
0x114: {  	s26 =	sadd.s32 $0x40, s26;
	v11 =	vor.u32 v16, v11;
	[tilespmem:s24+$0x15000] =	vst v17;
	s24 =	smov.u32 s25;
	s25 =	smov.u32 s28  }
0x115: {  	_ =	sdelay $0x2  }
0x116: {  	v12 =	vmul.f32 v2, v3;
	v2 =	vmul.f32 v2, v4  }
0x117: {  	v7 =	vld.idx.msk [tilespmem:v7+s18+$0x0], $0xffff;
	v1 =	vor.u32 v1, v11;
	v3 =	vmul.f32 v6, v3;
	v4 =	vmul.f32 v6, v4  }
0x118: {  	v6 =	vld.idx.msk [tilespmem:v10+s18+$0x0], $0xffff;
	v11 =	vshll.u32 v5, $0x8;
	v13 =	vshll.u32 v5, $0x7;
	v5 =	vadd.s32 $0x1, v5  }
0x119: {  	v10 =	vand.u32 $0x7F, v8;
	v14 =	vadd.s32 $0x1, v8;
	v8 =	vshll.u32 v8, $0x3  }
0x11a: {  	v9 =	vld.idx.msk [tilespmem:v9+s18+$0x0], $0xffff;
	v11 =	vand.u32 $0xFFFFF800, v11;
	v13 =	vand.u32 $0x380, v13;
	v8 =	vand.u32 $0xFFFFFC00, v8  }
0x11b: {  	vm1 =	vlt.s32 v5, $0xFF;
	vm0 =	vlt.s32 v14, $0xFF;
	v15 =	vadd.s32 v8, v11  }
0x11c: {  	v5 =	vnsel vm1, $0xFF, v5;
	v14 =	vnsel vm0, $0xFF, v14;
	v1 =	vld.idx.msk [tilespmem:v1+s18+$0x0], $0xffff;
	v15 =	vor.u32 v13, v15  }
0x11d: {  	v16 =	vand.u32 $0x7F, v14;
	v3 =	vmul.f32 v7, v3;
	v4 =	vmul.f32 v6, v4  }
0x11e: {  	v6 =	vshll.u32 v14, $0x3;
	v7 =	vshll.u32 v5, $0x8;
	v5 =	vshll.u32 v5, $0x7  }
0x11f: {  	v6 =	vand.u32 $0xFFFFFC00, v6;
	v3 =	vadd.f32 v4, v3;
	v4 =	vmul.f32 v9, v12  }
0x120: {  	v7 =	vand.u32 $0xFFFFF800, v7;
	v9 =	vor.u32 v10, v15;
	v11 =	vadd.s32 v11, v6  }
0x121: {  	v11 =	vor.u32 v13, v11;
	v3 =	vadd.f32 v4, v3;
	v1 =	vmul.f32 v1, v2  }
0x122: {  	v60 =	vld [tilespmem:s25+$0x4800];
	v5 =	vand.u32 $0x380, v5;
	v8 =	vadd.s32 v8, v7;
	v4 =	vor.u32 v16, v11  }
0x123: {  	v8 =	vor.u32 v5, v8;
	v11 =	vld [tilespmem:s25+$0x3800];
	v1 =	vadd.f32 v1, v3  }
0x124: {  	v6 =	vadd.s32 v6, v7;
	v8 =	vor.u32 v10, v8;
	v2 =	vld [tilespmem:s25+$0x3000]  }
0x125: {  	v5 =	vor.u32 v5, v6;
	v3 =	vld [tilespmem:s25+$0x4000];
	[tilespmem:s24+$0x15000] =	vst v1  }
0x126: {  	v5 =	vor.u32 v16, v5;
	v1 =	vld.idx.msk [tilespmem:v9+s18+$0x0], $0xffff  }
0x127: {  	v4 =	vld.idx.msk [tilespmem:v4+s18+$0x0], $0xffff;
	_ =	sdelay $0x1  }
0x128: {  	v6 =	vld.idx.msk [tilespmem:v8+s18+$0x0], $0xffff  }
0x129: {  	v7 =	vmul.f32 v3, v2;
	v3 =	vmul.f32 v3, v11  }
0x12a: {  	v5 =	vld.idx.msk [tilespmem:v5+s18+$0x0], $0xffff;
	v2 =	vmul.f32 v60, v2  }
0x12b: {  	v1 =	vmul.f32 v1, v7;
	v3 =	vmul.f32 v4, v3;
	_ =	sdelay $0x1  }
0x12c: {  	v4 =	vmul.f32 v60, v11;
	v2 =	vmul.f32 v6, v2;
	v1 =	vadd.f32 v3, v1;
	_ =	sdelay $0x1  }
0x12d: {  	v1 =	vadd.f32 v2, v1;
	v2 =	vmul.f32 v5, v4;
	_ =	sdelay $0x1  }
0x12e: {  	v1 =	vadd.f32 v2, v1;
	_ =	sdelay $0x1  }
0x12f: {  	s31 =	simm.s32 $0x0;
	[tilespmem:s25+$0x15000] =	vst v1  }
0x130: {  	[hbm4b:s11+s31] =	stream.linear.scatter [tilespmem:s22], [sflag:$0x2], $0x800, $0x38;
	[tilespmem:$0x16000] =	vst v63  }
0x131: {  	_ =	swait.ge [sflag:s21], $0x800  }
0x132: {  	[sflag:s21] =	ssyncset.done $0x0  }
0x133: {  	[sflag:s21] =	ssyncadd.s32 $0xFFFFF800  }
0x134: {  	[tilespmem:s18], [sflag:$0x2] =	stream.linear.gather [hbm4b:s12+s31], $0x10000, $0x38;
	[tilespmem:$0x16000] =	vst v63  }
0x135: {  	_ =	swait.ge [sflag:s21], $0x10000  }
0x136: {  	[sflag:s21] =	ssyncset.done $0x0  }
0x137: {  	s24 =	simm.s32 $0x0;
	[sflag:s21] =	ssyncadd.s32 $0xFFFF0000  }
0x138: {  	v1 =	vld [tilespmem:s24+$0x2000]  }
0x139: {  	v2 =	vld [tilespmem:s24+$0x2800];
	_ =	sdelay $0x3  }
0x13a: {  	v9 =	vand.u32 $0x7F, v1  }
0x13b: {  	v3 =	vshll.u32 v2, $0x8;
	v4 =	vshll.u32 v2, $0x7;
	v5 =	vadd.s32 $0x1, v1  }
0x13c: {  	v2 =	vadd.s32 $0x1, v2;
	v1 =	vshll.u32 v1, $0x3;
	v6 =	vand.u32 $0xFFFFF800, v3  }
0x13d: {  	v8 =	vand.u32 $0xFFFFFC00, v1;
	v10 =	vand.u32 $0x380, v4;
	vm14 =	vlt.s32 v5, $0xFF  }
0x13e: {  	vm15 =	vlt.s32 v2, $0xFF;
	v1 =	vadd.s32 v8, v6;
	v3 =	vnsel vm14, $0xFF, v5  }
0x13f: {  	v4 =	vnsel vm15, $0xFF, v2;
	v2 =	vld [tilespmem:s24+$0x4800];
	v5 =	vor.u32 v10, v1;
	v7 =	vshll.u32 v3, $0x3  }
0x140: {  	v1 =	vand.u32 $0x7F, v3;
	v11 =	vshll.u32 v4, $0x8;
	v3 =	vld [tilespmem:s24+$0x3000];
	v62 =	vand.u32 $0xFFFFFC00, v7  }
0x141: {  	v61 =	vshll.u32 v4, $0x7;
	v4 =	vld [tilespmem:s24+$0x3800];
	v7 =	vor.u32 v9, v5;
	v5 =	vadd.s32 v6, v62  }
0x142: {  	s25 =	simm.s32 $0x10;
	v11 =	vand.u32 $0xFFFFF800, v11;
	v6 =	vld [tilespmem:s24+$0x4000];
	v10 =	vor.u32 v10, v5  }
0x143: {  	v12 =	vand.u32 $0x380, v61;
	v8 =	vadd.s32 v8, v11;
	v5 =	vld [tilespmem:s25+$0x2800];
	v10 =	vor.u32 v1, v10  }
0x144: {  	v63 =	vor.u32 v12, v8;
	v8 =	vld [tilespmem:s25+$0x2000]  }
0x145: {  	v11 =	vadd.s32 v62, v11;
	v9 =	vor.u32 v9, v63  }
0x146: {  	s26 =	simm.s32 $0x80;
	v11 =	vor.u32 v12, v11  }
.LBB2_8:
0x147: {  	p0 =	sne.s32 s26, $0x1FC0;
	v7 =	vld.idx.msk [tilespmem:v7+s18+$0x0], $0xffff;
	v1 =	vor.u32 v1, v11;
	v11 =	vmul.f32 v2, v3;
	v12 =	vmul.f32 v2, v4  }
0x148: {  	v3 =	vmul.f32 v6, v3;
	v4 =	vmul.f32 v6, v4;
	v2 =	vld.idx.msk [tilespmem:v10+s18+$0x0], $0xffff  }
0x149: {  	v6 =	vshll.u32 v5, $0x8;
	v10 =	vshll.u32 v5, $0x7;
	v13 =	vand.u32 $0x7F, v8  }
0x14a: {  	v5 =	vadd.s32 $0x1, v5;
	v14 =	vadd.s32 $0x1, v8;
	v8 =	vshll.u32 v8, $0x3;
	v9 =	vld.idx.msk [tilespmem:v9+s18+$0x0], $0xffff  }
0x14b: {  	v6 =	vand.u32 $0xFFFFF800, v6;
	v10 =	vand.u32 $0x380, v10;
	v8 =	vand.u32 $0xFFFFFC00, v8  }
0x14c: {  	vm1 =	vlt.s32 v5, $0xFF;
	vm0 =	vlt.s32 v14, $0xFF;
	v15 =	vadd.s32 v8, v6;
	v16 =	vld.idx.msk [tilespmem:v1+s18+$0x0], $0xffff  }
0x14d: {  	v5 =	vnsel vm1, $0xFF, v5;
	v14 =	vnsel vm0, $0xFF, v14;
	v15 =	vor.u32 v10, v15  }
0x14e: {  	v1 =	vand.u32 $0x7F, v14;
	v7 =	vmul.f32 v7, v3;
	v4 =	vmul.f32 v2, v4  }
0x14f: {  	v17 =	vshll.u32 v5, $0x8;
	v18 =	vshll.u32 v5, $0x7;
	v14 =	vshll.u32 v14, $0x3;
	v2 =	vld [tilespmem:s25+$0x4800]  }
0x150: {  	v14 =	vand.u32 $0xFFFFFC00, v14;
	v5 =	vadd.f32 v4, v7;
	v9 =	vmul.f32 v9, v11;
	v3 =	vld [tilespmem:s25+$0x3000]  }
0x151: {  	v7 =	vor.u32 v13, v15;
	v11 =	vadd.s32 v6, v14;
	v15 =	vand.u32 $0xFFFFF800, v17;
	v4 =	vld [tilespmem:s25+$0x3800]  }
.Ltmp3:
0x152: {  	s28 =	sshra.s32 s26, $0x2;
	v10 =	vor.u32 v10, v11;
	v9 =	vadd.f32 v9, v5;
	v11 =	vmul.f32 v16, v12;
	v6 =	vld [tilespmem:s25+$0x4000];
	(pc) =	sbr.rel @p0 .LBB2_8-.Ltmp3, $4  }
0x153: {  	v10 =	vor.u32 v1, v10;
	v12 =	vadd.s32 v8, v15;
	v16 =	vand.u32 $0x380, v18;
	v5 =	vld [tilespmem:s28+$0x2800]  }
0x154: {  	v12 =	vor.u32 v16, v12;
	v17 =	vadd.f32 v11, v9;
	v8 =	vld [tilespmem:s28+$0x2000]  }
0x155: {  	v9 =	vor.u32 v13, v12;
	v11 =	vadd.s32 v14, v15  }
0x156: {  	s26 =	sadd.s32 $0x40, s26;
	v11 =	vor.u32 v16, v11;
	[tilespmem:s24+$0x15000] =	vst v17;
	s24 =	smov.u32 s25;
	s25 =	smov.u32 s28  }
0x157: {  	_ =	sdelay $0x2  }
0x158: {  	v12 =	vmul.f32 v2, v3;
	v2 =	vmul.f32 v2, v4  }
0x159: {  	v7 =	vld.idx.msk [tilespmem:v7+s18+$0x0], $0xffff;
	v1 =	vor.u32 v1, v11;
	v3 =	vmul.f32 v6, v3;
	v48 =	vmul.f32 v6, v4  }
0x15a: {  	v49 =	vld.idx.msk [tilespmem:v10+s18+$0x0], $0xffff;
	v51 =	vshll.u32 v5, $0x8;
	v13 =	vshll.u32 v5, $0x7;
	v52 =	vadd.s32 $0x1, v5  }
0x15b: {  	v50 =	vand.u32 $0x7F, v8;
	v14 =	vadd.s32 $0x1, v8;
	v53 =	vshll.u32 v8, $0x3  }
0x15c: {  	v9 =	vld.idx.msk [tilespmem:v9+s18+$0x0], $0xffff;
	v11 =	vand.u32 $0xFFFFF800, v51;
	v13 =	vand.u32 $0x380, v13;
	vm1 =	vlt.s32 v52, $0xFF  }
0x15d: {  	v8 =	vand.u32 $0xFFFFFC00, v53;
	vm0 =	vlt.s32 v14, $0xFF;
	v5 =	vnsel vm1, $0xFF, v52  }
0x15e: {  	v15 =	vadd.s32 v8, v11;
	v14 =	vnsel vm0, $0xFF, v14;
	v55 =	vshll.u32 v5, $0x8;
	v1 =	vld.idx.msk [tilespmem:v1+s18+$0x0], $0xffff  }
0x15f: {  	v5 =	vshll.u32 v5, $0x7;
	v3 =	vmul.f32 v7, v3;
	v4 =	vmul.f32 v49, v48  }
0x160: {  	v15 =	vor.u32 v13, v15;
	v16 =	vand.u32 $0x7F, v14;
	v54 =	vshll.u32 v14, $0x3  }
0x161: {  	v56 =	vmul.f32 v9, v12;
	v6 =	vand.u32 $0xFFFFFC00, v54;
	v3 =	vadd.f32 v4, v3  }
0x162: {  	v7 =	vand.u32 $0xFFFFF800, v55;
	v57 =	vor.u32 v50, v15;
	v11 =	vadd.s32 v11, v6  }
0x163: {  	v11 =	vor.u32 v13, v11;
	v3 =	vadd.f32 v56, v3;
	v1 =	vmul.f32 v1, v2  }
0x164: {  	v58 =	vld [tilespmem:s25+$0x4800];
	v5 =	vand.u32 $0x380, v5;
	v8 =	vadd.s32 v8, v7;
	v59 =	vor.u32 v16, v11  }
0x165: {  	v60 =	vld [tilespmem:s25+$0x3800];
	v8 =	vor.u32 v5, v8;
	v1 =	vadd.f32 v1, v3  }
0x166: {  	v6 =	vadd.s32 v6, v7;
	v8 =	vor.u32 v50, v8;
	v2 =	vld [tilespmem:s25+$0x3000]  }
0x167: {  	v5 =	vor.u32 v5, v6;
	v3 =	vld [tilespmem:s25+$0x4000];
	[tilespmem:s24+$0x15000] =	vst v1  }
0x168: {  	v5 =	vor.u32 v16, v5;
	v1 =	vld.idx.msk [tilespmem:v57+s18+$0x0], $0xffff  }
0x169: {  	v4 =	vld.idx.msk [tilespmem:v59+s18+$0x0], $0xffff;
	_ =	sdelay $0x1  }
0x16a: {  	v61 =	vld.idx.msk [tilespmem:v8+s18+$0x0], $0xffff  }
0x16b: {  	v62 =	vmul.f32 v3, v2;
	v3 =	vmul.f32 v3, v60  }
0x16c: {  	v5 =	vld.idx.msk [tilespmem:v5+s18+$0x0], $0xffff;
	v2 =	vmul.f32 v58, v2  }
0x16d: {  	v1 =	vmul.f32 v1, v62;
	v3 =	vmul.f32 v4, v3;
	_ =	sdelay $0x1  }
0x16e: {  	v63 =	vmul.f32 v58, v60;
	v2 =	vmul.f32 v61, v2;
	v1 =	vadd.f32 v3, v1;
	_ =	sdelay $0x1  }
0x16f: {  	v1 =	vadd.f32 v2, v1;
	v2 =	vmul.f32 v5, v63;
	_ =	sdelay $0x1  }
0x170: {  	s23 =	sadd.s32 $0x1, s23;
	v1 =	vadd.f32 v2, v1  }
0x171: {  	p0 =	sne.s32 s23, s14  }
.Ltmp4:
0x172: {  	[tilespmem:s25+$0x15000] =	vst v1;
	(pc) =	sbr.rel @p0 .LBB2_1-.Ltmp4, $4  }
0x173: {  	[hbm4b:s13+s3] =	stream.linear.scatter [tilespmem:s22], [sflag:$0x2], $0x800, $0x38;
	[tilespmem:$0x16000] =	vst v63  }
0x174: {  	_ =	swait.ge [sflag:s21], $0x800  }
0x175: {  	[sflag:s21] =	ssyncset.done $0x0  }
0x176: {  	[sflag:s21] =	ssyncadd.s32 $0xFFFFF800  }
0x177: {  	_ =	sfence.sel $0x180000  }
0x178: {  	[bflag:$0x0] =	sbarrier.arrive $0xFFFF  }
0x179: {  	p0 =	sne.s32 s2, $0x0;
	_ =	strace $0x9000004A  }
0x17a: {  	s0 =	sadd.s32 @!p0 $0x100000, s0;
	[bflag:$0x2] =	sbarrier.arrive $0xFFFF  }
0x17b: {  	[sflag:s0] =	ssyncadd.tile.s32 @!p0 $0x1;
	_ =	shalt  }
.Lfunc_end2:
_tile_overlayer_lowered:
.L_overlay_start_2:
0x17c: {  	(tag) =	ssettag $0x2  }
0x17d: {  	s0 =	rddreg [dreg:$0x0];
	s2 =	stileid.u32  }
0x17e: {  	s1 =	rddreg [dreg:$0x1];
	p0 =	sne.s32 s2, $0x0  }
0x17f: {  	s3 =	rddreg [dreg:$0x2];
	[bflag:$0x3] =	sbarrier.arrive $0xFFFF;
	s2 =	simm.s32 @!p0 $0x1C02  }
0x180: {  	[timem:s3], [sflag:s2] =	dma.local @!p0 [hbm:s0], s1  }
0x181: {  	s0 =	simm.s32 @!p0 $0x2  }
0x182: {  	_ =	swait.ge @!p0 [sflag:s0], s1  }
0x183: {  	s1 =	ssub.s32 @!p0 $0x0, s1;
	[sflag:s0] =	ssyncset.done @!p0 $0x0  }
0x184: {  	[sflag:s0] =	ssyncadd.s32 @!p0 s1  }
0x185: {  	[bflag:$0x3] =	sbarrier.arrive $0xFFFF  }
0x186: {  	_ =	shalt  }

</sc_bundles>
